<compile_context>
chip_gen: v7x
topology: tpu7x:2x2x1
jax: 0.10.2.dev20260603
libtpu: 0.0.44.dev20260713+nightly
codegen_flags: <defaults>
</compile_context>

<pallas_src>
import functools

import jax
import jax.numpy as jnp
import numpy as np
from jax import lax
from jax.experimental import pallas as pl
from jax.experimental.pallas import tpu as pltpu
from jax.experimental.pallas import tpu_sc as plsc

_MARGINS = np.array(
    [0.45357266, 1.0, 0.49222963, 0.76696184, 1.0, 0.43823621, 0.60325897,
     0.57481898],
    dtype=np.float32,
)
_M = (2.4 * _MARGINS).astype(np.float32)
_C = 8

_LN_COEFS = (
    0.999999906, -0.4999999891, 0.3333472956, -0.2500141049, 0.1994491456,
    -0.165733744, 0.1505316593, -0.1430870956, 0.08404783038,
)
_LN2 = 0.6931471805599453
_SQRT2 = 1.4142135623730951

_ROWS = 8192
_ROWS_SC = 512
_ROWS_TC = _ROWS - _ROWS_SC
_N_SC = _ROWS_SC * 128
_N_TC = _ROWS_TC * 128


def _tc_body(x_ref, enc_ref, sum_ref, cnt_ref):
    i = pl.program_id(0)

    @pl.when(i == 0)
    def _init():
        sum_ref[0, 0] = jnp.float32(0.0)
        cnt_ref[0, 0] = jnp.float32(0.0)

    Bb = enc_ref.shape[0]
    CH = 64

    acc = jnp.zeros((8, 128), jnp.float32)
    cnt = jnp.zeros((8, 128), jnp.float32)
    for k in range(Bb // CH):
        r = slice(k * CH, (k + 1) * CH)
        enc = enc_ref[r, :].astype(jnp.int32)
        tgt = enc & 7
        mskf = (enc >> 3).astype(jnp.float32)
        xt = jnp.transpose(x_ref[r, :, :], (1, 0, 2))
        S = jnp.zeros((CH, 128), jnp.float32)
        gacc = jnp.zeros((CH, 128), jnp.float32)
        for c in range(_C):
            xc = xt[c]
            sel = tgt == c
            xm = xc - jnp.float32(_M[c])
            S = S + jnp.exp(jnp.where(sel, xm, xc))
            gacc = gacc + jnp.where(sel, xm, 0.0)
        per = mskf * (jnp.log(S) - gacc)
        acc = acc + jnp.sum(per.reshape(CH // 8, 8, 128), axis=0)
        cnt = cnt + jnp.sum(mskf.reshape(CH // 8, 8, 128), axis=0)

    sum_ref[0, 0] += jnp.sum(acc)
    cnt_ref[0, 0] += jnp.sum(cnt)


def _ln16(s):
    b = lax.bitcast_convert_type(s, jnp.int32)
    k = lax.shift_right_arithmetic(b, 23) - 127
    m = lax.bitcast_convert_type(
        (b & jnp.int32(0x007FFFFF)) | jnp.int32(0x3F800000), jnp.float32)
    big = m > jnp.float32(_SQRT2)
    m = jnp.where(big, m * jnp.float32(0.5), m)
    k = jnp.where(big, k + 1, k)
    z = m - jnp.float32(1.0)
    p = jnp.float32(_LN_COEFS[-1])
    for coef in _LN_COEFS[-2::-1]:
        p = p * z + jnp.float32(coef)
    return k.astype(jnp.float32) * jnp.float32(_LN2) + p * z


def _make_sc_kernel():
    info = plsc.get_sparse_core_info()
    nw = info.num_cores * info.num_subcores
    rpt = _ROWS_SC // nw
    npt = rpt * 128
    mesh = plsc.VectorSubcoreMesh(core_axis_name="c", subcore_axis_name="s")

    @functools.partial(
        pl.kernel,
        mesh=mesh,
        out_type=[
            jax.ShapeDtypeStruct((nw, 16), jnp.float32),
            jax.ShapeDtypeStruct((nw, 16), jnp.float32),
        ],
        scratch_types=[
            pltpu.VMEM((rpt, _C, 128), jnp.float32),
            pltpu.VMEM((npt,), jnp.int32),
            pltpu.VMEM((npt,), jnp.int32),
            pltpu.VMEM((16,), jnp.float32),
            pltpu.VMEM((16,), jnp.float32),
        ],
    )
    def sc_loss(x_hbm, tgt_hbm, msk_hbm, sum_hbm, cnt_hbm,
                xbuf, tgtbuf, mskbuf, srow, crow):
        wid = lax.axis_index("s") * info.num_cores + lax.axis_index("c")
        row0 = _ROWS_TC + wid * rpt
        s0 = row0 * 128
        pltpu.sync_copy(x_hbm.at[pl.ds(row0, rpt)], xbuf)
        pltpu.sync_copy(tgt_hbm.at[pl.ds(s0, npt)], tgtbuf)
        pltpu.sync_copy(msk_hbm.at[pl.ds(s0 - _N_TC, npt)], mskbuf)

        def body(j, carry):
            acc, cnt = carry
            r = j // 8
            v = j - r * 8
            tv = tgtbuf[pl.ds(j * 16, 16)]
            mv = mskbuf[pl.ds(j * 16, 16)].astype(jnp.float32)
            s = jnp.zeros((16,), jnp.float32)
            g = jnp.zeros((16,), jnp.float32)
            for c in range(_C):
                xc = xbuf[r, c, pl.ds(v * 16, 16)]
                sel = tv == c
                xm = xc - jnp.float32(_M[c])
                s = s + jnp.exp(jnp.where(sel, xm, xc))
                g = g + jnp.where(sel, xm, jnp.float32(0.0))
            per = (_ln16(s) - g) * mv
            return acc + per, cnt + mv

        acc, cnt = lax.fori_loop(
            0, npt // 16, body,
            (jnp.zeros((16,), jnp.float32), jnp.zeros((16,), jnp.float32)))
        srow[...] = acc
        crow[...] = cnt
        pltpu.sync_copy(srow, sum_hbm.at[wid])
        pltpu.sync_copy(crow, cnt_hbm.at[wid])

    return sc_loss


_SC_LOSS = None


def _sc_loss_fn():
    global _SC_LOSS
    if _SC_LOSS is None:
        _SC_LOSS = _make_sc_kernel()
    return _SC_LOSS


@jax.jit
def kernel(x, target, mask):
    N, C = x.shape
    assert C == _C
    rows = N // 128
    xv = x.reshape(rows, 128, C).transpose(0, 2, 1)

    msk_sc = lax.slice(mask, (_N_TC,), (N,)).astype(jnp.int32)
    sc_s, sc_c = _sc_loss_fn()(xv, target, msk_sc)

    enc = (lax.slice(target, (0,), (_N_TC,))
           | (lax.slice(mask, (0,), (_N_TC,)).astype(jnp.int32) << 3))
    enc = enc.astype(jnp.int8).reshape(_ROWS_TC, 128)

    Bb = 1920
    grid = (_ROWS_TC // Bb,)
    out_shape = [
        jax.ShapeDtypeStruct((1, 1), jnp.float32),
        jax.ShapeDtypeStruct((1, 1), jnp.float32),
    ]
    s, c = pl.pallas_call(
        _tc_body,
        grid=grid,
        in_specs=[
            pl.BlockSpec((Bb, C, 128), lambda i: (i, 0, 0)),
            pl.BlockSpec((Bb, 128), lambda i: (i, 0)),
        ],
        out_specs=[
            pl.BlockSpec(memory_space=pltpu.SMEM),
            pl.BlockSpec(memory_space=pltpu.SMEM),
        ],
        out_shape=out_shape,
        compiler_params=pltpu.CompilerParams(
            dimension_semantics=("arbitrary",),
        ),
    )(xv, enc)

    total = s[0, 0] + jnp.sum(sc_s)
    w = c[0, 0] + jnp.sum(sc_c)
    return (total / w).astype(jnp.float32)

# --- scband reference (transcript-rebuilt; emitter-appended) ---
"""Pipeline reference for scband-ldamloss-with-mask-pssp-18786186953446 (READ-ONLY COPY).

The authoritative reference and input builder live on the scoring server;
editing this copy changes nothing except your own understanding.
"""

import jax, jax.numpy as jnp
import numpy as np

MARGINS = np.array([0.45357266, 1.0, 0.49222963, 0.76696184, 1.0, 0.43823621, 0.60325897, 0.57481898], dtype=np.float32)
M_LIST = jnp.asarray(2.4 * MARGINS, dtype=jnp.float32)


def setup_inputs(seed: int = 0) -> dict:
    key = jax.random.key(seed)
    k1, k2, k3 = jax.random.split(key, 3)
    N = 1048576
    C = 8
    x = jax.random.normal(k1, (N, C), dtype=jnp.float32)
    target = jax.random.randint(k2, (N,), 0, C, dtype=jnp.int32)
    mask = jax.random.randint(k3, (N,), 0, 2, dtype=jnp.int32) > 0
    return {"x": x, "target": target, "mask": mask}


def reference(x, target, mask):
    target = target.reshape(-1)
    mask = mask.reshape(-1)
    C = x.shape[1]
    # batch_m = m_list[target]  (gather)
    batch_m = jnp.take(M_LIST, target, axis=0)[:, None]
    x_m = x - batch_m
    # index = one-hot scatter of target; output = where(index, x_m, x)
    onehot = jax.nn.one_hot(target, C, dtype=jnp.bool_)
    output = jnp.where(onehot, x_m, x)
    # unreduced cross entropy: logsumexp(output) - output[target]
    logZ = jax.scipy.special.logsumexp(output, axis=1)
    gold = jnp.take_along_axis(output, target[:, None], axis=1)[:, 0]
    per_sample = logZ - gold
    # weight is None -> w = mask.sum()
    w = jnp.sum(mask.astype(jnp.float32))
    loss = jnp.sum(jnp.where(mask, per_sample, 0.0)) / w
    return loss

if __name__ == "__main__":
    import jax
    _d = setup_inputs()
    print(jax.jit(kernel)(*tuple(_d.values())))

</pallas_src>

<mosaic_0001>
#map = affine_map<(d0, d1) -> (0, 0, 0)>
#map1 = affine_map<(d0, d1) -> (0)>
#map2 = affine_map<(d0, d1) -> (0, 0)>
module attributes {stable_mosaic.version = 14 : i64} {
  func.func @sc_loss(%arg0: i32, %arg1: i32, %arg2: memref<8192x8x128xf32, #tpu.memory_space<hbm>>, %arg3: memref<1048576xi32, #tpu.memory_space<hbm>>, %arg4: memref<65536xi32, #tpu.memory_space<hbm>>, %arg5: memref<32x16xf32, #tpu.memory_space<hbm>>, %arg6: memref<32x16xf32, #tpu.memory_space<hbm>>, %arg7: memref<16x8x128xf32, #tpu.memory_space<vmem>>, %arg8: memref<2048xi32, #tpu.memory_space<vmem>>, %arg9: memref<2048xi32, #tpu.memory_space<vmem>>, %arg10: memref<16xf32, #tpu.memory_space<vmem>>, %arg11: memref<16xf32, #tpu.memory_space<vmem>>) attributes {dimension_semantics = [#tpu.dimension_semantics<core_parallel>, #tpu.dimension_semantics<subcore_parallel>], iteration_bounds = array<i64: 2, 16>, scalar_prefetch = 0 : i64, scratch_operands = 5 : i64, tpu.core_type = #tpu.core_type<sc_vector_subcore>, window_params = [{transform_indices = #map}, {transform_indices = #map1}, {transform_indices = #map1}, {transform_indices = #map2}, {transform_indices = #map2}]} {
    %mul3A = arith.constant 2 : i32
    %mul3A_0 = arith.muli %arg1, %mul3A : i32
    %add3A = arith.addi %mul3A_0, %arg0 : i32
    %mul3A_1 = arith.constant 16 : i32
    %mul3A_2 = arith.muli %add3A, %mul3A_1 : i32
    %add3A_3 = arith.constant 7680 : i32
    %add3A_4 = arith.addi %add3A_3, %mul3A_2 : i32
    %mul3A_5 = arith.constant 128 : i32
    %mul3A_6 = arith.muli %add3A_4, %mul3A_5 : i32
    "tpu.region"() ({
      %run_scoped3A = tpu.sem_alloc : memref<!tpu.dma_semaphore, #tpu.memory_space<semaphore_mem>>
      %dma_start3A = arith.constant 0 : i32
      %dma_start3A_23 = arith.constant 0 : i32
      %dma_start3A_24 = tpu.memref_slice %arg2[%add3A_4, %dma_start3A, %dma_start3A_23] : memref<8192x8x128xf32, #tpu.memory_space<hbm>> -> memref<16x8x128xf32, #tpu.memory_space<hbm>>
      %dma_start3A_25 = arith.constant 0 : i32
      %dma_start3A_26 = arith.constant 0 : i32
      %dma_start3A_27 = tpu.memref_slice %arg2[%add3A_4, %dma_start3A_25, %dma_start3A_26] : memref<8192x8x128xf32, #tpu.memory_space<hbm>> -> memref<16x8x128xf32, #tpu.memory_space<hbm>>
      tpu.enqueue_dma source(%dma_start3A_27 : memref<16x8x128xf32, #tpu.memory_space<hbm>>) target(%arg7 : memref<16x8x128xf32, #tpu.memory_space<vmem>>) target_semaphore(%run_scoped3A : memref<!tpu.dma_semaphore, #tpu.memory_space<semaphore_mem>>)
      %dma_wait3A = arith.constant 0 : i32
      %dma_wait3A_28 = arith.constant 0 : i32
      %dma_wait3A_29 = tpu.memref_slice %arg2[%add3A_4, %dma_wait3A, %dma_wait3A_28] : memref<8192x8x128xf32, #tpu.memory_space<hbm>> -> memref<16x8x128xf32, #tpu.memory_space<hbm>>
      %dma_wait3A_30 = arith.constant 0 : i32
      %dma_wait3A_31 = arith.constant 0 : i32
      %dma_wait3A_32 = tpu.memref_slice %arg2[%add3A_4, %dma_wait3A_30, %dma_wait3A_31] : memref<8192x8x128xf32, #tpu.memory_space<hbm>> -> memref<16x8x128xf32, #tpu.memory_space<hbm>>
      tpu.wait_dma2 semaphore(%run_scoped3A : memref<!tpu.dma_semaphore, #tpu.memory_space<semaphore_mem>>) src(%dma_wait3A_32 : memref<16x8x128xf32, #tpu.memory_space<hbm>>) dst(%arg7 : memref<16x8x128xf32, #tpu.memory_space<vmem>>)
      tpu.yield
    }) : () -> ()
    "tpu.region"() ({
      %run_scoped3A = tpu.sem_alloc : memref<!tpu.dma_semaphore, #tpu.memory_space<semaphore_mem>>
      %dma_start3A = tpu.memref_slice %arg3[%mul3A_6] : memref<1048576xi32, #tpu.memory_space<hbm>> -> memref<2048xi32, #tpu.memory_space<hbm>>
      %dma_start3A_23 = tpu.memref_slice %arg3[%mul3A_6] : memref<1048576xi32, #tpu.memory_space<hbm>> -> memref<2048xi32, #tpu.memory_space<hbm>>
      tpu.enqueue_dma source(%dma_start3A_23 : memref<2048xi32, #tpu.memory_space<hbm>>) target(%arg8 : memref<2048xi32, #tpu.memory_space<vmem>>) target_semaphore(%run_scoped3A : memref<!tpu.dma_semaphore, #tpu.memory_space<semaphore_mem>>)
      %dma_wait3A = tpu.memref_slice %arg3[%mul3A_6] : memref<1048576xi32, #tpu.memory_space<hbm>> -> memref<2048xi32, #tpu.memory_space<hbm>>
      %dma_wait3A_24 = tpu.memref_slice %arg3[%mul3A_6] : memref<1048576xi32, #tpu.memory_space<hbm>> -> memref<2048xi32, #tpu.memory_space<hbm>>
      tpu.wait_dma2 semaphore(%run_scoped3A : memref<!tpu.dma_semaphore, #tpu.memory_space<semaphore_mem>>) src(%dma_wait3A_24 : memref<2048xi32, #tpu.memory_space<hbm>>) dst(%arg8 : memref<2048xi32, #tpu.memory_space<vmem>>)
      tpu.yield
    }) : () -> ()
    %sub3A = arith.constant 983040 : i32
    %sub3A_7 = arith.subi %mul3A_6, %sub3A : i32
    "tpu.region"() ({
      %run_scoped3A = tpu.sem_alloc : memref<!tpu.dma_semaphore, #tpu.memory_space<semaphore_mem>>
      %dma_start3A = tpu.memref_slice %arg4[%sub3A_7] : memref<65536xi32, #tpu.memory_space<hbm>> -> memref<2048xi32, #tpu.memory_space<hbm>>
      %dma_start3A_23 = tpu.memref_slice %arg4[%sub3A_7] : memref<65536xi32, #tpu.memory_space<hbm>> -> memref<2048xi32, #tpu.memory_space<hbm>>
      tpu.enqueue_dma source(%dma_start3A_23 : memref<2048xi32, #tpu.memory_space<hbm>>) target(%arg9 : memref<2048xi32, #tpu.memory_space<vmem>>) target_semaphore(%run_scoped3A : memref<!tpu.dma_semaphore, #tpu.memory_space<semaphore_mem>>)
      %dma_wait3A = tpu.memref_slice %arg4[%sub3A_7] : memref<65536xi32, #tpu.memory_space<hbm>> -> memref<2048xi32, #tpu.memory_space<hbm>>
      %dma_wait3A_24 = tpu.memref_slice %arg4[%sub3A_7] : memref<65536xi32, #tpu.memory_space<hbm>> -> memref<2048xi32, #tpu.memory_space<hbm>>
      tpu.wait_dma2 semaphore(%run_scoped3A : memref<!tpu.dma_semaphore, #tpu.memory_space<semaphore_mem>>) src(%dma_wait3A_24 : memref<2048xi32, #tpu.memory_space<hbm>>) dst(%arg9 : memref<2048xi32, #tpu.memory_space<vmem>>)
      tpu.yield
    }) : () -> ()
    %broadcast_in_dim3A = arith.constant 0.000000e+00 : f32
    %broadcast_in_dim3A_8 = vector.broadcast %broadcast_in_dim3A : f32 to vector<16xf32>
    %broadcast_in_dim3A_9 = arith.constant 0.000000e+00 : f32
    %broadcast_in_dim3A_10 = vector.broadcast %broadcast_in_dim3A_9 : f32 to vector<16xf32>
    %scan3A = arith.constant 0 : i32
    %scan3A_11 = arith.constant 128 : i32
    %scan3A_12 = arith.addi %scan3A, %scan3A_11 : i32
    %scan3A_13 = arith.constant 1 : i32
    %scan3A_14:2 = scf.for %scan3A_23 = %scan3A to %scan3A_12 step %scan3A_13 iter_args(%scan3A_24 = %broadcast_in_dim3A_8, %scan3A_25 = %broadcast_in_dim3A_10) -> (vector<16xf32>, vector<16xf32>)  : i32 {
      %jit3A = arith.constant 8 : i32
      %div3A = arith.divsi %scan3A_23, %jit3A : i32
      %sign3A = arith.constant 0 : i32
      %sign3A_26 = arith.cmpi sgt, %scan3A_23, %sign3A : i32
      %sign3A_27 = arith.extui %sign3A_26 : i1 to i32
      %sign3A_28 = arith.constant 0 : i32
      %sign3A_29 = arith.cmpi slt, %scan3A_23, %sign3A_28 : i32
      %sign3A_30 = arith.extui %sign3A_29 : i1 to i32
      %sign3A_31 = arith.subi %sign3A_27, %sign3A_30 : i32
      %sign3A_32 = arith.constant 0 : i32
      %sign3A_33 = arith.cmpi sgt, %jit3A, %sign3A_32 : i32
      %sign3A_34 = arith.extui %sign3A_33 : i1 to i32
      %sign3A_35 = arith.constant 0 : i32
      %sign3A_36 = arith.cmpi slt, %jit3A, %sign3A_35 : i32
      %sign3A_37 = arith.extui %sign3A_36 : i1 to i32
      %sign3A_38 = arith.subi %sign3A_34, %sign3A_37 : i32
      %ne3A = arith.cmpi ne, %sign3A_31, %sign3A_38 : i32
      %rem3A = arith.remsi %scan3A_23, %jit3A : i32
      %ne3A_39 = arith.constant 0 : i32
      %ne3A_40 = arith.cmpi ne, %rem3A, %ne3A_39 : i32
      %and3A = arith.andi %ne3A, %ne3A_40 : i1
      %sub3A_41 = arith.constant 1 : i32
      %sub3A_42 = arith.subi %div3A, %sub3A_41 : i32
      %select_n3A = arith.select %and3A, %sub3A_42, %div3A : i32
      %mul3A_43 = arith.constant 8 : i32
      %mul3A_44 = arith.muli %select_n3A, %mul3A_43 : i32
      %sub3A_45 = arith.subi %scan3A_23, %mul3A_44 : i32
      %mul3A_46 = arith.constant 16 : i32
      %mul3A_47 = arith.muli %scan3A_23, %mul3A_46 : i32
      %get3A = arith.index_cast %mul3A_47 : i32 to index
      %get3A_48 = tpu.vector_load %arg8[%get3A] {strides = array<i32>} : memref<2048xi32, #tpu.memory_space<vmem>>, vector<16xi32>,
      %get3A_49 = vector.shape_cast %get3A_48 : vector<16xi32> to vector<16xi32>
      %mul3A_50 = arith.constant 16 : i32
      %mul3A_51 = arith.muli %scan3A_23, %mul3A_50 : i32
      %get3A_52 = arith.index_cast %mul3A_51 : i32 to index
      %get3A_53 = tpu.vector_load %arg9[%get3A_52] {strides = array<i32>} : memref<2048xi32, #tpu.memory_space<vmem>>, vector<16xi32>,
      %get3A_54 = vector.shape_cast %get3A_53 : vector<16xi32> to vector<16xi32>
      %convert_element_type3A = arith.sitofp %get3A_54 : vector<16xi32> to vector<16xf32>
      %broadcast_in_dim3A_55 = arith.constant 0.000000e+00 : f32
      %broadcast_in_dim3A_56 = vector.broadcast %broadcast_in_dim3A_55 : f32 to vector<16xf32>
      %broadcast_in_dim3A_57 = arith.constant 0.000000e+00 : f32
      %broadcast_in_dim3A_58 = vector.broadcast %broadcast_in_dim3A_57 : f32 to vector<16xf32>
      %mul3A_59 = arith.constant 16 : i32
      %mul3A_60 = arith.muli %sub3A_45, %mul3A_59 : i32
      %get3A_61 = arith.constant 0 : i32
      %get3A_62 = arith.index_cast %select_n3A : i32 to index
      %get3A_63 = arith.index_cast %get3A_61 : i32 to index
      %get3A_64 = arith.index_cast %mul3A_60 : i32 to index
      %get3A_65 = tpu.vector_load %arg7[%get3A_62, %get3A_63, %get3A_64] {strides = array<i32>} : memref<16x8x128xf32, #tpu.memory_space<vmem>>, vector<1x1x16xf32>,
      %get3A_66 = vector.shape_cast %get3A_65 : vector<1x1x16xf32> to vector<16xf32>
      %eq3A = arith.constant 0 : i32
      %eq3A_67 = vector.broadcast %eq3A : i32 to vector<16xi32>
      %eq3A_68 = arith.cmpi eq, %get3A_49, %eq3A_67 : vector<16xi32>
      %sub3A_69 = arith.constant 1.08857441 : f32
      %sub3A_70 = vector.broadcast %sub3A_69 : f32 to vector<16xf32>
      %sub3A_71 = arith.subf %get3A_66, %sub3A_70 : vector<16xf32>
      %select_n3A_72 = arith.select %eq3A_68, %sub3A_71, %get3A_66 : vector<16xi1>, vector<16xf32>
      %exp3A = math.exp %select_n3A_72 : vector<16xf32>
      %add3A_73 = arith.addf %broadcast_in_dim3A_56, %exp3A : vector<16xf32>
      %jit3A_74 = arith.constant 0.000000e+00 : f32
      %broadcast_in_dim3A_75 = vector.broadcast %jit3A_74 : f32 to vector<16xf32>
      %select_n3A_76 = arith.select %eq3A_68, %sub3A_71, %broadcast_in_dim3A_75 : vector<16xi1>, vector<16xf32>
      %add3A_77 = arith.addf %broadcast_in_dim3A_58, %select_n3A_76 : vector<16xf32>
      %mul3A_78 = arith.constant 16 : i32
      %mul3A_79 = arith.muli %sub3A_45, %mul3A_78 : i32
      %get3A_80 = arith.constant 1 : i32
      %get3A_81 = arith.index_cast %select_n3A : i32 to index
      %get3A_82 = arith.index_cast %get3A_80 : i32 to index
      %get3A_83 = arith.index_cast %mul3A_79 : i32 to index
      %get3A_84 = tpu.vector_load %arg7[%get3A_81, %get3A_82, %get3A_83] {strides = array<i32>} : memref<16x8x128xf32, #tpu.memory_space<vmem>>, vector<1x1x16xf32>,
      %get3A_85 = vector.shape_cast %get3A_84 : vector<1x1x16xf32> to vector<16xf32>
      %eq3A_86 = arith.constant 1 : i32
      %eq3A_87 = vector.broadcast %eq3A_86 : i32 to vector<16xi32>
      %eq3A_88 = arith.cmpi eq, %get3A_49, %eq3A_87 : vector<16xi32>
      %sub3A_89 = arith.constant 2.400000e+00 : f32
      %sub3A_90 = vector.broadcast %sub3A_89 : f32 to vector<16xf32>
      %sub3A_91 = arith.subf %get3A_85, %sub3A_90 : vector<16xf32>
      %select_n3A_92 = arith.select %eq3A_88, %sub3A_91, %get3A_85 : vector<16xi1>, vector<16xf32>
      %exp3A_93 = math.exp %select_n3A_92 : vector<16xf32>
      %add3A_94 = arith.addf %add3A_73, %exp3A_93 : vector<16xf32>
      %jit3A_95 = arith.constant 0.000000e+00 : f32
      %broadcast_in_dim3A_96 = vector.broadcast %jit3A_95 : f32 to vector<16xf32>
      %select_n3A_97 = arith.select %eq3A_88, %sub3A_91, %broadcast_in_dim3A_96 : vector<16xi1>, vector<16xf32>
      %add3A_98 = arith.addf %add3A_77, %select_n3A_97 : vector<16xf32>
      %mul3A_99 = arith.constant 16 : i32
      %mul3A_100 = arith.muli %sub3A_45, %mul3A_99 : i32
      %get3A_101 = arith.constant 2 : i32
      %get3A_102 = arith.index_cast %select_n3A : i32 to index
      %get3A_103 = arith.index_cast %get3A_101 : i32 to index
      %get3A_104 = arith.index_cast %mul3A_100 : i32 to index
      %get3A_105 = tpu.vector_load %arg7[%get3A_102, %get3A_103, %get3A_104] {strides = array<i32>} : memref<16x8x128xf32, #tpu.memory_space<vmem>>, vector<1x1x16xf32>,
      %get3A_106 = vector.shape_cast %get3A_105 : vector<1x1x16xf32> to vector<16xf32>
      %eq3A_107 = arith.constant 2 : i32
      %eq3A_108 = vector.broadcast %eq3A_107 : i32 to vector<16xi32>
      %eq3A_109 = arith.cmpi eq, %get3A_49, %eq3A_108 : vector<16xi32>
      %sub3A_110 = arith.constant 1.18135118 : f32
      %sub3A_111 = vector.broadcast %sub3A_110 : f32 to vector<16xf32>
      %sub3A_112 = arith.subf %get3A_106, %sub3A_111 : vector<16xf32>
      %select_n3A_113 = arith.select %eq3A_109, %sub3A_112, %get3A_106 : vector<16xi1>, vector<16xf32>
      %exp3A_114 = math.exp %select_n3A_113 : vector<16xf32>
      %add3A_115 = arith.addf %add3A_94, %exp3A_114 : vector<16xf32>
      %jit3A_116 = arith.constant 0.000000e+00 : f32
      %broadcast_in_dim3A_117 = vector.broadcast %jit3A_116 : f32 to vector<16xf32>
      %select_n3A_118 = arith.select %eq3A_109, %sub3A_112, %broadcast_in_dim3A_117 : vector<16xi1>, vector<16xf32>
      %add3A_119 = arith.addf %add3A_98, %select_n3A_118 : vector<16xf32>
      %mul3A_120 = arith.constant 16 : i32
      %mul3A_121 = arith.muli %sub3A_45, %mul3A_120 : i32
      %get3A_122 = arith.constant 3 : i32
      %get3A_123 = arith.index_cast %select_n3A : i32 to index
      %get3A_124 = arith.index_cast %get3A_122 : i32 to index
      %get3A_125 = arith.index_cast %mul3A_121 : i32 to index
      %get3A_126 = tpu.vector_load %arg7[%get3A_123, %get3A_124, %get3A_125] {strides = array<i32>} : memref<16x8x128xf32, #tpu.memory_space<vmem>>, vector<1x1x16xf32>,
      %get3A_127 = vector.shape_cast %get3A_126 : vector<1x1x16xf32> to vector<16xf32>
      %eq3A_128 = arith.constant 3 : i32
      %eq3A_129 = vector.broadcast %eq3A_128 : i32 to vector<16xi32>
      %eq3A_130 = arith.cmpi eq, %get3A_49, %eq3A_129 : vector<16xi32>
      %sub3A_131 = arith.constant 1.84070837 : f32
      %sub3A_132 = vector.broadcast %sub3A_131 : f32 to vector<16xf32>
      %sub3A_133 = arith.subf %get3A_127, %sub3A_132 : vector<16xf32>
      %select_n3A_134 = arith.select %eq3A_130, %sub3A_133, %get3A_127 : vector<16xi1>, vector<16xf32>
      %exp3A_135 = math.exp %select_n3A_134 : vector<16xf32>
      %add3A_136 = arith.addf %add3A_115, %exp3A_135 : vector<16xf32>
      %jit3A_137 = arith.constant 0.000000e+00 : f32
      %broadcast_in_dim3A_138 = vector.broadcast %jit3A_137 : f32 to vector<16xf32>
      %select_n3A_139 = arith.select %eq3A_130, %sub3A_133, %broadcast_in_dim3A_138 : vector<16xi1>, vector<16xf32>
      %add3A_140 = arith.addf %add3A_119, %select_n3A_139 : vector<16xf32>
      %mul3A_141 = arith.constant 16 : i32
      %mul3A_142 = arith.muli %sub3A_45, %mul3A_141 : i32
      %get3A_143 = arith.constant 4 : i32
      %get3A_144 = arith.index_cast %select_n3A : i32 to index
      %get3A_145 = arith.index_cast %get3A_143 : i32 to index
      %get3A_146 = arith.index_cast %mul3A_142 : i32 to index
      %get3A_147 = tpu.vector_load %arg7[%get3A_144, %get3A_145, %get3A_146] {strides = array<i32>} : memref<16x8x128xf32, #tpu.memory_space<vmem>>, vector<1x1x16xf32>,
      %get3A_148 = vector.shape_cast %get3A_147 : vector<1x1x16xf32> to vector<16xf32>
      %eq3A_149 = arith.constant 4 : i32
      %eq3A_150 = vector.broadcast %eq3A_149 : i32 to vector<16xi32>
      %eq3A_151 = arith.cmpi eq, %get3A_49, %eq3A_150 : vector<16xi32>
      %sub3A_152 = arith.constant 2.400000e+00 : f32
      %sub3A_153 = vector.broadcast %sub3A_152 : f32 to vector<16xf32>
      %sub3A_154 = arith.subf %get3A_148, %sub3A_153 : vector<16xf32>
      %select_n3A_155 = arith.select %eq3A_151, %sub3A_154, %get3A_148 : vector<16xi1>, vector<16xf32>
      %exp3A_156 = math.exp %select_n3A_155 : vector<16xf32>
      %add3A_157 = arith.addf %add3A_136, %exp3A_156 : vector<16xf32>
      %jit3A_158 = arith.constant 0.000000e+00 : f32
      %broadcast_in_dim3A_159 = vector.broadcast %jit3A_158 : f32 to vector<16xf32>
      %select_n3A_160 = arith.select %eq3A_151, %sub3A_154, %broadcast_in_dim3A_159 : vector<16xi1>, vector<16xf32>
      %add3A_161 = arith.addf %add3A_140, %select_n3A_160 : vector<16xf32>
      %mul3A_162 = arith.constant 16 : i32
      %mul3A_163 = arith.muli %sub3A_45, %mul3A_162 : i32
      %get3A_164 = arith.constant 5 : i32
      %get3A_165 = arith.index_cast %select_n3A : i32 to index
      %get3A_166 = arith.index_cast %get3A_164 : i32 to index
      %get3A_167 = arith.index_cast %mul3A_163 : i32 to index
      %get3A_168 = tpu.vector_load %arg7[%get3A_165, %get3A_166, %get3A_167] {strides = array<i32>} : memref<16x8x128xf32, #tpu.memory_space<vmem>>, vector<1x1x16xf32>,
      %get3A_169 = vector.shape_cast %get3A_168 : vector<1x1x16xf32> to vector<16xf32>
      %eq3A_170 = arith.constant 5 : i32
      %eq3A_171 = vector.broadcast %eq3A_170 : i32 to vector<16xi32>
      %eq3A_172 = arith.cmpi eq, %get3A_49, %eq3A_171 : vector<16xi32>
      %sub3A_173 = arith.constant 1.05176699 : f32
      %sub3A_174 = vector.broadcast %sub3A_173 : f32 to vector<16xf32>
      %sub3A_175 = arith.subf %get3A_169, %sub3A_174 : vector<16xf32>
      %select_n3A_176 = arith.select %eq3A_172, %sub3A_175, %get3A_169 : vector<16xi1>, vector<16xf32>
      %exp3A_177 = math.exp %select_n3A_176 : vector<16xf32>
      %add3A_178 = arith.addf %add3A_157, %exp3A_177 : vector<16xf32>
      %jit3A_179 = arith.constant 0.000000e+00 : f32
      %broadcast_in_dim3A_180 = vector.broadcast %jit3A_179 : f32 to vector<16xf32>
      %select_n3A_181 = arith.select %eq3A_172, %sub3A_175, %broadcast_in_dim3A_180 : vector<16xi1>, vector<16xf32>
      %add3A_182 = arith.addf %add3A_161, %select_n3A_181 : vector<16xf32>
      %mul3A_183 = arith.constant 16 : i32
      %mul3A_184 = arith.muli %sub3A_45, %mul3A_183 : i32
      %get3A_185 = arith.constant 6 : i32
      %get3A_186 = arith.index_cast %select_n3A : i32 to index
      %get3A_187 = arith.index_cast %get3A_185 : i32 to index
      %get3A_188 = arith.index_cast %mul3A_184 : i32 to index
      %get3A_189 = tpu.vector_load %arg7[%get3A_186, %get3A_187, %get3A_188] {strides = array<i32>} : memref<16x8x128xf32, #tpu.memory_space<vmem>>, vector<1x1x16xf32>,
      %get3A_190 = vector.shape_cast %get3A_189 : vector<1x1x16xf32> to vector<16xf32>
      %eq3A_191 = arith.constant 6 : i32
      %eq3A_192 = vector.broadcast %eq3A_191 : i32 to vector<16xi32>
      %eq3A_193 = arith.cmpi eq, %get3A_49, %eq3A_192 : vector<16xi32>
      %sub3A_194 = arith.constant 1.44782162 : f32
      %sub3A_195 = vector.broadcast %sub3A_194 : f32 to vector<16xf32>
      %sub3A_196 = arith.subf %get3A_190, %sub3A_195 : vector<16xf32>
      %select_n3A_197 = arith.select %eq3A_193, %sub3A_196, %get3A_190 : vector<16xi1>, vector<16xf32>
      %exp3A_198 = math.exp %select_n3A_197 : vector<16xf32>
      %add3A_199 = arith.addf %add3A_178, %exp3A_198 : vector<16xf32>
      %jit3A_200 = arith.constant 0.000000e+00 : f32
      %broadcast_in_dim3A_201 = vector.broadcast %jit3A_200 : f32 to vector<16xf32>
      %select_n3A_202 = arith.select %eq3A_193, %sub3A_196, %broadcast_in_dim3A_201 : vector<16xi1>, vector<16xf32>
      %add3A_203 = arith.addf %add3A_182, %select_n3A_202 : vector<16xf32>
      %mul3A_204 = arith.constant 16 : i32
      %mul3A_205 = arith.muli %sub3A_45, %mul3A_204 : i32
      %get3A_206 = arith.constant 7 : i32
      %get3A_207 = arith.index_cast %select_n3A : i32 to index
      %get3A_208 = arith.index_cast %get3A_206 : i32 to index
      %get3A_209 = arith.index_cast %mul3A_205 : i32 to index
      %get3A_210 = tpu.vector_load %arg7[%get3A_207, %get3A_208, %get3A_209] {strides = array<i32>} : memref<16x8x128xf32, #tpu.memory_space<vmem>>, vector<1x1x16xf32>,
      %get3A_211 = vector.shape_cast %get3A_210 : vector<1x1x16xf32> to vector<16xf32>
      %eq3A_212 = arith.constant 7 : i32
      %eq3A_213 = vector.broadcast %eq3A_212 : i32 to vector<16xi32>
      %eq3A_214 = arith.cmpi eq, %get3A_49, %eq3A_213 : vector<16xi32>
      %sub3A_215 = arith.constant 1.3795656 : f32
      %sub3A_216 = vector.broadcast %sub3A_215 : f32 to vector<16xf32>
      %sub3A_217 = arith.subf %get3A_211, %sub3A_216 : vector<16xf32>
      %select_n3A_218 = arith.select %eq3A_214, %sub3A_217, %get3A_211 : vector<16xi1>, vector<16xf32>
      %exp3A_219 = math.exp %select_n3A_218 : vector<16xf32>
      %add3A_220 = arith.addf %add3A_199, %exp3A_219 : vector<16xf32>
      %jit3A_221 = arith.constant 0.000000e+00 : f32
      %broadcast_in_dim3A_222 = vector.broadcast %jit3A_221 : f32 to vector<16xf32>
      %select_n3A_223 = arith.select %eq3A_214, %sub3A_217, %broadcast_in_dim3A_222 : vector<16xi1>, vector<16xf32>
      %add3A_224 = arith.addf %add3A_203, %select_n3A_223 : vector<16xf32>
      %bitcast_convert_type3A = tpu.bitcast %add3A_220 : vector<16xf32> -> vector<16xi32>
      %shift_right_arithmetic3A = arith.constant 23 : i32
      %shift_right_arithmetic3A_225 = vector.broadcast %shift_right_arithmetic3A : i32 to vector<16xi32>
      %shift_right_arithmetic3A_226 = arith.shrsi %bitcast_convert_type3A, %shift_right_arithmetic3A_225 : vector<16xi32>
      %sub3A_227 = arith.constant 127 : i32
      %sub3A_228 = vector.broadcast %sub3A_227 : i32 to vector<16xi32>
      %sub3A_229 = arith.subi %shift_right_arithmetic3A_226, %sub3A_228 : vector<16xi32>
      %and3A_230 = arith.constant 8388607 : i32
      %and3A_231 = vector.broadcast %and3A_230 : i32 to vector<16xi32>
      %and3A_232 = arith.andi %bitcast_convert_type3A, %and3A_231 : vector<16xi32>
      %or3A = arith.constant 1065353216 : i32
      %or3A_233 = vector.broadcast %or3A : i32 to vector<16xi32>
      %or3A_234 = arith.ori %and3A_232, %or3A_233 : vector<16xi32>
      %bitcast_convert_type3A_235 = tpu.bitcast %or3A_234 : vector<16xi32> -> vector<16xf32>
      %gt3A = arith.constant 1.41421354 : f32
      %gt3A_236 = vector.broadcast %gt3A : f32 to vector<16xf32>
      %gt3A_237 = arith.cmpf ogt, %bitcast_convert_type3A_235, %gt3A_236 : vector<16xf32>
      %mul3A_238 = arith.constant 5.000000e-01 : f32
      %mul3A_239 = vector.broadcast %mul3A_238 : f32 to vector<16xf32>
      %mul3A_240 = arith.mulf %bitcast_convert_type3A_235, %mul3A_239 : vector<16xf32>
      %select_n3A_241 = arith.select %gt3A_237, %mul3A_240, %bitcast_convert_type3A_235 : vector<16xi1>, vector<16xf32>
      %add3A_242 = arith.constant 1 : i32
      %add3A_243 = vector.broadcast %add3A_242 : i32 to vector<16xi32>
      %add3A_244 = arith.addi %sub3A_229, %add3A_243 : vector<16xi32>
      %select_n3A_245 = arith.select %gt3A_237, %add3A_244, %sub3A_229 : vector<16xi1>, vector<16xi32>
      %sub3A_246 = arith.constant 1.000000e+00 : f32
      %sub3A_247 = vector.broadcast %sub3A_246 : f32 to vector<16xf32>
      %sub3A_248 = arith.subf %select_n3A_241, %sub3A_247 : vector<16xf32>
      %mul3A_249 = arith.constant 0.0840478315 : f32
      %mul3A_250 = vector.broadcast %mul3A_249 : f32 to vector<16xf32>
      %mul3A_251 = arith.mulf %mul3A_250, %sub3A_248 : vector<16xf32>
      %add3A_252 = arith.constant -0.143087089 : f32
      %add3A_253 = vector.broadcast %add3A_252 : f32 to vector<16xf32>
      %add3A_254 = arith.addf %mul3A_251, %add3A_253 : vector<16xf32>
      %mul3A_255 = arith.mulf %add3A_254, %sub3A_248 : vector<16xf32>
      %add3A_256 = arith.constant 0.150531664 : f32
      %add3A_257 = vector.broadcast %add3A_256 : f32 to vector<16xf32>
      %add3A_258 = arith.addf %mul3A_255, %add3A_257 : vector<16xf32>
      %mul3A_259 = arith.mulf %add3A_258, %sub3A_248 : vector<16xf32>
      %add3A_260 = arith.constant -0.16573374 : f32
      %add3A_261 = vector.broadcast %add3A_260 : f32 to vector<16xf32>
      %add3A_262 = arith.addf %mul3A_259, %add3A_261 : vector<16xf32>
      %mul3A_263 = arith.mulf %add3A_262, %sub3A_248 : vector<16xf32>
      %add3A_264 = arith.constant 0.199449152 : f32
      %add3A_265 = vector.broadcast %add3A_264 : f32 to vector<16xf32>
      %add3A_266 = arith.addf %mul3A_263, %add3A_265 : vector<16xf32>
      %mul3A_267 = arith.mulf %add3A_266, %sub3A_248 : vector<16xf32>
      %add3A_268 = arith.constant -0.250014096 : f32
      %add3A_269 = vector.broadcast %add3A_268 : f32 to vector<16xf32>
      %add3A_270 = arith.addf %mul3A_267, %add3A_269 : vector<16xf32>
      %mul3A_271 = arith.mulf %add3A_270, %sub3A_248 : vector<16xf32>
      %add3A_272 = arith.constant 0.333347291 : f32
      %add3A_273 = vector.broadcast %add3A_272 : f32 to vector<16xf32>
      %add3A_274 = arith.addf %mul3A_271, %add3A_273 : vector<16xf32>
      %mul3A_275 = arith.mulf %add3A_274, %sub3A_248 : vector<16xf32>
      %add3A_276 = arith.constant -5.000000e-01 : f32
      %add3A_277 = vector.broadcast %add3A_276 : f32 to vector<16xf32>
      %add3A_278 = arith.addf %mul3A_275, %add3A_277 : vector<16xf32>
      %mul3A_279 = arith.mulf %add3A_278, %sub3A_248 : vector<16xf32>
      %add3A_280 = arith.constant 0.99999988 : f32
      %add3A_281 = vector.broadcast %add3A_280 : f32 to vector<16xf32>
      %add3A_282 = arith.addf %mul3A_279, %add3A_281 : vector<16xf32>
      %convert_element_type3A_283 = arith.sitofp %select_n3A_245 : vector<16xi32> to vector<16xf32>
      %mul3A_284 = arith.constant 0.693147182 : f32
      %mul3A_285 = vector.broadcast %mul3A_284 : f32 to vector<16xf32>
      %mul3A_286 = arith.mulf %convert_element_type3A_283, %mul3A_285 : vector<16xf32>
      %mul3A_287 = arith.mulf %add3A_282, %sub3A_248 : vector<16xf32>
      %add3A_288 = arith.addf %mul3A_286, %mul3A_287 : vector<16xf32>
      %sub3A_289 = arith.subf %add3A_288, %add3A_224 : vector<16xf32>
      %mul3A_290 = arith.mulf %sub3A_289, %convert_element_type3A : vector<16xf32>
      %add3A_291 = arith.addf %scan3A_24, %mul3A_290 : vector<16xf32>
      %add3A_292 = arith.addf %scan3A_25, %convert_element_type3A : vector<16xf32>
      scf.yield %add3A_291, %add3A_292 : vector<16xf32>, vector<16xf32>
    }
    %scan3A_15 = arith.constant 128 : i32
    %swap3A = arith.constant 0 : index
    %swap3A_16 = tpu.vector_load %arg10[%swap3A] {strides = array<i32>} : memref<16xf32, #tpu.memory_space<vmem>>, vector<16xf32>,
    %swap3A_17 = vector.shape_cast %swap3A_16 : vector<16xf32> to vector<16xf32>
    %swap3A_18 = vector.shape_cast %scan3A_14#0 : vector<16xf32> to vector<16xf32>
    tpu.vector_store %arg10[%swap3A], %swap3A_18 {strides = array<i32>} : memref<16xf32, #tpu.memory_space<vmem>>, vector<16xf32>,
    %swap3A_19 = arith.constant 0 : index
    %swap3A_20 = tpu.vector_load %arg11[%swap3A_19] {strides = array<i32>} : memref<16xf32, #tpu.memory_space<vmem>>, vector<16xf32>,
    %swap3A_21 = vector.shape_cast %swap3A_20 : vector<16xf32> to vector<16xf32>
    %swap3A_22 = vector.shape_cast %scan3A_14#1 : vector<16xf32> to vector<16xf32>
    tpu.vector_store %arg11[%swap3A_19], %swap3A_22 {strides = array<i32>} : memref<16xf32, #tpu.memory_space<vmem>>, vector<16xf32>,
    "tpu.region"() ({
      %run_scoped3A = tpu.sem_alloc : memref<!tpu.dma_semaphore, #tpu.memory_space<semaphore_mem>>
      %dma_start3A = arith.constant 0 : i32
      %dma_start3A_23 = tpu.memref_slice %arg5[%add3A, %dma_start3A] : memref<32x16xf32, #tpu.memory_space<hbm>> -> memref<1x16xf32, #tpu.memory_space<hbm>>
      %dma_start3A_24 = tpu.memref_squeeze %dma_start3A_23 : memref<1x16xf32, #tpu.memory_space<hbm>> -> memref<16xf32, #tpu.memory_space<hbm>>
      %dma_start3A_25 = arith.constant 0 : i32
      %dma_start3A_26 = tpu.memref_slice %arg5[%add3A, %dma_start3A_25] : memref<32x16xf32, #tpu.memory_space<hbm>> -> memref<1x16xf32, #tpu.memory_space<hbm>>
      %dma_start3A_27 = tpu.memref_squeeze %dma_start3A_26 : memref<1x16xf32, #tpu.memory_space<hbm>> -> memref<16xf32, #tpu.memory_space<hbm>>
      tpu.enqueue_dma source(%arg10 : memref<16xf32, #tpu.memory_space<vmem>>) target(%dma_start3A_27 : memref<16xf32, #tpu.memory_space<hbm>>) target_semaphore(%run_scoped3A : memref<!tpu.dma_semaphore, #tpu.memory_space<semaphore_mem>>)
      %dma_wait3A = arith.constant 0 : i32
      %dma_wait3A_28 = tpu.memref_slice %arg5[%add3A, %dma_wait3A] : memref<32x16xf32, #tpu.memory_space<hbm>> -> memref<1x16xf32, #tpu.memory_space<hbm>>
      %dma_wait3A_29 = tpu.memref_squeeze %dma_wait3A_28 : memref<1x16xf32, #tpu.memory_space<hbm>> -> memref<16xf32, #tpu.memory_space<hbm>>
      %dma_wait3A_30 = arith.constant 0 : i32
      %dma_wait3A_31 = tpu.memref_slice %arg5[%add3A, %dma_wait3A_30] : memref<32x16xf32, #tpu.memory_space<hbm>> -> memref<1x16xf32, #tpu.memory_space<hbm>>
      %dma_wait3A_32 = tpu.memref_squeeze %dma_wait3A_31 : memref<1x16xf32, #tpu.memory_space<hbm>> -> memref<16xf32, #tpu.memory_space<hbm>>
      tpu.wait_dma2 semaphore(%run_scoped3A : memref<!tpu.dma_semaphore, #tpu.memory_space<semaphore_mem>>) src(%arg10 : memref<16xf32, #tpu.memory_space<vmem>>) dst(%dma_wait3A_32 : memref<16xf32, #tpu.memory_space<hbm>>)
      tpu.yield
    }) : () -> ()
    "tpu.region"() ({
      %run_scoped3A = tpu.sem_alloc : memref<!tpu.dma_semaphore, #tpu.memory_space<semaphore_mem>>
      %dma_start3A = arith.constant 0 : i32
      %dma_start3A_23 = tpu.memref_slice %arg6[%add3A, %dma_start3A] : memref<32x16xf32, #tpu.memory_space<hbm>> -> memref<1x16xf32, #tpu.memory_space<hbm>>
      %dma_start3A_24 = tpu.memref_squeeze %dma_start3A_23 : memref<1x16xf32, #tpu.memory_space<hbm>> -> memref<16xf32, #tpu.memory_space<hbm>>
      %dma_start3A_25 = arith.constant 0 : i32
      %dma_start3A_26 = tpu.memref_slice %arg6[%add3A, %dma_start3A_25] : memref<32x16xf32, #tpu.memory_space<hbm>> -> memref<1x16xf32, #tpu.memory_space<hbm>>
      %dma_start3A_27 = tpu.memref_squeeze %dma_start3A_26 : memref<1x16xf32, #tpu.memory_space<hbm>> -> memref<16xf32, #tpu.memory_space<hbm>>
      tpu.enqueue_dma source(%arg11 : memref<16xf32, #tpu.memory_space<vmem>>) target(%dma_start3A_27 : memref<16xf32, #tpu.memory_space<hbm>>) target_semaphore(%run_scoped3A : memref<!tpu.dma_semaphore, #tpu.memory_space<semaphore_mem>>)
      %dma_wait3A = arith.constant 0 : i32
      %dma_wait3A_28 = tpu.memref_slice %arg6[%add3A, %dma_wait3A] : memref<32x16xf32, #tpu.memory_space<hbm>> -> memref<1x16xf32, #tpu.memory_space<hbm>>
      %dma_wait3A_29 = tpu.memref_squeeze %dma_wait3A_28 : memref<1x16xf32, #tpu.memory_space<hbm>> -> memref<16xf32, #tpu.memory_space<hbm>>
      %dma_wait3A_30 = arith.constant 0 : i32
      %dma_wait3A_31 = tpu.memref_slice %arg6[%add3A, %dma_wait3A_30] : memref<32x16xf32, #tpu.memory_space<hbm>> -> memref<1x16xf32, #tpu.memory_space<hbm>>
      %dma_wait3A_32 = tpu.memref_squeeze %dma_wait3A_31 : memref<1x16xf32, #tpu.memory_space<hbm>> -> memref<16xf32, #tpu.memory_space<hbm>>
      tpu.wait_dma2 semaphore(%run_scoped3A : memref<!tpu.dma_semaphore, #tpu.memory_space<semaphore_mem>>) src(%arg11 : memref<16xf32, #tpu.memory_space<vmem>>) dst(%dma_wait3A_32 : memref<16xf32, #tpu.memory_space<hbm>>)
      tpu.yield
    }) : () -> ()
    return
  }
}

module attributes {stable_mosaic.version = 14 : i64} {
  func.func @_tc_body(%arg0: i32, %arg1: memref<1920x8x128xf32, #tpu.memory_space<vmem>>, %arg2: memref<1920x128xi8, #tpu.memory_space<vmem>>, %arg3: memref<1x1xf32, #tpu.memory_space<smem>>, %arg4: memref<1x1xf32, #tpu.memory_space<smem>>) attributes {dimension_semantics = [#tpu.dimension_semantics<arbitrary>], iteration_bounds = array<i64: 4>, scalar_prefetch = 0 : i64, scratch_operands = 0 : i64, tpu.core_type = #tpu.core_type<tc>, window_params = [{transform_indices = @transform_0, window_bounds = array<i64: 1920, 8, 128>}, {transform_indices = @transform_1, window_bounds = array<i64: 1920, 128>}, {transform_indices = @transform_2, window_bounds = array<i64: 1, 1>}, {transform_indices = @transform_3, window_bounds = array<i64: 1, 1>}]} {
    %eq3A = arith.constant 0 : i32
    %eq3A_0 = arith.cmpi eq, %arg0, %eq3A : i32
    %convert_element_type3A = arith.extui %eq3A_0 : i1 to i32
    %cond3A = arith.constant 0 : i32
    %cond3A_1 = arith.cmpi ne, %convert_element_type3A, %cond3A : i32
    scf.if %cond3A_1 {
      %swap3A_4543 = arith.constant 0.000000e+00 : f32
      %swap3A_4544 = arith.constant 0 : index
      %swap3A_4545 = arith.constant 0 : index
      %swap3A_4546 = memref.load %arg3[%swap3A_4544, %swap3A_4545] : memref<1x1xf32, #tpu.memory_space<smem>>
      memref.store %swap3A_4543, %arg3[%swap3A_4544, %swap3A_4545] : memref<1x1xf32, #tpu.memory_space<smem>>
      %swap3A_4547 = arith.constant 0.000000e+00 : f32
      %swap3A_4548 = arith.constant 0 : index
      %swap3A_4549 = arith.constant 0 : index
      %swap3A_4550 = memref.load %arg4[%swap3A_4548, %swap3A_4549] : memref<1x1xf32, #tpu.memory_space<smem>>
      memref.store %swap3A_4547, %arg4[%swap3A_4548, %swap3A_4549] : memref<1x1xf32, #tpu.memory_space<smem>>
    } else {
    }
    %broadcast_in_dim3A = arith.constant 0.000000e+00 : f32
    %broadcast_in_dim3A_2 = vector.broadcast %broadcast_in_dim3A : f32 to vector<8x128xf32>
    %broadcast_in_dim3A_3 = arith.constant 0.000000e+00 : f32
    %broadcast_in_dim3A_4 = vector.broadcast %broadcast_in_dim3A_3 : f32 to vector<8x128xf32>
    %get3A = arith.constant 0 : index
    %get3A_5 = arith.constant 0 : index
    %get3A_6 = vector.load %arg2[%get3A, %get3A_5] : memref<1920x128xi8, #tpu.memory_space<vmem>>, vector<64x128xi8>
    %convert_element_type3A_7 = arith.extsi %get3A_6 : vector<64x128xi8> to vector<64x128xi32>
    %and3A = arith.constant 7 : i32
    %and3A_8 = vector.broadcast %and3A : i32 to vector<64x128xi32>
    %and3A_9 = arith.andi %convert_element_type3A_7, %and3A_8 : vector<64x128xi32>
    %shift_right_arithmetic3A = arith.constant 3 : i32
    %shift_right_arithmetic3A_10 = vector.broadcast %shift_right_arithmetic3A : i32 to vector<64x128xi32>
    %shift_right_arithmetic3A_11 = arith.shrsi %convert_element_type3A_7, %shift_right_arithmetic3A_10 : vector<64x128xi32>
    %convert_element_type3A_12 = arith.sitofp %shift_right_arithmetic3A_11 : vector<64x128xi32> to vector<64x128xf32>
    %get3A_13 = arith.constant 0 : index
    %get3A_14 = arith.constant 0 : index
    %get3A_15 = arith.constant 0 : index
    %get3A_16 = vector.load %arg1[%get3A_13, %get3A_14, %get3A_15] : memref<1920x8x128xf32, #tpu.memory_space<vmem>>, vector<64x8x128xf32>
    %transpose3A = tpu.transpose %get3A_16, [1, 0, 2] : vector<64x8x128xf32> -> vector<8x64x128xf32>
    %broadcast_in_dim3A_17 = arith.constant 0.000000e+00 : f32
    %broadcast_in_dim3A_18 = vector.broadcast %broadcast_in_dim3A_17 : f32 to vector<64x128xf32>
    %broadcast_in_dim3A_19 = arith.constant 0.000000e+00 : f32
    %broadcast_in_dim3A_20 = vector.broadcast %broadcast_in_dim3A_19 : f32 to vector<64x128xf32>
    %slice3A = vector.extract_strided_slice %transpose3A {offsets = [0, 0, 0], sizes = [1, 64, 128], strides = [1, 1, 1]} : vector<8x64x128xf32> to vector<1x64x128xf32>
    %squeeze3A = vector.shape_cast %slice3A : vector<1x64x128xf32> to vector<64x128xf32>
    %eq3A_21 = arith.constant 0 : i32
    %eq3A_22 = vector.broadcast %eq3A_21 : i32 to vector<64x128xi32>
    %eq3A_23 = arith.cmpi eq, %and3A_9, %eq3A_22 : vector<64x128xi32>
    %sub3A = arith.constant 1.08857441 : f32
    %sub3A_24 = vector.broadcast %sub3A : f32 to vector<64x128xf32>
    %sub3A_25 = arith.subf %squeeze3A, %sub3A_24 : vector<64x128xf32>
    %select_n3A = arith.select %eq3A_23, %sub3A_25, %squeeze3A : vector<64x128xi1>, vector<64x128xf32>
    %exp3A = math.exp %select_n3A : vector<64x128xf32>
    %add3A = arith.addf %broadcast_in_dim3A_18, %exp3A : vector<64x128xf32>
    %jit3A = arith.constant 0.000000e+00 : f32
    %broadcast_in_dim3A_26 = vector.broadcast %jit3A : f32 to vector<64x128xf32>
    %select_n3A_27 = arith.select %eq3A_23, %sub3A_25, %broadcast_in_dim3A_26 : vector<64x128xi1>, vector<64x128xf32>
    %add3A_28 = arith.addf %broadcast_in_dim3A_20, %select_n3A_27 : vector<64x128xf32>
    %slice3A_29 = vector.extract_strided_slice %transpose3A {offsets = [1, 0, 0], sizes = [1, 64, 128], strides = [1, 1, 1]} : vector<8x64x128xf32> to vector<1x64x128xf32>
    %squeeze3A_30 = vector.shape_cast %slice3A_29 : vector<1x64x128xf32> to vector<64x128xf32>
    %eq3A_31 = arith.constant 1 : i32
    %eq3A_32 = vector.broadcast %eq3A_31 : i32 to vector<64x128xi32>
    %eq3A_33 = arith.cmpi eq, %and3A_9, %eq3A_32 : vector<64x128xi32>
    %sub3A_34 = arith.constant 2.400000e+00 : f32
    %sub3A_35 = vector.broadcast %sub3A_34 : f32 to vector<64x128xf32>
    %sub3A_36 = arith.subf %squeeze3A_30, %sub3A_35 : vector<64x128xf32>
    %select_n3A_37 = arith.select %eq3A_33, %sub3A_36, %squeeze3A_30 : vector<64x128xi1>, vector<64x128xf32>
    %exp3A_38 = math.exp %select_n3A_37 : vector<64x128xf32>
    %add3A_39 = arith.addf %add3A, %exp3A_38 : vector<64x128xf32>
    %jit3A_40 = arith.constant 0.000000e+00 : f32
    %broadcast_in_dim3A_41 = vector.broadcast %jit3A_40 : f32 to vector<64x128xf32>
    %select_n3A_42 = arith.select %eq3A_33, %sub3A_36, %broadcast_in_dim3A_41 : vector<64x128xi1>, vector<64x128xf32>
    %add3A_43 = arith.addf %add3A_28, %select_n3A_42 : vector<64x128xf32>
    %slice3A_44 = vector.extract_strided_slice %transpose3A {offsets = [2, 0, 0], sizes = [1, 64, 128], strides = [1, 1, 1]} : vector<8x64x128xf32> to vector<1x64x128xf32>
    %squeeze3A_45 = vector.shape_cast %slice3A_44 : vector<1x64x128xf32> to vector<64x128xf32>
    %eq3A_46 = arith.constant 2 : i32
    %eq3A_47 = vector.broadcast %eq3A_46 : i32 to vector<64x128xi32>
    %eq3A_48 = arith.cmpi eq, %and3A_9, %eq3A_47 : vector<64x128xi32>
    %sub3A_49 = arith.constant 1.18135118 : f32
    %sub3A_50 = vector.broadcast %sub3A_49 : f32 to vector<64x128xf32>
    %sub3A_51 = arith.subf %squeeze3A_45, %sub3A_50 : vector<64x128xf32>
    %select_n3A_52 = arith.select %eq3A_48, %sub3A_51, %squeeze3A_45 : vector<64x128xi1>, vector<64x128xf32>
    %exp3A_53 = math.exp %select_n3A_52 : vector<64x128xf32>
    %add3A_54 = arith.addf %add3A_39, %exp3A_53 : vector<64x128xf32>
    %jit3A_55 = arith.constant 0.000000e+00 : f32
    %broadcast_in_dim3A_56 = vector.broadcast %jit3A_55 : f32 to vector<64x128xf32>
    %select_n3A_57 = arith.select %eq3A_48, %sub3A_51, %broadcast_in_dim3A_56 : vector<64x128xi1>, vector<64x128xf32>
    %add3A_58 = arith.addf %add3A_43, %select_n3A_57 : vector<64x128xf32>
    %slice3A_59 = vector.extract_strided_slice %transpose3A {offsets = [3, 0, 0], sizes = [1, 64, 128], strides = [1, 1, 1]} : vector<8x64x128xf32> to vector<1x64x128xf32>
    %squeeze3A_60 = vector.shape_cast %slice3A_59 : vector<1x64x128xf32> to vector<64x128xf32>
    %eq3A_61 = arith.constant 3 : i32
    %eq3A_62 = vector.broadcast %eq3A_61 : i32 to vector<64x128xi32>
    %eq3A_63 = arith.cmpi eq, %and3A_9, %eq3A_62 : vector<64x128xi32>
    %sub3A_64 = arith.constant 1.84070837 : f32
    %sub3A_65 = vector.broadcast %sub3A_64 : f32 to vector<64x128xf32>
    %sub3A_66 = arith.subf %squeeze3A_60, %sub3A_65 : vector<64x128xf32>
    %select_n3A_67 = arith.select %eq3A_63, %sub3A_66, %squeeze3A_60 : vector<64x128xi1>, vector<64x128xf32>
    %exp3A_68 = math.exp %select_n3A_67 : vector<64x128xf32>
    %add3A_69 = arith.addf %add3A_54, %exp3A_68 : vector<64x128xf32>
    %jit3A_70 = arith.constant 0.000000e+00 : f32
    %broadcast_in_dim3A_71 = vector.broadcast %jit3A_70 : f32 to vector<64x128xf32>
    %select_n3A_72 = arith.select %eq3A_63, %sub3A_66, %broadcast_in_dim3A_71 : vector<64x128xi1>, vector<64x128xf32>
    %add3A_73 = arith.addf %add3A_58, %select_n3A_72 : vector<64x128xf32>
    %slice3A_74 = vector.extract_strided_slice %transpose3A {offsets = [4, 0, 0], sizes = [1, 64, 128], strides = [1, 1, 1]} : vector<8x64x128xf32> to vector<1x64x128xf32>
    %squeeze3A_75 = vector.shape_cast %slice3A_74 : vector<1x64x128xf32> to vector<64x128xf32>
    %eq3A_76 = arith.constant 4 : i32
    %eq3A_77 = vector.broadcast %eq3A_76 : i32 to vector<64x128xi32>
    %eq3A_78 = arith.cmpi eq, %and3A_9, %eq3A_77 : vector<64x128xi32>
    %sub3A_79 = arith.constant 2.400000e+00 : f32
    %sub3A_80 = vector.broadcast %sub3A_79 : f32 to vector<64x128xf32>
    %sub3A_81 = arith.subf %squeeze3A_75, %sub3A_80 : vector<64x128xf32>
    %select_n3A_82 = arith.select %eq3A_78, %sub3A_81, %squeeze3A_75 : vector<64x128xi1>, vector<64x128xf32>
    %exp3A_83 = math.exp %select_n3A_82 : vector<64x128xf32>
    %add3A_84 = arith.addf %add3A_69, %exp3A_83 : vector<64x128xf32>
    %jit3A_85 = arith.constant 0.000000e+00 : f32
    %broadcast_in_dim3A_86 = vector.broadcast %jit3A_85 : f32 to vector<64x128xf32>
    %select_n3A_87 = arith.select %eq3A_78, %sub3A_81, %broadcast_in_dim3A_86 : vector<64x128xi1>, vector<64x128xf32>
    %add3A_88 = arith.addf %add3A_73, %select_n3A_87 : vector<64x128xf32>
    %slice3A_89 = vector.extract_strided_slice %transpose3A {offsets = [5, 0, 0], sizes = [1, 64, 128], strides = [1, 1, 1]} : vector<8x64x128xf32> to vector<1x64x128xf32>
    %squeeze3A_90 = vector.shape_cast %slice3A_89 : vector<1x64x128xf32> to vector<64x128xf32>
    %eq3A_91 = arith.constant 5 : i32
    %eq3A_92 = vector.broadcast %eq3A_91 : i32 to vector<64x128xi32>
    %eq3A_93 = arith.cmpi eq, %and3A_9, %eq3A_92 : vector<64x128xi32>
    %sub3A_94 = arith.constant 1.05176699 : f32
    %sub3A_95 = vector.broadcast %sub3A_94 : f32 to vector<64x128xf32>
    %sub3A_96 = arith.subf %squeeze3A_90, %sub3A_95 : vector<64x128xf32>
    %select_n3A_97 = arith.select %eq3A_93, %sub3A_96, %squeeze3A_90 : vector<64x128xi1>, vector<64x128xf32>
    %exp3A_98 = math.exp %select_n3A_97 : vector<64x128xf32>
    %add3A_99 = arith.addf %add3A_84, %exp3A_98 : vector<64x128xf32>
    %jit3A_100 = arith.constant 0.000000e+00 : f32
    %broadcast_in_dim3A_101 = vector.broadcast %jit3A_100 : f32 to vector<64x128xf32>
    %select_n3A_102 = arith.select %eq3A_93, %sub3A_96, %broadcast_in_dim3A_101 : vector<64x128xi1>, vector<64x128xf32>
    %add3A_103 = arith.addf %add3A_88, %select_n3A_102 : vector<64x128xf32>
    %slice3A_104 = vector.extract_strided_slice %transpose3A {offsets = [6, 0, 0], sizes = [1, 64, 128], strides = [1, 1, 1]} : vector<8x64x128xf32> to vector<1x64x128xf32>
    %squeeze3A_105 = vector.shape_cast %slice3A_104 : vector<1x64x128xf32> to vector<64x128xf32>
    %eq3A_106 = arith.constant 6 : i32
    %eq3A_107 = vector.broadcast %eq3A_106 : i32 to vector<64x128xi32>
    %eq3A_108 = arith.cmpi eq, %and3A_9, %eq3A_107 : vector<64x128xi32>
    %sub3A_109 = arith.constant 1.44782162 : f32
    %sub3A_110 = vector.broadcast %sub3A_109 : f32 to vector<64x128xf32>
    %sub3A_111 = arith.subf %squeeze3A_105, %sub3A_110 : vector<64x128xf32>
    %select_n3A_112 = arith.select %eq3A_108, %sub3A_111, %squeeze3A_105 : vector<64x128xi1>, vector<64x128xf32>
    %exp3A_113 = math.exp %select_n3A_112 : vector<64x128xf32>
    %add3A_114 = arith.addf %add3A_99, %exp3A_113 : vector<64x128xf32>
    %jit3A_115 = arith.constant 0.000000e+00 : f32
    %broadcast_in_dim3A_116 = vector.broadcast %jit3A_115 : f32 to vector<64x128xf32>
    %select_n3A_117 = arith.select %eq3A_108, %sub3A_111, %broadcast_in_dim3A_116 : vector<64x128xi1>, vector<64x128xf32>
    %add3A_118 = arith.addf %add3A_103, %select_n3A_117 : vector<64x128xf32>
    %slice3A_119 = vector.extract_strided_slice %transpose3A {offsets = [7, 0, 0], sizes = [1, 64, 128], strides = [1, 1, 1]} : vector<8x64x128xf32> to vector<1x64x128xf32>
    %squeeze3A_120 = vector.shape_cast %slice3A_119 : vector<1x64x128xf32> to vector<64x128xf32>
    %eq3A_121 = arith.constant 7 : i32
    %eq3A_122 = vector.broadcast %eq3A_121 : i32 to vector<64x128xi32>
    %eq3A_123 = arith.cmpi eq, %and3A_9, %eq3A_122 : vector<64x128xi32>
    %sub3A_124 = arith.constant 1.3795656 : f32
    %sub3A_125 = vector.broadcast %sub3A_124 : f32 to vector<64x128xf32>
    %sub3A_126 = arith.subf %squeeze3A_120, %sub3A_125 : vector<64x128xf32>
    %select_n3A_127 = arith.select %eq3A_123, %sub3A_126, %squeeze3A_120 : vector<64x128xi1>, vector<64x128xf32>
    %exp3A_128 = math.exp %select_n3A_127 : vector<64x128xf32>
    %add3A_129 = arith.addf %add3A_114, %exp3A_128 : vector<64x128xf32>
    %jit3A_130 = arith.constant 0.000000e+00 : f32
    %broadcast_in_dim3A_131 = vector.broadcast %jit3A_130 : f32 to vector<64x128xf32>
    %select_n3A_132 = arith.select %eq3A_123, %sub3A_126, %broadcast_in_dim3A_131 : vector<64x128xi1>, vector<64x128xf32>
    %add3A_133 = arith.addf %add3A_118, %select_n3A_132 : vector<64x128xf32>
    %log3A = math.log %add3A_129 : vector<64x128xf32>
    %sub3A_134 = arith.subf %log3A, %add3A_133 : vector<64x128xf32>
    %mul3A = arith.mulf %convert_element_type3A_12, %sub3A_134 : vector<64x128xf32>
    %reshape3A = vector.shape_cast %mul3A : vector<64x128xf32> to vector<8x8x128xf32>
    %reduce_sum3A = arith.constant dense<0.000000e+00> : vector<8x128xf32>
    %reduce_sum3A_135 = vector.multi_reduction <add>, %reshape3A, %reduce_sum3A [0] : vector<8x8x128xf32> to vector<8x128xf32>
    %add3A_136 = arith.addf %broadcast_in_dim3A_2, %reduce_sum3A_135 : vector<8x128xf32>
    %reshape3A_137 = vector.shape_cast %convert_element_type3A_12 : vector<64x128xf32> to vector<8x8x128xf32>
    %reduce_sum3A_138 = arith.constant dense<0.000000e+00> : vector<8x128xf32>
    %reduce_sum3A_139 = vector.multi_reduction <add>, %reshape3A_137, %reduce_sum3A_138 [0] : vector<8x8x128xf32> to vector<8x128xf32>
    %add3A_140 = arith.addf %broadcast_in_dim3A_4, %reduce_sum3A_139 : vector<8x128xf32>
    %get3A_141 = arith.constant 64 : index
    %get3A_142 = arith.constant 0 : index
    %get3A_143 = vector.load %arg2[%get3A_141, %get3A_142] : memref<1920x128xi8, #tpu.memory_space<vmem>>, vector<64x128xi8>
    %convert_element_type3A_144 = arith.extsi %get3A_143 : vector<64x128xi8> to vector<64x128xi32>
    %and3A_145 = arith.constant 7 : i32
    %and3A_146 = vector.broadcast %and3A_145 : i32 to vector<64x128xi32>
    %and3A_147 = arith.andi %convert_element_type3A_144, %and3A_146 : vector<64x128xi32>
    %shift_right_arithmetic3A_148 = arith.constant 3 : i32
    %shift_right_arithmetic3A_149 = vector.broadcast %shift_right_arithmetic3A_148 : i32 to vector<64x128xi32>
    %shift_right_arithmetic3A_150 = arith.shrsi %convert_element_type3A_144, %shift_right_arithmetic3A_149 : vector<64x128xi32>
    %convert_element_type3A_151 = arith.sitofp %shift_right_arithmetic3A_150 : vector<64x128xi32> to vector<64x128xf32>
    %get3A_152 = arith.constant 64 : index
    %get3A_153 = arith.constant 0 : index
    %get3A_154 = arith.constant 0 : index
    %get3A_155 = vector.load %arg1[%get3A_152, %get3A_153, %get3A_154] : memref<1920x8x128xf32, #tpu.memory_space<vmem>>, vector<64x8x128xf32>
    %transpose3A_156 = tpu.transpose %get3A_155, [1, 0, 2] : vector<64x8x128xf32> -> vector<8x64x128xf32>
    %broadcast_in_dim3A_157 = arith.constant 0.000000e+00 : f32
    %broadcast_in_dim3A_158 = vector.broadcast %broadcast_in_dim3A_157 : f32 to vector<64x128xf32>
    %broadcast_in_dim3A_159 = arith.constant 0.000000e+00 : f32
    %broadcast_in_dim3A_160 = vector.broadcast %broadcast_in_dim3A_159 : f32 to vector<64x128xf32>
    %slice3A_161 = vector.extract_strided_slice %transpose3A_156 {offsets = [0, 0, 0], sizes = [1, 64, 128], strides = [1, 1, 1]} : vector<8x64x128xf32> to vector<1x64x128xf32>
    %squeeze3A_162 = vector.shape_cast %slice3A_161 : vector<1x64x128xf32> to vector<64x128xf32>
    %eq3A_163 = arith.constant 0 : i32
    %eq3A_164 = vector.broadcast %eq3A_163 : i32 to vector<64x128xi32>
    %eq3A_165 = arith.cmpi eq, %and3A_147, %eq3A_164 : vector<64x128xi32>
    %sub3A_166 = arith.constant 1.08857441 : f32
    %sub3A_167 = vector.broadcast %sub3A_166 : f32 to vector<64x128xf32>
    %sub3A_168 = arith.subf %squeeze3A_162, %sub3A_167 : vector<64x128xf32>
    %select_n3A_169 = arith.select %eq3A_165, %sub3A_168, %squeeze3A_162 : vector<64x128xi1>, vector<64x128xf32>
    %exp3A_170 = math.exp %select_n3A_169 : vector<64x128xf32>
    %add3A_171 = arith.addf %broadcast_in_dim3A_158, %exp3A_170 : vector<64x128xf32>
    %jit3A_172 = arith.constant 0.000000e+00 : f32
    %broadcast_in_dim3A_173 = vector.broadcast %jit3A_172 : f32 to vector<64x128xf32>
    %select_n3A_174 = arith.select %eq3A_165, %sub3A_168, %broadcast_in_dim3A_173 : vector<64x128xi1>, vector<64x128xf32>
    %add3A_175 = arith.addf %broadcast_in_dim3A_160, %select_n3A_174 : vector<64x128xf32>
    %slice3A_176 = vector.extract_strided_slice %transpose3A_156 {offsets = [1, 0, 0], sizes = [1, 64, 128], strides = [1, 1, 1]} : vector<8x64x128xf32> to vector<1x64x128xf32>
    %squeeze3A_177 = vector.shape_cast %slice3A_176 : vector<1x64x128xf32> to vector<64x128xf32>
    %eq3A_178 = arith.constant 1 : i32
    %eq3A_179 = vector.broadcast %eq3A_178 : i32 to vector<64x128xi32>
    %eq3A_180 = arith.cmpi eq, %and3A_147, %eq3A_179 : vector<64x128xi32>
    %sub3A_181 = arith.constant 2.400000e+00 : f32
    %sub3A_182 = vector.broadcast %sub3A_181 : f32 to vector<64x128xf32>
    %sub3A_183 = arith.subf %squeeze3A_177, %sub3A_182 : vector<64x128xf32>
    %select_n3A_184 = arith.select %eq3A_180, %sub3A_183, %squeeze3A_177 : vector<64x128xi1>, vector<64x128xf32>
    %exp3A_185 = math.exp %select_n3A_184 : vector<64x128xf32>
    %add3A_186 = arith.addf %add3A_171, %exp3A_185 : vector<64x128xf32>
    %jit3A_187 = arith.constant 0.000000e+00 : f32
    %broadcast_in_dim3A_188 = vector.broadcast %jit3A_187 : f32 to vector<64x128xf32>
    %select_n3A_189 = arith.select %eq3A_180, %sub3A_183, %broadcast_in_dim3A_188 : vector<64x128xi1>, vector<64x128xf32>
    %add3A_190 = arith.addf %add3A_175, %select_n3A_189 : vector<64x128xf32>
    %slice3A_191 = vector.extract_strided_slice %transpose3A_156 {offsets = [2, 0, 0], sizes = [1, 64, 128], strides = [1, 1, 1]} : vector<8x64x128xf32> to vector<1x64x128xf32>
    %squeeze3A_192 = vector.shape_cast %slice3A_191 : vector<1x64x128xf32> to vector<64x128xf32>
    %eq3A_193 = arith.constant 2 : i32
    %eq3A_194 = vector.broadcast %eq3A_193 : i32 to vector<64x128xi32>
    %eq3A_195 = arith.cmpi eq, %and3A_147, %eq3A_194 : vector<64x128xi32>
    %sub3A_196 = arith.constant 1.18135118 : f32
    %sub3A_197 = vector.broadcast %sub3A_196 : f32 to vector<64x128xf32>
    %sub3A_198 = arith.subf %squeeze3A_192, %sub3A_197 : vector<64x128xf32>
    %select_n3A_199 = arith.select %eq3A_195, %sub3A_198, %squeeze3A_192 : vector<64x128xi1>, vector<64x128xf32>
    %exp3A_200 = math.exp %select_n3A_199 : vector<64x128xf32>
    %add3A_201 = arith.addf %add3A_186, %exp3A_200 : vector<64x128xf32>
    %jit3A_202 = arith.constant 0.000000e+00 : f32
    %broadcast_in_dim3A_203 = vector.broadcast %jit3A_202 : f32 to vector<64x128xf32>
    %select_n3A_204 = arith.select %eq3A_195, %sub3A_198, %broadcast_in_dim3A_203 : vector<64x128xi1>, vector<64x128xf32>
    %add3A_205 = arith.addf %add3A_190, %select_n3A_204 : vector<64x128xf32>
    %slice3A_206 = vector.extract_strided_slice %transpose3A_156 {offsets = [3, 0, 0], sizes = [1, 64, 128], strides = [1, 1, 1]} : vector<8x64x128xf32> to vector<1x64x128xf32>
    %squeeze3A_207 = vector.shape_cast %slice3A_206 : vector<1x64x128xf32> to vector<64x128xf32>
    %eq3A_208 = arith.constant 3 : i32
    %eq3A_209 = vector.broadcast %eq3A_208 : i32 to vector<64x128xi32>
    %eq3A_210 = arith.cmpi eq, %and3A_147, %eq3A_209 : vector<64x128xi32>
    %sub3A_211 = arith.constant 1.84070837 : f32
    %sub3A_212 = vector.broadcast %sub3A_211 : f32 to vector<64x128xf32>
    %sub3A_213 = arith.subf %squeeze3A_207, %sub3A_212 : vector<64x128xf32>
    %select_n3A_214 = arith.select %eq3A_210, %sub3A_213, %squeeze3A_207 : vector<64x128xi1>, vector<64x128xf32>
    %exp3A_215 = math.exp %select_n3A_214 : vector<64x128xf32>
    %add3A_216 = arith.addf %add3A_201, %exp3A_215 : vector<64x128xf32>
    %jit3A_217 = arith.constant 0.000000e+00 : f32
    %broadcast_in_dim3A_218 = vector.broadcast %jit3A_217 : f32 to vector<64x128xf32>
    %select_n3A_219 = arith.select %eq3A_210, %sub3A_213, %broadcast_in_dim3A_218 : vector<64x128xi1>, vector<64x128xf32>
    %add3A_220 = arith.addf %add3A_205, %select_n3A_219 : vector<64x128xf32>
    %slice3A_221 = vector.extract_strided_slice %transpose3A_156 {offsets = [4, 0, 0], sizes = [1, 64, 128], strides = [1, 1, 1]} : vector<8x64x128xf32> to vector<1x64x128xf32>
    %squeeze3A_222 = vector.shape_cast %slice3A_221 : vector<1x64x128xf32> to vector<64x128xf32>
    %eq3A_223 = arith.constant 4 : i32
    %eq3A_224 = vector.broadcast %eq3A_223 : i32 to vector<64x128xi32>
    %eq3A_225 = arith.cmpi eq, %and3A_147, %eq3A_224 : vector<64x128xi32>
    %sub3A_226 = arith.constant 2.400000e+00 : f32
    %sub3A_227 = vector.broadcast %sub3A_226 : f32 to vector<64x128xf32>
    %sub3A_228 = arith.subf %squeeze3A_222, %sub3A_227 : vector<64x128xf32>
    %select_n3A_229 = arith.select %eq3A_225, %sub3A_228, %squeeze3A_222 : vector<64x128xi1>, vector<64x128xf32>
    %exp3A_230 = math.exp %select_n3A_229 : vector<64x128xf32>
    %add3A_231 = arith.addf %add3A_216, %exp3A_230 : vector<64x128xf32>
    %jit3A_232 = arith.constant 0.000000e+00 : f32
    %broadcast_in_dim3A_233 = vector.broadcast %jit3A_232 : f32 to vector<64x128xf32>
    %select_n3A_234 = arith.select %eq3A_225, %sub3A_228, %broadcast_in_dim3A_233 : vector<64x128xi1>, vector<64x128xf32>
    %add3A_235 = arith.addf %add3A_220, %select_n3A_234 : vector<64x128xf32>
    %slice3A_236 = vector.extract_strided_slice %transpose3A_156 {offsets = [5, 0, 0], sizes = [1, 64, 128], strides = [1, 1, 1]} : vector<8x64x128xf32> to vector<1x64x128xf32>
    %squeeze3A_237 = vector.shape_cast %slice3A_236 : vector<1x64x128xf32> to vector<64x128xf32>
    %eq3A_238 = arith.constant 5 : i32
    %eq3A_239 = vector.broadcast %eq3A_238 : i32 to vector<64x128xi32>
    %eq3A_240 = arith.cmpi eq, %and3A_147, %eq3A_239 : vector<64x128xi32>
    %sub3A_241 = arith.constant 1.05176699 : f32
    %sub3A_242 = vector.broadcast %sub3A_241 : f32 to vector<64x128xf32>
    %sub3A_243 = arith.subf %squeeze3A_237, %sub3A_242 : vector<64x128xf32>
    %select_n3A_244 = arith.select %eq3A_240, %sub3A_243, %squeeze3A_237 : vector<64x128xi1>, vector<64x128xf32>
    %exp3A_245 = math.exp %select_n3A_244 : vector<64x128xf32>
    %add3A_246 = arith.addf %add3A_231, %exp3A_245 : vector<64x128xf32>
    %jit3A_247 = arith.constant 0.000000e+00 : f32
    %broadcast_in_dim3A_248 = vector.broadcast %jit3A_247 : f32 to vector<64x128xf32>
    %select_n3A_249 = arith.select %eq3A_240, %sub3A_243, %broadcast_in_dim3A_248 : vector<64x128xi1>, vector<64x128xf32>
    %add3A_250 = arith.addf %add3A_235, %select_n3A_249 : vector<64x128xf32>
    %slice3A_251 = vector.extract_strided_slice %transpose3A_156 {offsets = [6, 0, 0], sizes = [1, 64, 128], strides = [1, 1, 1]} : vector<8x64x128xf32> to vector<1x64x128xf32>
    %squeeze3A_252 = vector.shape_cast %slice3A_251 : vector<1x64x128xf32> to vector<64x128xf32>
    %eq3A_253 = arith.constant 6 : i32
    %eq3A_254 = vector.broadcast %eq3A_253 : i32 to vector<64x128xi32>
    %eq3A_255 = arith.cmpi eq, %and3A_147, %eq3A_254 : vector<64x128xi32>
    %sub3A_256 = arith.constant 1.44782162 : f32
    %sub3A_257 = vector.broadcast %sub3A_256 : f32 to vector<64x128xf32>
    %sub3A_258 = arith.subf %squeeze3A_252, %sub3A_257 : vector<64x128xf32>
    %select_n3A_259 = arith.select %eq3A_255, %sub3A_258, %squeeze3A_252 : vector<64x128xi1>, vector<64x128xf32>
    %exp3A_260 = math.exp %select_n3A_259 : vector<64x128xf32>
    %add3A_261 = arith.addf %add3A_246, %exp3A_260 : vector<64x128xf32>
    %jit3A_262 = arith.constant 0.000000e+00 : f32
    %broadcast_in_dim3A_263 = vector.broadcast %jit3A_262 : f32 to vector<64x128xf32>
    %select_n3A_264 = arith.select %eq3A_255, %sub3A_258, %broadcast_in_dim3A_263 : vector<64x128xi1>, vector<64x128xf32>
    %add3A_265 = arith.addf %add3A_250, %select_n3A_264 : vector<64x128xf32>
    %slice3A_266 = vector.extract_strided_slice %transpose3A_156 {offsets = [7, 0, 0], sizes = [1, 64, 128], strides = [1, 1, 1]} : vector<8x64x128xf32> to vector<1x64x128xf32>
    %squeeze3A_267 = vector.shape_cast %slice3A_266 : vector<1x64x128xf32> to vector<64x128xf32>
    %eq3A_268 = arith.constant 7 : i32
    %eq3A_269 = vector.broadcast %eq3A_268 : i32 to vector<64x128xi32>
    %eq3A_270 = arith.cmpi eq, %and3A_147, %eq3A_269 : vector<64x128xi32>
    %sub3A_271 = arith.constant 1.3795656 : f32
    %sub3A_272 = vector.broadcast %sub3A_271 : f32 to vector<64x128xf32>
    %sub3A_273 = arith.subf %squeeze3A_267, %sub3A_272 : vector<64x128xf32>
    %select_n3A_274 = arith.select %eq3A_270, %sub3A_273, %squeeze3A_267 : vector<64x128xi1>, vector<64x128xf32>
    %exp3A_275 = math.exp %select_n3A_274 : vector<64x128xf32>
    %add3A_276 = arith.addf %add3A_261, %exp3A_275 : vector<64x128xf32>
    %jit3A_277 = arith.constant 0.000000e+00 : f32
    %broadcast_in_dim3A_278 = vector.broadcast %jit3A_277 : f32 to vector<64x128xf32>
    %select_n3A_279 = arith.select %eq3A_270, %sub3A_273, %broadcast_in_dim3A_278 : vector<64x128xi1>, vector<64x128xf32>
    %add3A_280 = arith.addf %add3A_265, %select_n3A_279 : vector<64x128xf32>
    %log3A_281 = math.log %add3A_276 : vector<64x128xf32>
    %sub3A_282 = arith.subf %log3A_281, %add3A_280 : vector<64x128xf32>
    %mul3A_283 = arith.mulf %convert_element_type3A_151, %sub3A_282 : vector<64x128xf32>
    %reshape3A_284 = vector.shape_cast %mul3A_283 : vector<64x128xf32> to vector<8x8x128xf32>
    %reduce_sum3A_285 = arith.constant dense<0.000000e+00> : vector<8x128xf32>
    %reduce_sum3A_286 = vector.multi_reduction <add>, %reshape3A_284, %reduce_sum3A_285 [0] : vector<8x8x128xf32> to vector<8x128xf32>
    %add3A_287 = arith.addf %add3A_136, %reduce_sum3A_286 : vector<8x128xf32>
    %reshape3A_288 = vector.shape_cast %convert_element_type3A_151 : vector<64x128xf32> to vector<8x8x128xf32>
    %reduce_sum3A_289 = arith.constant dense<0.000000e+00> : vector<8x128xf32>
    %reduce_sum3A_290 = vector.multi_reduction <add>, %reshape3A_288, %reduce_sum3A_289 [0] : vector<8x8x128xf32> to vector<8x128xf32>
    %add3A_291 = arith.addf %add3A_140, %reduce_sum3A_290 : vector<8x128xf32>
    %get3A_292 = arith.constant 128 : index
    %get3A_293 = arith.constant 0 : index
    %get3A_294 = vector.load %arg2[%get3A_292, %get3A_293] : memref<1920x128xi8, #tpu.memory_space<vmem>>, vector<64x128xi8>
    %convert_element_type3A_295 = arith.extsi %get3A_294 : vector<64x128xi8> to vector<64x128xi32>
    %and3A_296 = arith.constant 7 : i32
    %and3A_297 = vector.broadcast %and3A_296 : i32 to vector<64x128xi32>
    %and3A_298 = arith.andi %convert_element_type3A_295, %and3A_297 : vector<64x128xi32>
    %shift_right_arithmetic3A_299 = arith.constant 3 : i32
    %shift_right_arithmetic3A_300 = vector.broadcast %shift_right_arithmetic3A_299 : i32 to vector<64x128xi32>
    %shift_right_arithmetic3A_301 = arith.shrsi %convert_element_type3A_295, %shift_right_arithmetic3A_300 : vector<64x128xi32>
    %convert_element_type3A_302 = arith.sitofp %shift_right_arithmetic3A_301 : vector<64x128xi32> to vector<64x128xf32>
    %get3A_303 = arith.constant 128 : index
    %get3A_304 = arith.constant 0 : index
    %get3A_305 = arith.constant 0 : index
    %get3A_306 = vector.load %arg1[%get3A_303, %get3A_304, %get3A_305] : memref<1920x8x128xf32, #tpu.memory_space<vmem>>, vector<64x8x128xf32>
    %transpose3A_307 = tpu.transpose %get3A_306, [1, 0, 2] : vector<64x8x128xf32> -> vector<8x64x128xf32>
    %broadcast_in_dim3A_308 = arith.constant 0.000000e+00 : f32
    %broadcast_in_dim3A_309 = vector.broadcast %broadcast_in_dim3A_308 : f32 to vector<64x128xf32>
    %broadcast_in_dim3A_310 = arith.constant 0.000000e+00 : f32
    %broadcast_in_dim3A_311 = vector.broadcast %broadcast_in_dim3A_310 : f32 to vector<64x128xf32>
    %slice3A_312 = vector.extract_strided_slice %transpose3A_307 {offsets = [0, 0, 0], sizes = [1, 64, 128], strides = [1, 1, 1]} : vector<8x64x128xf32> to vector<1x64x128xf32>
    %squeeze3A_313 = vector.shape_cast %slice3A_312 : vector<1x64x128xf32> to vector<64x128xf32>
    %eq3A_314 = arith.constant 0 : i32
    %eq3A_315 = vector.broadcast %eq3A_314 : i32 to vector<64x128xi32>
    %eq3A_316 = arith.cmpi eq, %and3A_298, %eq3A_315 : vector<64x128xi32>
    %sub3A_317 = arith.constant 1.08857441 : f32
    %sub3A_318 = vector.broadcast %sub3A_317 : f32 to vector<64x128xf32>
    %sub3A_319 = arith.subf %squeeze3A_313, %sub3A_318 : vector<64x128xf32>
    %select_n3A_320 = arith.select %eq3A_316, %sub3A_319, %squeeze3A_313 : vector<64x128xi1>, vector<64x128xf32>
    %exp3A_321 = math.exp %select_n3A_320 : vector<64x128xf32>
    %add3A_322 = arith.addf %broadcast_in_dim3A_309, %exp3A_321 : vector<64x128xf32>
    %jit3A_323 = arith.constant 0.000000e+00 : f32
    %broadcast_in_dim3A_324 = vector.broadcast %jit3A_323 : f32 to vector<64x128xf32>
    %select_n3A_325 = arith.select %eq3A_316, %sub3A_319, %broadcast_in_dim3A_324 : vector<64x128xi1>, vector<64x128xf32>
    %add3A_326 = arith.addf %broadcast_in_dim3A_311, %select_n3A_325 : vector<64x128xf32>
    %slice3A_327 = vector.extract_strided_slice %transpose3A_307 {offsets = [1, 0, 0], sizes = [1, 64, 128], strides = [1, 1, 1]} : vector<8x64x128xf32> to vector<1x64x128xf32>
    %squeeze3A_328 = vector.shape_cast %slice3A_327 : vector<1x64x128xf32> to vector<64x128xf32>
    %eq3A_329 = arith.constant 1 : i32
    %eq3A_330 = vector.broadcast %eq3A_329 : i32 to vector<64x128xi32>
    %eq3A_331 = arith.cmpi eq, %and3A_298, %eq3A_330 : vector<64x128xi32>
    %sub3A_332 = arith.constant 2.400000e+00 : f32
    %sub3A_333 = vector.broadcast %sub3A_332 : f32 to vector<64x128xf32>
    %sub3A_334 = arith.subf %squeeze3A_328, %sub3A_333 : vector<64x128xf32>
    %select_n3A_335 = arith.select %eq3A_331, %sub3A_334, %squeeze3A_328 : vector<64x128xi1>, vector<64x128xf32>
    %exp3A_336 = math.exp %select_n3A_335 : vector<64x128xf32>
    %add3A_337 = arith.addf %add3A_322, %exp3A_336 : vector<64x128xf32>
    %jit3A_338 = arith.constant 0.000000e+00 : f32
    %broadcast_in_dim3A_339 = vector.broadcast %jit3A_338 : f32 to vector<64x128xf32>
    %select_n3A_340 = arith.select %eq3A_331, %sub3A_334, %broadcast_in_dim3A_339 : vector<64x128xi1>, vector<64x128xf32>
    %add3A_341 = arith.addf %add3A_326, %select_n3A_340 : vector<64x128xf32>
    %slice3A_342 = vector.extract_strided_slice %transpose3A_307 {offsets = [2, 0, 0], sizes = [1, 64, 128], strides = [1, 1, 1]} : vector<8x64x128xf32> to vector<1x64x128xf32>
    %squeeze3A_343 = vector.shape_cast %slice3A_342 : vector<1x64x128xf32> to vector<64x128xf32>
    %eq3A_344 = arith.constant 2 : i32
    %eq3A_345 = vector.broadcast %eq3A_344 : i32 to vector<64x128xi32>
    %eq3A_346 = arith.cmpi eq, %and3A_298, %eq3A_345 : vector<64x128xi32>
    %sub3A_347 = arith.constant 1.18135118 : f32
    %sub3A_348 = vector.broadcast %sub3A_347 : f32 to vector<64x128xf32>
    %sub3A_349 = arith.subf %squeeze3A_343, %sub3A_348 : vector<64x128xf32>
    %select_n3A_350 = arith.select %eq3A_346, %sub3A_349, %squeeze3A_343 : vector<64x128xi1>, vector<64x128xf32>
    %exp3A_351 = math.exp %select_n3A_350 : vector<64x128xf32>
    %add3A_352 = arith.addf %add3A_337, %exp3A_351 : vector<64x128xf32>
    %jit3A_353 = arith.constant 0.000000e+00 : f32
    %broadcast_in_dim3A_354 = vector.broadcast %jit3A_353 : f32 to vector<64x128xf32>
    %select_n3A_355 = arith.select %eq3A_346, %sub3A_349, %broadcast_in_dim3A_354 : vector<64x128xi1>, vector<64x128xf32>
    %add3A_356 = arith.addf %add3A_341, %select_n3A_355 : vector<64x128xf32>
    %slice3A_357 = vector.extract_strided_slice %transpose3A_307 {offsets = [3, 0, 0], sizes = [1, 64, 128], strides = [1, 1, 1]} : vector<8x64x128xf32> to vector<1x64x128xf32>
    %squeeze3A_358 = vector.shape_cast %slice3A_357 : vector<1x64x128xf32> to vector<64x128xf32>
    %eq3A_359 = arith.constant 3 : i32
    %eq3A_360 = vector.broadcast %eq3A_359 : i32 to vector<64x128xi32>
    %eq3A_361 = arith.cmpi eq, %and3A_298, %eq3A_360 : vector<64x128xi32>
    %sub3A_362 = arith.constant 1.84070837 : f32
    %sub3A_363 = vector.broadcast %sub3A_362 : f32 to vector<64x128xf32>
    %sub3A_364 = arith.subf %squeeze3A_358, %sub3A_363 : vector<64x128xf32>
    %select_n3A_365 = arith.select %eq3A_361, %sub3A_364, %squeeze3A_358 : vector<64x128xi1>, vector<64x128xf32>
    %exp3A_366 = math.exp %select_n3A_365 : vector<64x128xf32>
    %add3A_367 = arith.addf %add3A_352, %exp3A_366 : vector<64x128xf32>
    %jit3A_368 = arith.constant 0.000000e+00 : f32
    %broadcast_in_dim3A_369 = vector.broadcast %jit3A_368 : f32 to vector<64x128xf32>
    %select_n3A_370 = arith.select %eq3A_361, %sub3A_364, %broadcast_in_dim3A_369 : vector<64x128xi1>, vector<64x128xf32>
    %add3A_371 = arith.addf %add3A_356, %select_n3A_370 : vector<64x128xf32>
    %slice3A_372 = vector.extract_strided_slice %transpose3A_307 {offsets = [4, 0, 0], sizes = [1, 64, 128], strides = [1, 1, 1]} : vector<8x64x128xf32> to vector<1x64x128xf32>
    %squeeze3A_373 = vector.shape_cast %slice3A_372 : vector<1x64x128xf32> to vector<64x128xf32>
    %eq3A_374 = arith.constant 4 : i32
    %eq3A_375 = vector.broadcast %eq3A_374 : i32 to vector<64x128xi32>
    %eq3A_376 = arith.cmpi eq, %and3A_298, %eq3A_375 : vector<64x128xi32>
    %sub3A_377 = arith.constant 2.400000e+00 : f32
    %sub3A_378 = vector.broadcast %sub3A_377 : f32 to vector<64x128xf32>
    %sub3A_379 = arith.subf %squeeze3A_373, %sub3A_378 : vector<64x128xf32>
    %select_n3A_380 = arith.select %eq3A_376, %sub3A_379, %squeeze3A_373 : vector<64x128xi1>, vector<64x128xf32>
    %exp3A_381 = math.exp %select_n3A_380 : vector<64x128xf32>
    %add3A_382 = arith.addf %add3A_367, %exp3A_381 : vector<64x128xf32>
    %jit3A_383 = arith.constant 0.000000e+00 : f32
    %broadcast_in_dim3A_384 = vector.broadcast %jit3A_383 : f32 to vector<64x128xf32>
    %select_n3A_385 = arith.select %eq3A_376, %sub3A_379, %broadcast_in_dim3A_384 : vector<64x128xi1>, vector<64x128xf32>
    %add3A_386 = arith.addf %add3A_371, %select_n3A_385 : vector<64x128xf32>
    %slice3A_387 = vector.extract_strided_slice %transpose3A_307 {offsets = [5, 0, 0], sizes = [1, 64, 128], strides = [1, 1, 1]} : vector<8x64x128xf32> to vector<1x64x128xf32>
    %squeeze3A_388 = vector.shape_cast %slice3A_387 : vector<1x64x128xf32> to vector<64x128xf32>
    %eq3A_389 = arith.constant 5 : i32
    %eq3A_390 = vector.broadcast %eq3A_389 : i32 to vector<64x128xi32>
    %eq3A_391 = arith.cmpi eq, %and3A_298, %eq3A_390 : vector<64x128xi32>
    %sub3A_392 = arith.constant 1.05176699 : f32
    %sub3A_393 = vector.broadcast %sub3A_392 : f32 to vector<64x128xf32>
    %sub3A_394 = arith.subf %squeeze3A_388, %sub3A_393 : vector<64x128xf32>
    %select_n3A_395 = arith.select %eq3A_391, %sub3A_394, %squeeze3A_388 : vector<64x128xi1>, vector<64x128xf32>
    %exp3A_396 = math.exp %select_n3A_395 : vector<64x128xf32>
    %add3A_397 = arith.addf %add3A_382, %exp3A_396 : vector<64x128xf32>
    %jit3A_398 = arith.constant 0.000000e+00 : f32
    %broadcast_in_dim3A_399 = vector.broadcast %jit3A_398 : f32 to vector<64x128xf32>
    %select_n3A_400 = arith.select %eq3A_391, %sub3A_394, %broadcast_in_dim3A_399 : vector<64x128xi1>, vector<64x128xf32>
    %add3A_401 = arith.addf %add3A_386, %select_n3A_400 : vector<64x128xf32>
    %slice3A_402 = vector.extract_strided_slice %transpose3A_307 {offsets = [6, 0, 0], sizes = [1, 64, 128], strides = [1, 1, 1]} : vector<8x64x128xf32> to vector<1x64x128xf32>
    %squeeze3A_403 = vector.shape_cast %slice3A_402 : vector<1x64x128xf32> to vector<64x128xf32>
    %eq3A_404 = arith.constant 6 : i32
    %eq3A_405 = vector.broadcast %eq3A_404 : i32 to vector<64x128xi32>
    %eq3A_406 = arith.cmpi eq, %and3A_298, %eq3A_405 : vector<64x128xi32>
    %sub3A_407 = arith.constant 1.44782162 : f32
    %sub3A_408 = vector.broadcast %sub3A_407 : f32 to vector<64x128xf32>
    %sub3A_409 = arith.subf %squeeze3A_403, %sub3A_408 : vector<64x128xf32>
    %select_n3A_410 = arith.select %eq3A_406, %sub3A_409, %squeeze3A_403 : vector<64x128xi1>, vector<64x128xf32>
    %exp3A_411 = math.exp %select_n3A_410 : vector<64x128xf32>
    %add3A_412 = arith.addf %add3A_397, %exp3A_411 : vector<64x128xf32>
    %jit3A_413 = arith.constant 0.000000e+00 : f32
    %broadcast_in_dim3A_414 = vector.broadcast %jit3A_413 : f32 to vector<64x128xf32>
    %select_n3A_415 = arith.select %eq3A_406, %sub3A_409, %broadcast_in_dim3A_414 : vector<64x128xi1>, vector<64x128xf32>
    %add3A_416 = arith.addf %add3A_401, %select_n3A_415 : vector<64x128xf32>
    %slice3A_417 = vector.extract_strided_slice %transpose3A_307 {offsets = [7, 0, 0], sizes = [1, 64, 128], strides = [1, 1, 1]} : vector<8x64x128xf32> to vector<1x64x128xf32>
    %squeeze3A_418 = vector.shape_cast %slice3A_417 : vector<1x64x128xf32> to vector<64x128xf32>
    %eq3A_419 = arith.constant 7 : i32
    %eq3A_420 = vector.broadcast %eq3A_419 : i32 to vector<64x128xi32>
    %eq3A_421 = arith.cmpi eq, %and3A_298, %eq3A_420 : vector<64x128xi32>
    %sub3A_422 = arith.constant 1.3795656 : f32
    %sub3A_423 = vector.broadcast %sub3A_422 : f32 to vector<64x128xf32>
    %sub3A_424 = arith.subf %squeeze3A_418, %sub3A_423 : vector<64x128xf32>
    %select_n3A_425 = arith.select %eq3A_421, %sub3A_424, %squeeze3A_418 : vector<64x128xi1>, vector<64x128xf32>
    %exp3A_426 = math.exp %select_n3A_425 : vector<64x128xf32>
    %add3A_427 = arith.addf %add3A_412, %exp3A_426 : vector<64x128xf32>
    %jit3A_428 = arith.constant 0.000000e+00 : f32
    %broadcast_in_dim3A_429 = vector.broadcast %jit3A_428 : f32 to vector<64x128xf32>
    %select_n3A_430 = arith.select %eq3A_421, %sub3A_424, %broadcast_in_dim3A_429 : vector<64x128xi1>, vector<64x128xf32>
    %add3A_431 = arith.addf %add3A_416, %select_n3A_430 : vector<64x128xf32>
    %log3A_432 = math.log %add3A_427 : vector<64x128xf32>
    %sub3A_433 = arith.subf %log3A_432, %add3A_431 : vector<64x128xf32>
    %mul3A_434 = arith.mulf %convert_element_type3A_302, %sub3A_433 : vector<64x128xf32>
    %reshape3A_435 = vector.shape_cast %mul3A_434 : vector<64x128xf32> to vector<8x8x128xf32>
    %reduce_sum3A_436 = arith.constant dense<0.000000e+00> : vector<8x128xf32>
    %reduce_sum3A_437 = vector.multi_reduction <add>, %reshape3A_435, %reduce_sum3A_436 [0] : vector<8x8x128xf32> to vector<8x128xf32>
    %add3A_438 = arith.addf %add3A_287, %reduce_sum3A_437 : vector<8x128xf32>
    %reshape3A_439 = vector.shape_cast %convert_element_type3A_302 : vector<64x128xf32> to vector<8x8x128xf32>
    %reduce_sum3A_440 = arith.constant dense<0.000000e+00> : vector<8x128xf32>
    %reduce_sum3A_441 = vector.multi_reduction <add>, %reshape3A_439, %reduce_sum3A_440 [0] : vector<8x8x128xf32> to vector<8x128xf32>
    %add3A_442 = arith.addf %add3A_291, %reduce_sum3A_441 : vector<8x128xf32>
    %get3A_443 = arith.constant 192 : index
    %get3A_444 = arith.constant 0 : index
    %get3A_445 = vector.load %arg2[%get3A_443, %get3A_444] : memref<1920x128xi8, #tpu.memory_space<vmem>>, vector<64x128xi8>
    %convert_element_type3A_446 = arith.extsi %get3A_445 : vector<64x128xi8> to vector<64x128xi32>
    %and3A_447 = arith.constant 7 : i32
    %and3A_448 = vector.broadcast %and3A_447 : i32 to vector<64x128xi32>
    %and3A_449 = arith.andi %convert_element_type3A_446, %and3A_448 : vector<64x128xi32>
    %shift_right_arithmetic3A_450 = arith.constant 3 : i32
    %shift_right_arithmetic3A_451 = vector.broadcast %shift_right_arithmetic3A_450 : i32 to vector<64x128xi32>
    %shift_right_arithmetic3A_452 = arith.shrsi %convert_element_type3A_446, %shift_right_arithmetic3A_451 : vector<64x128xi32>
    %convert_element_type3A_453 = arith.sitofp %shift_right_arithmetic3A_452 : vector<64x128xi32> to vector<64x128xf32>
    %get3A_454 = arith.constant 192 : index
    %get3A_455 = arith.constant 0 : index
    %get3A_456 = arith.constant 0 : index
    %get3A_457 = vector.load %arg1[%get3A_454, %get3A_455, %get3A_456] : memref<1920x8x128xf32, #tpu.memory_space<vmem>>, vector<64x8x128xf32>
    %transpose3A_458 = tpu.transpose %get3A_457, [1, 0, 2] : vector<64x8x128xf32> -> vector<8x64x128xf32>
    %broadcast_in_dim3A_459 = arith.constant 0.000000e+00 : f32
    %broadcast_in_dim3A_460 = vector.broadcast %broadcast_in_dim3A_459 : f32 to vector<64x128xf32>
    %broadcast_in_dim3A_461 = arith.constant 0.000000e+00 : f32
    %broadcast_in_dim3A_462 = vector.broadcast %broadcast_in_dim3A_461 : f32 to vector<64x128xf32>
    %slice3A_463 = vector.extract_strided_slice %transpose3A_458 {offsets = [0, 0, 0], sizes = [1, 64, 128], strides = [1, 1, 1]} : vector<8x64x128xf32> to vector<1x64x128xf32>
    %squeeze3A_464 = vector.shape_cast %slice3A_463 : vector<1x64x128xf32> to vector<64x128xf32>
    %eq3A_465 = arith.constant 0 : i32
    %eq3A_466 = vector.broadcast %eq3A_465 : i32 to vector<64x128xi32>
    %eq3A_467 = arith.cmpi eq, %and3A_449, %eq3A_466 : vector<64x128xi32>
    %sub3A_468 = arith.constant 1.08857441 : f32
    %sub3A_469 = vector.broadcast %sub3A_468 : f32 to vector<64x128xf32>
    %sub3A_470 = arith.subf %squeeze3A_464, %sub3A_469 : vector<64x128xf32>
    %select_n3A_471 = arith.select %eq3A_467, %sub3A_470, %squeeze3A_464 : vector<64x128xi1>, vector<64x128xf32>
    %exp3A_472 = math.exp %select_n3A_471 : vector<64x128xf32>
    %add3A_473 = arith.addf %broadcast_in_dim3A_460, %exp3A_472 : vector<64x128xf32>
    %jit3A_474 = arith.constant 0.000000e+00 : f32
    %broadcast_in_dim3A_475 = vector.broadcast %jit3A_474 : f32 to vector<64x128xf32>
    %select_n3A_476 = arith.select %eq3A_467, %sub3A_470, %broadcast_in_dim3A_475 : vector<64x128xi1>, vector<64x128xf32>
    %add3A_477 = arith.addf %broadcast_in_dim3A_462, %select_n3A_476 : vector<64x128xf32>
    %slice3A_478 = vector.extract_strided_slice %transpose3A_458 {offsets = [1, 0, 0], sizes = [1, 64, 128], strides = [1, 1, 1]} : vector<8x64x128xf32> to vector<1x64x128xf32>
    %squeeze3A_479 = vector.shape_cast %slice3A_478 : vector<1x64x128xf32> to vector<64x128xf32>
    %eq3A_480 = arith.constant 1 : i32
    %eq3A_481 = vector.broadcast %eq3A_480 : i32 to vector<64x128xi32>
    %eq3A_482 = arith.cmpi eq, %and3A_449, %eq3A_481 : vector<64x128xi32>
    %sub3A_483 = arith.constant 2.400000e+00 : f32
    %sub3A_484 = vector.broadcast %sub3A_483 : f32 to vector<64x128xf32>
    %sub3A_485 = arith.subf %squeeze3A_479, %sub3A_484 : vector<64x128xf32>
    %select_n3A_486 = arith.select %eq3A_482, %sub3A_485, %squeeze3A_479 : vector<64x128xi1>, vector<64x128xf32>
    %exp3A_487 = math.exp %select_n3A_486 : vector<64x128xf32>
    %add3A_488 = arith.addf %add3A_473, %exp3A_487 : vector<64x128xf32>
    %jit3A_489 = arith.constant 0.000000e+00 : f32
    %broadcast_in_dim3A_490 = vector.broadcast %jit3A_489 : f32 to vector<64x128xf32>
    %select_n3A_491 = arith.select %eq3A_482, %sub3A_485, %broadcast_in_dim3A_490 : vector<64x128xi1>, vector<64x128xf32>
    %add3A_492 = arith.addf %add3A_477, %select_n3A_491 : vector<64x128xf32>
    %slice3A_493 = vector.extract_strided_slice %transpose3A_458 {offsets = [2, 0, 0], sizes = [1, 64, 128], strides = [1, 1, 1]} : vector<8x64x128xf32> to vector<1x64x128xf32>
    %squeeze3A_494 = vector.shape_cast %slice3A_493 : vector<1x64x128xf32> to vector<64x128xf32>
    %eq3A_495 = arith.constant 2 : i32
    %eq3A_496 = vector.broadcast %eq3A_495 : i32 to vector<64x128xi32>
    %eq3A_497 = arith.cmpi eq, %and3A_449, %eq3A_496 : vector<64x128xi32>
    %sub3A_498 = arith.constant 1.18135118 : f32
    %sub3A_499 = vector.broadcast %sub3A_498 : f32 to vector<64x128xf32>
    %sub3A_500 = arith.subf %squeeze3A_494, %sub3A_499 : vector<64x128xf32>
    %select_n3A_501 = arith.select %eq3A_497, %sub3A_500, %squeeze3A_494 : vector<64x128xi1>, vector<64x128xf32>
    %exp3A_502 = math.exp %select_n3A_501 : vector<64x128xf32>
    %add3A_503 = arith.addf %add3A_488, %exp3A_502 : vector<64x128xf32>
    %jit3A_504 = arith.constant 0.000000e+00 : f32
    %broadcast_in_dim3A_505 = vector.broadcast %jit3A_504 : f32 to vector<64x128xf32>
    %select_n3A_506 = arith.select %eq3A_497, %sub3A_500, %broadcast_in_dim3A_505 : vector<64x128xi1>, vector<64x128xf32>
    %add3A_507 = arith.addf %add3A_492, %select_n3A_506 : vector<64x128xf32>
    %slice3A_508 = vector.extract_strided_slice %transpose3A_458 {offsets = [3, 0, 0], sizes = [1, 64, 128], strides = [1, 1, 1]} : vector<8x64x128xf32> to vector<1x64x128xf32>
    %squeeze3A_509 = vector.shape_cast %slice3A_508 : vector<1x64x128xf32> to vector<64x128xf32>
    %eq3A_510 = arith.constant 3 : i32
    %eq3A_511 = vector.broadcast %eq3A_510 : i32 to vector<64x128xi32>
    %eq3A_512 = arith.cmpi eq, %and3A_449, %eq3A_511 : vector<64x128xi32>
    %sub3A_513 = arith.constant 1.84070837 : f32
    %sub3A_514 = vector.broadcast %sub3A_513 : f32 to vector<64x128xf32>
    %sub3A_515 = arith.subf %squeeze3A_509, %sub3A_514 : vector<64x128xf32>
    %select_n3A_516 = arith.select %eq3A_512, %sub3A_515, %squeeze3A_509 : vector<64x128xi1>, vector<64x128xf32>
    %exp3A_517 = math.exp %select_n3A_516 : vector<64x128xf32>
    %add3A_518 = arith.addf %add3A_503, %exp3A_517 : vector<64x128xf32>
    %jit3A_519 = arith.constant 0.000000e+00 : f32
    %broadcast_in_dim3A_520 = vector.broadcast %jit3A_519 : f32 to vector<64x128xf32>
    %select_n3A_521 = arith.select %eq3A_512, %sub3A_515, %broadcast_in_dim3A_520 : vector<64x128xi1>, vector<64x128xf32>
    %add3A_522 = arith.addf %add3A_507, %select_n3A_521 : vector<64x128xf32>
    %slice3A_523 = vector.extract_strided_slice %transpose3A_458 {offsets = [4, 0, 0], sizes = [1, 64, 128], strides = [1, 1, 1]} : vector<8x64x128xf32> to vector<1x64x128xf32>
    %squeeze3A_524 = vector.shape_cast %slice3A_523 : vector<1x64x128xf32> to vector<64x128xf32>
    %eq3A_525 = arith.constant 4 : i32
    %eq3A_526 = vector.broadcast %eq3A_525 : i32 to vector<64x128xi32>
    %eq3A_527 = arith.cmpi eq, %and3A_449, %eq3A_526 : vector<64x128xi32>
    %sub3A_528 = arith.constant 2.400000e+00 : f32
    %sub3A_529 = vector.broadcast %sub3A_528 : f32 to vector<64x128xf32>
    %sub3A_530 = arith.subf %squeeze3A_524, %sub3A_529 : vector<64x128xf32>
    %select_n3A_531 = arith.select %eq3A_527, %sub3A_530, %squeeze3A_524 : vector<64x128xi1>, vector<64x128xf32>
    %exp3A_532 = math.exp %select_n3A_531 : vector<64x128xf32>
    %add3A_533 = arith.addf %add3A_518, %exp3A_532 : vector<64x128xf32>
    %jit3A_534 = arith.constant 0.000000e+00 : f32
    %broadcast_in_dim3A_535 = vector.broadcast %jit3A_534 : f32 to vector<64x128xf32>
    %select_n3A_536 = arith.select %eq3A_527, %sub3A_530, %broadcast_in_dim3A_535 : vector<64x128xi1>, vector<64x128xf32>
    %add3A_537 = arith.addf %add3A_522, %select_n3A_536 : vector<64x128xf32>
    %slice3A_538 = vector.extract_strided_slice %transpose3A_458 {offsets = [5, 0, 0], sizes = [1, 64, 128], strides = [1, 1, 1]} : vector<8x64x128xf32> to vector<1x64x128xf32>
    %squeeze3A_539 = vector.shape_cast %slice3A_538 : vector<1x64x128xf32> to vector<64x128xf32>
    %eq3A_540 = arith.constant 5 : i32
    %eq3A_541 = vector.broadcast %eq3A_540 : i32 to vector<64x128xi32>
    %eq3A_542 = arith.cmpi eq, %and3A_449, %eq3A_541 : vector<64x128xi32>
    %sub3A_543 = arith.constant 1.05176699 : f32
    %sub3A_544 = vector.broadcast %sub3A_543 : f32 to vector<64x128xf32>
    %sub3A_545 = arith.subf %squeeze3A_539, %sub3A_544 : vector<64x128xf32>
    %select_n3A_546 = arith.select %eq3A_542, %sub3A_545, %squeeze3A_539 : vector<64x128xi1>, vector<64x128xf32>
    %exp3A_547 = math.exp %select_n3A_546 : vector<64x128xf32>
    %add3A_548 = arith.addf %add3A_533, %exp3A_547 : vector<64x128xf32>
    %jit3A_549 = arith.constant 0.000000e+00 : f32
    %broadcast_in_dim3A_550 = vector.broadcast %jit3A_549 : f32 to vector<64x128xf32>
    %select_n3A_551 = arith.select %eq3A_542, %sub3A_545, %broadcast_in_dim3A_550 : vector<64x128xi1>, vector<64x128xf32>
    %add3A_552 = arith.addf %add3A_537, %select_n3A_551 : vector<64x128xf32>
    %slice3A_553 = vector.extract_strided_slice %transpose3A_458 {offsets = [6, 0, 0], sizes = [1, 64, 128], strides = [1, 1, 1]} : vector<8x64x128xf32> to vector<1x64x128xf32>
    %squeeze3A_554 = vector.shape_cast %slice3A_553 : vector<1x64x128xf32> to vector<64x128xf32>
    %eq3A_555 = arith.constant 6 : i32
    %eq3A_556 = vector.broadcast %eq3A_555 : i32 to vector<64x128xi32>
    %eq3A_557 = arith.cmpi eq, %and3A_449, %eq3A_556 : vector<64x128xi32>
    %sub3A_558 = arith.constant 1.44782162 : f32
    %sub3A_559 = vector.broadcast %sub3A_558 : f32 to vector<64x128xf32>
    %sub3A_560 = arith.subf %squeeze3A_554, %sub3A_559 : vector<64x128xf32>
    %select_n3A_561 = arith.select %eq3A_557, %sub3A_560, %squeeze3A_554 : vector<64x128xi1>, vector<64x128xf32>
    %exp3A_562 = math.exp %select_n3A_561 : vector<64x128xf32>
    %add3A_563 = arith.addf %add3A_548, %exp3A_562 : vector<64x128xf32>
    %jit3A_564 = arith.constant 0.000000e+00 : f32
    %broadcast_in_dim3A_565 = vector.broadcast %jit3A_564 : f32 to vector<64x128xf32>
    %select_n3A_566 = arith.select %eq3A_557, %sub3A_560, %broadcast_in_dim3A_565 : vector<64x128xi1>, vector<64x128xf32>
    %add3A_567 = arith.addf %add3A_552, %select_n3A_566 : vector<64x128xf32>
    %slice3A_568 = vector.extract_strided_slice %transpose3A_458 {offsets = [7, 0, 0], sizes = [1, 64, 128], strides = [1, 1, 1]} : vector<8x64x128xf32> to vector<1x64x128xf32>
    %squeeze3A_569 = vector.shape_cast %slice3A_568 : vector<1x64x128xf32> to vector<64x128xf32>
    %eq3A_570 = arith.constant 7 : i32
    %eq3A_571 = vector.broadcast %eq3A_570 : i32 to vector<64x128xi32>
    %eq3A_572 = arith.cmpi eq, %and3A_449, %eq3A_571 : vector<64x128xi32>
    %sub3A_573 = arith.constant 1.3795656 : f32
    %sub3A_574 = vector.broadcast %sub3A_573 : f32 to vector<64x128xf32>
    %sub3A_575 = arith.subf %squeeze3A_569, %sub3A_574 : vector<64x128xf32>
    %select_n3A_576 = arith.select %eq3A_572, %sub3A_575, %squeeze3A_569 : vector<64x128xi1>, vector<64x128xf32>
    %exp3A_577 = math.exp %select_n3A_576 : vector<64x128xf32>
    %add3A_578 = arith.addf %add3A_563, %exp3A_577 : vector<64x128xf32>
    %jit3A_579 = arith.constant 0.000000e+00 : f32
    %broadcast_in_dim3A_580 = vector.broadcast %jit3A_579 : f32 to vector<64x128xf32>
    %select_n3A_581 = arith.select %eq3A_572, %sub3A_575, %broadcast_in_dim3A_580 : vector<64x128xi1>, vector<64x128xf32>
    %add3A_582 = arith.addf %add3A_567, %select_n3A_581 : vector<64x128xf32>
    %log3A_583 = math.log %add3A_578 : vector<64x128xf32>
    %sub3A_584 = arith.subf %log3A_583, %add3A_582 : vector<64x128xf32>
    %mul3A_585 = arith.mulf %convert_element_type3A_453, %sub3A_584 : vector<64x128xf32>
    %reshape3A_586 = vector.shape_cast %mul3A_585 : vector<64x128xf32> to vector<8x8x128xf32>
    %reduce_sum3A_587 = arith.constant dense<0.000000e+00> : vector<8x128xf32>
    %reduce_sum3A_588 = vector.multi_reduction <add>, %reshape3A_586, %reduce_sum3A_587 [0] : vector<8x8x128xf32> to vector<8x128xf32>
    %add3A_589 = arith.addf %add3A_438, %reduce_sum3A_588 : vector<8x128xf32>
    %reshape3A_590 = vector.shape_cast %convert_element_type3A_453 : vector<64x128xf32> to vector<8x8x128xf32>
    %reduce_sum3A_591 = arith.constant dense<0.000000e+00> : vector<8x128xf32>
    %reduce_sum3A_592 = vector.multi_reduction <add>, %reshape3A_590, %reduce_sum3A_591 [0] : vector<8x8x128xf32> to vector<8x128xf32>
    %add3A_593 = arith.addf %add3A_442, %reduce_sum3A_592 : vector<8x128xf32>
    %get3A_594 = arith.constant 256 : index
    %get3A_595 = arith.constant 0 : index
    %get3A_596 = vector.load %arg2[%get3A_594, %get3A_595] : memref<1920x128xi8, #tpu.memory_space<vmem>>, vector<64x128xi8>
    %convert_element_type3A_597 = arith.extsi %get3A_596 : vector<64x128xi8> to vector<64x128xi32>
    %and3A_598 = arith.constant 7 : i32
    %and3A_599 = vector.broadcast %and3A_598 : i32 to vector<64x128xi32>
    %and3A_600 = arith.andi %convert_element_type3A_597, %and3A_599 : vector<64x128xi32>
    %shift_right_arithmetic3A_601 = arith.constant 3 : i32
    %shift_right_arithmetic3A_602 = vector.broadcast %shift_right_arithmetic3A_601 : i32 to vector<64x128xi32>
    %shift_right_arithmetic3A_603 = arith.shrsi %convert_element_type3A_597, %shift_right_arithmetic3A_602 : vector<64x128xi32>
    %convert_element_type3A_604 = arith.sitofp %shift_right_arithmetic3A_603 : vector<64x128xi32> to vector<64x128xf32>
    %get3A_605 = arith.constant 256 : index
    %get3A_606 = arith.constant 0 : index
    %get3A_607 = arith.constant 0 : index
    %get3A_608 = vector.load %arg1[%get3A_605, %get3A_606, %get3A_607] : memref<1920x8x128xf32, #tpu.memory_space<vmem>>, vector<64x8x128xf32>
    %transpose3A_609 = tpu.transpose %get3A_608, [1, 0, 2] : vector<64x8x128xf32> -> vector<8x64x128xf32>
    %broadcast_in_dim3A_610 = arith.constant 0.000000e+00 : f32
    %broadcast_in_dim3A_611 = vector.broadcast %broadcast_in_dim3A_610 : f32 to vector<64x128xf32>
    %broadcast_in_dim3A_612 = arith.constant 0.000000e+00 : f32
    %broadcast_in_dim3A_613 = vector.broadcast %broadcast_in_dim3A_612 : f32 to vector<64x128xf32>
    %slice3A_614 = vector.extract_strided_slice %transpose3A_609 {offsets = [0, 0, 0], sizes = [1, 64, 128], strides = [1, 1, 1]} : vector<8x64x128xf32> to vector<1x64x128xf32>
    %squeeze3A_615 = vector.shape_cast %slice3A_614 : vector<1x64x128xf32> to vector<64x128xf32>
    %eq3A_616 = arith.constant 0 : i32
    %eq3A_617 = vector.broadcast %eq3A_616 : i32 to vector<64x128xi32>
    %eq3A_618 = arith.cmpi eq, %and3A_600, %eq3A_617 : vector<64x128xi32>
    %sub3A_619 = arith.constant 1.08857441 : f32
    %sub3A_620 = vector.broadcast %sub3A_619 : f32 to vector<64x128xf32>
    %sub3A_621 = arith.subf %squeeze3A_615, %sub3A_620 : vector<64x128xf32>
    %select_n3A_622 = arith.select %eq3A_618, %sub3A_621, %squeeze3A_615 : vector<64x128xi1>, vector<64x128xf32>
    %exp3A_623 = math.exp %select_n3A_622 : vector<64x128xf32>
    %add3A_624 = arith.addf %broadcast_in_dim3A_611, %exp3A_623 : vector<64x128xf32>
    %jit3A_625 = arith.constant 0.000000e+00 : f32
    %broadcast_in_dim3A_626 = vector.broadcast %jit3A_625 : f32 to vector<64x128xf32>
    %select_n3A_627 = arith.select %eq3A_618, %sub3A_621, %broadcast_in_dim3A_626 : vector<64x128xi1>, vector<64x128xf32>
    %add3A_628 = arith.addf %broadcast_in_dim3A_613, %select_n3A_627 : vector<64x128xf32>
    %slice3A_629 = vector.extract_strided_slice %transpose3A_609 {offsets = [1, 0, 0], sizes = [1, 64, 128], strides = [1, 1, 1]} : vector<8x64x128xf32> to vector<1x64x128xf32>
    %squeeze3A_630 = vector.shape_cast %slice3A_629 : vector<1x64x128xf32> to vector<64x128xf32>
    %eq3A_631 = arith.constant 1 : i32
    %eq3A_632 = vector.broadcast %eq3A_631 : i32 to vector<64x128xi32>
    %eq3A_633 = arith.cmpi eq, %and3A_600, %eq3A_632 : vector<64x128xi32>
    %sub3A_634 = arith.constant 2.400000e+00 : f32
    %sub3A_635 = vector.broadcast %sub3A_634 : f32 to vector<64x128xf32>
    %sub3A_636 = arith.subf %squeeze3A_630, %sub3A_635 : vector<64x128xf32>
    %select_n3A_637 = arith.select %eq3A_633, %sub3A_636, %squeeze3A_630 : vector<64x128xi1>, vector<64x128xf32>
    %exp3A_638 = math.exp %select_n3A_637 : vector<64x128xf32>
    %add3A_639 = arith.addf %add3A_624, %exp3A_638 : vector<64x128xf32>
    %jit3A_640 = arith.constant 0.000000e+00 : f32
    %broadcast_in_dim3A_641 = vector.broadcast %jit3A_640 : f32 to vector<64x128xf32>
    %select_n3A_642 = arith.select %eq3A_633, %sub3A_636, %broadcast_in_dim3A_641 : vector<64x128xi1>, vector<64x128xf32>
    %add3A_643 = arith.addf %add3A_628, %select_n3A_642 : vector<64x128xf32>
    %slice3A_644 = vector.extract_strided_slice %transpose3A_609 {offsets = [2, 0, 0], sizes = [1, 64, 128], strides = [1, 1, 1]} : vector<8x64x128xf32> to vector<1x64x128xf32>
    %squeeze3A_645 = vector.shape_cast %slice3A_644 : vector<1x64x128xf32> to vector<64x128xf32>
    %eq3A_646 = arith.constant 2 : i32
    %eq3A_647 = vector.broadcast %eq3A_646 : i32 to vector<64x128xi32>
    %eq3A_648 = arith.cmpi eq, %and3A_600, %eq3A_647 : vector<64x128xi32>
    %sub3A_649 = arith.constant 1.18135118 : f32
    %sub3A_650 = vector.broadcast %sub3A_649 : f32 to vector<64x128xf32>
    %sub3A_651 = arith.subf %squeeze3A_645, %sub3A_650 : vector<64x128xf32>
    %select_n3A_652 = arith.select %eq3A_648, %sub3A_651, %squeeze3A_645 : vector<64x128xi1>, vector<64x128xf32>
    %exp3A_653 = math.exp %select_n3A_652 : vector<64x128xf32>
    %add3A_654 = arith.addf %add3A_639, %exp3A_653 : vector<64x128xf32>
    %jit3A_655 = arith.constant 0.000000e+00 : f32
    %broadcast_in_dim3A_656 = vector.broadcast %jit3A_655 : f32 to vector<64x128xf32>
    %select_n3A_657 = arith.select %eq3A_648, %sub3A_651, %broadcast_in_dim3A_656 : vector<64x128xi1>, vector<64x128xf32>
    %add3A_658 = arith.addf %add3A_643, %select_n3A_657 : vector<64x128xf32>
    %slice3A_659 = vector.extract_strided_slice %transpose3A_609 {offsets = [3, 0, 0], sizes = [1, 64, 128], strides = [1, 1, 1]} : vector<8x64x128xf32> to vector<1x64x128xf32>
    %squeeze3A_660 = vector.shape_cast %slice3A_659 : vector<1x64x128xf32> to vector<64x128xf32>
    %eq3A_661 = arith.constant 3 : i32
    %eq3A_662 = vector.broadcast %eq3A_661 : i32 to vector<64x128xi32>
    %eq3A_663 = arith.cmpi eq, %and3A_600, %eq3A_662 : vector<64x128xi32>
    %sub3A_664 = arith.constant 1.84070837 : f32
    %sub3A_665 = vector.broadcast %sub3A_664 : f32 to vector<64x128xf32>
    %sub3A_666 = arith.subf %squeeze3A_660, %sub3A_665 : vector<64x128xf32>
    %select_n3A_667 = arith.select %eq3A_663, %sub3A_666, %squeeze3A_660 : vector<64x128xi1>, vector<64x128xf32>
    %exp3A_668 = math.exp %select_n3A_667 : vector<64x128xf32>
    %add3A_669 = arith.addf %add3A_654, %exp3A_668 : vector<64x128xf32>
    %jit3A_670 = arith.constant 0.000000e+00 : f32
    %broadcast_in_dim3A_671 = vector.broadcast %jit3A_670 : f32 to vector<64x128xf32>
    %select_n3A_672 = arith.select %eq3A_663, %sub3A_666, %broadcast_in_dim3A_671 : vector<64x128xi1>, vector<64x128xf32>
    %add3A_673 = arith.addf %add3A_658, %select_n3A_672 : vector<64x128xf32>
    %slice3A_674 = vector.extract_strided_slice %transpose3A_609 {offsets = [4, 0, 0], sizes = [1, 64, 128], strides = [1, 1, 1]} : vector<8x64x128xf32> to vector<1x64x128xf32>
    %squeeze3A_675 = vector.shape_cast %slice3A_674 : vector<1x64x128xf32> to vector<64x128xf32>
    %eq3A_676 = arith.constant 4 : i32
    %eq3A_677 = vector.broadcast %eq3A_676 : i32 to vector<64x128xi32>
    %eq3A_678 = arith.cmpi eq, %and3A_600, %eq3A_677 : vector<64x128xi32>
    %sub3A_679 = arith.constant 2.400000e+00 : f32
    %sub3A_680 = vector.broadcast %sub3A_679 : f32 to vector<64x128xf32>
    %sub3A_681 = arith.subf %squeeze3A_675, %sub3A_680 : vector<64x128xf32>
    %select_n3A_682 = arith.select %eq3A_678, %sub3A_681, %squeeze3A_675 : vector<64x128xi1>, vector<64x128xf32>
    %exp3A_683 = math.exp %select_n3A_682 : vector<64x128xf32>
    %add3A_684 = arith.addf %add3A_669, %exp3A_683 : vector<64x128xf32>
    %jit3A_685 = arith.constant 0.000000e+00 : f32
    %broadcast_in_dim3A_686 = vector.broadcast %jit3A_685 : f32 to vector<64x128xf32>
    %select_n3A_687 = arith.select %eq3A_678, %sub3A_681, %broadcast_in_dim3A_686 : vector<64x128xi1>, vector<64x128xf32>
    %add3A_688 = arith.addf %add3A_673, %select_n3A_687 : vector<64x128xf32>
    %slice3A_689 = vector.extract_strided_slice %transpose3A_609 {offsets = [5, 0, 0], sizes = [1, 64, 128], strides = [1, 1, 1]} : vector<8x64x128xf32> to vector<1x64x128xf32>
    %squeeze3A_690 = vector.shape_cast %slice3A_689 : vector<1x64x128xf32> to vector<64x128xf32>
    %eq3A_691 = arith.constant 5 : i32
    %eq3A_692 = vector.broadcast %eq3A_691 : i32 to vector<64x128xi32>
    %eq3A_693 = arith.cmpi eq, %and3A_600, %eq3A_692 : vector<64x128xi32>
    %sub3A_694 = arith.constant 1.05176699 : f32
    %sub3A_695 = vector.broadcast %sub3A_694 : f32 to vector<64x128xf32>
    %sub3A_696 = arith.subf %squeeze3A_690, %sub3A_695 : vector<64x128xf32>
    %select_n3A_697 = arith.select %eq3A_693, %sub3A_696, %squeeze3A_690 : vector<64x128xi1>, vector<64x128xf32>
    %exp3A_698 = math.exp %select_n3A_697 : vector<64x128xf32>
    %add3A_699 = arith.addf %add3A_684, %exp3A_698 : vector<64x128xf32>
    %jit3A_700 = arith.constant 0.000000e+00 : f32
    %broadcast_in_dim3A_701 = vector.broadcast %jit3A_700 : f32 to vector<64x128xf32>
    %select_n3A_702 = arith.select %eq3A_693, %sub3A_696, %broadcast_in_dim3A_701 : vector<64x128xi1>, vector<64x128xf32>
    %add3A_703 = arith.addf %add3A_688, %select_n3A_702 : vector<64x128xf32>
    %slice3A_704 = vector.extract_strided_slice %transpose3A_609 {offsets = [6, 0, 0], sizes = [1, 64, 128], strides = [1, 1, 1]} : vector<8x64x128xf32> to vector<1x64x128xf32>
    %squeeze3A_705 = vector.shape_cast %slice3A_704 : vector<1x64x128xf32> to vector<64x128xf32>
    %eq3A_706 = arith.constant 6 : i32
    %eq3A_707 = vector.broadcast %eq3A_706 : i32 to vector<64x128xi32>
    %eq3A_708 = arith.cmpi eq, %and3A_600, %eq3A_707 : vector<64x128xi32>
    %sub3A_709 = arith.constant 1.44782162 : f32
    %sub3A_710 = vector.broadcast %sub3A_709 : f32 to vector<64x128xf32>
    %sub3A_711 = arith.subf %squeeze3A_705, %sub3A_710 : vector<64x128xf32>
    %select_n3A_712 = arith.select %eq3A_708, %sub3A_711, %squeeze3A_705 : vector<64x128xi1>, vector<64x128xf32>
    %exp3A_713 = math.exp %select_n3A_712 : vector<64x128xf32>
    %add3A_714 = arith.addf %add3A_699, %exp3A_713 : vector<64x128xf32>
    %jit3A_715 = arith.constant 0.000000e+00 : f32
    %broadcast_in_dim3A_716 = vector.broadcast %jit3A_715 : f32 to vector<64x128xf32>
    %select_n3A_717 = arith.select %eq3A_708, %sub3A_711, %broadcast_in_dim3A_716 : vector<64x128xi1>, vector<64x128xf32>
    %add3A_718 = arith.addf %add3A_703, %select_n3A_717 : vector<64x128xf32>
    %slice3A_719 = vector.extract_strided_slice %transpose3A_609 {offsets = [7, 0, 0], sizes = [1, 64, 128], strides = [1, 1, 1]} : vector<8x64x128xf32> to vector<1x64x128xf32>
    %squeeze3A_720 = vector.shape_cast %slice3A_719 : vector<1x64x128xf32> to vector<64x128xf32>
    %eq3A_721 = arith.constant 7 : i32
    %eq3A_722 = vector.broadcast %eq3A_721 : i32 to vector<64x128xi32>
    %eq3A_723 = arith.cmpi eq, %and3A_600, %eq3A_722 : vector<64x128xi32>
    %sub3A_724 = arith.constant 1.3795656 : f32
    %sub3A_725 = vector.broadcast %sub3A_724 : f32 to vector<64x128xf32>
    %sub3A_726 = arith.subf %squeeze3A_720, %sub3A_725 : vector<64x128xf32>
    %select_n3A_727 = arith.select %eq3A_723, %sub3A_726, %squeeze3A_720 : vector<64x128xi1>, vector<64x128xf32>
    %exp3A_728 = math.exp %select_n3A_727 : vector<64x128xf32>
    %add3A_729 = arith.addf %add3A_714, %exp3A_728 : vector<64x128xf32>
    %jit3A_730 = arith.constant 0.000000e+00 : f32
    %broadcast_in_dim3A_731 = vector.broadcast %jit3A_730 : f32 to vector<64x128xf32>
    %select_n3A_732 = arith.select %eq3A_723, %sub3A_726, %broadcast_in_dim3A_731 : vector<64x128xi1>, vector<64x128xf32>
    %add3A_733 = arith.addf %add3A_718, %select_n3A_732 : vector<64x128xf32>
    %log3A_734 = math.log %add3A_729 : vector<64x128xf32>
    %sub3A_735 = arith.subf %log3A_734, %add3A_733 : vector<64x128xf32>
    %mul3A_736 = arith.mulf %convert_element_type3A_604, %sub3A_735 : vector<64x128xf32>
    %reshape3A_737 = vector.shape_cast %mul3A_736 : vector<64x128xf32> to vector<8x8x128xf32>
    %reduce_sum3A_738 = arith.constant dense<0.000000e+00> : vector<8x128xf32>
    %reduce_sum3A_739 = vector.multi_reduction <add>, %reshape3A_737, %reduce_sum3A_738 [0] : vector<8x8x128xf32> to vector<8x128xf32>
    %add3A_740 = arith.addf %add3A_589, %reduce_sum3A_739 : vector<8x128xf32>
    %reshape3A_741 = vector.shape_cast %convert_element_type3A_604 : vector<64x128xf32> to vector<8x8x128xf32>
    %reduce_sum3A_742 = arith.constant dense<0.000000e+00> : vector<8x128xf32>
    %reduce_sum3A_743 = vector.multi_reduction <add>, %reshape3A_741, %reduce_sum3A_742 [0] : vector<8x8x128xf32> to vector<8x128xf32>
    %add3A_744 = arith.addf %add3A_593, %reduce_sum3A_743 : vector<8x128xf32>
    %get3A_745 = arith.constant 320 : index
    %get3A_746 = arith.constant 0 : index
    %get3A_747 = vector.load %arg2[%get3A_745, %get3A_746] : memref<1920x128xi8, #tpu.memory_space<vmem>>, vector<64x128xi8>
    %convert_element_type3A_748 = arith.extsi %get3A_747 : vector<64x128xi8> to vector<64x128xi32>
    %and3A_749 = arith.constant 7 : i32
    %and3A_750 = vector.broadcast %and3A_749 : i32 to vector<64x128xi32>
    %and3A_751 = arith.andi %convert_element_type3A_748, %and3A_750 : vector<64x128xi32>
    %shift_right_arithmetic3A_752 = arith.constant 3 : i32
    %shift_right_arithmetic3A_753 = vector.broadcast %shift_right_arithmetic3A_752 : i32 to vector<64x128xi32>
    %shift_right_arithmetic3A_754 = arith.shrsi %convert_element_type3A_748, %shift_right_arithmetic3A_753 : vector<64x128xi32>
    %convert_element_type3A_755 = arith.sitofp %shift_right_arithmetic3A_754 : vector<64x128xi32> to vector<64x128xf32>
    %get3A_756 = arith.constant 320 : index
    %get3A_757 = arith.constant 0 : index
    %get3A_758 = arith.constant 0 : index
    %get3A_759 = vector.load %arg1[%get3A_756, %get3A_757, %get3A_758] : memref<1920x8x128xf32, #tpu.memory_space<vmem>>, vector<64x8x128xf32>
    %transpose3A_760 = tpu.transpose %get3A_759, [1, 0, 2] : vector<64x8x128xf32> -> vector<8x64x128xf32>
    %broadcast_in_dim3A_761 = arith.constant 0.000000e+00 : f32
    %broadcast_in_dim3A_762 = vector.broadcast %broadcast_in_dim3A_761 : f32 to vector<64x128xf32>
    %broadcast_in_dim3A_763 = arith.constant 0.000000e+00 : f32
    %broadcast_in_dim3A_764 = vector.broadcast %broadcast_in_dim3A_763 : f32 to vector<64x128xf32>
    %slice3A_765 = vector.extract_strided_slice %transpose3A_760 {offsets = [0, 0, 0], sizes = [1, 64, 128], strides = [1, 1, 1]} : vector<8x64x128xf32> to vector<1x64x128xf32>
    %squeeze3A_766 = vector.shape_cast %slice3A_765 : vector<1x64x128xf32> to vector<64x128xf32>
    %eq3A_767 = arith.constant 0 : i32
    %eq3A_768 = vector.broadcast %eq3A_767 : i32 to vector<64x128xi32>
    %eq3A_769 = arith.cmpi eq, %and3A_751, %eq3A_768 : vector<64x128xi32>
    %sub3A_770 = arith.constant 1.08857441 : f32
    %sub3A_771 = vector.broadcast %sub3A_770 : f32 to vector<64x128xf32>
    %sub3A_772 = arith.subf %squeeze3A_766, %sub3A_771 : vector<64x128xf32>
    %select_n3A_773 = arith.select %eq3A_769, %sub3A_772, %squeeze3A_766 : vector<64x128xi1>, vector<64x128xf32>
    %exp3A_774 = math.exp %select_n3A_773 : vector<64x128xf32>
    %add3A_775 = arith.addf %broadcast_in_dim3A_762, %exp3A_774 : vector<64x128xf32>
    %jit3A_776 = arith.constant 0.000000e+00 : f32
    %broadcast_in_dim3A_777 = vector.broadcast %jit3A_776 : f32 to vector<64x128xf32>
    %select_n3A_778 = arith.select %eq3A_769, %sub3A_772, %broadcast_in_dim3A_777 : vector<64x128xi1>, vector<64x128xf32>
    %add3A_779 = arith.addf %broadcast_in_dim3A_764, %select_n3A_778 : vector<64x128xf32>
    %slice3A_780 = vector.extract_strided_slice %transpose3A_760 {offsets = [1, 0, 0], sizes = [1, 64, 128], strides = [1, 1, 1]} : vector<8x64x128xf32> to vector<1x64x128xf32>
    %squeeze3A_781 = vector.shape_cast %slice3A_780 : vector<1x64x128xf32> to vector<64x128xf32>
    %eq3A_782 = arith.constant 1 : i32
    %eq3A_783 = vector.broadcast %eq3A_782 : i32 to vector<64x128xi32>
    %eq3A_784 = arith.cmpi eq, %and3A_751, %eq3A_783 : vector<64x128xi32>
    %sub3A_785 = arith.constant 2.400000e+00 : f32
    %sub3A_786 = vector.broadcast %sub3A_785 : f32 to vector<64x128xf32>
    %sub3A_787 = arith.subf %squeeze3A_781, %sub3A_786 : vector<64x128xf32>
    %select_n3A_788 = arith.select %eq3A_784, %sub3A_787, %squeeze3A_781 : vector<64x128xi1>, vector<64x128xf32>
    %exp3A_789 = math.exp %select_n3A_788 : vector<64x128xf32>
    %add3A_790 = arith.addf %add3A_775, %exp3A_789 : vector<64x128xf32>
    %jit3A_791 = arith.constant 0.000000e+00 : f32
    %broadcast_in_dim3A_792 = vector.broadcast %jit3A_791 : f32 to vector<64x128xf32>
    %select_n3A_793 = arith.select %eq3A_784, %sub3A_787, %broadcast_in_dim3A_792 : vector<64x128xi1>, vector<64x128xf32>
    %add3A_794 = arith.addf %add3A_779, %select_n3A_793 : vector<64x128xf32>
    %slice3A_795 = vector.extract_strided_slice %transpose3A_760 {offsets = [2, 0, 0], sizes = [1, 64, 128], strides = [1, 1, 1]} : vector<8x64x128xf32> to vector<1x64x128xf32>
    %squeeze3A_796 = vector.shape_cast %slice3A_795 : vector<1x64x128xf32> to vector<64x128xf32>
    %eq3A_797 = arith.constant 2 : i32
    %eq3A_798 = vector.broadcast %eq3A_797 : i32 to vector<64x128xi32>
    %eq3A_799 = arith.cmpi eq, %and3A_751, %eq3A_798 : vector<64x128xi32>
    %sub3A_800 = arith.constant 1.18135118 : f32
    %sub3A_801 = vector.broadcast %sub3A_800 : f32 to vector<64x128xf32>
    %sub3A_802 = arith.subf %squeeze3A_796, %sub3A_801 : vector<64x128xf32>
    %select_n3A_803 = arith.select %eq3A_799, %sub3A_802, %squeeze3A_796 : vector<64x128xi1>, vector<64x128xf32>
    %exp3A_804 = math.exp %select_n3A_803 : vector<64x128xf32>
    %add3A_805 = arith.addf %add3A_790, %exp3A_804 : vector<64x128xf32>
    %jit3A_806 = arith.constant 0.000000e+00 : f32
    %broadcast_in_dim3A_807 = vector.broadcast %jit3A_806 : f32 to vector<64x128xf32>
    %select_n3A_808 = arith.select %eq3A_799, %sub3A_802, %broadcast_in_dim3A_807 : vector<64x128xi1>, vector<64x128xf32>
    %add3A_809 = arith.addf %add3A_794, %select_n3A_808 : vector<64x128xf32>
    %slice3A_810 = vector.extract_strided_slice %transpose3A_760 {offsets = [3, 0, 0], sizes = [1, 64, 128], strides = [1, 1, 1]} : vector<8x64x128xf32> to vector<1x64x128xf32>
    %squeeze3A_811 = vector.shape_cast %slice3A_810 : vector<1x64x128xf32> to vector<64x128xf32>
    %eq3A_812 = arith.constant 3 : i32
    %eq3A_813 = vector.broadcast %eq3A_812 : i32 to vector<64x128xi32>
    %eq3A_814 = arith.cmpi eq, %and3A_751, %eq3A_813 : vector<64x128xi32>
    %sub3A_815 = arith.constant 1.84070837 : f32
    %sub3A_816 = vector.broadcast %sub3A_815 : f32 to vector<64x128xf32>
    %sub3A_817 = arith.subf %squeeze3A_811, %sub3A_816 : vector<64x128xf32>
    %select_n3A_818 = arith.select %eq3A_814, %sub3A_817, %squeeze3A_811 : vector<64x128xi1>, vector<64x128xf32>
    %exp3A_819 = math.exp %select_n3A_818 : vector<64x128xf32>
    %add3A_820 = arith.addf %add3A_805, %exp3A_819 : vector<64x128xf32>
    %jit3A_821 = arith.constant 0.000000e+00 : f32
    %broadcast_in_dim3A_822 = vector.broadcast %jit3A_821 : f32 to vector<64x128xf32>
    %select_n3A_823 = arith.select %eq3A_814, %sub3A_817, %broadcast_in_dim3A_822 : vector<64x128xi1>, vector<64x128xf32>
    %add3A_824 = arith.addf %add3A_809, %select_n3A_823 : vector<64x128xf32>
    %slice3A_825 = vector.extract_strided_slice %transpose3A_760 {offsets = [4, 0, 0], sizes = [1, 64, 128], strides = [1, 1, 1]} : vector<8x64x128xf32> to vector<1x64x128xf32>
    %squeeze3A_826 = vector.shape_cast %slice3A_825 : vector<1x64x128xf32> to vector<64x128xf32>
    %eq3A_827 = arith.constant 4 : i32
    %eq3A_828 = vector.broadcast %eq3A_827 : i32 to vector<64x128xi32>
    %eq3A_829 = arith.cmpi eq, %and3A_751, %eq3A_828 : vector<64x128xi32>
    %sub3A_830 = arith.constant 2.400000e+00 : f32
    %sub3A_831 = vector.broadcast %sub3A_830 : f32 to vector<64x128xf32>
    %sub3A_832 = arith.subf %squeeze3A_826, %sub3A_831 : vector<64x128xf32>
    %select_n3A_833 = arith.select %eq3A_829, %sub3A_832, %squeeze3A_826 : vector<64x128xi1>, vector<64x128xf32>
    %exp3A_834 = math.exp %select_n3A_833 : vector<64x128xf32>
    %add3A_835 = arith.addf %add3A_820, %exp3A_834 : vector<64x128xf32>
    %jit3A_836 = arith.constant 0.000000e+00 : f32
    %broadcast_in_dim3A_837 = vector.broadcast %jit3A_836 : f32 to vector<64x128xf32>
    %select_n3A_838 = arith.select %eq3A_829, %sub3A_832, %broadcast_in_dim3A_837 : vector<64x128xi1>, vector<64x128xf32>
    %add3A_839 = arith.addf %add3A_824, %select_n3A_838 : vector<64x128xf32>
    %slice3A_840 = vector.extract_strided_slice %transpose3A_760 {offsets = [5, 0, 0], sizes = [1, 64, 128], strides = [1, 1, 1]} : vector<8x64x128xf32> to vector<1x64x128xf32>
    %squeeze3A_841 = vector.shape_cast %slice3A_840 : vector<1x64x128xf32> to vector<64x128xf32>
    %eq3A_842 = arith.constant 5 : i32
    %eq3A_843 = vector.broadcast %eq3A_842 : i32 to vector<64x128xi32>
    %eq3A_844 = arith.cmpi eq, %and3A_751, %eq3A_843 : vector<64x128xi32>
    %sub3A_845 = arith.constant 1.05176699 : f32
    %sub3A_846 = vector.broadcast %sub3A_845 : f32 to vector<64x128xf32>
    %sub3A_847 = arith.subf %squeeze3A_841, %sub3A_846 : vector<64x128xf32>
    %select_n3A_848 = arith.select %eq3A_844, %sub3A_847, %squeeze3A_841 : vector<64x128xi1>, vector<64x128xf32>
    %exp3A_849 = math.exp %select_n3A_848 : vector<64x128xf32>
    %add3A_850 = arith.addf %add3A_835, %exp3A_849 : vector<64x128xf32>
    %jit3A_851 = arith.constant 0.000000e+00 : f32
    %broadcast_in_dim3A_852 = vector.broadcast %jit3A_851 : f32 to vector<64x128xf32>
    %select_n3A_853 = arith.select %eq3A_844, %sub3A_847, %broadcast_in_dim3A_852 : vector<64x128xi1>, vector<64x128xf32>
    %add3A_854 = arith.addf %add3A_839, %select_n3A_853 : vector<64x128xf32>
    %slice3A_855 = vector.extract_strided_slice %transpose3A_760 {offsets = [6, 0, 0], sizes = [1, 64, 128], strides = [1, 1, 1]} : vector<8x64x128xf32> to vector<1x64x128xf32>
    %squeeze3A_856 = vector.shape_cast %slice3A_855 : vector<1x64x128xf32> to vector<64x128xf32>
    %eq3A_857 = arith.constant 6 : i32
    %eq3A_858 = vector.broadcast %eq3A_857 : i32 to vector<64x128xi32>
    %eq3A_859 = arith.cmpi eq, %and3A_751, %eq3A_858 : vector<64x128xi32>
    %sub3A_860 = arith.constant 1.44782162 : f32
    %sub3A_861 = vector.broadcast %sub3A_860 : f32 to vector<64x128xf32>
    %sub3A_862 = arith.subf %squeeze3A_856, %sub3A_861 : vector<64x128xf32>
    %select_n3A_863 = arith.select %eq3A_859, %sub3A_862, %squeeze3A_856 : vector<64x128xi1>, vector<64x128xf32>
    %exp3A_864 = math.exp %select_n3A_863 : vector<64x128xf32>
    %add3A_865 = arith.addf %add3A_850, %exp3A_864 : vector<64x128xf32>
    %jit3A_866 = arith.constant 0.000000e+00 : f32
    %broadcast_in_dim3A_867 = vector.broadcast %jit3A_866 : f32 to vector<64x128xf32>
    %select_n3A_868 = arith.select %eq3A_859, %sub3A_862, %broadcast_in_dim3A_867 : vector<64x128xi1>, vector<64x128xf32>
    %add3A_869 = arith.addf %add3A_854, %select_n3A_868 : vector<64x128xf32>
    %slice3A_870 = vector.extract_strided_slice %transpose3A_760 {offsets = [7, 0, 0], sizes = [1, 64, 128], strides = [1, 1, 1]} : vector<8x64x128xf32> to vector<1x64x128xf32>
    %squeeze3A_871 = vector.shape_cast %slice3A_870 : vector<1x64x128xf32> to vector<64x128xf32>
    %eq3A_872 = arith.constant 7 : i32
    %eq3A_873 = vector.broadcast %eq3A_872 : i32 to vector<64x128xi32>
    %eq3A_874 = arith.cmpi eq, %and3A_751, %eq3A_873 : vector<64x128xi32>
    %sub3A_875 = arith.constant 1.3795656 : f32
    %sub3A_876 = vector.broadcast %sub3A_875 : f32 to vector<64x128xf32>
    %sub3A_877 = arith.subf %squeeze3A_871, %sub3A_876 : vector<64x128xf32>
    %select_n3A_878 = arith.select %eq3A_874, %sub3A_877, %squeeze3A_871 : vector<64x128xi1>, vector<64x128xf32>
    %exp3A_879 = math.exp %select_n3A_878 : vector<64x128xf32>
    %add3A_880 = arith.addf %add3A_865, %exp3A_879 : vector<64x128xf32>
    %jit3A_881 = arith.constant 0.000000e+00 : f32
    %broadcast_in_dim3A_882 = vector.broadcast %jit3A_881 : f32 to vector<64x128xf32>
    %select_n3A_883 = arith.select %eq3A_874, %sub3A_877, %broadcast_in_dim3A_882 : vector<64x128xi1>, vector<64x128xf32>
    %add3A_884 = arith.addf %add3A_869, %select_n3A_883 : vector<64x128xf32>
    %log3A_885 = math.log %add3A_880 : vector<64x128xf32>
    %sub3A_886 = arith.subf %log3A_885, %add3A_884 : vector<64x128xf32>
    %mul3A_887 = arith.mulf %convert_element_type3A_755, %sub3A_886 : vector<64x128xf32>
    %reshape3A_888 = vector.shape_cast %mul3A_887 : vector<64x128xf32> to vector<8x8x128xf32>
    %reduce_sum3A_889 = arith.constant dense<0.000000e+00> : vector<8x128xf32>
    %reduce_sum3A_890 = vector.multi_reduction <add>, %reshape3A_888, %reduce_sum3A_889 [0] : vector<8x8x128xf32> to vector<8x128xf32>
    %add3A_891 = arith.addf %add3A_740, %reduce_sum3A_890 : vector<8x128xf32>
    %reshape3A_892 = vector.shape_cast %convert_element_type3A_755 : vector<64x128xf32> to vector<8x8x128xf32>
    %reduce_sum3A_893 = arith.constant dense<0.000000e+00> : vector<8x128xf32>
    %reduce_sum3A_894 = vector.multi_reduction <add>, %reshape3A_892, %reduce_sum3A_893 [0] : vector<8x8x128xf32> to vector<8x128xf32>
    %add3A_895 = arith.addf %add3A_744, %reduce_sum3A_894 : vector<8x128xf32>
    %get3A_896 = arith.constant 384 : index
    %get3A_897 = arith.constant 0 : index
    %get3A_898 = vector.load %arg2[%get3A_896, %get3A_897] : memref<1920x128xi8, #tpu.memory_space<vmem>>, vector<64x128xi8>
    %convert_element_type3A_899 = arith.extsi %get3A_898 : vector<64x128xi8> to vector<64x128xi32>
    %and3A_900 = arith.constant 7 : i32
    %and3A_901 = vector.broadcast %and3A_900 : i32 to vector<64x128xi32>
    %and3A_902 = arith.andi %convert_element_type3A_899, %and3A_901 : vector<64x128xi32>
    %shift_right_arithmetic3A_903 = arith.constant 3 : i32
    %shift_right_arithmetic3A_904 = vector.broadcast %shift_right_arithmetic3A_903 : i32 to vector<64x128xi32>
    %shift_right_arithmetic3A_905 = arith.shrsi %convert_element_type3A_899, %shift_right_arithmetic3A_904 : vector<64x128xi32>
    %convert_element_type3A_906 = arith.sitofp %shift_right_arithmetic3A_905 : vector<64x128xi32> to vector<64x128xf32>
    %get3A_907 = arith.constant 384 : index
    %get3A_908 = arith.constant 0 : index
    %get3A_909 = arith.constant 0 : index
    %get3A_910 = vector.load %arg1[%get3A_907, %get3A_908, %get3A_909] : memref<1920x8x128xf32, #tpu.memory_space<vmem>>, vector<64x8x128xf32>
    %transpose3A_911 = tpu.transpose %get3A_910, [1, 0, 2] : vector<64x8x128xf32> -> vector<8x64x128xf32>
    %broadcast_in_dim3A_912 = arith.constant 0.000000e+00 : f32
    %broadcast_in_dim3A_913 = vector.broadcast %broadcast_in_dim3A_912 : f32 to vector<64x128xf32>
    %broadcast_in_dim3A_914 = arith.constant 0.000000e+00 : f32
    %broadcast_in_dim3A_915 = vector.broadcast %broadcast_in_dim3A_914 : f32 to vector<64x128xf32>
    %slice3A_916 = vector.extract_strided_slice %transpose3A_911 {offsets = [0, 0, 0], sizes = [1, 64, 128], strides = [1, 1, 1]} : vector<8x64x128xf32> to vector<1x64x128xf32>
    %squeeze3A_917 = vector.shape_cast %slice3A_916 : vector<1x64x128xf32> to vector<64x128xf32>
    %eq3A_918 = arith.constant 0 : i32
    %eq3A_919 = vector.broadcast %eq3A_918 : i32 to vector<64x128xi32>
    %eq3A_920 = arith.cmpi eq, %and3A_902, %eq3A_919 : vector<64x128xi32>
    %sub3A_921 = arith.constant 1.08857441 : f32
    %sub3A_922 = vector.broadcast %sub3A_921 : f32 to vector<64x128xf32>
    %sub3A_923 = arith.subf %squeeze3A_917, %sub3A_922 : vector<64x128xf32>
    %select_n3A_924 = arith.select %eq3A_920, %sub3A_923, %squeeze3A_917 : vector<64x128xi1>, vector<64x128xf32>
    %exp3A_925 = math.exp %select_n3A_924 : vector<64x128xf32>
    %add3A_926 = arith.addf %broadcast_in_dim3A_913, %exp3A_925 : vector<64x128xf32>
    %jit3A_927 = arith.constant 0.000000e+00 : f32
    %broadcast_in_dim3A_928 = vector.broadcast %jit3A_927 : f32 to vector<64x128xf32>
    %select_n3A_929 = arith.select %eq3A_920, %sub3A_923, %broadcast_in_dim3A_928 : vector<64x128xi1>, vector<64x128xf32>
    %add3A_930 = arith.addf %broadcast_in_dim3A_915, %select_n3A_929 : vector<64x128xf32>
    %slice3A_931 = vector.extract_strided_slice %transpose3A_911 {offsets = [1, 0, 0], sizes = [1, 64, 128], strides = [1, 1, 1]} : vector<8x64x128xf32> to vector<1x64x128xf32>
    %squeeze3A_932 = vector.shape_cast %slice3A_931 : vector<1x64x128xf32> to vector<64x128xf32>
    %eq3A_933 = arith.constant 1 : i32
    %eq3A_934 = vector.broadcast %eq3A_933 : i32 to vector<64x128xi32>
    %eq3A_935 = arith.cmpi eq, %and3A_902, %eq3A_934 : vector<64x128xi32>
    %sub3A_936 = arith.constant 2.400000e+00 : f32
    %sub3A_937 = vector.broadcast %sub3A_936 : f32 to vector<64x128xf32>
    %sub3A_938 = arith.subf %squeeze3A_932, %sub3A_937 : vector<64x128xf32>
    %select_n3A_939 = arith.select %eq3A_935, %sub3A_938, %squeeze3A_932 : vector<64x128xi1>, vector<64x128xf32>
    %exp3A_940 = math.exp %select_n3A_939 : vector<64x128xf32>
    %add3A_941 = arith.addf %add3A_926, %exp3A_940 : vector<64x128xf32>
    %jit3A_942 = arith.constant 0.000000e+00 : f32
    %broadcast_in_dim3A_943 = vector.broadcast %jit3A_942 : f32 to vector<64x128xf32>
    %select_n3A_944 = arith.select %eq3A_935, %sub3A_938, %broadcast_in_dim3A_943 : vector<64x128xi1>, vector<64x128xf32>
    %add3A_945 = arith.addf %add3A_930, %select_n3A_944 : vector<64x128xf32>
    %slice3A_946 = vector.extract_strided_slice %transpose3A_911 {offsets = [2, 0, 0], sizes = [1, 64, 128], strides = [1, 1, 1]} : vector<8x64x128xf32> to vector<1x64x128xf32>
    %squeeze3A_947 = vector.shape_cast %slice3A_946 : vector<1x64x128xf32> to vector<64x128xf32>
    %eq3A_948 = arith.constant 2 : i32
    %eq3A_949 = vector.broadcast %eq3A_948 : i32 to vector<64x128xi32>
    %eq3A_950 = arith.cmpi eq, %and3A_902, %eq3A_949 : vector<64x128xi32>
    %sub3A_951 = arith.constant 1.18135118 : f32
    %sub3A_952 = vector.broadcast %sub3A_951 : f32 to vector<64x128xf32>
    %sub3A_953 = arith.subf %squeeze3A_947, %sub3A_952 : vector<64x128xf32>
    %select_n3A_954 = arith.select %eq3A_950, %sub3A_953, %squeeze3A_947 : vector<64x128xi1>, vector<64x128xf32>
    %exp3A_955 = math.exp %select_n3A_954 : vector<64x128xf32>
    %add3A_956 = arith.addf %add3A_941, %exp3A_955 : vector<64x128xf32>
    %jit3A_957 = arith.constant 0.000000e+00 : f32
    %broadcast_in_dim3A_958 = vector.broadcast %jit3A_957 : f32 to vector<64x128xf32>
    %select_n3A_959 = arith.select %eq3A_950, %sub3A_953, %broadcast_in_dim3A_958 : vector<64x128xi1>, vector<64x128xf32>
    %add3A_960 = arith.addf %add3A_945, %select_n3A_959 : vector<64x128xf32>
    %slice3A_961 = vector.extract_strided_slice %transpose3A_911 {offsets = [3, 0, 0], sizes = [1, 64, 128], strides = [1, 1, 1]} : vector<8x64x128xf32> to vector<1x64x128xf32>
    %squeeze3A_962 = vector.shape_cast %slice3A_961 : vector<1x64x128xf32> to vector<64x128xf32>
    %eq3A_963 = arith.constant 3 : i32
    %eq3A_964 = vector.broadcast %eq3A_963 : i32 to vector<64x128xi32>
    %eq3A_965 = arith.cmpi eq, %and3A_902, %eq3A_964 : vector<64x128xi32>
    %sub3A_966 = arith.constant 1.84070837 : f32
    %sub3A_967 = vector.broadcast %sub3A_966 : f32 to vector<64x128xf32>
    %sub3A_968 = arith.subf %squeeze3A_962, %sub3A_967 : vector<64x128xf32>
    %select_n3A_969 = arith.select %eq3A_965, %sub3A_968, %squeeze3A_962 : vector<64x128xi1>, vector<64x128xf32>
    %exp3A_970 = math.exp %select_n3A_969 : vector<64x128xf32>
    %add3A_971 = arith.addf %add3A_956, %exp3A_970 : vector<64x128xf32>
    %jit3A_972 = arith.constant 0.000000e+00 : f32
    %broadcast_in_dim3A_973 = vector.broadcast %jit3A_972 : f32 to vector<64x128xf32>
    %select_n3A_974 = arith.select %eq3A_965, %sub3A_968, %broadcast_in_dim3A_973 : vector<64x128xi1>, vector<64x128xf32>
    %add3A_975 = arith.addf %add3A_960, %select_n3A_974 : vector<64x128xf32>
    %slice3A_976 = vector.extract_strided_slice %transpose3A_911 {offsets = [4, 0, 0], sizes = [1, 64, 128], strides = [1, 1, 1]} : vector<8x64x128xf32> to vector<1x64x128xf32>
    %squeeze3A_977 = vector.shape_cast %slice3A_976 : vector<1x64x128xf32> to vector<64x128xf32>
    %eq3A_978 = arith.constant 4 : i32
    %eq3A_979 = vector.broadcast %eq3A_978 : i32 to vector<64x128xi32>
    %eq3A_980 = arith.cmpi eq, %and3A_902, %eq3A_979 : vector<64x128xi32>
    %sub3A_981 = arith.constant 2.400000e+00 : f32
    %sub3A_982 = vector.broadcast %sub3A_981 : f32 to vector<64x128xf32>
    %sub3A_983 = arith.subf %squeeze3A_977, %sub3A_982 : vector<64x128xf32>
    %select_n3A_984 = arith.select %eq3A_980, %sub3A_983, %squeeze3A_977 : vector<64x128xi1>, vector<64x128xf32>
    %exp3A_985 = math.exp %select_n3A_984 : vector<64x128xf32>
    %add3A_986 = arith.addf %add3A_971, %exp3A_985 : vector<64x128xf32>
    %jit3A_987 = arith.constant 0.000000e+00 : f32
    %broadcast_in_dim3A_988 = vector.broadcast %jit3A_987 : f32 to vector<64x128xf32>
    %select_n3A_989 = arith.select %eq3A_980, %sub3A_983, %broadcast_in_dim3A_988 : vector<64x128xi1>, vector<64x128xf32>
    %add3A_990 = arith.addf %add3A_975, %select_n3A_989 : vector<64x128xf32>
    %slice3A_991 = vector.extract_strided_slice %transpose3A_911 {offsets = [5, 0, 0], sizes = [1, 64, 128], strides = [1, 1, 1]} : vector<8x64x128xf32> to vector<1x64x128xf32>
    %squeeze3A_992 = vector.shape_cast %slice3A_991 : vector<1x64x128xf32> to vector<64x128xf32>
    %eq3A_993 = arith.constant 5 : i32
    %eq3A_994 = vector.broadcast %eq3A_993 : i32 to vector<64x128xi32>
    %eq3A_995 = arith.cmpi eq, %and3A_902, %eq3A_994 : vector<64x128xi32>
    %sub3A_996 = arith.constant 1.05176699 : f32
    %sub3A_997 = vector.broadcast %sub3A_996 : f32 to vector<64x128xf32>
    %sub3A_998 = arith.subf %squeeze3A_992, %sub3A_997 : vector<64x128xf32>
    %select_n3A_999 = arith.select %eq3A_995, %sub3A_998, %squeeze3A_992 : vector<64x128xi1>, vector<64x128xf32>
    %exp3A_1000 = math.exp %select_n3A_999 : vector<64x128xf32>
    %add3A_1001 = arith.addf %add3A_986, %exp3A_1000 : vector<64x128xf32>
    %jit3A_1002 = arith.constant 0.000000e+00 : f32
    %broadcast_in_dim3A_1003 = vector.broadcast %jit3A_1002 : f32 to vector<64x128xf32>
    %select_n3A_1004 = arith.select %eq3A_995, %sub3A_998, %broadcast_in_dim3A_1003 : vector<64x128xi1>, vector<64x128xf32>
    %add3A_1005 = arith.addf %add3A_990, %select_n3A_1004 : vector<64x128xf32>
    %slice3A_1006 = vector.extract_strided_slice %transpose3A_911 {offsets = [6, 0, 0], sizes = [1, 64, 128], strides = [1, 1, 1]} : vector<8x64x128xf32> to vector<1x64x128xf32>
    %squeeze3A_1007 = vector.shape_cast %slice3A_1006 : vector<1x64x128xf32> to vector<64x128xf32>
    %eq3A_1008 = arith.constant 6 : i32
    %eq3A_1009 = vector.broadcast %eq3A_1008 : i32 to vector<64x128xi32>
    %eq3A_1010 = arith.cmpi eq, %and3A_902, %eq3A_1009 : vector<64x128xi32>
    %sub3A_1011 = arith.constant 1.44782162 : f32
    %sub3A_1012 = vector.broadcast %sub3A_1011 : f32 to vector<64x128xf32>
    %sub3A_1013 = arith.subf %squeeze3A_1007, %sub3A_1012 : vector<64x128xf32>
    %select_n3A_1014 = arith.select %eq3A_1010, %sub3A_1013, %squeeze3A_1007 : vector<64x128xi1>, vector<64x128xf32>
    %exp3A_1015 = math.exp %select_n3A_1014 : vector<64x128xf32>
    %add3A_1016 = arith.addf %add3A_1001, %exp3A_1015 : vector<64x128xf32>
    %jit3A_1017 = arith.constant 0.000000e+00 : f32
    %broadcast_in_dim3A_1018 = vector.broadcast %jit3A_1017 : f32 to vector<64x128xf32>
    %select_n3A_1019 = arith.select %eq3A_1010, %sub3A_1013, %broadcast_in_dim3A_1018 : vector<64x128xi1>, vector<64x128xf32>
    %add3A_1020 = arith.addf %add3A_1005, %select_n3A_1019 : vector<64x128xf32>
    %slice3A_1021 = vector.extract_strided_slice %transpose3A_911 {offsets = [7, 0, 0], sizes = [1, 64, 128], strides = [1, 1, 1]} : vector<8x64x128xf32> to vector<1x64x128xf32>
    %squeeze3A_1022 = vector.shape_cast %slice3A_1021 : vector<1x64x128xf32> to vector<64x128xf32>
    %eq3A_1023 = arith.constant 7 : i32
    %eq3A_1024 = vector.broadcast %eq3A_1023 : i32 to vector<64x128xi32>
    %eq3A_1025 = arith.cmpi eq, %and3A_902, %eq3A_1024 : vector<64x128xi32>
    %sub3A_1026 = arith.constant 1.3795656 : f32
    %sub3A_1027 = vector.broadcast %sub3A_1026 : f32 to vector<64x128xf32>
    %sub3A_1028 = arith.subf %squeeze3A_1022, %sub3A_1027 : vector<64x128xf32>
    %select_n3A_1029 = arith.select %eq3A_1025, %sub3A_1028, %squeeze3A_1022 : vector<64x128xi1>, vector<64x128xf32>
    %exp3A_1030 = math.exp %select_n3A_1029 : vector<64x128xf32>
    %add3A_1031 = arith.addf %add3A_1016, %exp3A_1030 : vector<64x128xf32>
    %jit3A_1032 = arith.constant 0.000000e+00 : f32
    %broadcast_in_dim3A_1033 = vector.broadcast %jit3A_1032 : f32 to vector<64x128xf32>
    %select_n3A_1034 = arith.select %eq3A_1025, %sub3A_1028, %broadcast_in_dim3A_1033 : vector<64x128xi1>, vector<64x128xf32>
    %add3A_1035 = arith.addf %add3A_1020, %select_n3A_1034 : vector<64x128xf32>
    %log3A_1036 = math.log %add3A_1031 : vector<64x128xf32>
    %sub3A_1037 = arith.subf %log3A_1036, %add3A_1035 : vector<64x128xf32>
    %mul3A_1038 = arith.mulf %convert_element_type3A_906, %sub3A_1037 : vector<64x128xf32>
    %reshape3A_1039 = vector.shape_cast %mul3A_1038 : vector<64x128xf32> to vector<8x8x128xf32>
    %reduce_sum3A_1040 = arith.constant dense<0.000000e+00> : vector<8x128xf32>
    %reduce_sum3A_1041 = vector.multi_reduction <add>, %reshape3A_1039, %reduce_sum3A_1040 [0] : vector<8x8x128xf32> to vector<8x128xf32>
    %add3A_1042 = arith.addf %add3A_891, %reduce_sum3A_1041 : vector<8x128xf32>
    %reshape3A_1043 = vector.shape_cast %convert_element_type3A_906 : vector<64x128xf32> to vector<8x8x128xf32>
    %reduce_sum3A_1044 = arith.constant dense<0.000000e+00> : vector<8x128xf32>
    %reduce_sum3A_1045 = vector.multi_reduction <add>, %reshape3A_1043, %reduce_sum3A_1044 [0] : vector<8x8x128xf32> to vector<8x128xf32>
    %add3A_1046 = arith.addf %add3A_895, %reduce_sum3A_1045 : vector<8x128xf32>
    %get3A_1047 = arith.constant 448 : index
    %get3A_1048 = arith.constant 0 : index
    %get3A_1049 = vector.load %arg2[%get3A_1047, %get3A_1048] : memref<1920x128xi8, #tpu.memory_space<vmem>>, vector<64x128xi8>
    %convert_element_type3A_1050 = arith.extsi %get3A_1049 : vector<64x128xi8> to vector<64x128xi32>
    %and3A_1051 = arith.constant 7 : i32
    %and3A_1052 = vector.broadcast %and3A_1051 : i32 to vector<64x128xi32>
    %and3A_1053 = arith.andi %convert_element_type3A_1050, %and3A_1052 : vector<64x128xi32>
    %shift_right_arithmetic3A_1054 = arith.constant 3 : i32
    %shift_right_arithmetic3A_1055 = vector.broadcast %shift_right_arithmetic3A_1054 : i32 to vector<64x128xi32>
    %shift_right_arithmetic3A_1056 = arith.shrsi %convert_element_type3A_1050, %shift_right_arithmetic3A_1055 : vector<64x128xi32>
    %convert_element_type3A_1057 = arith.sitofp %shift_right_arithmetic3A_1056 : vector<64x128xi32> to vector<64x128xf32>
    %get3A_1058 = arith.constant 448 : index
    %get3A_1059 = arith.constant 0 : index
    %get3A_1060 = arith.constant 0 : index
    %get3A_1061 = vector.load %arg1[%get3A_1058, %get3A_1059, %get3A_1060] : memref<1920x8x128xf32, #tpu.memory_space<vmem>>, vector<64x8x128xf32>
    %transpose3A_1062 = tpu.transpose %get3A_1061, [1, 0, 2] : vector<64x8x128xf32> -> vector<8x64x128xf32>
    %broadcast_in_dim3A_1063 = arith.constant 0.000000e+00 : f32
    %broadcast_in_dim3A_1064 = vector.broadcast %broadcast_in_dim3A_1063 : f32 to vector<64x128xf32>
    %broadcast_in_dim3A_1065 = arith.constant 0.000000e+00 : f32
    %broadcast_in_dim3A_1066 = vector.broadcast %broadcast_in_dim3A_1065 : f32 to vector<64x128xf32>
    %slice3A_1067 = vector.extract_strided_slice %transpose3A_1062 {offsets = [0, 0, 0], sizes = [1, 64, 128], strides = [1, 1, 1]} : vector<8x64x128xf32> to vector<1x64x128xf32>
    %squeeze3A_1068 = vector.shape_cast %slice3A_1067 : vector<1x64x128xf32> to vector<64x128xf32>
    %eq3A_1069 = arith.constant 0 : i32
    %eq3A_1070 = vector.broadcast %eq3A_1069 : i32 to vector<64x128xi32>
    %eq3A_1071 = arith.cmpi eq, %and3A_1053, %eq3A_1070 : vector<64x128xi32>
    %sub3A_1072 = arith.constant 1.08857441 : f32
    %sub3A_1073 = vector.broadcast %sub3A_1072 : f32 to vector<64x128xf32>
    %sub3A_1074 = arith.subf %squeeze3A_1068, %sub3A_1073 : vector<64x128xf32>
    %select_n3A_1075 = arith.select %eq3A_1071, %sub3A_1074, %squeeze3A_1068 : vector<64x128xi1>, vector<64x128xf32>
    %exp3A_1076 = math.exp %select_n3A_1075 : vector<64x128xf32>
    %add3A_1077 = arith.addf %broadcast_in_dim3A_1064, %exp3A_1076 : vector<64x128xf32>
    %jit3A_1078 = arith.constant 0.000000e+00 : f32
    %broadcast_in_dim3A_1079 = vector.broadcast %jit3A_1078 : f32 to vector<64x128xf32>
    %select_n3A_1080 = arith.select %eq3A_1071, %sub3A_1074, %broadcast_in_dim3A_1079 : vector<64x128xi1>, vector<64x128xf32>
    %add3A_1081 = arith.addf %broadcast_in_dim3A_1066, %select_n3A_1080 : vector<64x128xf32>
    %slice3A_1082 = vector.extract_strided_slice %transpose3A_1062 {offsets = [1, 0, 0], sizes = [1, 64, 128], strides = [1, 1, 1]} : vector<8x64x128xf32> to vector<1x64x128xf32>
    %squeeze3A_1083 = vector.shape_cast %slice3A_1082 : vector<1x64x128xf32> to vector<64x128xf32>
    %eq3A_1084 = arith.constant 1 : i32
    %eq3A_1085 = vector.broadcast %eq3A_1084 : i32 to vector<64x128xi32>
    %eq3A_1086 = arith.cmpi eq, %and3A_1053, %eq3A_1085 : vector<64x128xi32>
    %sub3A_1087 = arith.constant 2.400000e+00 : f32
    %sub3A_1088 = vector.broadcast %sub3A_1087 : f32 to vector<64x128xf32>
    %sub3A_1089 = arith.subf %squeeze3A_1083, %sub3A_1088 : vector<64x128xf32>
    %select_n3A_1090 = arith.select %eq3A_1086, %sub3A_1089, %squeeze3A_1083 : vector<64x128xi1>, vector<64x128xf32>
    %exp3A_1091 = math.exp %select_n3A_1090 : vector<64x128xf32>
    %add3A_1092 = arith.addf %add3A_1077, %exp3A_1091 : vector<64x128xf32>
    %jit3A_1093 = arith.constant 0.000000e+00 : f32
    %broadcast_in_dim3A_1094 = vector.broadcast %jit3A_1093 : f32 to vector<64x128xf32>
    %select_n3A_1095 = arith.select %eq3A_1086, %sub3A_1089, %broadcast_in_dim3A_1094 : vector<64x128xi1>, vector<64x128xf32>
    %add3A_1096 = arith.addf %add3A_1081, %select_n3A_1095 : vector<64x128xf32>
    %slice3A_1097 = vector.extract_strided_slice %transpose3A_1062 {offsets = [2, 0, 0], sizes = [1, 64, 128], strides = [1, 1, 1]} : vector<8x64x128xf32> to vector<1x64x128xf32>
    %squeeze3A_1098 = vector.shape_cast %slice3A_1097 : vector<1x64x128xf32> to vector<64x128xf32>
    %eq3A_1099 = arith.constant 2 : i32
    %eq3A_1100 = vector.broadcast %eq3A_1099 : i32 to vector<64x128xi32>
    %eq3A_1101 = arith.cmpi eq, %and3A_1053, %eq3A_1100 : vector<64x128xi32>
    %sub3A_1102 = arith.constant 1.18135118 : f32
    %sub3A_1103 = vector.broadcast %sub3A_1102 : f32 to vector<64x128xf32>
    %sub3A_1104 = arith.subf %squeeze3A_1098, %sub3A_1103 : vector<64x128xf32>
    %select_n3A_1105 = arith.select %eq3A_1101, %sub3A_1104, %squeeze3A_1098 : vector<64x128xi1>, vector<64x128xf32>
    %exp3A_1106 = math.exp %select_n3A_1105 : vector<64x128xf32>
    %add3A_1107 = arith.addf %add3A_1092, %exp3A_1106 : vector<64x128xf32>
    %jit3A_1108 = arith.constant 0.000000e+00 : f32
    %broadcast_in_dim3A_1109 = vector.broadcast %jit3A_1108 : f32 to vector<64x128xf32>
    %select_n3A_1110 = arith.select %eq3A_1101, %sub3A_1104, %broadcast_in_dim3A_1109 : vector<64x128xi1>, vector<64x128xf32>
    %add3A_1111 = arith.addf %add3A_1096, %select_n3A_1110 : vector<64x128xf32>
    %slice3A_1112 = vector.extract_strided_slice %transpose3A_1062 {offsets = [3, 0, 0], sizes = [1, 64, 128], strides = [1, 1, 1]} : vector<8x64x128xf32> to vector<1x64x128xf32>
    %squeeze3A_1113 = vector.shape_cast %slice3A_1112 : vector<1x64x128xf32> to vector<64x128xf32>
    %eq3A_1114 = arith.constant 3 : i32
    %eq3A_1115 = vector.broadcast %eq3A_1114 : i32 to vector<64x128xi32>
    %eq3A_1116 = arith.cmpi eq, %and3A_1053, %eq3A_1115 : vector<64x128xi32>
    %sub3A_1117 = arith.constant 1.84070837 : f32
    %sub3A_1118 = vector.broadcast %sub3A_1117 : f32 to vector<64x128xf32>
    %sub3A_1119 = arith.subf %squeeze3A_1113, %sub3A_1118 : vector<64x128xf32>
    %select_n3A_1120 = arith.select %eq3A_1116, %sub3A_1119, %squeeze3A_1113 : vector<64x128xi1>, vector<64x128xf32>
    %exp3A_1121 = math.exp %select_n3A_1120 : vector<64x128xf32>
    %add3A_1122 = arith.addf %add3A_1107, %exp3A_1121 : vector<64x128xf32>
    %jit3A_1123 = arith.constant 0.000000e+00 : f32
    %broadcast_in_dim3A_1124 = vector.broadcast %jit3A_1123 : f32 to vector<64x128xf32>
    %select_n3A_1125 = arith.select %eq3A_1116, %sub3A_1119, %broadcast_in_dim3A_1124 : vector<64x128xi1>, vector<64x128xf32>
    %add3A_1126 = arith.addf %add3A_1111, %select_n3A_1125 : vector<64x128xf32>
    %slice3A_1127 = vector.extract_strided_slice %transpose3A_1062 {offsets = [4, 0, 0], sizes = [1, 64, 128], strides = [1, 1, 1]} : vector<8x64x128xf32> to vector<1x64x128xf32>
    %squeeze3A_1128 = vector.shape_cast %slice3A_1127 : vector<1x64x128xf32> to vector<64x128xf32>
    %eq3A_1129 = arith.constant 4 : i32
    %eq3A_1130 = vector.broadcast %eq3A_1129 : i32 to vector<64x128xi32>
    %eq3A_1131 = arith.cmpi eq, %and3A_1053, %eq3A_1130 : vector<64x128xi32>
    %sub3A_1132 = arith.constant 2.400000e+00 : f32
    %sub3A_1133 = vector.broadcast %sub3A_1132 : f32 to vector<64x128xf32>
    %sub3A_1134 = arith.subf %squeeze3A_1128, %sub3A_1133 : vector<64x128xf32>
    %select_n3A_1135 = arith.select %eq3A_1131, %sub3A_1134, %squeeze3A_1128 : vector<64x128xi1>, vector<64x128xf32>
    %exp3A_1136 = math.exp %select_n3A_1135 : vector<64x128xf32>
    %add3A_1137 = arith.addf %add3A_1122, %exp3A_1136 : vector<64x128xf32>
    %jit3A_1138 = arith.constant 0.000000e+00 : f32
    %broadcast_in_dim3A_1139 = vector.broadcast %jit3A_1138 : f32 to vector<64x128xf32>
    %select_n3A_1140 = arith.select %eq3A_1131, %sub3A_1134, %broadcast_in_dim3A_1139 : vector<64x128xi1>, vector<64x128xf32>
    %add3A_1141 = arith.addf %add3A_1126, %select_n3A_1140 : vector<64x128xf32>
    %slice3A_1142 = vector.extract_strided_slice %transpose3A_1062 {offsets = [5, 0, 0], sizes = [1, 64, 128], strides = [1, 1, 1]} : vector<8x64x128xf32> to vector<1x64x128xf32>
    %squeeze3A_1143 = vector.shape_cast %slice3A_1142 : vector<1x64x128xf32> to vector<64x128xf32>
    %eq3A_1144 = arith.constant 5 : i32
    %eq3A_1145 = vector.broadcast %eq3A_1144 : i32 to vector<64x128xi32>
    %eq3A_1146 = arith.cmpi eq, %and3A_1053, %eq3A_1145 : vector<64x128xi32>
    %sub3A_1147 = arith.constant 1.05176699 : f32
    %sub3A_1148 = vector.broadcast %sub3A_1147 : f32 to vector<64x128xf32>
    %sub3A_1149 = arith.subf %squeeze3A_1143, %sub3A_1148 : vector<64x128xf32>
    %select_n3A_1150 = arith.select %eq3A_1146, %sub3A_1149, %squeeze3A_1143 : vector<64x128xi1>, vector<64x128xf32>
    %exp3A_1151 = math.exp %select_n3A_1150 : vector<64x128xf32>
    %add3A_1152 = arith.addf %add3A_1137, %exp3A_1151 : vector<64x128xf32>
    %jit3A_1153 = arith.constant 0.000000e+00 : f32
    %broadcast_in_dim3A_1154 = vector.broadcast %jit3A_1153 : f32 to vector<64x128xf32>
    %select_n3A_1155 = arith.select %eq3A_1146, %sub3A_1149, %broadcast_in_dim3A_1154 : vector<64x128xi1>, vector<64x128xf32>
    %add3A_1156 = arith.addf %add3A_1141, %select_n3A_1155 : vector<64x128xf32>
    %slice3A_1157 = vector.extract_strided_slice %transpose3A_1062 {offsets = [6, 0, 0], sizes = [1, 64, 128], strides = [1, 1, 1]} : vector<8x64x128xf32> to vector<1x64x128xf32>
    %squeeze3A_1158 = vector.shape_cast %slice3A_1157 : vector<1x64x128xf32> to vector<64x128xf32>
    %eq3A_1159 = arith.constant 6 : i32
    %eq3A_1160 = vector.broadcast %eq3A_1159 : i32 to vector<64x128xi32>
    %eq3A_1161 = arith.cmpi eq, %and3A_1053, %eq3A_1160 : vector<64x128xi32>
    %sub3A_1162 = arith.constant 1.44782162 : f32
    %sub3A_1163 = vector.broadcast %sub3A_1162 : f32 to vector<64x128xf32>
    %sub3A_1164 = arith.subf %squeeze3A_1158, %sub3A_1163 : vector<64x128xf32>
    %select_n3A_1165 = arith.select %eq3A_1161, %sub3A_1164, %squeeze3A_1158 : vector<64x128xi1>, vector<64x128xf32>
    %exp3A_1166 = math.exp %select_n3A_1165 : vector<64x128xf32>
    %add3A_1167 = arith.addf %add3A_1152, %exp3A_1166 : vector<64x128xf32>
    %jit3A_1168 = arith.constant 0.000000e+00 : f32
    %broadcast_in_dim3A_1169 = vector.broadcast %jit3A_1168 : f32 to vector<64x128xf32>
    %select_n3A_1170 = arith.select %eq3A_1161, %sub3A_1164, %broadcast_in_dim3A_1169 : vector<64x128xi1>, vector<64x128xf32>
    %add3A_1171 = arith.addf %add3A_1156, %select_n3A_1170 : vector<64x128xf32>
    %slice3A_1172 = vector.extract_strided_slice %transpose3A_1062 {offsets = [7, 0, 0], sizes = [1, 64, 128], strides = [1, 1, 1]} : vector<8x64x128xf32> to vector<1x64x128xf32>
    %squeeze3A_1173 = vector.shape_cast %slice3A_1172 : vector<1x64x128xf32> to vector<64x128xf32>
    %eq3A_1174 = arith.constant 7 : i32
    %eq3A_1175 = vector.broadcast %eq3A_1174 : i32 to vector<64x128xi32>
    %eq3A_1176 = arith.cmpi eq, %and3A_1053, %eq3A_1175 : vector<64x128xi32>
    %sub3A_1177 = arith.constant 1.3795656 : f32
    %sub3A_1178 = vector.broadcast %sub3A_1177 : f32 to vector<64x128xf32>
    %sub3A_1179 = arith.subf %squeeze3A_1173, %sub3A_1178 : vector<64x128xf32>
    %select_n3A_1180 = arith.select %eq3A_1176, %sub3A_1179, %squeeze3A_1173 : vector<64x128xi1>, vector<64x128xf32>
    %exp3A_1181 = math.exp %select_n3A_1180 : vector<64x128xf32>
    %add3A_1182 = arith.addf %add3A_1167, %exp3A_1181 : vector<64x128xf32>
    %jit3A_1183 = arith.constant 0.000000e+00 : f32
    %broadcast_in_dim3A_1184 = vector.broadcast %jit3A_1183 : f32 to vector<64x128xf32>
    %select_n3A_1185 = arith.select %eq3A_1176, %sub3A_1179, %broadcast_in_dim3A_1184 : vector<64x128xi1>, vector<64x128xf32>
    %add3A_1186 = arith.addf %add3A_1171, %select_n3A_1185 : vector<64x128xf32>
    %log3A_1187 = math.log %add3A_1182 : vector<64x128xf32>
    %sub3A_1188 = arith.subf %log3A_1187, %add3A_1186 : vector<64x128xf32>
    %mul3A_1189 = arith.mulf %convert_element_type3A_1057, %sub3A_1188 : vector<64x128xf32>
    %reshape3A_1190 = vector.shape_cast %mul3A_1189 : vector<64x128xf32> to vector<8x8x128xf32>
    %reduce_sum3A_1191 = arith.constant dense<0.000000e+00> : vector<8x128xf32>
    %reduce_sum3A_1192 = vector.multi_reduction <add>, %reshape3A_1190, %reduce_sum3A_1191 [0] : vector<8x8x128xf32> to vector<8x128xf32>
    %add3A_1193 = arith.addf %add3A_1042, %reduce_sum3A_1192 : vector<8x128xf32>
    %reshape3A_1194 = vector.shape_cast %convert_element_type3A_1057 : vector<64x128xf32> to vector<8x8x128xf32>
    %reduce_sum3A_1195 = arith.constant dense<0.000000e+00> : vector<8x128xf32>
    %reduce_sum3A_1196 = vector.multi_reduction <add>, %reshape3A_1194, %reduce_sum3A_1195 [0] : vector<8x8x128xf32> to vector<8x128xf32>
    %add3A_1197 = arith.addf %add3A_1046, %reduce_sum3A_1196 : vector<8x128xf32>
    %get3A_1198 = arith.constant 512 : index
    %get3A_1199 = arith.constant 0 : index
    %get3A_1200 = vector.load %arg2[%get3A_1198, %get3A_1199] : memref<1920x128xi8, #tpu.memory_space<vmem>>, vector<64x128xi8>
    %convert_element_type3A_1201 = arith.extsi %get3A_1200 : vector<64x128xi8> to vector<64x128xi32>
    %and3A_1202 = arith.constant 7 : i32
    %and3A_1203 = vector.broadcast %and3A_1202 : i32 to vector<64x128xi32>
    %and3A_1204 = arith.andi %convert_element_type3A_1201, %and3A_1203 : vector<64x128xi32>
    %shift_right_arithmetic3A_1205 = arith.constant 3 : i32
    %shift_right_arithmetic3A_1206 = vector.broadcast %shift_right_arithmetic3A_1205 : i32 to vector<64x128xi32>
    %shift_right_arithmetic3A_1207 = arith.shrsi %convert_element_type3A_1201, %shift_right_arithmetic3A_1206 : vector<64x128xi32>
    %convert_element_type3A_1208 = arith.sitofp %shift_right_arithmetic3A_1207 : vector<64x128xi32> to vector<64x128xf32>
    %get3A_1209 = arith.constant 512 : index
    %get3A_1210 = arith.constant 0 : index
    %get3A_1211 = arith.constant 0 : index
    %get3A_1212 = vector.load %arg1[%get3A_1209, %get3A_1210, %get3A_1211] : memref<1920x8x128xf32, #tpu.memory_space<vmem>>, vector<64x8x128xf32>
    %transpose3A_1213 = tpu.transpose %get3A_1212, [1, 0, 2] : vector<64x8x128xf32> -> vector<8x64x128xf32>
    %broadcast_in_dim3A_1214 = arith.constant 0.000000e+00 : f32
    %broadcast_in_dim3A_1215 = vector.broadcast %broadcast_in_dim3A_1214 : f32 to vector<64x128xf32>
    %broadcast_in_dim3A_1216 = arith.constant 0.000000e+00 : f32
    %broadcast_in_dim3A_1217 = vector.broadcast %broadcast_in_dim3A_1216 : f32 to vector<64x128xf32>
    %slice3A_1218 = vector.extract_strided_slice %transpose3A_1213 {offsets = [0, 0, 0], sizes = [1, 64, 128], strides = [1, 1, 1]} : vector<8x64x128xf32> to vector<1x64x128xf32>
    %squeeze3A_1219 = vector.shape_cast %slice3A_1218 : vector<1x64x128xf32> to vector<64x128xf32>
    %eq3A_1220 = arith.constant 0 : i32
    %eq3A_1221 = vector.broadcast %eq3A_1220 : i32 to vector<64x128xi32>
    %eq3A_1222 = arith.cmpi eq, %and3A_1204, %eq3A_1221 : vector<64x128xi32>
    %sub3A_1223 = arith.constant 1.08857441 : f32
    %sub3A_1224 = vector.broadcast %sub3A_1223 : f32 to vector<64x128xf32>
    %sub3A_1225 = arith.subf %squeeze3A_1219, %sub3A_1224 : vector<64x128xf32>
    %select_n3A_1226 = arith.select %eq3A_1222, %sub3A_1225, %squeeze3A_1219 : vector<64x128xi1>, vector<64x128xf32>
    %exp3A_1227 = math.exp %select_n3A_1226 : vector<64x128xf32>
    %add3A_1228 = arith.addf %broadcast_in_dim3A_1215, %exp3A_1227 : vector<64x128xf32>
    %jit3A_1229 = arith.constant 0.000000e+00 : f32
    %broadcast_in_dim3A_1230 = vector.broadcast %jit3A_1229 : f32 to vector<64x128xf32>
    %select_n3A_1231 = arith.select %eq3A_1222, %sub3A_1225, %broadcast_in_dim3A_1230 : vector<64x128xi1>, vector<64x128xf32>
    %add3A_1232 = arith.addf %broadcast_in_dim3A_1217, %select_n3A_1231 : vector<64x128xf32>
    %slice3A_1233 = vector.extract_strided_slice %transpose3A_1213 {offsets = [1, 0, 0], sizes = [1, 64, 128], strides = [1, 1, 1]} : vector<8x64x128xf32> to vector<1x64x128xf32>
    %squeeze3A_1234 = vector.shape_cast %slice3A_1233 : vector<1x64x128xf32> to vector<64x128xf32>
    %eq3A_1235 = arith.constant 1 : i32
    %eq3A_1236 = vector.broadcast %eq3A_1235 : i32 to vector<64x128xi32>
    %eq3A_1237 = arith.cmpi eq, %and3A_1204, %eq3A_1236 : vector<64x128xi32>
    %sub3A_1238 = arith.constant 2.400000e+00 : f32
    %sub3A_1239 = vector.broadcast %sub3A_1238 : f32 to vector<64x128xf32>
    %sub3A_1240 = arith.subf %squeeze3A_1234, %sub3A_1239 : vector<64x128xf32>
    %select_n3A_1241 = arith.select %eq3A_1237, %sub3A_1240, %squeeze3A_1234 : vector<64x128xi1>, vector<64x128xf32>
    %exp3A_1242 = math.exp %select_n3A_1241 : vector<64x128xf32>
    %add3A_1243 = arith.addf %add3A_1228, %exp3A_1242 : vector<64x128xf32>
    %jit3A_1244 = arith.constant 0.000000e+00 : f32
    %broadcast_in_dim3A_1245 = vector.broadcast %jit3A_1244 : f32 to vector<64x128xf32>
    %select_n3A_1246 = arith.select %eq3A_1237, %sub3A_1240, %broadcast_in_dim3A_1245 : vector<64x128xi1>, vector<64x128xf32>
    %add3A_1247 = arith.addf %add3A_1232, %select_n3A_1246 : vector<64x128xf32>
    %slice3A_1248 = vector.extract_strided_slice %transpose3A_1213 {offsets = [2, 0, 0], sizes = [1, 64, 128], strides = [1, 1, 1]} : vector<8x64x128xf32> to vector<1x64x128xf32>
    %squeeze3A_1249 = vector.shape_cast %slice3A_1248 : vector<1x64x128xf32> to vector<64x128xf32>
    %eq3A_1250 = arith.constant 2 : i32
    %eq3A_1251 = vector.broadcast %eq3A_1250 : i32 to vector<64x128xi32>
    %eq3A_1252 = arith.cmpi eq, %and3A_1204, %eq3A_1251 : vector<64x128xi32>
    %sub3A_1253 = arith.constant 1.18135118 : f32
    %sub3A_1254 = vector.broadcast %sub3A_1253 : f32 to vector<64x128xf32>
    %sub3A_1255 = arith.subf %squeeze3A_1249, %sub3A_1254 : vector<64x128xf32>
    %select_n3A_1256 = arith.select %eq3A_1252, %sub3A_1255, %squeeze3A_1249 : vector<64x128xi1>, vector<64x128xf32>
    %exp3A_1257 = math.exp %select_n3A_1256 : vector<64x128xf32>
    %add3A_1258 = arith.addf %add3A_1243, %exp3A_1257 : vector<64x128xf32>
    %jit3A_1259 = arith.constant 0.000000e+00 : f32
    %broadcast_in_dim3A_1260 = vector.broadcast %jit3A_1259 : f32 to vector<64x128xf32>
    %select_n3A_1261 = arith.select %eq3A_1252, %sub3A_1255, %broadcast_in_dim3A_1260 : vector<64x128xi1>, vector<64x128xf32>
    %add3A_1262 = arith.addf %add3A_1247, %select_n3A_1261 : vector<64x128xf32>
    %slice3A_1263 = vector.extract_strided_slice %transpose3A_1213 {offsets = [3, 0, 0], sizes = [1, 64, 128], strides = [1, 1, 1]} : vector<8x64x128xf32> to vector<1x64x128xf32>
    %squeeze3A_1264 = vector.shape_cast %slice3A_1263 : vector<1x64x128xf32> to vector<64x128xf32>
    %eq3A_1265 = arith.constant 3 : i32
    %eq3A_1266 = vector.broadcast %eq3A_1265 : i32 to vector<64x128xi32>
    %eq3A_1267 = arith.cmpi eq, %and3A_1204, %eq3A_1266 : vector<64x128xi32>
    %sub3A_1268 = arith.constant 1.84070837 : f32
    %sub3A_1269 = vector.broadcast %sub3A_1268 : f32 to vector<64x128xf32>
    %sub3A_1270 = arith.subf %squeeze3A_1264, %sub3A_1269 : vector<64x128xf32>
    %select_n3A_1271 = arith.select %eq3A_1267, %sub3A_1270, %squeeze3A_1264 : vector<64x128xi1>, vector<64x128xf32>
    %exp3A_1272 = math.exp %select_n3A_1271 : vector<64x128xf32>
    %add3A_1273 = arith.addf %add3A_1258, %exp3A_1272 : vector<64x128xf32>
    %jit3A_1274 = arith.constant 0.000000e+00 : f32
    %broadcast_in_dim3A_1275 = vector.broadcast %jit3A_1274 : f32 to vector<64x128xf32>
    %select_n3A_1276 = arith.select %eq3A_1267, %sub3A_1270, %broadcast_in_dim3A_1275 : vector<64x128xi1>, vector<64x128xf32>
    %add3A_1277 = arith.addf %add3A_1262, %select_n3A_1276 : vector<64x128xf32>
    %slice3A_1278 = vector.extract_strided_slice %transpose3A_1213 {offsets = [4, 0, 0], sizes = [1, 64, 128], strides = [1, 1, 1]} : vector<8x64x128xf32> to vector<1x64x128xf32>
    %squeeze3A_1279 = vector.shape_cast %slice3A_1278 : vector<1x64x128xf32> to vector<64x128xf32>
    %eq3A_1280 = arith.constant 4 : i32
    %eq3A_1281 = vector.broadcast %eq3A_1280 : i32 to vector<64x128xi32>
    %eq3A_1282 = arith.cmpi eq, %and3A_1204, %eq3A_1281 : vector<64x128xi32>
    %sub3A_1283 = arith.constant 2.400000e+00 : f32
    %sub3A_1284 = vector.broadcast %sub3A_1283 : f32 to vector<64x128xf32>
    %sub3A_1285 = arith.subf %squeeze3A_1279, %sub3A_1284 : vector<64x128xf32>
    %select_n3A_1286 = arith.select %eq3A_1282, %sub3A_1285, %squeeze3A_1279 : vector<64x128xi1>, vector<64x128xf32>
    %exp3A_1287 = math.exp %select_n3A_1286 : vector<64x128xf32>
    %add3A_1288 = arith.addf %add3A_1273, %exp3A_1287 : vector<64x128xf32>
    %jit3A_1289 = arith.constant 0.000000e+00 : f32
    %broadcast_in_dim3A_1290 = vector.broadcast %jit3A_1289 : f32 to vector<64x128xf32>
    %select_n3A_1291 = arith.select %eq3A_1282, %sub3A_1285, %broadcast_in_dim3A_1290 : vector<64x128xi1>, vector<64x128xf32>
    %add3A_1292 = arith.addf %add3A_1277, %select_n3A_1291 : vector<64x128xf32>
    %slice3A_1293 = vector.extract_strided_slice %transpose3A_1213 {offsets = [5, 0, 0], sizes = [1, 64, 128], strides = [1, 1, 1]} : vector<8x64x128xf32> to vector<1x64x128xf32>
    %squeeze3A_1294 = vector.shape_cast %slice3A_1293 : vector<1x64x128xf32> to vector<64x128xf32>
    %eq3A_1295 = arith.constant 5 : i32
    %eq3A_1296 = vector.broadcast %eq3A_1295 : i32 to vector<64x128xi32>
    %eq3A_1297 = arith.cmpi eq, %and3A_1204, %eq3A_1296 : vector<64x128xi32>
    %sub3A_1298 = arith.constant 1.05176699 : f32
    %sub3A_1299 = vector.broadcast %sub3A_1298 : f32 to vector<64x128xf32>
    %sub3A_1300 = arith.subf %squeeze3A_1294, %sub3A_1299 : vector<64x128xf32>
    %select_n3A_1301 = arith.select %eq3A_1297, %sub3A_1300, %squeeze3A_1294 : vector<64x128xi1>, vector<64x128xf32>
    %exp3A_1302 = math.exp %select_n3A_1301 : vector<64x128xf32>
    %add3A_1303 = arith.addf %add3A_1288, %exp3A_1302 : vector<64x128xf32>
    %jit3A_1304 = arith.constant 0.000000e+00 : f32
    %broadcast_in_dim3A_1305 = vector.broadcast %jit3A_1304 : f32 to vector<64x128xf32>
    %select_n3A_1306 = arith.select %eq3A_1297, %sub3A_1300, %broadcast_in_dim3A_1305 : vector<64x128xi1>, vector<64x128xf32>
    %add3A_1307 = arith.addf %add3A_1292, %select_n3A_1306 : vector<64x128xf32>
    %slice3A_1308 = vector.extract_strided_slice %transpose3A_1213 {offsets = [6, 0, 0], sizes = [1, 64, 128], strides = [1, 1, 1]} : vector<8x64x128xf32> to vector<1x64x128xf32>
    %squeeze3A_1309 = vector.shape_cast %slice3A_1308 : vector<1x64x128xf32> to vector<64x128xf32>
    %eq3A_1310 = arith.constant 6 : i32
    %eq3A_1311 = vector.broadcast %eq3A_1310 : i32 to vector<64x128xi32>
    %eq3A_1312 = arith.cmpi eq, %and3A_1204, %eq3A_1311 : vector<64x128xi32>
    %sub3A_1313 = arith.constant 1.44782162 : f32
    %sub3A_1314 = vector.broadcast %sub3A_1313 : f32 to vector<64x128xf32>
    %sub3A_1315 = arith.subf %squeeze3A_1309, %sub3A_1314 : vector<64x128xf32>
    %select_n3A_1316 = arith.select %eq3A_1312, %sub3A_1315, %squeeze3A_1309 : vector<64x128xi1>, vector<64x128xf32>
    %exp3A_1317 = math.exp %select_n3A_1316 : vector<64x128xf32>
    %add3A_1318 = arith.addf %add3A_1303, %exp3A_1317 : vector<64x128xf32>
    %jit3A_1319 = arith.constant 0.000000e+00 : f32
    %broadcast_in_dim3A_1320 = vector.broadcast %jit3A_1319 : f32 to vector<64x128xf32>
    %select_n3A_1321 = arith.select %eq3A_1312, %sub3A_1315, %broadcast_in_dim3A_1320 : vector<64x128xi1>, vector<64x128xf32>
    %add3A_1322 = arith.addf %add3A_1307, %select_n3A_1321 : vector<64x128xf32>
    %slice3A_1323 = vector.extract_strided_slice %transpose3A_1213 {offsets = [7, 0, 0], sizes = [1, 64, 128], strides = [1, 1, 1]} : vector<8x64x128xf32> to vector<1x64x128xf32>
    %squeeze3A_1324 = vector.shape_cast %slice3A_1323 : vector<1x64x128xf32> to vector<64x128xf32>
    %eq3A_1325 = arith.constant 7 : i32
    %eq3A_1326 = vector.broadcast %eq3A_1325 : i32 to vector<64x128xi32>
    %eq3A_1327 = arith.cmpi eq, %and3A_1204, %eq3A_1326 : vector<64x128xi32>
    %sub3A_1328 = arith.constant 1.3795656 : f32
    %sub3A_1329 = vector.broadcast %sub3A_1328 : f32 to vector<64x128xf32>
    %sub3A_1330 = arith.subf %squeeze3A_1324, %sub3A_1329 : vector<64x128xf32>
    %select_n3A_1331 = arith.select %eq3A_1327, %sub3A_1330, %squeeze3A_1324 : vector<64x128xi1>, vector<64x128xf32>
    %exp3A_1332 = math.exp %select_n3A_1331 : vector<64x128xf32>
    %add3A_1333 = arith.addf %add3A_1318, %exp3A_1332 : vector<64x128xf32>
    %jit3A_1334 = arith.constant 0.000000e+00 : f32
    %broadcast_in_dim3A_1335 = vector.broadcast %jit3A_1334 : f32 to vector<64x128xf32>
    %select_n3A_1336 = arith.select %eq3A_1327, %sub3A_1330, %broadcast_in_dim3A_1335 : vector<64x128xi1>, vector<64x128xf32>
    %add3A_1337 = arith.addf %add3A_1322, %select_n3A_1336 : vector<64x128xf32>
    %log3A_1338 = math.log %add3A_1333 : vector<64x128xf32>
    %sub3A_1339 = arith.subf %log3A_1338, %add3A_1337 : vector<64x128xf32>
    %mul3A_1340 = arith.mulf %convert_element_type3A_1208, %sub3A_1339 : vector<64x128xf32>
    %reshape3A_1341 = vector.shape_cast %mul3A_1340 : vector<64x128xf32> to vector<8x8x128xf32>
    %reduce_sum3A_1342 = arith.constant dense<0.000000e+00> : vector<8x128xf32>
    %reduce_sum3A_1343 = vector.multi_reduction <add>, %reshape3A_1341, %reduce_sum3A_1342 [0] : vector<8x8x128xf32> to vector<8x128xf32>
    %add3A_1344 = arith.addf %add3A_1193, %reduce_sum3A_1343 : vector<8x128xf32>
    %reshape3A_1345 = vector.shape_cast %convert_element_type3A_1208 : vector<64x128xf32> to vector<8x8x128xf32>
    %reduce_sum3A_1346 = arith.constant dense<0.000000e+00> : vector<8x128xf32>
    %reduce_sum3A_1347 = vector.multi_reduction <add>, %reshape3A_1345, %reduce_sum3A_1346 [0] : vector<8x8x128xf32> to vector<8x128xf32>
    %add3A_1348 = arith.addf %add3A_1197, %reduce_sum3A_1347 : vector<8x128xf32>
    %get3A_1349 = arith.constant 576 : index
    %get3A_1350 = arith.constant 0 : index
    %get3A_1351 = vector.load %arg2[%get3A_1349, %get3A_1350] : memref<1920x128xi8, #tpu.memory_space<vmem>>, vector<64x128xi8>
    %convert_element_type3A_1352 = arith.extsi %get3A_1351 : vector<64x128xi8> to vector<64x128xi32>
    %and3A_1353 = arith.constant 7 : i32
    %and3A_1354 = vector.broadcast %and3A_1353 : i32 to vector<64x128xi32>
    %and3A_1355 = arith.andi %convert_element_type3A_1352, %and3A_1354 : vector<64x128xi32>
    %shift_right_arithmetic3A_1356 = arith.constant 3 : i32
    %shift_right_arithmetic3A_1357 = vector.broadcast %shift_right_arithmetic3A_1356 : i32 to vector<64x128xi32>
    %shift_right_arithmetic3A_1358 = arith.shrsi %convert_element_type3A_1352, %shift_right_arithmetic3A_1357 : vector<64x128xi32>
    %convert_element_type3A_1359 = arith.sitofp %shift_right_arithmetic3A_1358 : vector<64x128xi32> to vector<64x128xf32>
    %get3A_1360 = arith.constant 576 : index
    %get3A_1361 = arith.constant 0 : index
    %get3A_1362 = arith.constant 0 : index
    %get3A_1363 = vector.load %arg1[%get3A_1360, %get3A_1361, %get3A_1362] : memref<1920x8x128xf32, #tpu.memory_space<vmem>>, vector<64x8x128xf32>
    %transpose3A_1364 = tpu.transpose %get3A_1363, [1, 0, 2] : vector<64x8x128xf32> -> vector<8x64x128xf32>
    %broadcast_in_dim3A_1365 = arith.constant 0.000000e+00 : f32
    %broadcast_in_dim3A_1366 = vector.broadcast %broadcast_in_dim3A_1365 : f32 to vector<64x128xf32>
    %broadcast_in_dim3A_1367 = arith.constant 0.000000e+00 : f32
    %broadcast_in_dim3A_1368 = vector.broadcast %broadcast_in_dim3A_1367 : f32 to vector<64x128xf32>
    %slice3A_1369 = vector.extract_strided_slice %transpose3A_1364 {offsets = [0, 0, 0], sizes = [1, 64, 128], strides = [1, 1, 1]} : vector<8x64x128xf32> to vector<1x64x128xf32>
    %squeeze3A_1370 = vector.shape_cast %slice3A_1369 : vector<1x64x128xf32> to vector<64x128xf32>
    %eq3A_1371 = arith.constant 0 : i32
    %eq3A_1372 = vector.broadcast %eq3A_1371 : i32 to vector<64x128xi32>
    %eq3A_1373 = arith.cmpi eq, %and3A_1355, %eq3A_1372 : vector<64x128xi32>
    %sub3A_1374 = arith.constant 1.08857441 : f32
    %sub3A_1375 = vector.broadcast %sub3A_1374 : f32 to vector<64x128xf32>
    %sub3A_1376 = arith.subf %squeeze3A_1370, %sub3A_1375 : vector<64x128xf32>
    %select_n3A_1377 = arith.select %eq3A_1373, %sub3A_1376, %squeeze3A_1370 : vector<64x128xi1>, vector<64x128xf32>
    %exp3A_1378 = math.exp %select_n3A_1377 : vector<64x128xf32>
    %add3A_1379 = arith.addf %broadcast_in_dim3A_1366, %exp3A_1378 : vector<64x128xf32>
    %jit3A_1380 = arith.constant 0.000000e+00 : f32
    %broadcast_in_dim3A_1381 = vector.broadcast %jit3A_1380 : f32 to vector<64x128xf32>
    %select_n3A_1382 = arith.select %eq3A_1373, %sub3A_1376, %broadcast_in_dim3A_1381 : vector<64x128xi1>, vector<64x128xf32>
    %add3A_1383 = arith.addf %broadcast_in_dim3A_1368, %select_n3A_1382 : vector<64x128xf32>
    %slice3A_1384 = vector.extract_strided_slice %transpose3A_1364 {offsets = [1, 0, 0], sizes = [1, 64, 128], strides = [1, 1, 1]} : vector<8x64x128xf32> to vector<1x64x128xf32>
    %squeeze3A_1385 = vector.shape_cast %slice3A_1384 : vector<1x64x128xf32> to vector<64x128xf32>
    %eq3A_1386 = arith.constant 1 : i32
    %eq3A_1387 = vector.broadcast %eq3A_1386 : i32 to vector<64x128xi32>
    %eq3A_1388 = arith.cmpi eq, %and3A_1355, %eq3A_1387 : vector<64x128xi32>
    %sub3A_1389 = arith.constant 2.400000e+00 : f32
    %sub3A_1390 = vector.broadcast %sub3A_1389 : f32 to vector<64x128xf32>
    %sub3A_1391 = arith.subf %squeeze3A_1385, %sub3A_1390 : vector<64x128xf32>
    %select_n3A_1392 = arith.select %eq3A_1388, %sub3A_1391, %squeeze3A_1385 : vector<64x128xi1>, vector<64x128xf32>
    %exp3A_1393 = math.exp %select_n3A_1392 : vector<64x128xf32>
    %add3A_1394 = arith.addf %add3A_1379, %exp3A_1393 : vector<64x128xf32>
    %jit3A_1395 = arith.constant 0.000000e+00 : f32
    %broadcast_in_dim3A_1396 = vector.broadcast %jit3A_1395 : f32 to vector<64x128xf32>
    %select_n3A_1397 = arith.select %eq3A_1388, %sub3A_1391, %broadcast_in_dim3A_1396 : vector<64x128xi1>, vector<64x128xf32>
    %add3A_1398 = arith.addf %add3A_1383, %select_n3A_1397 : vector<64x128xf32>
    %slice3A_1399 = vector.extract_strided_slice %transpose3A_1364 {offsets = [2, 0, 0], sizes = [1, 64, 128], strides = [1, 1, 1]} : vector<8x64x128xf32> to vector<1x64x128xf32>
    %squeeze3A_1400 = vector.shape_cast %slice3A_1399 : vector<1x64x128xf32> to vector<64x128xf32>
    %eq3A_1401 = arith.constant 2 : i32
    %eq3A_1402 = vector.broadcast %eq3A_1401 : i32 to vector<64x128xi32>
    %eq3A_1403 = arith.cmpi eq, %and3A_1355, %eq3A_1402 : vector<64x128xi32>
    %sub3A_1404 = arith.constant 1.18135118 : f32
    %sub3A_1405 = vector.broadcast %sub3A_1404 : f32 to vector<64x128xf32>
    %sub3A_1406 = arith.subf %squeeze3A_1400, %sub3A_1405 : vector<64x128xf32>
    %select_n3A_1407 = arith.select %eq3A_1403, %sub3A_1406, %squeeze3A_1400 : vector<64x128xi1>, vector<64x128xf32>
    %exp3A_1408 = math.exp %select_n3A_1407 : vector<64x128xf32>
    %add3A_1409 = arith.addf %add3A_1394, %exp3A_1408 : vector<64x128xf32>
    %jit3A_1410 = arith.constant 0.000000e+00 : f32
    %broadcast_in_dim3A_1411 = vector.broadcast %jit3A_1410 : f32 to vector<64x128xf32>
    %select_n3A_1412 = arith.select %eq3A_1403, %sub3A_1406, %broadcast_in_dim3A_1411 : vector<64x128xi1>, vector<64x128xf32>
    %add3A_1413 = arith.addf %add3A_1398, %select_n3A_1412 : vector<64x128xf32>
    %slice3A_1414 = vector.extract_strided_slice %transpose3A_1364 {offsets = [3, 0, 0], sizes = [1, 64, 128], strides = [1, 1, 1]} : vector<8x64x128xf32> to vector<1x64x128xf32>
    %squeeze3A_1415 = vector.shape_cast %slice3A_1414 : vector<1x64x128xf32> to vector<64x128xf32>
    %eq3A_1416 = arith.constant 3 : i32
    %eq3A_1417 = vector.broadcast %eq3A_1416 : i32 to vector<64x128xi32>
    %eq3A_1418 = arith.cmpi eq, %and3A_1355, %eq3A_1417 : vector<64x128xi32>
    %sub3A_1419 = arith.constant 1.84070837 : f32
    %sub3A_1420 = vector.broadcast %sub3A_1419 : f32 to vector<64x128xf32>
    %sub3A_1421 = arith.subf %squeeze3A_1415, %sub3A_1420 : vector<64x128xf32>
    %select_n3A_1422 = arith.select %eq3A_1418, %sub3A_1421, %squeeze3A_1415 : vector<64x128xi1>, vector<64x128xf32>
    %exp3A_1423 = math.exp %select_n3A_1422 : vector<64x128xf32>
    %add3A_1424 = arith.addf %add3A_1409, %exp3A_1423 : vector<64x128xf32>
    %jit3A_1425 = arith.constant 0.000000e+00 : f32
    %broadcast_in_dim3A_1426 = vector.broadcast %jit3A_1425 : f32 to vector<64x128xf32>
    %select_n3A_1427 = arith.select %eq3A_1418, %sub3A_1421, %broadcast_in_dim3A_1426 : vector<64x128xi1>, vector<64x128xf32>
    %add3A_1428 = arith.addf %add3A_1413, %select_n3A_1427 : vector<64x128xf32>
    %slice3A_1429 = vector.extract_strided_slice %transpose3A_1364 {offsets = [4, 0, 0], sizes = [1, 64, 128], strides = [1, 1, 1]} : vector<8x64x128xf32> to vector<1x64x128xf32>
    %squeeze3A_1430 = vector.shape_cast %slice3A_1429 : vector<1x64x128xf32> to vector<64x128xf32>
    %eq3A_1431 = arith.constant 4 : i32
    %eq3A_1432 = vector.broadcast %eq3A_1431 : i32 to vector<64x128xi32>
    %eq3A_1433 = arith.cmpi eq, %and3A_1355, %eq3A_1432 : vector<64x128xi32>
    %sub3A_1434 = arith.constant 2.400000e+00 : f32
    %sub3A_1435 = vector.broadcast %sub3A_1434 : f32 to vector<64x128xf32>
    %sub3A_1436 = arith.subf %squeeze3A_1430, %sub3A_1435 : vector<64x128xf32>
    %select_n3A_1437 = arith.select %eq3A_1433, %sub3A_1436, %squeeze3A_1430 : vector<64x128xi1>, vector<64x128xf32>
    %exp3A_1438 = math.exp %select_n3A_1437 : vector<64x128xf32>
    %add3A_1439 = arith.addf %add3A_1424, %exp3A_1438 : vector<64x128xf32>
    %jit3A_1440 = arith.constant 0.000000e+00 : f32
    %broadcast_in_dim3A_1441 = vector.broadcast %jit3A_1440 : f32 to vector<64x128xf32>
    %select_n3A_1442 = arith.select %eq3A_1433, %sub3A_1436, %broadcast_in_dim3A_1441 : vector<64x128xi1>, vector<64x128xf32>
    %add3A_1443 = arith.addf %add3A_1428, %select_n3A_1442 : vector<64x128xf32>
    %slice3A_1444 = vector.extract_strided_slice %transpose3A_1364 {offsets = [5, 0, 0], sizes = [1, 64, 128], strides = [1, 1, 1]} : vector<8x64x128xf32> to vector<1x64x128xf32>
    %squeeze3A_1445 = vector.shape_cast %slice3A_1444 : vector<1x64x128xf32> to vector<64x128xf32>
    %eq3A_1446 = arith.constant 5 : i32
    %eq3A_1447 = vector.broadcast %eq3A_1446 : i32 to vector<64x128xi32>
    %eq3A_1448 = arith.cmpi eq, %and3A_1355, %eq3A_1447 : vector<64x128xi32>
    %sub3A_1449 = arith.constant 1.05176699 : f32
    %sub3A_1450 = vector.broadcast %sub3A_1449 : f32 to vector<64x128xf32>
    %sub3A_1451 = arith.subf %squeeze3A_1445, %sub3A_1450 : vector<64x128xf32>
    %select_n3A_1452 = arith.select %eq3A_1448, %sub3A_1451, %squeeze3A_1445 : vector<64x128xi1>, vector<64x128xf32>
    %exp3A_1453 = math.exp %select_n3A_1452 : vector<64x128xf32>
    %add3A_1454 = arith.addf %add3A_1439, %exp3A_1453 : vector<64x128xf32>
    %jit3A_1455 = arith.constant 0.000000e+00 : f32
    %broadcast_in_dim3A_1456 = vector.broadcast %jit3A_1455 : f32 to vector<64x128xf32>
    %select_n3A_1457 = arith.select %eq3A_1448, %sub3A_1451, %broadcast_in_dim3A_1456 : vector<64x128xi1>, vector<64x128xf32>
    %add3A_1458 = arith.addf %add3A_1443, %select_n3A_1457 : vector<64x128xf32>
    %slice3A_1459 = vector.extract_strided_slice %transpose3A_1364 {offsets = [6, 0, 0], sizes = [1, 64, 128], strides = [1, 1, 1]} : vector<8x64x128xf32> to vector<1x64x128xf32>
    %squeeze3A_1460 = vector.shape_cast %slice3A_1459 : vector<1x64x128xf32> to vector<64x128xf32>
    %eq3A_1461 = arith.constant 6 : i32
    %eq3A_1462 = vector.broadcast %eq3A_1461 : i32 to vector<64x128xi32>
    %eq3A_1463 = arith.cmpi eq, %and3A_1355, %eq3A_1462 : vector<64x128xi32>
    %sub3A_1464 = arith.constant 1.44782162 : f32
    %sub3A_1465 = vector.broadcast %sub3A_1464 : f32 to vector<64x128xf32>
    %sub3A_1466 = arith.subf %squeeze3A_1460, %sub3A_1465 : vector<64x128xf32>
    %select_n3A_1467 = arith.select %eq3A_1463, %sub3A_1466, %squeeze3A_1460 : vector<64x128xi1>, vector<64x128xf32>
    %exp3A_1468 = math.exp %select_n3A_1467 : vector<64x128xf32>
    %add3A_1469 = arith.addf %add3A_1454, %exp3A_1468 : vector<64x128xf32>
    %jit3A_1470 = arith.constant 0.000000e+00 : f32
    %broadcast_in_dim3A_1471 = vector.broadcast %jit3A_1470 : f32 to vector<64x128xf32>
    %select_n3A_1472 = arith.select %eq3A_1463, %sub3A_1466, %broadcast_in_dim3A_1471 : vector<64x128xi1>, vector<64x128xf32>
    %add3A_1473 = arith.addf %add3A_1458, %select_n3A_1472 : vector<64x128xf32>
    %slice3A_1474 = vector.extract_strided_slice %transpose3A_1364 {offsets = [7, 0, 0], sizes = [1, 64, 128], strides = [1, 1, 1]} : vector<8x64x128xf32> to vector<1x64x128xf32>
    %squeeze3A_1475 = vector.shape_cast %slice3A_1474 : vector<1x64x128xf32> to vector<64x128xf32>
    %eq3A_1476 = arith.constant 7 : i32
    %eq3A_1477 = vector.broadcast %eq3A_1476 : i32 to vector<64x128xi32>
    %eq3A_1478 = arith.cmpi eq, %and3A_1355, %eq3A_1477 : vector<64x128xi32>
    %sub3A_1479 = arith.constant 1.3795656 : f32
    %sub3A_1480 = vector.broadcast %sub3A_1479 : f32 to vector<64x128xf32>
    %sub3A_1481 = arith.subf %squeeze3A_1475, %sub3A_1480 : vector<64x128xf32>
    %select_n3A_1482 = arith.select %eq3A_1478, %sub3A_1481, %squeeze3A_1475 : vector<64x128xi1>, vector<64x128xf32>
    %exp3A_1483 = math.exp %select_n3A_1482 : vector<64x128xf32>
    %add3A_1484 = arith.addf %add3A_1469, %exp3A_1483 : vector<64x128xf32>
    %jit3A_1485 = arith.constant 0.000000e+00 : f32
    %broadcast_in_dim3A_1486 = vector.broadcast %jit3A_1485 : f32 to vector<64x128xf32>
    %select_n3A_1487 = arith.select %eq3A_1478, %sub3A_1481, %broadcast_in_dim3A_1486 : vector<64x128xi1>, vector<64x128xf32>
    %add3A_1488 = arith.addf %add3A_1473, %select_n3A_1487 : vector<64x128xf32>
    %log3A_1489 = math.log %add3A_1484 : vector<64x128xf32>
    %sub3A_1490 = arith.subf %log3A_1489, %add3A_1488 : vector<64x128xf32>
    %mul3A_1491 = arith.mulf %convert_element_type3A_1359, %sub3A_1490 : vector<64x128xf32>
    %reshape3A_1492 = vector.shape_cast %mul3A_1491 : vector<64x128xf32> to vector<8x8x128xf32>
    %reduce_sum3A_1493 = arith.constant dense<0.000000e+00> : vector<8x128xf32>
    %reduce_sum3A_1494 = vector.multi_reduction <add>, %reshape3A_1492, %reduce_sum3A_1493 [0] : vector<8x8x128xf32> to vector<8x128xf32>
    %add3A_1495 = arith.addf %add3A_1344, %reduce_sum3A_1494 : vector<8x128xf32>
    %reshape3A_1496 = vector.shape_cast %convert_element_type3A_1359 : vector<64x128xf32> to vector<8x8x128xf32>
    %reduce_sum3A_1497 = arith.constant dense<0.000000e+00> : vector<8x128xf32>
    %reduce_sum3A_1498 = vector.multi_reduction <add>, %reshape3A_1496, %reduce_sum3A_1497 [0] : vector<8x8x128xf32> to vector<8x128xf32>
    %add3A_1499 = arith.addf %add3A_1348, %reduce_sum3A_1498 : vector<8x128xf32>
    %get3A_1500 = arith.constant 640 : index
    %get3A_1501 = arith.constant 0 : index
    %get3A_1502 = vector.load %arg2[%get3A_1500, %get3A_1501] : memref<1920x128xi8, #tpu.memory_space<vmem>>, vector<64x128xi8>
    %convert_element_type3A_1503 = arith.extsi %get3A_1502 : vector<64x128xi8> to vector<64x128xi32>
    %and3A_1504 = arith.constant 7 : i32
    %and3A_1505 = vector.broadcast %and3A_1504 : i32 to vector<64x128xi32>
    %and3A_1506 = arith.andi %convert_element_type3A_1503, %and3A_1505 : vector<64x128xi32>
    %shift_right_arithmetic3A_1507 = arith.constant 3 : i32
    %shift_right_arithmetic3A_1508 = vector.broadcast %shift_right_arithmetic3A_1507 : i32 to vector<64x128xi32>
    %shift_right_arithmetic3A_1509 = arith.shrsi %convert_element_type3A_1503, %shift_right_arithmetic3A_1508 : vector<64x128xi32>
    %convert_element_type3A_1510 = arith.sitofp %shift_right_arithmetic3A_1509 : vector<64x128xi32> to vector<64x128xf32>
    %get3A_1511 = arith.constant 640 : index
    %get3A_1512 = arith.constant 0 : index
    %get3A_1513 = arith.constant 0 : index
    %get3A_1514 = vector.load %arg1[%get3A_1511, %get3A_1512, %get3A_1513] : memref<1920x8x128xf32, #tpu.memory_space<vmem>>, vector<64x8x128xf32>
    %transpose3A_1515 = tpu.transpose %get3A_1514, [1, 0, 2] : vector<64x8x128xf32> -> vector<8x64x128xf32>
    %broadcast_in_dim3A_1516 = arith.constant 0.000000e+00 : f32
    %broadcast_in_dim3A_1517 = vector.broadcast %broadcast_in_dim3A_1516 : f32 to vector<64x128xf32>
    %broadcast_in_dim3A_1518 = arith.constant 0.000000e+00 : f32
    %broadcast_in_dim3A_1519 = vector.broadcast %broadcast_in_dim3A_1518 : f32 to vector<64x128xf32>
    %slice3A_1520 = vector.extract_strided_slice %transpose3A_1515 {offsets = [0, 0, 0], sizes = [1, 64, 128], strides = [1, 1, 1]} : vector<8x64x128xf32> to vector<1x64x128xf32>
    %squeeze3A_1521 = vector.shape_cast %slice3A_1520 : vector<1x64x128xf32> to vector<64x128xf32>
    %eq3A_1522 = arith.constant 0 : i32
    %eq3A_1523 = vector.broadcast %eq3A_1522 : i32 to vector<64x128xi32>
    %eq3A_1524 = arith.cmpi eq, %and3A_1506, %eq3A_1523 : vector<64x128xi32>
    %sub3A_1525 = arith.constant 1.08857441 : f32
    %sub3A_1526 = vector.broadcast %sub3A_1525 : f32 to vector<64x128xf32>
    %sub3A_1527 = arith.subf %squeeze3A_1521, %sub3A_1526 : vector<64x128xf32>
    %select_n3A_1528 = arith.select %eq3A_1524, %sub3A_1527, %squeeze3A_1521 : vector<64x128xi1>, vector<64x128xf32>
    %exp3A_1529 = math.exp %select_n3A_1528 : vector<64x128xf32>
    %add3A_1530 = arith.addf %broadcast_in_dim3A_1517, %exp3A_1529 : vector<64x128xf32>
    %jit3A_1531 = arith.constant 0.000000e+00 : f32
    %broadcast_in_dim3A_1532 = vector.broadcast %jit3A_1531 : f32 to vector<64x128xf32>
    %select_n3A_1533 = arith.select %eq3A_1524, %sub3A_1527, %broadcast_in_dim3A_1532 : vector<64x128xi1>, vector<64x128xf32>
    %add3A_1534 = arith.addf %broadcast_in_dim3A_1519, %select_n3A_1533 : vector<64x128xf32>
    %slice3A_1535 = vector.extract_strided_slice %transpose3A_1515 {offsets = [1, 0, 0], sizes = [1, 64, 128], strides = [1, 1, 1]} : vector<8x64x128xf32> to vector<1x64x128xf32>
    %squeeze3A_1536 = vector.shape_cast %slice3A_1535 : vector<1x64x128xf32> to vector<64x128xf32>
    %eq3A_1537 = arith.constant 1 : i32
    %eq3A_1538 = vector.broadcast %eq3A_1537 : i32 to vector<64x128xi32>
    %eq3A_1539 = arith.cmpi eq, %and3A_1506, %eq3A_1538 : vector<64x128xi32>
    %sub3A_1540 = arith.constant 2.400000e+00 : f32
    %sub3A_1541 = vector.broadcast %sub3A_1540 : f32 to vector<64x128xf32>
    %sub3A_1542 = arith.subf %squeeze3A_1536, %sub3A_1541 : vector<64x128xf32>
    %select_n3A_1543 = arith.select %eq3A_1539, %sub3A_1542, %squeeze3A_1536 : vector<64x128xi1>, vector<64x128xf32>
    %exp3A_1544 = math.exp %select_n3A_1543 : vector<64x128xf32>
    %add3A_1545 = arith.addf %add3A_1530, %exp3A_1544 : vector<64x128xf32>
    %jit3A_1546 = arith.constant 0.000000e+00 : f32
    %broadcast_in_dim3A_1547 = vector.broadcast %jit3A_1546 : f32 to vector<64x128xf32>
    %select_n3A_1548 = arith.select %eq3A_1539, %sub3A_1542, %broadcast_in_dim3A_1547 : vector<64x128xi1>, vector<64x128xf32>
    %add3A_1549 = arith.addf %add3A_1534, %select_n3A_1548 : vector<64x128xf32>
    %slice3A_1550 = vector.extract_strided_slice %transpose3A_1515 {offsets = [2, 0, 0], sizes = [1, 64, 128], strides = [1, 1, 1]} : vector<8x64x128xf32> to vector<1x64x128xf32>
    %squeeze3A_1551 = vector.shape_cast %slice3A_1550 : vector<1x64x128xf32> to vector<64x128xf32>
    %eq3A_1552 = arith.constant 2 : i32
    %eq3A_1553 = vector.broadcast %eq3A_1552 : i32 to vector<64x128xi32>
    %eq3A_1554 = arith.cmpi eq, %and3A_1506, %eq3A_1553 : vector<64x128xi32>
    %sub3A_1555 = arith.constant 1.18135118 : f32
    %sub3A_1556 = vector.broadcast %sub3A_1555 : f32 to vector<64x128xf32>
    %sub3A_1557 = arith.subf %squeeze3A_1551, %sub3A_1556 : vector<64x128xf32>
    %select_n3A_1558 = arith.select %eq3A_1554, %sub3A_1557, %squeeze3A_1551 : vector<64x128xi1>, vector<64x128xf32>
    %exp3A_1559 = math.exp %select_n3A_1558 : vector<64x128xf32>
    %add3A_1560 = arith.addf %add3A_1545, %exp3A_1559 : vector<64x128xf32>
    %jit3A_1561 = arith.constant 0.000000e+00 : f32
    %broadcast_in_dim3A_1562 = vector.broadcast %jit3A_1561 : f32 to vector<64x128xf32>
    %select_n3A_1563 = arith.select %eq3A_1554, %sub3A_1557, %broadcast_in_dim3A_1562 : vector<64x128xi1>, vector<64x128xf32>
    %add3A_1564 = arith.addf %add3A_1549, %select_n3A_1563 : vector<64x128xf32>
    %slice3A_1565 = vector.extract_strided_slice %transpose3A_1515 {offsets = [3, 0, 0], sizes = [1, 64, 128], strides = [1, 1, 1]} : vector<8x64x128xf32> to vector<1x64x128xf32>
    %squeeze3A_1566 = vector.shape_cast %slice3A_1565 : vector<1x64x128xf32> to vector<64x128xf32>
    %eq3A_1567 = arith.constant 3 : i32
    %eq3A_1568 = vector.broadcast %eq3A_1567 : i32 to vector<64x128xi32>
    %eq3A_1569 = arith.cmpi eq, %and3A_1506, %eq3A_1568 : vector<64x128xi32>
    %sub3A_1570 = arith.constant 1.84070837 : f32
    %sub3A_1571 = vector.broadcast %sub3A_1570 : f32 to vector<64x128xf32>
    %sub3A_1572 = arith.subf %squeeze3A_1566, %sub3A_1571 : vector<64x128xf32>
    %select_n3A_1573 = arith.select %eq3A_1569, %sub3A_1572, %squeeze3A_1566 : vector<64x128xi1>, vector<64x128xf32>
    %exp3A_1574 = math.exp %select_n3A_1573 : vector<64x128xf32>
    %add3A_1575 = arith.addf %add3A_1560, %exp3A_1574 : vector<64x128xf32>
    %jit3A_1576 = arith.constant 0.000000e+00 : f32
    %broadcast_in_dim3A_1577 = vector.broadcast %jit3A_1576 : f32 to vector<64x128xf32>
    %select_n3A_1578 = arith.select %eq3A_1569, %sub3A_1572, %broadcast_in_dim3A_1577 : vector<64x128xi1>, vector<64x128xf32>
    %add3A_1579 = arith.addf %add3A_1564, %select_n3A_1578 : vector<64x128xf32>
    %slice3A_1580 = vector.extract_strided_slice %transpose3A_1515 {offsets = [4, 0, 0], sizes = [1, 64, 128], strides = [1, 1, 1]} : vector<8x64x128xf32> to vector<1x64x128xf32>
    %squeeze3A_1581 = vector.shape_cast %slice3A_1580 : vector<1x64x128xf32> to vector<64x128xf32>
    %eq3A_1582 = arith.constant 4 : i32
    %eq3A_1583 = vector.broadcast %eq3A_1582 : i32 to vector<64x128xi32>
    %eq3A_1584 = arith.cmpi eq, %and3A_1506, %eq3A_1583 : vector<64x128xi32>
    %sub3A_1585 = arith.constant 2.400000e+00 : f32
    %sub3A_1586 = vector.broadcast %sub3A_1585 : f32 to vector<64x128xf32>
    %sub3A_1587 = arith.subf %squeeze3A_1581, %sub3A_1586 : vector<64x128xf32>
    %select_n3A_1588 = arith.select %eq3A_1584, %sub3A_1587, %squeeze3A_1581 : vector<64x128xi1>, vector<64x128xf32>
    %exp3A_1589 = math.exp %select_n3A_1588 : vector<64x128xf32>
    %add3A_1590 = arith.addf %add3A_1575, %exp3A_1589 : vector<64x128xf32>
    %jit3A_1591 = arith.constant 0.000000e+00 : f32
    %broadcast_in_dim3A_1592 = vector.broadcast %jit3A_1591 : f32 to vector<64x128xf32>
    %select_n3A_1593 = arith.select %eq3A_1584, %sub3A_1587, %broadcast_in_dim3A_1592 : vector<64x128xi1>, vector<64x128xf32>
    %add3A_1594 = arith.addf %add3A_1579, %select_n3A_1593 : vector<64x128xf32>
    %slice3A_1595 = vector.extract_strided_slice %transpose3A_1515 {offsets = [5, 0, 0], sizes = [1, 64, 128], strides = [1, 1, 1]} : vector<8x64x128xf32> to vector<1x64x128xf32>
    %squeeze3A_1596 = vector.shape_cast %slice3A_1595 : vector<1x64x128xf32> to vector<64x128xf32>
    %eq3A_1597 = arith.constant 5 : i32
    %eq3A_1598 = vector.broadcast %eq3A_1597 : i32 to vector<64x128xi32>
    %eq3A_1599 = arith.cmpi eq, %and3A_1506, %eq3A_1598 : vector<64x128xi32>
    %sub3A_1600 = arith.constant 1.05176699 : f32
    %sub3A_1601 = vector.broadcast %sub3A_1600 : f32 to vector<64x128xf32>
    %sub3A_1602 = arith.subf %squeeze3A_1596, %sub3A_1601 : vector<64x128xf32>
    %select_n3A_1603 = arith.select %eq3A_1599, %sub3A_1602, %squeeze3A_1596 : vector<64x128xi1>, vector<64x128xf32>
    %exp3A_1604 = math.exp %select_n3A_1603 : vector<64x128xf32>
    %add3A_1605 = arith.addf %add3A_1590, %exp3A_1604 : vector<64x128xf32>
    %jit3A_1606 = arith.constant 0.000000e+00 : f32
    %broadcast_in_dim3A_1607 = vector.broadcast %jit3A_1606 : f32 to vector<64x128xf32>
    %select_n3A_1608 = arith.select %eq3A_1599, %sub3A_1602, %broadcast_in_dim3A_1607 : vector<64x128xi1>, vector<64x128xf32>
    %add3A_1609 = arith.addf %add3A_1594, %select_n3A_1608 : vector<64x128xf32>
    %slice3A_1610 = vector.extract_strided_slice %transpose3A_1515 {offsets = [6, 0, 0], sizes = [1, 64, 128], strides = [1, 1, 1]} : vector<8x64x128xf32> to vector<1x64x128xf32>
    %squeeze3A_1611 = vector.shape_cast %slice3A_1610 : vector<1x64x128xf32> to vector<64x128xf32>
    %eq3A_1612 = arith.constant 6 : i32
    %eq3A_1613 = vector.broadcast %eq3A_1612 : i32 to vector<64x128xi32>
    %eq3A_1614 = arith.cmpi eq, %and3A_1506, %eq3A_1613 : vector<64x128xi32>
    %sub3A_1615 = arith.constant 1.44782162 : f32
    %sub3A_1616 = vector.broadcast %sub3A_1615 : f32 to vector<64x128xf32>
    %sub3A_1617 = arith.subf %squeeze3A_1611, %sub3A_1616 : vector<64x128xf32>
    %select_n3A_1618 = arith.select %eq3A_1614, %sub3A_1617, %squeeze3A_1611 : vector<64x128xi1>, vector<64x128xf32>
    %exp3A_1619 = math.exp %select_n3A_1618 : vector<64x128xf32>
    %add3A_1620 = arith.addf %add3A_1605, %exp3A_1619 : vector<64x128xf32>
    %jit3A_1621 = arith.constant 0.000000e+00 : f32
    %broadcast_in_dim3A_1622 = vector.broadcast %jit3A_1621 : f32 to vector<64x128xf32>
    %select_n3A_1623 = arith.select %eq3A_1614, %sub3A_1617, %broadcast_in_dim3A_1622 : vector<64x128xi1>, vector<64x128xf32>
    %add3A_1624 = arith.addf %add3A_1609, %select_n3A_1623 : vector<64x128xf32>
    %slice3A_1625 = vector.extract_strided_slice %transpose3A_1515 {offsets = [7, 0, 0], sizes = [1, 64, 128], strides = [1, 1, 1]} : vector<8x64x128xf32> to vector<1x64x128xf32>
    %squeeze3A_1626 = vector.shape_cast %slice3A_1625 : vector<1x64x128xf32> to vector<64x128xf32>
    %eq3A_1627 = arith.constant 7 : i32
    %eq3A_1628 = vector.broadcast %eq3A_1627 : i32 to vector<64x128xi32>
    %eq3A_1629 = arith.cmpi eq, %and3A_1506, %eq3A_1628 : vector<64x128xi32>
    %sub3A_1630 = arith.constant 1.3795656 : f32
    %sub3A_1631 = vector.broadcast %sub3A_1630 : f32 to vector<64x128xf32>
    %sub3A_1632 = arith.subf %squeeze3A_1626, %sub3A_1631 : vector<64x128xf32>
    %select_n3A_1633 = arith.select %eq3A_1629, %sub3A_1632, %squeeze3A_1626 : vector<64x128xi1>, vector<64x128xf32>
    %exp3A_1634 = math.exp %select_n3A_1633 : vector<64x128xf32>
    %add3A_1635 = arith.addf %add3A_1620, %exp3A_1634 : vector<64x128xf32>
    %jit3A_1636 = arith.constant 0.000000e+00 : f32
    %broadcast_in_dim3A_1637 = vector.broadcast %jit3A_1636 : f32 to vector<64x128xf32>
    %select_n3A_1638 = arith.select %eq3A_1629, %sub3A_1632, %broadcast_in_dim3A_1637 : vector<64x128xi1>, vector<64x128xf32>
    %add3A_1639 = arith.addf %add3A_1624, %select_n3A_1638 : vector<64x128xf32>
    %log3A_1640 = math.log %add3A_1635 : vector<64x128xf32>
    %sub3A_1641 = arith.subf %log3A_1640, %add3A_1639 : vector<64x128xf32>
    %mul3A_1642 = arith.mulf %convert_element_type3A_1510, %sub3A_1641 : vector<64x128xf32>
    %reshape3A_1643 = vector.shape_cast %mul3A_1642 : vector<64x128xf32> to vector<8x8x128xf32>
    %reduce_sum3A_1644 = arith.constant dense<0.000000e+00> : vector<8x128xf32>
    %reduce_sum3A_1645 = vector.multi_reduction <add>, %reshape3A_1643, %reduce_sum3A_1644 [0] : vector<8x8x128xf32> to vector<8x128xf32>
    %add3A_1646 = arith.addf %add3A_1495, %reduce_sum3A_1645 : vector<8x128xf32>
    %reshape3A_1647 = vector.shape_cast %convert_element_type3A_1510 : vector<64x128xf32> to vector<8x8x128xf32>
    %reduce_sum3A_1648 = arith.constant dense<0.000000e+00> : vector<8x128xf32>
    %reduce_sum3A_1649 = vector.multi_reduction <add>, %reshape3A_1647, %reduce_sum3A_1648 [0] : vector<8x8x128xf32> to vector<8x128xf32>
    %add3A_1650 = arith.addf %add3A_1499, %reduce_sum3A_1649 : vector<8x128xf32>
    %get3A_1651 = arith.constant 704 : index
    %get3A_1652 = arith.constant 0 : index
    %get3A_1653 = vector.load %arg2[%get3A_1651, %get3A_1652] : memref<1920x128xi8, #tpu.memory_space<vmem>>, vector<64x128xi8>
    %convert_element_type3A_1654 = arith.extsi %get3A_1653 : vector<64x128xi8> to vector<64x128xi32>
    %and3A_1655 = arith.constant 7 : i32
    %and3A_1656 = vector.broadcast %and3A_1655 : i32 to vector<64x128xi32>
    %and3A_1657 = arith.andi %convert_element_type3A_1654, %and3A_1656 : vector<64x128xi32>
    %shift_right_arithmetic3A_1658 = arith.constant 3 : i32
    %shift_right_arithmetic3A_1659 = vector.broadcast %shift_right_arithmetic3A_1658 : i32 to vector<64x128xi32>
    %shift_right_arithmetic3A_1660 = arith.shrsi %convert_element_type3A_1654, %shift_right_arithmetic3A_1659 : vector<64x128xi32>
    %convert_element_type3A_1661 = arith.sitofp %shift_right_arithmetic3A_1660 : vector<64x128xi32> to vector<64x128xf32>
    %get3A_1662 = arith.constant 704 : index
    %get3A_1663 = arith.constant 0 : index
    %get3A_1664 = arith.constant 0 : index
    %get3A_1665 = vector.load %arg1[%get3A_1662, %get3A_1663, %get3A_1664] : memref<1920x8x128xf32, #tpu.memory_space<vmem>>, vector<64x8x128xf32>
    %transpose3A_1666 = tpu.transpose %get3A_1665, [1, 0, 2] : vector<64x8x128xf32> -> vector<8x64x128xf32>
    %broadcast_in_dim3A_1667 = arith.constant 0.000000e+00 : f32
    %broadcast_in_dim3A_1668 = vector.broadcast %broadcast_in_dim3A_1667 : f32 to vector<64x128xf32>
    %broadcast_in_dim3A_1669 = arith.constant 0.000000e+00 : f32
    %broadcast_in_dim3A_1670 = vector.broadcast %broadcast_in_dim3A_1669 : f32 to vector<64x128xf32>
    %slice3A_1671 = vector.extract_strided_slice %transpose3A_1666 {offsets = [0, 0, 0], sizes = [1, 64, 128], strides = [1, 1, 1]} : vector<8x64x128xf32> to vector<1x64x128xf32>
    %squeeze3A_1672 = vector.shape_cast %slice3A_1671 : vector<1x64x128xf32> to vector<64x128xf32>
    %eq3A_1673 = arith.constant 0 : i32
    %eq3A_1674 = vector.broadcast %eq3A_1673 : i32 to vector<64x128xi32>
    %eq3A_1675 = arith.cmpi eq, %and3A_1657, %eq3A_1674 : vector<64x128xi32>
    %sub3A_1676 = arith.constant 1.08857441 : f32
    %sub3A_1677 = vector.broadcast %sub3A_1676 : f32 to vector<64x128xf32>
    %sub3A_1678 = arith.subf %squeeze3A_1672, %sub3A_1677 : vector<64x128xf32>
    %select_n3A_1679 = arith.select %eq3A_1675, %sub3A_1678, %squeeze3A_1672 : vector<64x128xi1>, vector<64x128xf32>
    %exp3A_1680 = math.exp %select_n3A_1679 : vector<64x128xf32>
    %add3A_1681 = arith.addf %broadcast_in_dim3A_1668, %exp3A_1680 : vector<64x128xf32>
    %jit3A_1682 = arith.constant 0.000000e+00 : f32
    %broadcast_in_dim3A_1683 = vector.broadcast %jit3A_1682 : f32 to vector<64x128xf32>
    %select_n3A_1684 = arith.select %eq3A_1675, %sub3A_1678, %broadcast_in_dim3A_1683 : vector<64x128xi1>, vector<64x128xf32>
    %add3A_1685 = arith.addf %broadcast_in_dim3A_1670, %select_n3A_1684 : vector<64x128xf32>
    %slice3A_1686 = vector.extract_strided_slice %transpose3A_1666 {offsets = [1, 0, 0], sizes = [1, 64, 128], strides = [1, 1, 1]} : vector<8x64x128xf32> to vector<1x64x128xf32>
    %squeeze3A_1687 = vector.shape_cast %slice3A_1686 : vector<1x64x128xf32> to vector<64x128xf32>
    %eq3A_1688 = arith.constant 1 : i32
    %eq3A_1689 = vector.broadcast %eq3A_1688 : i32 to vector<64x128xi32>
    %eq3A_1690 = arith.cmpi eq, %and3A_1657, %eq3A_1689 : vector<64x128xi32>
    %sub3A_1691 = arith.constant 2.400000e+00 : f32
    %sub3A_1692 = vector.broadcast %sub3A_1691 : f32 to vector<64x128xf32>
    %sub3A_1693 = arith.subf %squeeze3A_1687, %sub3A_1692 : vector<64x128xf32>
    %select_n3A_1694 = arith.select %eq3A_1690, %sub3A_1693, %squeeze3A_1687 : vector<64x128xi1>, vector<64x128xf32>
    %exp3A_1695 = math.exp %select_n3A_1694 : vector<64x128xf32>
    %add3A_1696 = arith.addf %add3A_1681, %exp3A_1695 : vector<64x128xf32>
    %jit3A_1697 = arith.constant 0.000000e+00 : f32
    %broadcast_in_dim3A_1698 = vector.broadcast %jit3A_1697 : f32 to vector<64x128xf32>
    %select_n3A_1699 = arith.select %eq3A_1690, %sub3A_1693, %broadcast_in_dim3A_1698 : vector<64x128xi1>, vector<64x128xf32>
    %add3A_1700 = arith.addf %add3A_1685, %select_n3A_1699 : vector<64x128xf32>
    %slice3A_1701 = vector.extract_strided_slice %transpose3A_1666 {offsets = [2, 0, 0], sizes = [1, 64, 128], strides = [1, 1, 1]} : vector<8x64x128xf32> to vector<1x64x128xf32>
    %squeeze3A_1702 = vector.shape_cast %slice3A_1701 : vector<1x64x128xf32> to vector<64x128xf32>
    %eq3A_1703 = arith.constant 2 : i32
    %eq3A_1704 = vector.broadcast %eq3A_1703 : i32 to vector<64x128xi32>
    %eq3A_1705 = arith.cmpi eq, %and3A_1657, %eq3A_1704 : vector<64x128xi32>
    %sub3A_1706 = arith.constant 1.18135118 : f32
    %sub3A_1707 = vector.broadcast %sub3A_1706 : f32 to vector<64x128xf32>
    %sub3A_1708 = arith.subf %squeeze3A_1702, %sub3A_1707 : vector<64x128xf32>
    %select_n3A_1709 = arith.select %eq3A_1705, %sub3A_1708, %squeeze3A_1702 : vector<64x128xi1>, vector<64x128xf32>
    %exp3A_1710 = math.exp %select_n3A_1709 : vector<64x128xf32>
    %add3A_1711 = arith.addf %add3A_1696, %exp3A_1710 : vector<64x128xf32>
    %jit3A_1712 = arith.constant 0.000000e+00 : f32
    %broadcast_in_dim3A_1713 = vector.broadcast %jit3A_1712 : f32 to vector<64x128xf32>
    %select_n3A_1714 = arith.select %eq3A_1705, %sub3A_1708, %broadcast_in_dim3A_1713 : vector<64x128xi1>, vector<64x128xf32>
    %add3A_1715 = arith.addf %add3A_1700, %select_n3A_1714 : vector<64x128xf32>
    %slice3A_1716 = vector.extract_strided_slice %transpose3A_1666 {offsets = [3, 0, 0], sizes = [1, 64, 128], strides = [1, 1, 1]} : vector<8x64x128xf32> to vector<1x64x128xf32>
    %squeeze3A_1717 = vector.shape_cast %slice3A_1716 : vector<1x64x128xf32> to vector<64x128xf32>
    %eq3A_1718 = arith.constant 3 : i32
    %eq3A_1719 = vector.broadcast %eq3A_1718 : i32 to vector<64x128xi32>
    %eq3A_1720 = arith.cmpi eq, %and3A_1657, %eq3A_1719 : vector<64x128xi32>
    %sub3A_1721 = arith.constant 1.84070837 : f32
    %sub3A_1722 = vector.broadcast %sub3A_1721 : f32 to vector<64x128xf32>
    %sub3A_1723 = arith.subf %squeeze3A_1717, %sub3A_1722 : vector<64x128xf32>
    %select_n3A_1724 = arith.select %eq3A_1720, %sub3A_1723, %squeeze3A_1717 : vector<64x128xi1>, vector<64x128xf32>
    %exp3A_1725 = math.exp %select_n3A_1724 : vector<64x128xf32>
    %add3A_1726 = arith.addf %add3A_1711, %exp3A_1725 : vector<64x128xf32>
    %jit3A_1727 = arith.constant 0.000000e+00 : f32
    %broadcast_in_dim3A_1728 = vector.broadcast %jit3A_1727 : f32 to vector<64x128xf32>
    %select_n3A_1729 = arith.select %eq3A_1720, %sub3A_1723, %broadcast_in_dim3A_1728 : vector<64x128xi1>, vector<64x128xf32>
    %add3A_1730 = arith.addf %add3A_1715, %select_n3A_1729 : vector<64x128xf32>
    %slice3A_1731 = vector.extract_strided_slice %transpose3A_1666 {offsets = [4, 0, 0], sizes = [1, 64, 128], strides = [1, 1, 1]} : vector<8x64x128xf32> to vector<1x64x128xf32>
    %squeeze3A_1732 = vector.shape_cast %slice3A_1731 : vector<1x64x128xf32> to vector<64x128xf32>
    %eq3A_1733 = arith.constant 4 : i32
    %eq3A_1734 = vector.broadcast %eq3A_1733 : i32 to vector<64x128xi32>
    %eq3A_1735 = arith.cmpi eq, %and3A_1657, %eq3A_1734 : vector<64x128xi32>
    %sub3A_1736 = arith.constant 2.400000e+00 : f32
    %sub3A_1737 = vector.broadcast %sub3A_1736 : f32 to vector<64x128xf32>
    %sub3A_1738 = arith.subf %squeeze3A_1732, %sub3A_1737 : vector<64x128xf32>
    %select_n3A_1739 = arith.select %eq3A_1735, %sub3A_1738, %squeeze3A_1732 : vector<64x128xi1>, vector<64x128xf32>
    %exp3A_1740 = math.exp %select_n3A_1739 : vector<64x128xf32>
    %add3A_1741 = arith.addf %add3A_1726, %exp3A_1740 : vector<64x128xf32>
    %jit3A_1742 = arith.constant 0.000000e+00 : f32
    %broadcast_in_dim3A_1743 = vector.broadcast %jit3A_1742 : f32 to vector<64x128xf32>
    %select_n3A_1744 = arith.select %eq3A_1735, %sub3A_1738, %broadcast_in_dim3A_1743 : vector<64x128xi1>, vector<64x128xf32>
    %add3A_1745 = arith.addf %add3A_1730, %select_n3A_1744 : vector<64x128xf32>
    %slice3A_1746 = vector.extract_strided_slice %transpose3A_1666 {offsets = [5, 0, 0], sizes = [1, 64, 128], strides = [1, 1, 1]} : vector<8x64x128xf32> to vector<1x64x128xf32>
    %squeeze3A_1747 = vector.shape_cast %slice3A_1746 : vector<1x64x128xf32> to vector<64x128xf32>
    %eq3A_1748 = arith.constant 5 : i32
    %eq3A_1749 = vector.broadcast %eq3A_1748 : i32 to vector<64x128xi32>
    %eq3A_1750 = arith.cmpi eq, %and3A_1657, %eq3A_1749 : vector<64x128xi32>
    %sub3A_1751 = arith.constant 1.05176699 : f32
    %sub3A_1752 = vector.broadcast %sub3A_1751 : f32 to vector<64x128xf32>
    %sub3A_1753 = arith.subf %squeeze3A_1747, %sub3A_1752 : vector<64x128xf32>
    %select_n3A_1754 = arith.select %eq3A_1750, %sub3A_1753, %squeeze3A_1747 : vector<64x128xi1>, vector<64x128xf32>
    %exp3A_1755 = math.exp %select_n3A_1754 : vector<64x128xf32>
    %add3A_1756 = arith.addf %add3A_1741, %exp3A_1755 : vector<64x128xf32>
    %jit3A_1757 = arith.constant 0.000000e+00 : f32
    %broadcast_in_dim3A_1758 = vector.broadcast %jit3A_1757 : f32 to vector<64x128xf32>
    %select_n3A_1759 = arith.select %eq3A_1750, %sub3A_1753, %broadcast_in_dim3A_1758 : vector<64x128xi1>, vector<64x128xf32>
    %add3A_1760 = arith.addf %add3A_1745, %select_n3A_1759 : vector<64x128xf32>
    %slice3A_1761 = vector.extract_strided_slice %transpose3A_1666 {offsets = [6, 0, 0], sizes = [1, 64, 128], strides = [1, 1, 1]} : vector<8x64x128xf32> to vector<1x64x128xf32>
    %squeeze3A_1762 = vector.shape_cast %slice3A_1761 : vector<1x64x128xf32> to vector<64x128xf32>
    %eq3A_1763 = arith.constant 6 : i32
    %eq3A_1764 = vector.broadcast %eq3A_1763 : i32 to vector<64x128xi32>
    %eq3A_1765 = arith.cmpi eq, %and3A_1657, %eq3A_1764 : vector<64x128xi32>
    %sub3A_1766 = arith.constant 1.44782162 : f32
    %sub3A_1767 = vector.broadcast %sub3A_1766 : f32 to vector<64x128xf32>
    %sub3A_1768 = arith.subf %squeeze3A_1762, %sub3A_1767 : vector<64x128xf32>
    %select_n3A_1769 = arith.select %eq3A_1765, %sub3A_1768, %squeeze3A_1762 : vector<64x128xi1>, vector<64x128xf32>
    %exp3A_1770 = math.exp %select_n3A_1769 : vector<64x128xf32>
    %add3A_1771 = arith.addf %add3A_1756, %exp3A_1770 : vector<64x128xf32>
    %jit3A_1772 = arith.constant 0.000000e+00 : f32
    %broadcast_in_dim3A_1773 = vector.broadcast %jit3A_1772 : f32 to vector<64x128xf32>
    %select_n3A_1774 = arith.select %eq3A_1765, %sub3A_1768, %broadcast_in_dim3A_1773 : vector<64x128xi1>, vector<64x128xf32>
    %add3A_1775 = arith.addf %add3A_1760, %select_n3A_1774 : vector<64x128xf32>
    %slice3A_1776 = vector.extract_strided_slice %transpose3A_1666 {offsets = [7, 0, 0], sizes = [1, 64, 128], strides = [1, 1, 1]} : vector<8x64x128xf32> to vector<1x64x128xf32>
    %squeeze3A_1777 = vector.shape_cast %slice3A_1776 : vector<1x64x128xf32> to vector<64x128xf32>
    %eq3A_1778 = arith.constant 7 : i32
    %eq3A_1779 = vector.broadcast %eq3A_1778 : i32 to vector<64x128xi32>
    %eq3A_1780 = arith.cmpi eq, %and3A_1657, %eq3A_1779 : vector<64x128xi32>
    %sub3A_1781 = arith.constant 1.3795656 : f32
    %sub3A_1782 = vector.broadcast %sub3A_1781 : f32 to vector<64x128xf32>
    %sub3A_1783 = arith.subf %squeeze3A_1777, %sub3A_1782 : vector<64x128xf32>
    %select_n3A_1784 = arith.select %eq3A_1780, %sub3A_1783, %squeeze3A_1777 : vector<64x128xi1>, vector<64x128xf32>
    %exp3A_1785 = math.exp %select_n3A_1784 : vector<64x128xf32>
    %add3A_1786 = arith.addf %add3A_1771, %exp3A_1785 : vector<64x128xf32>
    %jit3A_1787 = arith.constant 0.000000e+00 : f32
    %broadcast_in_dim3A_1788 = vector.broadcast %jit3A_1787 : f32 to vector<64x128xf32>
    %select_n3A_1789 = arith.select %eq3A_1780, %sub3A_1783, %broadcast_in_dim3A_1788 : vector<64x128xi1>, vector<64x128xf32>
    %add3A_1790 = arith.addf %add3A_1775, %select_n3A_1789 : vector<64x128xf32>
    %log3A_1791 = math.log %add3A_1786 : vector<64x128xf32>
    %sub3A_1792 = arith.subf %log3A_1791, %add3A_1790 : vector<64x128xf32>
    %mul3A_1793 = arith.mulf %convert_element_type3A_1661, %sub3A_1792 : vector<64x128xf32>
    %reshape3A_1794 = vector.shape_cast %mul3A_1793 : vector<64x128xf32> to vector<8x8x128xf32>
    %reduce_sum3A_1795 = arith.constant dense<0.000000e+00> : vector<8x128xf32>
    %reduce_sum3A_1796 = vector.multi_reduction <add>, %reshape3A_1794, %reduce_sum3A_1795 [0] : vector<8x8x128xf32> to vector<8x128xf32>
    %add3A_1797 = arith.addf %add3A_1646, %reduce_sum3A_1796 : vector<8x128xf32>
    %reshape3A_1798 = vector.shape_cast %convert_element_type3A_1661 : vector<64x128xf32> to vector<8x8x128xf32>
    %reduce_sum3A_1799 = arith.constant dense<0.000000e+00> : vector<8x128xf32>
    %reduce_sum3A_1800 = vector.multi_reduction <add>, %reshape3A_1798, %reduce_sum3A_1799 [0] : vector<8x8x128xf32> to vector<8x128xf32>
    %add3A_1801 = arith.addf %add3A_1650, %reduce_sum3A_1800 : vector<8x128xf32>
    %get3A_1802 = arith.constant 768 : index
    %get3A_1803 = arith.constant 0 : index
    %get3A_1804 = vector.load %arg2[%get3A_1802, %get3A_1803] : memref<1920x128xi8, #tpu.memory_space<vmem>>, vector<64x128xi8>
    %convert_element_type3A_1805 = arith.extsi %get3A_1804 : vector<64x128xi8> to vector<64x128xi32>
    %and3A_1806 = arith.constant 7 : i32
    %and3A_1807 = vector.broadcast %and3A_1806 : i32 to vector<64x128xi32>
    %and3A_1808 = arith.andi %convert_element_type3A_1805, %and3A_1807 : vector<64x128xi32>
    %shift_right_arithmetic3A_1809 = arith.constant 3 : i32
    %shift_right_arithmetic3A_1810 = vector.broadcast %shift_right_arithmetic3A_1809 : i32 to vector<64x128xi32>
    %shift_right_arithmetic3A_1811 = arith.shrsi %convert_element_type3A_1805, %shift_right_arithmetic3A_1810 : vector<64x128xi32>
    %convert_element_type3A_1812 = arith.sitofp %shift_right_arithmetic3A_1811 : vector<64x128xi32> to vector<64x128xf32>
    %get3A_1813 = arith.constant 768 : index
    %get3A_1814 = arith.constant 0 : index
    %get3A_1815 = arith.constant 0 : index
    %get3A_1816 = vector.load %arg1[%get3A_1813, %get3A_1814, %get3A_1815] : memref<1920x8x128xf32, #tpu.memory_space<vmem>>, vector<64x8x128xf32>
    %transpose3A_1817 = tpu.transpose %get3A_1816, [1, 0, 2] : vector<64x8x128xf32> -> vector<8x64x128xf32>
    %broadcast_in_dim3A_1818 = arith.constant 0.000000e+00 : f32
    %broadcast_in_dim3A_1819 = vector.broadcast %broadcast_in_dim3A_1818 : f32 to vector<64x128xf32>
    %broadcast_in_dim3A_1820 = arith.constant 0.000000e+00 : f32
    %broadcast_in_dim3A_1821 = vector.broadcast %broadcast_in_dim3A_1820 : f32 to vector<64x128xf32>
    %slice3A_1822 = vector.extract_strided_slice %transpose3A_1817 {offsets = [0, 0, 0], sizes = [1, 64, 128], strides = [1, 1, 1]} : vector<8x64x128xf32> to vector<1x64x128xf32>
    %squeeze3A_1823 = vector.shape_cast %slice3A_1822 : vector<1x64x128xf32> to vector<64x128xf32>
    %eq3A_1824 = arith.constant 0 : i32
    %eq3A_1825 = vector.broadcast %eq3A_1824 : i32 to vector<64x128xi32>
    %eq3A_1826 = arith.cmpi eq, %and3A_1808, %eq3A_1825 : vector<64x128xi32>
    %sub3A_1827 = arith.constant 1.08857441 : f32
    %sub3A_1828 = vector.broadcast %sub3A_1827 : f32 to vector<64x128xf32>
    %sub3A_1829 = arith.subf %squeeze3A_1823, %sub3A_1828 : vector<64x128xf32>
    %select_n3A_1830 = arith.select %eq3A_1826, %sub3A_1829, %squeeze3A_1823 : vector<64x128xi1>, vector<64x128xf32>
    %exp3A_1831 = math.exp %select_n3A_1830 : vector<64x128xf32>
    %add3A_1832 = arith.addf %broadcast_in_dim3A_1819, %exp3A_1831 : vector<64x128xf32>
    %jit3A_1833 = arith.constant 0.000000e+00 : f32
    %broadcast_in_dim3A_1834 = vector.broadcast %jit3A_1833 : f32 to vector<64x128xf32>
    %select_n3A_1835 = arith.select %eq3A_1826, %sub3A_1829, %broadcast_in_dim3A_1834 : vector<64x128xi1>, vector<64x128xf32>
    %add3A_1836 = arith.addf %broadcast_in_dim3A_1821, %select_n3A_1835 : vector<64x128xf32>
    %slice3A_1837 = vector.extract_strided_slice %transpose3A_1817 {offsets = [1, 0, 0], sizes = [1, 64, 128], strides = [1, 1, 1]} : vector<8x64x128xf32> to vector<1x64x128xf32>
    %squeeze3A_1838 = vector.shape_cast %slice3A_1837 : vector<1x64x128xf32> to vector<64x128xf32>
    %eq3A_1839 = arith.constant 1 : i32
    %eq3A_1840 = vector.broadcast %eq3A_1839 : i32 to vector<64x128xi32>
    %eq3A_1841 = arith.cmpi eq, %and3A_1808, %eq3A_1840 : vector<64x128xi32>
    %sub3A_1842 = arith.constant 2.400000e+00 : f32
    %sub3A_1843 = vector.broadcast %sub3A_1842 : f32 to vector<64x128xf32>
    %sub3A_1844 = arith.subf %squeeze3A_1838, %sub3A_1843 : vector<64x128xf32>
    %select_n3A_1845 = arith.select %eq3A_1841, %sub3A_1844, %squeeze3A_1838 : vector<64x128xi1>, vector<64x128xf32>
    %exp3A_1846 = math.exp %select_n3A_1845 : vector<64x128xf32>
    %add3A_1847 = arith.addf %add3A_1832, %exp3A_1846 : vector<64x128xf32>
    %jit3A_1848 = arith.constant 0.000000e+00 : f32
    %broadcast_in_dim3A_1849 = vector.broadcast %jit3A_1848 : f32 to vector<64x128xf32>
    %select_n3A_1850 = arith.select %eq3A_1841, %sub3A_1844, %broadcast_in_dim3A_1849 : vector<64x128xi1>, vector<64x128xf32>
    %add3A_1851 = arith.addf %add3A_1836, %select_n3A_1850 : vector<64x128xf32>
    %slice3A_1852 = vector.extract_strided_slice %transpose3A_1817 {offsets = [2, 0, 0], sizes = [1, 64, 128], strides = [1, 1, 1]} : vector<8x64x128xf32> to vector<1x64x128xf32>
    %squeeze3A_1853 = vector.shape_cast %slice3A_1852 : vector<1x64x128xf32> to vector<64x128xf32>
    %eq3A_1854 = arith.constant 2 : i32
    %eq3A_1855 = vector.broadcast %eq3A_1854 : i32 to vector<64x128xi32>
    %eq3A_1856 = arith.cmpi eq, %and3A_1808, %eq3A_1855 : vector<64x128xi32>
    %sub3A_1857 = arith.constant 1.18135118 : f32
    %sub3A_1858 = vector.broadcast %sub3A_1857 : f32 to vector<64x128xf32>
    %sub3A_1859 = arith.subf %squeeze3A_1853, %sub3A_1858 : vector<64x128xf32>
    %select_n3A_1860 = arith.select %eq3A_1856, %sub3A_1859, %squeeze3A_1853 : vector<64x128xi1>, vector<64x128xf32>
    %exp3A_1861 = math.exp %select_n3A_1860 : vector<64x128xf32>
    %add3A_1862 = arith.addf %add3A_1847, %exp3A_1861 : vector<64x128xf32>
    %jit3A_1863 = arith.constant 0.000000e+00 : f32
    %broadcast_in_dim3A_1864 = vector.broadcast %jit3A_1863 : f32 to vector<64x128xf32>
    %select_n3A_1865 = arith.select %eq3A_1856, %sub3A_1859, %broadcast_in_dim3A_1864 : vector<64x128xi1>, vector<64x128xf32>
    %add3A_1866 = arith.addf %add3A_1851, %select_n3A_1865 : vector<64x128xf32>
    %slice3A_1867 = vector.extract_strided_slice %transpose3A_1817 {offsets = [3, 0, 0], sizes = [1, 64, 128], strides = [1, 1, 1]} : vector<8x64x128xf32> to vector<1x64x128xf32>
    %squeeze3A_1868 = vector.shape_cast %slice3A_1867 : vector<1x64x128xf32> to vector<64x128xf32>
    %eq3A_1869 = arith.constant 3 : i32
    %eq3A_1870 = vector.broadcast %eq3A_1869 : i32 to vector<64x128xi32>
    %eq3A_1871 = arith.cmpi eq, %and3A_1808, %eq3A_1870 : vector<64x128xi32>
    %sub3A_1872 = arith.constant 1.84070837 : f32
    %sub3A_1873 = vector.broadcast %sub3A_1872 : f32 to vector<64x128xf32>
    %sub3A_1874 = arith.subf %squeeze3A_1868, %sub3A_1873 : vector<64x128xf32>
    %select_n3A_1875 = arith.select %eq3A_1871, %sub3A_1874, %squeeze3A_1868 : vector<64x128xi1>, vector<64x128xf32>
    %exp3A_1876 = math.exp %select_n3A_1875 : vector<64x128xf32>
    %add3A_1877 = arith.addf %add3A_1862, %exp3A_1876 : vector<64x128xf32>
    %jit3A_1878 = arith.constant 0.000000e+00 : f32
    %broadcast_in_dim3A_1879 = vector.broadcast %jit3A_1878 : f32 to vector<64x128xf32>
    %select_n3A_1880 = arith.select %eq3A_1871, %sub3A_1874, %broadcast_in_dim3A_1879 : vector<64x128xi1>, vector<64x128xf32>
    %add3A_1881 = arith.addf %add3A_1866, %select_n3A_1880 : vector<64x128xf32>
    %slice3A_1882 = vector.extract_strided_slice %transpose3A_1817 {offsets = [4, 0, 0], sizes = [1, 64, 128], strides = [1, 1, 1]} : vector<8x64x128xf32> to vector<1x64x128xf32>
    %squeeze3A_1883 = vector.shape_cast %slice3A_1882 : vector<1x64x128xf32> to vector<64x128xf32>
    %eq3A_1884 = arith.constant 4 : i32
    %eq3A_1885 = vector.broadcast %eq3A_1884 : i32 to vector<64x128xi32>
    %eq3A_1886 = arith.cmpi eq, %and3A_1808, %eq3A_1885 : vector<64x128xi32>
    %sub3A_1887 = arith.constant 2.400000e+00 : f32
    %sub3A_1888 = vector.broadcast %sub3A_1887 : f32 to vector<64x128xf32>
    %sub3A_1889 = arith.subf %squeeze3A_1883, %sub3A_1888 : vector<64x128xf32>
    %select_n3A_1890 = arith.select %eq3A_1886, %sub3A_1889, %squeeze3A_1883 : vector<64x128xi1>, vector<64x128xf32>
    %exp3A_1891 = math.exp %select_n3A_1890 : vector<64x128xf32>
    %add3A_1892 = arith.addf %add3A_1877, %exp3A_1891 : vector<64x128xf32>
    %jit3A_1893 = arith.constant 0.000000e+00 : f32
    %broadcast_in_dim3A_1894 = vector.broadcast %jit3A_1893 : f32 to vector<64x128xf32>
    %select_n3A_1895 = arith.select %eq3A_1886, %sub3A_1889, %broadcast_in_dim3A_1894 : vector<64x128xi1>, vector<64x128xf32>
    %add3A_1896 = arith.addf %add3A_1881, %select_n3A_1895 : vector<64x128xf32>
    %slice3A_1897 = vector.extract_strided_slice %transpose3A_1817 {offsets = [5, 0, 0], sizes = [1, 64, 128], strides = [1, 1, 1]} : vector<8x64x128xf32> to vector<1x64x128xf32>
    %squeeze3A_1898 = vector.shape_cast %slice3A_1897 : vector<1x64x128xf32> to vector<64x128xf32>
    %eq3A_1899 = arith.constant 5 : i32
    %eq3A_1900 = vector.broadcast %eq3A_1899 : i32 to vector<64x128xi32>
    %eq3A_1901 = arith.cmpi eq, %and3A_1808, %eq3A_1900 : vector<64x128xi32>
    %sub3A_1902 = arith.constant 1.05176699 : f32
    %sub3A_1903 = vector.broadcast %sub3A_1902 : f32 to vector<64x128xf32>
    %sub3A_1904 = arith.subf %squeeze3A_1898, %sub3A_1903 : vector<64x128xf32>
    %select_n3A_1905 = arith.select %eq3A_1901, %sub3A_1904, %squeeze3A_1898 : vector<64x128xi1>, vector<64x128xf32>
    %exp3A_1906 = math.exp %select_n3A_1905 : vector<64x128xf32>
    %add3A_1907 = arith.addf %add3A_1892, %exp3A_1906 : vector<64x128xf32>
    %jit3A_1908 = arith.constant 0.000000e+00 : f32
    %broadcast_in_dim3A_1909 = vector.broadcast %jit3A_1908 : f32 to vector<64x128xf32>
    %select_n3A_1910 = arith.select %eq3A_1901, %sub3A_1904, %broadcast_in_dim3A_1909 : vector<64x128xi1>, vector<64x128xf32>
    %add3A_1911 = arith.addf %add3A_1896, %select_n3A_1910 : vector<64x128xf32>
    %slice3A_1912 = vector.extract_strided_slice %transpose3A_1817 {offsets = [6, 0, 0], sizes = [1, 64, 128], strides = [1, 1, 1]} : vector<8x64x128xf32> to vector<1x64x128xf32>
    %squeeze3A_1913 = vector.shape_cast %slice3A_1912 : vector<1x64x128xf32> to vector<64x128xf32>
    %eq3A_1914 = arith.constant 6 : i32
    %eq3A_1915 = vector.broadcast %eq3A_1914 : i32 to vector<64x128xi32>
    %eq3A_1916 = arith.cmpi eq, %and3A_1808, %eq3A_1915 : vector<64x128xi32>
    %sub3A_1917 = arith.constant 1.44782162 : f32
    %sub3A_1918 = vector.broadcast %sub3A_1917 : f32 to vector<64x128xf32>
    %sub3A_1919 = arith.subf %squeeze3A_1913, %sub3A_1918 : vector<64x128xf32>
    %select_n3A_1920 = arith.select %eq3A_1916, %sub3A_1919, %squeeze3A_1913 : vector<64x128xi1>, vector<64x128xf32>
    %exp3A_1921 = math.exp %select_n3A_1920 : vector<64x128xf32>
    %add3A_1922 = arith.addf %add3A_1907, %exp3A_1921 : vector<64x128xf32>
    %jit3A_1923 = arith.constant 0.000000e+00 : f32
    %broadcast_in_dim3A_1924 = vector.broadcast %jit3A_1923 : f32 to vector<64x128xf32>
    %select_n3A_1925 = arith.select %eq3A_1916, %sub3A_1919, %broadcast_in_dim3A_1924 : vector<64x128xi1>, vector<64x128xf32>
    %add3A_1926 = arith.addf %add3A_1911, %select_n3A_1925 : vector<64x128xf32>
    %slice3A_1927 = vector.extract_strided_slice %transpose3A_1817 {offsets = [7, 0, 0], sizes = [1, 64, 128], strides = [1, 1, 1]} : vector<8x64x128xf32> to vector<1x64x128xf32>
    %squeeze3A_1928 = vector.shape_cast %slice3A_1927 : vector<1x64x128xf32> to vector<64x128xf32>
    %eq3A_1929 = arith.constant 7 : i32
    %eq3A_1930 = vector.broadcast %eq3A_1929 : i32 to vector<64x128xi32>
    %eq3A_1931 = arith.cmpi eq, %and3A_1808, %eq3A_1930 : vector<64x128xi32>
    %sub3A_1932 = arith.constant 1.3795656 : f32
    %sub3A_1933 = vector.broadcast %sub3A_1932 : f32 to vector<64x128xf32>
    %sub3A_1934 = arith.subf %squeeze3A_1928, %sub3A_1933 : vector<64x128xf32>
    %select_n3A_1935 = arith.select %eq3A_1931, %sub3A_1934, %squeeze3A_1928 : vector<64x128xi1>, vector<64x128xf32>
    %exp3A_1936 = math.exp %select_n3A_1935 : vector<64x128xf32>
    %add3A_1937 = arith.addf %add3A_1922, %exp3A_1936 : vector<64x128xf32>
    %jit3A_1938 = arith.constant 0.000000e+00 : f32
    %broadcast_in_dim3A_1939 = vector.broadcast %jit3A_1938 : f32 to vector<64x128xf32>
    %select_n3A_1940 = arith.select %eq3A_1931, %sub3A_1934, %broadcast_in_dim3A_1939 : vector<64x128xi1>, vector<64x128xf32>
    %add3A_1941 = arith.addf %add3A_1926, %select_n3A_1940 : vector<64x128xf32>
    %log3A_1942 = math.log %add3A_1937 : vector<64x128xf32>
    %sub3A_1943 = arith.subf %log3A_1942, %add3A_1941 : vector<64x128xf32>
    %mul3A_1944 = arith.mulf %convert_element_type3A_1812, %sub3A_1943 : vector<64x128xf32>
    %reshape3A_1945 = vector.shape_cast %mul3A_1944 : vector<64x128xf32> to vector<8x8x128xf32>
    %reduce_sum3A_1946 = arith.constant dense<0.000000e+00> : vector<8x128xf32>
    %reduce_sum3A_1947 = vector.multi_reduction <add>, %reshape3A_1945, %reduce_sum3A_1946 [0] : vector<8x8x128xf32> to vector<8x128xf32>
    %add3A_1948 = arith.addf %add3A_1797, %reduce_sum3A_1947 : vector<8x128xf32>
    %reshape3A_1949 = vector.shape_cast %convert_element_type3A_1812 : vector<64x128xf32> to vector<8x8x128xf32>
    %reduce_sum3A_1950 = arith.constant dense<0.000000e+00> : vector<8x128xf32>
    %reduce_sum3A_1951 = vector.multi_reduction <add>, %reshape3A_1949, %reduce_sum3A_1950 [0] : vector<8x8x128xf32> to vector<8x128xf32>
    %add3A_1952 = arith.addf %add3A_1801, %reduce_sum3A_1951 : vector<8x128xf32>
    %get3A_1953 = arith.constant 832 : index
    %get3A_1954 = arith.constant 0 : index
    %get3A_1955 = vector.load %arg2[%get3A_1953, %get3A_1954] : memref<1920x128xi8, #tpu.memory_space<vmem>>, vector<64x128xi8>
    %convert_element_type3A_1956 = arith.extsi %get3A_1955 : vector<64x128xi8> to vector<64x128xi32>
    %and3A_1957 = arith.constant 7 : i32
    %and3A_1958 = vector.broadcast %and3A_1957 : i32 to vector<64x128xi32>
    %and3A_1959 = arith.andi %convert_element_type3A_1956, %and3A_1958 : vector<64x128xi32>
    %shift_right_arithmetic3A_1960 = arith.constant 3 : i32
    %shift_right_arithmetic3A_1961 = vector.broadcast %shift_right_arithmetic3A_1960 : i32 to vector<64x128xi32>
    %shift_right_arithmetic3A_1962 = arith.shrsi %convert_element_type3A_1956, %shift_right_arithmetic3A_1961 : vector<64x128xi32>
    %convert_element_type3A_1963 = arith.sitofp %shift_right_arithmetic3A_1962 : vector<64x128xi32> to vector<64x128xf32>
    %get3A_1964 = arith.constant 832 : index
    %get3A_1965 = arith.constant 0 : index
    %get3A_1966 = arith.constant 0 : index
    %get3A_1967 = vector.load %arg1[%get3A_1964, %get3A_1965, %get3A_1966] : memref<1920x8x128xf32, #tpu.memory_space<vmem>>, vector<64x8x128xf32>
    %transpose3A_1968 = tpu.transpose %get3A_1967, [1, 0, 2] : vector<64x8x128xf32> -> vector<8x64x128xf32>
    %broadcast_in_dim3A_1969 = arith.constant 0.000000e+00 : f32
    %broadcast_in_dim3A_1970 = vector.broadcast %broadcast_in_dim3A_1969 : f32 to vector<64x128xf32>
    %broadcast_in_dim3A_1971 = arith.constant 0.000000e+00 : f32
    %broadcast_in_dim3A_1972 = vector.broadcast %broadcast_in_dim3A_1971 : f32 to vector<64x128xf32>
    %slice3A_1973 = vector.extract_strided_slice %transpose3A_1968 {offsets = [0, 0, 0], sizes = [1, 64, 128], strides = [1, 1, 1]} : vector<8x64x128xf32> to vector<1x64x128xf32>
    %squeeze3A_1974 = vector.shape_cast %slice3A_1973 : vector<1x64x128xf32> to vector<64x128xf32>
    %eq3A_1975 = arith.constant 0 : i32
    %eq3A_1976 = vector.broadcast %eq3A_1975 : i32 to vector<64x128xi32>
    %eq3A_1977 = arith.cmpi eq, %and3A_1959, %eq3A_1976 : vector<64x128xi32>
    %sub3A_1978 = arith.constant 1.08857441 : f32
    %sub3A_1979 = vector.broadcast %sub3A_1978 : f32 to vector<64x128xf32>
    %sub3A_1980 = arith.subf %squeeze3A_1974, %sub3A_1979 : vector<64x128xf32>
    %select_n3A_1981 = arith.select %eq3A_1977, %sub3A_1980, %squeeze3A_1974 : vector<64x128xi1>, vector<64x128xf32>
    %exp3A_1982 = math.exp %select_n3A_1981 : vector<64x128xf32>
    %add3A_1983 = arith.addf %broadcast_in_dim3A_1970, %exp3A_1982 : vector<64x128xf32>
    %jit3A_1984 = arith.constant 0.000000e+00 : f32
    %broadcast_in_dim3A_1985 = vector.broadcast %jit3A_1984 : f32 to vector<64x128xf32>
    %select_n3A_1986 = arith.select %eq3A_1977, %sub3A_1980, %broadcast_in_dim3A_1985 : vector<64x128xi1>, vector<64x128xf32>
    %add3A_1987 = arith.addf %broadcast_in_dim3A_1972, %select_n3A_1986 : vector<64x128xf32>
    %slice3A_1988 = vector.extract_strided_slice %transpose3A_1968 {offsets = [1, 0, 0], sizes = [1, 64, 128], strides = [1, 1, 1]} : vector<8x64x128xf32> to vector<1x64x128xf32>
    %squeeze3A_1989 = vector.shape_cast %slice3A_1988 : vector<1x64x128xf32> to vector<64x128xf32>
    %eq3A_1990 = arith.constant 1 : i32
    %eq3A_1991 = vector.broadcast %eq3A_1990 : i32 to vector<64x128xi32>
    %eq3A_1992 = arith.cmpi eq, %and3A_1959, %eq3A_1991 : vector<64x128xi32>
    %sub3A_1993 = arith.constant 2.400000e+00 : f32
    %sub3A_1994 = vector.broadcast %sub3A_1993 : f32 to vector<64x128xf32>
    %sub3A_1995 = arith.subf %squeeze3A_1989, %sub3A_1994 : vector<64x128xf32>
    %select_n3A_1996 = arith.select %eq3A_1992, %sub3A_1995, %squeeze3A_1989 : vector<64x128xi1>, vector<64x128xf32>
    %exp3A_1997 = math.exp %select_n3A_1996 : vector<64x128xf32>
    %add3A_1998 = arith.addf %add3A_1983, %exp3A_1997 : vector<64x128xf32>
    %jit3A_1999 = arith.constant 0.000000e+00 : f32
    %broadcast_in_dim3A_2000 = vector.broadcast %jit3A_1999 : f32 to vector<64x128xf32>
    %select_n3A_2001 = arith.select %eq3A_1992, %sub3A_1995, %broadcast_in_dim3A_2000 : vector<64x128xi1>, vector<64x128xf32>
    %add3A_2002 = arith.addf %add3A_1987, %select_n3A_2001 : vector<64x128xf32>
    %slice3A_2003 = vector.extract_strided_slice %transpose3A_1968 {offsets = [2, 0, 0], sizes = [1, 64, 128], strides = [1, 1, 1]} : vector<8x64x128xf32> to vector<1x64x128xf32>
    %squeeze3A_2004 = vector.shape_cast %slice3A_2003 : vector<1x64x128xf32> to vector<64x128xf32>
    %eq3A_2005 = arith.constant 2 : i32
    %eq3A_2006 = vector.broadcast %eq3A_2005 : i32 to vector<64x128xi32>
    %eq3A_2007 = arith.cmpi eq, %and3A_1959, %eq3A_2006 : vector<64x128xi32>
    %sub3A_2008 = arith.constant 1.18135118 : f32
    %sub3A_2009 = vector.broadcast %sub3A_2008 : f32 to vector<64x128xf32>
    %sub3A_2010 = arith.subf %squeeze3A_2004, %sub3A_2009 : vector<64x128xf32>
    %select_n3A_2011 = arith.select %eq3A_2007, %sub3A_2010, %squeeze3A_2004 : vector<64x128xi1>, vector<64x128xf32>
    %exp3A_2012 = math.exp %select_n3A_2011 : vector<64x128xf32>
    %add3A_2013 = arith.addf %add3A_1998, %exp3A_2012 : vector<64x128xf32>
    %jit3A_2014 = arith.constant 0.000000e+00 : f32
    %broadcast_in_dim3A_2015 = vector.broadcast %jit3A_2014 : f32 to vector<64x128xf32>
    %select_n3A_2016 = arith.select %eq3A_2007, %sub3A_2010, %broadcast_in_dim3A_2015 : vector<64x128xi1>, vector<64x128xf32>
    %add3A_2017 = arith.addf %add3A_2002, %select_n3A_2016 : vector<64x128xf32>
    %slice3A_2018 = vector.extract_strided_slice %transpose3A_1968 {offsets = [3, 0, 0], sizes = [1, 64, 128], strides = [1, 1, 1]} : vector<8x64x128xf32> to vector<1x64x128xf32>
    %squeeze3A_2019 = vector.shape_cast %slice3A_2018 : vector<1x64x128xf32> to vector<64x128xf32>
    %eq3A_2020 = arith.constant 3 : i32
    %eq3A_2021 = vector.broadcast %eq3A_2020 : i32 to vector<64x128xi32>
    %eq3A_2022 = arith.cmpi eq, %and3A_1959, %eq3A_2021 : vector<64x128xi32>
    %sub3A_2023 = arith.constant 1.84070837 : f32
    %sub3A_2024 = vector.broadcast %sub3A_2023 : f32 to vector<64x128xf32>
    %sub3A_2025 = arith.subf %squeeze3A_2019, %sub3A_2024 : vector<64x128xf32>
    %select_n3A_2026 = arith.select %eq3A_2022, %sub3A_2025, %squeeze3A_2019 : vector<64x128xi1>, vector<64x128xf32>
    %exp3A_2027 = math.exp %select_n3A_2026 : vector<64x128xf32>
    %add3A_2028 = arith.addf %add3A_2013, %exp3A_2027 : vector<64x128xf32>
    %jit3A_2029 = arith.constant 0.000000e+00 : f32
    %broadcast_in_dim3A_2030 = vector.broadcast %jit3A_2029 : f32 to vector<64x128xf32>
    %select_n3A_2031 = arith.select %eq3A_2022, %sub3A_2025, %broadcast_in_dim3A_2030 : vector<64x128xi1>, vector<64x128xf32>
    %add3A_2032 = arith.addf %add3A_2017, %select_n3A_2031 : vector<64x128xf32>
    %slice3A_2033 = vector.extract_strided_slice %transpose3A_1968 {offsets = [4, 0, 0], sizes = [1, 64, 128], strides = [1, 1, 1]} : vector<8x64x128xf32> to vector<1x64x128xf32>
    %squeeze3A_2034 = vector.shape_cast %slice3A_2033 : vector<1x64x128xf32> to vector<64x128xf32>
    %eq3A_2035 = arith.constant 4 : i32
    %eq3A_2036 = vector.broadcast %eq3A_2035 : i32 to vector<64x128xi32>
    %eq3A_2037 = arith.cmpi eq, %and3A_1959, %eq3A_2036 : vector<64x128xi32>
    %sub3A_2038 = arith.constant 2.400000e+00 : f32
    %sub3A_2039 = vector.broadcast %sub3A_2038 : f32 to vector<64x128xf32>
    %sub3A_2040 = arith.subf %squeeze3A_2034, %sub3A_2039 : vector<64x128xf32>
    %select_n3A_2041 = arith.select %eq3A_2037, %sub3A_2040, %squeeze3A_2034 : vector<64x128xi1>, vector<64x128xf32>
    %exp3A_2042 = math.exp %select_n3A_2041 : vector<64x128xf32>
    %add3A_2043 = arith.addf %add3A_2028, %exp3A_2042 : vector<64x128xf32>
    %jit3A_2044 = arith.constant 0.000000e+00 : f32
    %broadcast_in_dim3A_2045 = vector.broadcast %jit3A_2044 : f32 to vector<64x128xf32>
    %select_n3A_2046 = arith.select %eq3A_2037, %sub3A_2040, %broadcast_in_dim3A_2045 : vector<64x128xi1>, vector<64x128xf32>
    %add3A_2047 = arith.addf %add3A_2032, %select_n3A_2046 : vector<64x128xf32>
    %slice3A_2048 = vector.extract_strided_slice %transpose3A_1968 {offsets = [5, 0, 0], sizes = [1, 64, 128], strides = [1, 1, 1]} : vector<8x64x128xf32> to vector<1x64x128xf32>
    %squeeze3A_2049 = vector.shape_cast %slice3A_2048 : vector<1x64x128xf32> to vector<64x128xf32>
    %eq3A_2050 = arith.constant 5 : i32
    %eq3A_2051 = vector.broadcast %eq3A_2050 : i32 to vector<64x128xi32>
    %eq3A_2052 = arith.cmpi eq, %and3A_1959, %eq3A_2051 : vector<64x128xi32>
    %sub3A_2053 = arith.constant 1.05176699 : f32
    %sub3A_2054 = vector.broadcast %sub3A_2053 : f32 to vector<64x128xf32>
    %sub3A_2055 = arith.subf %squeeze3A_2049, %sub3A_2054 : vector<64x128xf32>
    %select_n3A_2056 = arith.select %eq3A_2052, %sub3A_2055, %squeeze3A_2049 : vector<64x128xi1>, vector<64x128xf32>
    %exp3A_2057 = math.exp %select_n3A_2056 : vector<64x128xf32>
    %add3A_2058 = arith.addf %add3A_2043, %exp3A_2057 : vector<64x128xf32>
    %jit3A_2059 = arith.constant 0.000000e+00 : f32
    %broadcast_in_dim3A_2060 = vector.broadcast %jit3A_2059 : f32 to vector<64x128xf32>
    %select_n3A_2061 = arith.select %eq3A_2052, %sub3A_2055, %broadcast_in_dim3A_2060 : vector<64x128xi1>, vector<64x128xf32>
    %add3A_2062 = arith.addf %add3A_2047, %select_n3A_2061 : vector<64x128xf32>
    %slice3A_2063 = vector.extract_strided_slice %transpose3A_1968 {offsets = [6, 0, 0], sizes = [1, 64, 128], strides = [1, 1, 1]} : vector<8x64x128xf32> to vector<1x64x128xf32>
    %squeeze3A_2064 = vector.shape_cast %slice3A_2063 : vector<1x64x128xf32> to vector<64x128xf32>
    %eq3A_2065 = arith.constant 6 : i32
    %eq3A_2066 = vector.broadcast %eq3A_2065 : i32 to vector<64x128xi32>
    %eq3A_2067 = arith.cmpi eq, %and3A_1959, %eq3A_2066 : vector<64x128xi32>
    %sub3A_2068 = arith.constant 1.44782162 : f32
    %sub3A_2069 = vector.broadcast %sub3A_2068 : f32 to vector<64x128xf32>
    %sub3A_2070 = arith.subf %squeeze3A_2064, %sub3A_2069 : vector<64x128xf32>
    %select_n3A_2071 = arith.select %eq3A_2067, %sub3A_2070, %squeeze3A_2064 : vector<64x128xi1>, vector<64x128xf32>
    %exp3A_2072 = math.exp %select_n3A_2071 : vector<64x128xf32>
    %add3A_2073 = arith.addf %add3A_2058, %exp3A_2072 : vector<64x128xf32>
    %jit3A_2074 = arith.constant 0.000000e+00 : f32
    %broadcast_in_dim3A_2075 = vector.broadcast %jit3A_2074 : f32 to vector<64x128xf32>
    %select_n3A_2076 = arith.select %eq3A_2067, %sub3A_2070, %broadcast_in_dim3A_2075 : vector<64x128xi1>, vector<64x128xf32>
    %add3A_2077 = arith.addf %add3A_2062, %select_n3A_2076 : vector<64x128xf32>
    %slice3A_2078 = vector.extract_strided_slice %transpose3A_1968 {offsets = [7, 0, 0], sizes = [1, 64, 128], strides = [1, 1, 1]} : vector<8x64x128xf32> to vector<1x64x128xf32>
    %squeeze3A_2079 = vector.shape_cast %slice3A_2078 : vector<1x64x128xf32> to vector<64x128xf32>
    %eq3A_2080 = arith.constant 7 : i32
    %eq3A_2081 = vector.broadcast %eq3A_2080 : i32 to vector<64x128xi32>
    %eq3A_2082 = arith.cmpi eq, %and3A_1959, %eq3A_2081 : vector<64x128xi32>
    %sub3A_2083 = arith.constant 1.3795656 : f32
    %sub3A_2084 = vector.broadcast %sub3A_2083 : f32 to vector<64x128xf32>
    %sub3A_2085 = arith.subf %squeeze3A_2079, %sub3A_2084 : vector<64x128xf32>
    %select_n3A_2086 = arith.select %eq3A_2082, %sub3A_2085, %squeeze3A_2079 : vector<64x128xi1>, vector<64x128xf32>
    %exp3A_2087 = math.exp %select_n3A_2086 : vector<64x128xf32>
    %add3A_2088 = arith.addf %add3A_2073, %exp3A_2087 : vector<64x128xf32>
    %jit3A_2089 = arith.constant 0.000000e+00 : f32
    %broadcast_in_dim3A_2090 = vector.broadcast %jit3A_2089 : f32 to vector<64x128xf32>
    %select_n3A_2091 = arith.select %eq3A_2082, %sub3A_2085, %broadcast_in_dim3A_2090 : vector<64x128xi1>, vector<64x128xf32>
    %add3A_2092 = arith.addf %add3A_2077, %select_n3A_2091 : vector<64x128xf32>
    %log3A_2093 = math.log %add3A_2088 : vector<64x128xf32>
    %sub3A_2094 = arith.subf %log3A_2093, %add3A_2092 : vector<64x128xf32>
    %mul3A_2095 = arith.mulf %convert_element_type3A_1963, %sub3A_2094 : vector<64x128xf32>
    %reshape3A_2096 = vector.shape_cast %mul3A_2095 : vector<64x128xf32> to vector<8x8x128xf32>
    %reduce_sum3A_2097 = arith.constant dense<0.000000e+00> : vector<8x128xf32>
    %reduce_sum3A_2098 = vector.multi_reduction <add>, %reshape3A_2096, %reduce_sum3A_2097 [0] : vector<8x8x128xf32> to vector<8x128xf32>
    %add3A_2099 = arith.addf %add3A_1948, %reduce_sum3A_2098 : vector<8x128xf32>
    %reshape3A_2100 = vector.shape_cast %convert_element_type3A_1963 : vector<64x128xf32> to vector<8x8x128xf32>
    %reduce_sum3A_2101 = arith.constant dense<0.000000e+00> : vector<8x128xf32>
    %reduce_sum3A_2102 = vector.multi_reduction <add>, %reshape3A_2100, %reduce_sum3A_2101 [0] : vector<8x8x128xf32> to vector<8x128xf32>
    %add3A_2103 = arith.addf %add3A_1952, %reduce_sum3A_2102 : vector<8x128xf32>
    %get3A_2104 = arith.constant 896 : index
    %get3A_2105 = arith.constant 0 : index
    %get3A_2106 = vector.load %arg2[%get3A_2104, %get3A_2105] : memref<1920x128xi8, #tpu.memory_space<vmem>>, vector<64x128xi8>
    %convert_element_type3A_2107 = arith.extsi %get3A_2106 : vector<64x128xi8> to vector<64x128xi32>
    %and3A_2108 = arith.constant 7 : i32
    %and3A_2109 = vector.broadcast %and3A_2108 : i32 to vector<64x128xi32>
    %and3A_2110 = arith.andi %convert_element_type3A_2107, %and3A_2109 : vector<64x128xi32>
    %shift_right_arithmetic3A_2111 = arith.constant 3 : i32
    %shift_right_arithmetic3A_2112 = vector.broadcast %shift_right_arithmetic3A_2111 : i32 to vector<64x128xi32>
    %shift_right_arithmetic3A_2113 = arith.shrsi %convert_element_type3A_2107, %shift_right_arithmetic3A_2112 : vector<64x128xi32>
    %convert_element_type3A_2114 = arith.sitofp %shift_right_arithmetic3A_2113 : vector<64x128xi32> to vector<64x128xf32>
    %get3A_2115 = arith.constant 896 : index
    %get3A_2116 = arith.constant 0 : index
    %get3A_2117 = arith.constant 0 : index
    %get3A_2118 = vector.load %arg1[%get3A_2115, %get3A_2116, %get3A_2117] : memref<1920x8x128xf32, #tpu.memory_space<vmem>>, vector<64x8x128xf32>
    %transpose3A_2119 = tpu.transpose %get3A_2118, [1, 0, 2] : vector<64x8x128xf32> -> vector<8x64x128xf32>
    %broadcast_in_dim3A_2120 = arith.constant 0.000000e+00 : f32
    %broadcast_in_dim3A_2121 = vector.broadcast %broadcast_in_dim3A_2120 : f32 to vector<64x128xf32>
    %broadcast_in_dim3A_2122 = arith.constant 0.000000e+00 : f32
    %broadcast_in_dim3A_2123 = vector.broadcast %broadcast_in_dim3A_2122 : f32 to vector<64x128xf32>
    %slice3A_2124 = vector.extract_strided_slice %transpose3A_2119 {offsets = [0, 0, 0], sizes = [1, 64, 128], strides = [1, 1, 1]} : vector<8x64x128xf32> to vector<1x64x128xf32>
    %squeeze3A_2125 = vector.shape_cast %slice3A_2124 : vector<1x64x128xf32> to vector<64x128xf32>
    %eq3A_2126 = arith.constant 0 : i32
    %eq3A_2127 = vector.broadcast %eq3A_2126 : i32 to vector<64x128xi32>
    %eq3A_2128 = arith.cmpi eq, %and3A_2110, %eq3A_2127 : vector<64x128xi32>
    %sub3A_2129 = arith.constant 1.08857441 : f32
    %sub3A_2130 = vector.broadcast %sub3A_2129 : f32 to vector<64x128xf32>
    %sub3A_2131 = arith.subf %squeeze3A_2125, %sub3A_2130 : vector<64x128xf32>
    %select_n3A_2132 = arith.select %eq3A_2128, %sub3A_2131, %squeeze3A_2125 : vector<64x128xi1>, vector<64x128xf32>
    %exp3A_2133 = math.exp %select_n3A_2132 : vector<64x128xf32>
    %add3A_2134 = arith.addf %broadcast_in_dim3A_2121, %exp3A_2133 : vector<64x128xf32>
    %jit3A_2135 = arith.constant 0.000000e+00 : f32
    %broadcast_in_dim3A_2136 = vector.broadcast %jit3A_2135 : f32 to vector<64x128xf32>
    %select_n3A_2137 = arith.select %eq3A_2128, %sub3A_2131, %broadcast_in_dim3A_2136 : vector<64x128xi1>, vector<64x128xf32>
    %add3A_2138 = arith.addf %broadcast_in_dim3A_2123, %select_n3A_2137 : vector<64x128xf32>
    %slice3A_2139 = vector.extract_strided_slice %transpose3A_2119 {offsets = [1, 0, 0], sizes = [1, 64, 128], strides = [1, 1, 1]} : vector<8x64x128xf32> to vector<1x64x128xf32>
    %squeeze3A_2140 = vector.shape_cast %slice3A_2139 : vector<1x64x128xf32> to vector<64x128xf32>
    %eq3A_2141 = arith.constant 1 : i32
    %eq3A_2142 = vector.broadcast %eq3A_2141 : i32 to vector<64x128xi32>
    %eq3A_2143 = arith.cmpi eq, %and3A_2110, %eq3A_2142 : vector<64x128xi32>
    %sub3A_2144 = arith.constant 2.400000e+00 : f32
    %sub3A_2145 = vector.broadcast %sub3A_2144 : f32 to vector<64x128xf32>
    %sub3A_2146 = arith.subf %squeeze3A_2140, %sub3A_2145 : vector<64x128xf32>
    %select_n3A_2147 = arith.select %eq3A_2143, %sub3A_2146, %squeeze3A_2140 : vector<64x128xi1>, vector<64x128xf32>
    %exp3A_2148 = math.exp %select_n3A_2147 : vector<64x128xf32>
    %add3A_2149 = arith.addf %add3A_2134, %exp3A_2148 : vector<64x128xf32>
    %jit3A_2150 = arith.constant 0.000000e+00 : f32
    %broadcast_in_dim3A_2151 = vector.broadcast %jit3A_2150 : f32 to vector<64x128xf32>
    %select_n3A_2152 = arith.select %eq3A_2143, %sub3A_2146, %broadcast_in_dim3A_2151 : vector<64x128xi1>, vector<64x128xf32>
    %add3A_2153 = arith.addf %add3A_2138, %select_n3A_2152 : vector<64x128xf32>
    %slice3A_2154 = vector.extract_strided_slice %transpose3A_2119 {offsets = [2, 0, 0], sizes = [1, 64, 128], strides = [1, 1, 1]} : vector<8x64x128xf32> to vector<1x64x128xf32>
    %squeeze3A_2155 = vector.shape_cast %slice3A_2154 : vector<1x64x128xf32> to vector<64x128xf32>
    %eq3A_2156 = arith.constant 2 : i32
    %eq3A_2157 = vector.broadcast %eq3A_2156 : i32 to vector<64x128xi32>
    %eq3A_2158 = arith.cmpi eq, %and3A_2110, %eq3A_2157 : vector<64x128xi32>
    %sub3A_2159 = arith.constant 1.18135118 : f32
    %sub3A_2160 = vector.broadcast %sub3A_2159 : f32 to vector<64x128xf32>
    %sub3A_2161 = arith.subf %squeeze3A_2155, %sub3A_2160 : vector<64x128xf32>
    %select_n3A_2162 = arith.select %eq3A_2158, %sub3A_2161, %squeeze3A_2155 : vector<64x128xi1>, vector<64x128xf32>
    %exp3A_2163 = math.exp %select_n3A_2162 : vector<64x128xf32>
    %add3A_2164 = arith.addf %add3A_2149, %exp3A_2163 : vector<64x128xf32>
    %jit3A_2165 = arith.constant 0.000000e+00 : f32
    %broadcast_in_dim3A_2166 = vector.broadcast %jit3A_2165 : f32 to vector<64x128xf32>
    %select_n3A_2167 = arith.select %eq3A_2158, %sub3A_2161, %broadcast_in_dim3A_2166 : vector<64x128xi1>, vector<64x128xf32>
    %add3A_2168 = arith.addf %add3A_2153, %select_n3A_2167 : vector<64x128xf32>
    %slice3A_2169 = vector.extract_strided_slice %transpose3A_2119 {offsets = [3, 0, 0], sizes = [1, 64, 128], strides = [1, 1, 1]} : vector<8x64x128xf32> to vector<1x64x128xf32>
    %squeeze3A_2170 = vector.shape_cast %slice3A_2169 : vector<1x64x128xf32> to vector<64x128xf32>
    %eq3A_2171 = arith.constant 3 : i32
    %eq3A_2172 = vector.broadcast %eq3A_2171 : i32 to vector<64x128xi32>
    %eq3A_2173 = arith.cmpi eq, %and3A_2110, %eq3A_2172 : vector<64x128xi32>
    %sub3A_2174 = arith.constant 1.84070837 : f32
    %sub3A_2175 = vector.broadcast %sub3A_2174 : f32 to vector<64x128xf32>
    %sub3A_2176 = arith.subf %squeeze3A_2170, %sub3A_2175 : vector<64x128xf32>
    %select_n3A_2177 = arith.select %eq3A_2173, %sub3A_2176, %squeeze3A_2170 : vector<64x128xi1>, vector<64x128xf32>
    %exp3A_2178 = math.exp %select_n3A_2177 : vector<64x128xf32>
    %add3A_2179 = arith.addf %add3A_2164, %exp3A_2178 : vector<64x128xf32>
    %jit3A_2180 = arith.constant 0.000000e+00 : f32
    %broadcast_in_dim3A_2181 = vector.broadcast %jit3A_2180 : f32 to vector<64x128xf32>
    %select_n3A_2182 = arith.select %eq3A_2173, %sub3A_2176, %broadcast_in_dim3A_2181 : vector<64x128xi1>, vector<64x128xf32>
    %add3A_2183 = arith.addf %add3A_2168, %select_n3A_2182 : vector<64x128xf32>
    %slice3A_2184 = vector.extract_strided_slice %transpose3A_2119 {offsets = [4, 0, 0], sizes = [1, 64, 128], strides = [1, 1, 1]} : vector<8x64x128xf32> to vector<1x64x128xf32>
    %squeeze3A_2185 = vector.shape_cast %slice3A_2184 : vector<1x64x128xf32> to vector<64x128xf32>
    %eq3A_2186 = arith.constant 4 : i32
    %eq3A_2187 = vector.broadcast %eq3A_2186 : i32 to vector<64x128xi32>
    %eq3A_2188 = arith.cmpi eq, %and3A_2110, %eq3A_2187 : vector<64x128xi32>
    %sub3A_2189 = arith.constant 2.400000e+00 : f32
    %sub3A_2190 = vector.broadcast %sub3A_2189 : f32 to vector<64x128xf32>
    %sub3A_2191 = arith.subf %squeeze3A_2185, %sub3A_2190 : vector<64x128xf32>
    %select_n3A_2192 = arith.select %eq3A_2188, %sub3A_2191, %squeeze3A_2185 : vector<64x128xi1>, vector<64x128xf32>
    %exp3A_2193 = math.exp %select_n3A_2192 : vector<64x128xf32>
    %add3A_2194 = arith.addf %add3A_2179, %exp3A_2193 : vector<64x128xf32>
    %jit3A_2195 = arith.constant 0.000000e+00 : f32
    %broadcast_in_dim3A_2196 = vector.broadcast %jit3A_2195 : f32 to vector<64x128xf32>
    %select_n3A_2197 = arith.select %eq3A_2188, %sub3A_2191, %broadcast_in_dim3A_2196 : vector<64x128xi1>, vector<64x128xf32>
    %add3A_2198 = arith.addf %add3A_2183, %select_n3A_2197 : vector<64x128xf32>
    %slice3A_2199 = vector.extract_strided_slice %transpose3A_2119 {offsets = [5, 0, 0], sizes = [1, 64, 128], strides = [1, 1, 1]} : vector<8x64x128xf32> to vector<1x64x128xf32>
    %squeeze3A_2200 = vector.shape_cast %slice3A_2199 : vector<1x64x128xf32> to vector<64x128xf32>
    %eq3A_2201 = arith.constant 5 : i32
    %eq3A_2202 = vector.broadcast %eq3A_2201 : i32 to vector<64x128xi32>
    %eq3A_2203 = arith.cmpi eq, %and3A_2110, %eq3A_2202 : vector<64x128xi32>
    %sub3A_2204 = arith.constant 1.05176699 : f32
    %sub3A_2205 = vector.broadcast %sub3A_2204 : f32 to vector<64x128xf32>
    %sub3A_2206 = arith.subf %squeeze3A_2200, %sub3A_2205 : vector<64x128xf32>
    %select_n3A_2207 = arith.select %eq3A_2203, %sub3A_2206, %squeeze3A_2200 : vector<64x128xi1>, vector<64x128xf32>
    %exp3A_2208 = math.exp %select_n3A_2207 : vector<64x128xf32>
    %add3A_2209 = arith.addf %add3A_2194, %exp3A_2208 : vector<64x128xf32>
    %jit3A_2210 = arith.constant 0.000000e+00 : f32
    %broadcast_in_dim3A_2211 = vector.broadcast %jit3A_2210 : f32 to vector<64x128xf32>
    %select_n3A_2212 = arith.select %eq3A_2203, %sub3A_2206, %broadcast_in_dim3A_2211 : vector<64x128xi1>, vector<64x128xf32>
    %add3A_2213 = arith.addf %add3A_2198, %select_n3A_2212 : vector<64x128xf32>
    %slice3A_2214 = vector.extract_strided_slice %transpose3A_2119 {offsets = [6, 0, 0], sizes = [1, 64, 128], strides = [1, 1, 1]} : vector<8x64x128xf32> to vector<1x64x128xf32>
    %squeeze3A_2215 = vector.shape_cast %slice3A_2214 : vector<1x64x128xf32> to vector<64x128xf32>
    %eq3A_2216 = arith.constant 6 : i32
    %eq3A_2217 = vector.broadcast %eq3A_2216 : i32 to vector<64x128xi32>
    %eq3A_2218 = arith.cmpi eq, %and3A_2110, %eq3A_2217 : vector<64x128xi32>
    %sub3A_2219 = arith.constant 1.44782162 : f32
    %sub3A_2220 = vector.broadcast %sub3A_2219 : f32 to vector<64x128xf32>
    %sub3A_2221 = arith.subf %squeeze3A_2215, %sub3A_2220 : vector<64x128xf32>
    %select_n3A_2222 = arith.select %eq3A_2218, %sub3A_2221, %squeeze3A_2215 : vector<64x128xi1>, vector<64x128xf32>
    %exp3A_2223 = math.exp %select_n3A_2222 : vector<64x128xf32>
    %add3A_2224 = arith.addf %add3A_2209, %exp3A_2223 : vector<64x128xf32>
    %jit3A_2225 = arith.constant 0.000000e+00 : f32
    %broadcast_in_dim3A_2226 = vector.broadcast %jit3A_2225 : f32 to vector<64x128xf32>
    %select_n3A_2227 = arith.select %eq3A_2218, %sub3A_2221, %broadcast_in_dim3A_2226 : vector<64x128xi1>, vector<64x128xf32>
    %add3A_2228 = arith.addf %add3A_2213, %select_n3A_2227 : vector<64x128xf32>
    %slice3A_2229 = vector.extract_strided_slice %transpose3A_2119 {offsets = [7, 0, 0], sizes = [1, 64, 128], strides = [1, 1, 1]} : vector<8x64x128xf32> to vector<1x64x128xf32>
    %squeeze3A_2230 = vector.shape_cast %slice3A_2229 : vector<1x64x128xf32> to vector<64x128xf32>
    %eq3A_2231 = arith.constant 7 : i32
    %eq3A_2232 = vector.broadcast %eq3A_2231 : i32 to vector<64x128xi32>
    %eq3A_2233 = arith.cmpi eq, %and3A_2110, %eq3A_2232 : vector<64x128xi32>
    %sub3A_2234 = arith.constant 1.3795656 : f32
    %sub3A_2235 = vector.broadcast %sub3A_2234 : f32 to vector<64x128xf32>
    %sub3A_2236 = arith.subf %squeeze3A_2230, %sub3A_2235 : vector<64x128xf32>
    %select_n3A_2237 = arith.select %eq3A_2233, %sub3A_2236, %squeeze3A_2230 : vector<64x128xi1>, vector<64x128xf32>
    %exp3A_2238 = math.exp %select_n3A_2237 : vector<64x128xf32>
    %add3A_2239 = arith.addf %add3A_2224, %exp3A_2238 : vector<64x128xf32>
    %jit3A_2240 = arith.constant 0.000000e+00 : f32
    %broadcast_in_dim3A_2241 = vector.broadcast %jit3A_2240 : f32 to vector<64x128xf32>
    %select_n3A_2242 = arith.select %eq3A_2233, %sub3A_2236, %broadcast_in_dim3A_2241 : vector<64x128xi1>, vector<64x128xf32>
    %add3A_2243 = arith.addf %add3A_2228, %select_n3A_2242 : vector<64x128xf32>
    %log3A_2244 = math.log %add3A_2239 : vector<64x128xf32>
    %sub3A_2245 = arith.subf %log3A_2244, %add3A_2243 : vector<64x128xf32>
    %mul3A_2246 = arith.mulf %convert_element_type3A_2114, %sub3A_2245 : vector<64x128xf32>
    %reshape3A_2247 = vector.shape_cast %mul3A_2246 : vector<64x128xf32> to vector<8x8x128xf32>
    %reduce_sum3A_2248 = arith.constant dense<0.000000e+00> : vector<8x128xf32>
    %reduce_sum3A_2249 = vector.multi_reduction <add>, %reshape3A_2247, %reduce_sum3A_2248 [0] : vector<8x8x128xf32> to vector<8x128xf32>
    %add3A_2250 = arith.addf %add3A_2099, %reduce_sum3A_2249 : vector<8x128xf32>
    %reshape3A_2251 = vector.shape_cast %convert_element_type3A_2114 : vector<64x128xf32> to vector<8x8x128xf32>
    %reduce_sum3A_2252 = arith.constant dense<0.000000e+00> : vector<8x128xf32>
    %reduce_sum3A_2253 = vector.multi_reduction <add>, %reshape3A_2251, %reduce_sum3A_2252 [0] : vector<8x8x128xf32> to vector<8x128xf32>
    %add3A_2254 = arith.addf %add3A_2103, %reduce_sum3A_2253 : vector<8x128xf32>
    %get3A_2255 = arith.constant 960 : index
    %get3A_2256 = arith.constant 0 : index
    %get3A_2257 = vector.load %arg2[%get3A_2255, %get3A_2256] : memref<1920x128xi8, #tpu.memory_space<vmem>>, vector<64x128xi8>
    %convert_element_type3A_2258 = arith.extsi %get3A_2257 : vector<64x128xi8> to vector<64x128xi32>
    %and3A_2259 = arith.constant 7 : i32
    %and3A_2260 = vector.broadcast %and3A_2259 : i32 to vector<64x128xi32>
    %and3A_2261 = arith.andi %convert_element_type3A_2258, %and3A_2260 : vector<64x128xi32>
    %shift_right_arithmetic3A_2262 = arith.constant 3 : i32
    %shift_right_arithmetic3A_2263 = vector.broadcast %shift_right_arithmetic3A_2262 : i32 to vector<64x128xi32>
    %shift_right_arithmetic3A_2264 = arith.shrsi %convert_element_type3A_2258, %shift_right_arithmetic3A_2263 : vector<64x128xi32>
    %convert_element_type3A_2265 = arith.sitofp %shift_right_arithmetic3A_2264 : vector<64x128xi32> to vector<64x128xf32>
    %get3A_2266 = arith.constant 960 : index
    %get3A_2267 = arith.constant 0 : index
    %get3A_2268 = arith.constant 0 : index
    %get3A_2269 = vector.load %arg1[%get3A_2266, %get3A_2267, %get3A_2268] : memref<1920x8x128xf32, #tpu.memory_space<vmem>>, vector<64x8x128xf32>
    %transpose3A_2270 = tpu.transpose %get3A_2269, [1, 0, 2] : vector<64x8x128xf32> -> vector<8x64x128xf32>
    %broadcast_in_dim3A_2271 = arith.constant 0.000000e+00 : f32
    %broadcast_in_dim3A_2272 = vector.broadcast %broadcast_in_dim3A_2271 : f32 to vector<64x128xf32>
    %broadcast_in_dim3A_2273 = arith.constant 0.000000e+00 : f32
    %broadcast_in_dim3A_2274 = vector.broadcast %broadcast_in_dim3A_2273 : f32 to vector<64x128xf32>
    %slice3A_2275 = vector.extract_strided_slice %transpose3A_2270 {offsets = [0, 0, 0], sizes = [1, 64, 128], strides = [1, 1, 1]} : vector<8x64x128xf32> to vector<1x64x128xf32>
    %squeeze3A_2276 = vector.shape_cast %slice3A_2275 : vector<1x64x128xf32> to vector<64x128xf32>
    %eq3A_2277 = arith.constant 0 : i32
    %eq3A_2278 = vector.broadcast %eq3A_2277 : i32 to vector<64x128xi32>
    %eq3A_2279 = arith.cmpi eq, %and3A_2261, %eq3A_2278 : vector<64x128xi32>
    %sub3A_2280 = arith.constant 1.08857441 : f32
    %sub3A_2281 = vector.broadcast %sub3A_2280 : f32 to vector<64x128xf32>
    %sub3A_2282 = arith.subf %squeeze3A_2276, %sub3A_2281 : vector<64x128xf32>
    %select_n3A_2283 = arith.select %eq3A_2279, %sub3A_2282, %squeeze3A_2276 : vector<64x128xi1>, vector<64x128xf32>
    %exp3A_2284 = math.exp %select_n3A_2283 : vector<64x128xf32>
    %add3A_2285 = arith.addf %broadcast_in_dim3A_2272, %exp3A_2284 : vector<64x128xf32>
    %jit3A_2286 = arith.constant 0.000000e+00 : f32
    %broadcast_in_dim3A_2287 = vector.broadcast %jit3A_2286 : f32 to vector<64x128xf32>
    %select_n3A_2288 = arith.select %eq3A_2279, %sub3A_2282, %broadcast_in_dim3A_2287 : vector<64x128xi1>, vector<64x128xf32>
    %add3A_2289 = arith.addf %broadcast_in_dim3A_2274, %select_n3A_2288 : vector<64x128xf32>
    %slice3A_2290 = vector.extract_strided_slice %transpose3A_2270 {offsets = [1, 0, 0], sizes = [1, 64, 128], strides = [1, 1, 1]} : vector<8x64x128xf32> to vector<1x64x128xf32>
    %squeeze3A_2291 = vector.shape_cast %slice3A_2290 : vector<1x64x128xf32> to vector<64x128xf32>
    %eq3A_2292 = arith.constant 1 : i32
    %eq3A_2293 = vector.broadcast %eq3A_2292 : i32 to vector<64x128xi32>
    %eq3A_2294 = arith.cmpi eq, %and3A_2261, %eq3A_2293 : vector<64x128xi32>
    %sub3A_2295 = arith.constant 2.400000e+00 : f32
    %sub3A_2296 = vector.broadcast %sub3A_2295 : f32 to vector<64x128xf32>
    %sub3A_2297 = arith.subf %squeeze3A_2291, %sub3A_2296 : vector<64x128xf32>
    %select_n3A_2298 = arith.select %eq3A_2294, %sub3A_2297, %squeeze3A_2291 : vector<64x128xi1>, vector<64x128xf32>
    %exp3A_2299 = math.exp %select_n3A_2298 : vector<64x128xf32>
    %add3A_2300 = arith.addf %add3A_2285, %exp3A_2299 : vector<64x128xf32>
    %jit3A_2301 = arith.constant 0.000000e+00 : f32
    %broadcast_in_dim3A_2302 = vector.broadcast %jit3A_2301 : f32 to vector<64x128xf32>
    %select_n3A_2303 = arith.select %eq3A_2294, %sub3A_2297, %broadcast_in_dim3A_2302 : vector<64x128xi1>, vector<64x128xf32>
    %add3A_2304 = arith.addf %add3A_2289, %select_n3A_2303 : vector<64x128xf32>
    %slice3A_2305 = vector.extract_strided_slice %transpose3A_2270 {offsets = [2, 0, 0], sizes = [1, 64, 128], strides = [1, 1, 1]} : vector<8x64x128xf32> to vector<1x64x128xf32>
    %squeeze3A_2306 = vector.shape_cast %slice3A_2305 : vector<1x64x128xf32> to vector<64x128xf32>
    %eq3A_2307 = arith.constant 2 : i32
    %eq3A_2308 = vector.broadcast %eq3A_2307 : i32 to vector<64x128xi32>
    %eq3A_2309 = arith.cmpi eq, %and3A_2261, %eq3A_2308 : vector<64x128xi32>
    %sub3A_2310 = arith.constant 1.18135118 : f32
    %sub3A_2311 = vector.broadcast %sub3A_2310 : f32 to vector<64x128xf32>
    %sub3A_2312 = arith.subf %squeeze3A_2306, %sub3A_2311 : vector<64x128xf32>
    %select_n3A_2313 = arith.select %eq3A_2309, %sub3A_2312, %squeeze3A_2306 : vector<64x128xi1>, vector<64x128xf32>
    %exp3A_2314 = math.exp %select_n3A_2313 : vector<64x128xf32>
    %add3A_2315 = arith.addf %add3A_2300, %exp3A_2314 : vector<64x128xf32>
    %jit3A_2316 = arith.constant 0.000000e+00 : f32
    %broadcast_in_dim3A_2317 = vector.broadcast %jit3A_2316 : f32 to vector<64x128xf32>
    %select_n3A_2318 = arith.select %eq3A_2309, %sub3A_2312, %broadcast_in_dim3A_2317 : vector<64x128xi1>, vector<64x128xf32>
    %add3A_2319 = arith.addf %add3A_2304, %select_n3A_2318 : vector<64x128xf32>
    %slice3A_2320 = vector.extract_strided_slice %transpose3A_2270 {offsets = [3, 0, 0], sizes = [1, 64, 128], strides = [1, 1, 1]} : vector<8x64x128xf32> to vector<1x64x128xf32>
    %squeeze3A_2321 = vector.shape_cast %slice3A_2320 : vector<1x64x128xf32> to vector<64x128xf32>
    %eq3A_2322 = arith.constant 3 : i32
    %eq3A_2323 = vector.broadcast %eq3A_2322 : i32 to vector<64x128xi32>
    %eq3A_2324 = arith.cmpi eq, %and3A_2261, %eq3A_2323 : vector<64x128xi32>
    %sub3A_2325 = arith.constant 1.84070837 : f32
    %sub3A_2326 = vector.broadcast %sub3A_2325 : f32 to vector<64x128xf32>
    %sub3A_2327 = arith.subf %squeeze3A_2321, %sub3A_2326 : vector<64x128xf32>
    %select_n3A_2328 = arith.select %eq3A_2324, %sub3A_2327, %squeeze3A_2321 : vector<64x128xi1>, vector<64x128xf32>
    %exp3A_2329 = math.exp %select_n3A_2328 : vector<64x128xf32>
    %add3A_2330 = arith.addf %add3A_2315, %exp3A_2329 : vector<64x128xf32>
    %jit3A_2331 = arith.constant 0.000000e+00 : f32
    %broadcast_in_dim3A_2332 = vector.broadcast %jit3A_2331 : f32 to vector<64x128xf32>
    %select_n3A_2333 = arith.select %eq3A_2324, %sub3A_2327, %broadcast_in_dim3A_2332 : vector<64x128xi1>, vector<64x128xf32>
    %add3A_2334 = arith.addf %add3A_2319, %select_n3A_2333 : vector<64x128xf32>
    %slice3A_2335 = vector.extract_strided_slice %transpose3A_2270 {offsets = [4, 0, 0], sizes = [1, 64, 128], strides = [1, 1, 1]} : vector<8x64x128xf32> to vector<1x64x128xf32>
    %squeeze3A_2336 = vector.shape_cast %slice3A_2335 : vector<1x64x128xf32> to vector<64x128xf32>
    %eq3A_2337 = arith.constant 4 : i32
    %eq3A_2338 = vector.broadcast %eq3A_2337 : i32 to vector<64x128xi32>
    %eq3A_2339 = arith.cmpi eq, %and3A_2261, %eq3A_2338 : vector<64x128xi32>
    %sub3A_2340 = arith.constant 2.400000e+00 : f32
    %sub3A_2341 = vector.broadcast %sub3A_2340 : f32 to vector<64x128xf32>
    %sub3A_2342 = arith.subf %squeeze3A_2336, %sub3A_2341 : vector<64x128xf32>
    %select_n3A_2343 = arith.select %eq3A_2339, %sub3A_2342, %squeeze3A_2336 : vector<64x128xi1>, vector<64x128xf32>
    %exp3A_2344 = math.exp %select_n3A_2343 : vector<64x128xf32>
    %add3A_2345 = arith.addf %add3A_2330, %exp3A_2344 : vector<64x128xf32>
    %jit3A_2346 = arith.constant 0.000000e+00 : f32
    %broadcast_in_dim3A_2347 = vector.broadcast %jit3A_2346 : f32 to vector<64x128xf32>
    %select_n3A_2348 = arith.select %eq3A_2339, %sub3A_2342, %broadcast_in_dim3A_2347 : vector<64x128xi1>, vector<64x128xf32>
    %add3A_2349 = arith.addf %add3A_2334, %select_n3A_2348 : vector<64x128xf32>
    %slice3A_2350 = vector.extract_strided_slice %transpose3A_2270 {offsets = [5, 0, 0], sizes = [1, 64, 128], strides = [1, 1, 1]} : vector<8x64x128xf32> to vector<1x64x128xf32>
    %squeeze3A_2351 = vector.shape_cast %slice3A_2350 : vector<1x64x128xf32> to vector<64x128xf32>
    %eq3A_2352 = arith.constant 5 : i32
    %eq3A_2353 = vector.broadcast %eq3A_2352 : i32 to vector<64x128xi32>
    %eq3A_2354 = arith.cmpi eq, %and3A_2261, %eq3A_2353 : vector<64x128xi32>
    %sub3A_2355 = arith.constant 1.05176699 : f32
    %sub3A_2356 = vector.broadcast %sub3A_2355 : f32 to vector<64x128xf32>
    %sub3A_2357 = arith.subf %squeeze3A_2351, %sub3A_2356 : vector<64x128xf32>
    %select_n3A_2358 = arith.select %eq3A_2354, %sub3A_2357, %squeeze3A_2351 : vector<64x128xi1>, vector<64x128xf32>
    %exp3A_2359 = math.exp %select_n3A_2358 : vector<64x128xf32>
    %add3A_2360 = arith.addf %add3A_2345, %exp3A_2359 : vector<64x128xf32>
    %jit3A_2361 = arith.constant 0.000000e+00 : f32
    %broadcast_in_dim3A_2362 = vector.broadcast %jit3A_2361 : f32 to vector<64x128xf32>
    %select_n3A_2363 = arith.select %eq3A_2354, %sub3A_2357, %broadcast_in_dim3A_2362 : vector<64x128xi1>, vector<64x128xf32>
    %add3A_2364 = arith.addf %add3A_2349, %select_n3A_2363 : vector<64x128xf32>
    %slice3A_2365 = vector.extract_strided_slice %transpose3A_2270 {offsets = [6, 0, 0], sizes = [1, 64, 128], strides = [1, 1, 1]} : vector<8x64x128xf32> to vector<1x64x128xf32>
    %squeeze3A_2366 = vector.shape_cast %slice3A_2365 : vector<1x64x128xf32> to vector<64x128xf32>
    %eq3A_2367 = arith.constant 6 : i32
    %eq3A_2368 = vector.broadcast %eq3A_2367 : i32 to vector<64x128xi32>
    %eq3A_2369 = arith.cmpi eq, %and3A_2261, %eq3A_2368 : vector<64x128xi32>
    %sub3A_2370 = arith.constant 1.44782162 : f32
    %sub3A_2371 = vector.broadcast %sub3A_2370 : f32 to vector<64x128xf32>
    %sub3A_2372 = arith.subf %squeeze3A_2366, %sub3A_2371 : vector<64x128xf32>
    %select_n3A_2373 = arith.select %eq3A_2369, %sub3A_2372, %squeeze3A_2366 : vector<64x128xi1>, vector<64x128xf32>
    %exp3A_2374 = math.exp %select_n3A_2373 : vector<64x128xf32>
    %add3A_2375 = arith.addf %add3A_2360, %exp3A_2374 : vector<64x128xf32>
    %jit3A_2376 = arith.constant 0.000000e+00 : f32
    %broadcast_in_dim3A_2377 = vector.broadcast %jit3A_2376 : f32 to vector<64x128xf32>
    %select_n3A_2378 = arith.select %eq3A_2369, %sub3A_2372, %broadcast_in_dim3A_2377 : vector<64x128xi1>, vector<64x128xf32>
    %add3A_2379 = arith.addf %add3A_2364, %select_n3A_2378 : vector<64x128xf32>
    %slice3A_2380 = vector.extract_strided_slice %transpose3A_2270 {offsets = [7, 0, 0], sizes = [1, 64, 128], strides = [1, 1, 1]} : vector<8x64x128xf32> to vector<1x64x128xf32>
    %squeeze3A_2381 = vector.shape_cast %slice3A_2380 : vector<1x64x128xf32> to vector<64x128xf32>
    %eq3A_2382 = arith.constant 7 : i32
    %eq3A_2383 = vector.broadcast %eq3A_2382 : i32 to vector<64x128xi32>
    %eq3A_2384 = arith.cmpi eq, %and3A_2261, %eq3A_2383 : vector<64x128xi32>
    %sub3A_2385 = arith.constant 1.3795656 : f32
    %sub3A_2386 = vector.broadcast %sub3A_2385 : f32 to vector<64x128xf32>
    %sub3A_2387 = arith.subf %squeeze3A_2381, %sub3A_2386 : vector<64x128xf32>
    %select_n3A_2388 = arith.select %eq3A_2384, %sub3A_2387, %squeeze3A_2381 : vector<64x128xi1>, vector<64x128xf32>
    %exp3A_2389 = math.exp %select_n3A_2388 : vector<64x128xf32>
    %add3A_2390 = arith.addf %add3A_2375, %exp3A_2389 : vector<64x128xf32>
    %jit3A_2391 = arith.constant 0.000000e+00 : f32
    %broadcast_in_dim3A_2392 = vector.broadcast %jit3A_2391 : f32 to vector<64x128xf32>
    %select_n3A_2393 = arith.select %eq3A_2384, %sub3A_2387, %broadcast_in_dim3A_2392 : vector<64x128xi1>, vector<64x128xf32>
    %add3A_2394 = arith.addf %add3A_2379, %select_n3A_2393 : vector<64x128xf32>
    %log3A_2395 = math.log %add3A_2390 : vector<64x128xf32>
    %sub3A_2396 = arith.subf %log3A_2395, %add3A_2394 : vector<64x128xf32>
    %mul3A_2397 = arith.mulf %convert_element_type3A_2265, %sub3A_2396 : vector<64x128xf32>
    %reshape3A_2398 = vector.shape_cast %mul3A_2397 : vector<64x128xf32> to vector<8x8x128xf32>
    %reduce_sum3A_2399 = arith.constant dense<0.000000e+00> : vector<8x128xf32>
    %reduce_sum3A_2400 = vector.multi_reduction <add>, %reshape3A_2398, %reduce_sum3A_2399 [0] : vector<8x8x128xf32> to vector<8x128xf32>
    %add3A_2401 = arith.addf %add3A_2250, %reduce_sum3A_2400 : vector<8x128xf32>
    %reshape3A_2402 = vector.shape_cast %convert_element_type3A_2265 : vector<64x128xf32> to vector<8x8x128xf32>
    %reduce_sum3A_2403 = arith.constant dense<0.000000e+00> : vector<8x128xf32>
    %reduce_sum3A_2404 = vector.multi_reduction <add>, %reshape3A_2402, %reduce_sum3A_2403 [0] : vector<8x8x128xf32> to vector<8x128xf32>
    %add3A_2405 = arith.addf %add3A_2254, %reduce_sum3A_2404 : vector<8x128xf32>
    %get3A_2406 = arith.constant 1024 : index
    %get3A_2407 = arith.constant 0 : index
    %get3A_2408 = vector.load %arg2[%get3A_2406, %get3A_2407] : memref<1920x128xi8, #tpu.memory_space<vmem>>, vector<64x128xi8>
    %convert_element_type3A_2409 = arith.extsi %get3A_2408 : vector<64x128xi8> to vector<64x128xi32>
    %and3A_2410 = arith.constant 7 : i32
    %and3A_2411 = vector.broadcast %and3A_2410 : i32 to vector<64x128xi32>
    %and3A_2412 = arith.andi %convert_element_type3A_2409, %and3A_2411 : vector<64x128xi32>
    %shift_right_arithmetic3A_2413 = arith.constant 3 : i32
    %shift_right_arithmetic3A_2414 = vector.broadcast %shift_right_arithmetic3A_2413 : i32 to vector<64x128xi32>
    %shift_right_arithmetic3A_2415 = arith.shrsi %convert_element_type3A_2409, %shift_right_arithmetic3A_2414 : vector<64x128xi32>
    %convert_element_type3A_2416 = arith.sitofp %shift_right_arithmetic3A_2415 : vector<64x128xi32> to vector<64x128xf32>
    %get3A_2417 = arith.constant 1024 : index
    %get3A_2418 = arith.constant 0 : index
    %get3A_2419 = arith.constant 0 : index
    %get3A_2420 = vector.load %arg1[%get3A_2417, %get3A_2418, %get3A_2419] : memref<1920x8x128xf32, #tpu.memory_space<vmem>>, vector<64x8x128xf32>
    %transpose3A_2421 = tpu.transpose %get3A_2420, [1, 0, 2] : vector<64x8x128xf32> -> vector<8x64x128xf32>
    %broadcast_in_dim3A_2422 = arith.constant 0.000000e+00 : f32
    %broadcast_in_dim3A_2423 = vector.broadcast %broadcast_in_dim3A_2422 : f32 to vector<64x128xf32>
    %broadcast_in_dim3A_2424 = arith.constant 0.000000e+00 : f32
    %broadcast_in_dim3A_2425 = vector.broadcast %broadcast_in_dim3A_2424 : f32 to vector<64x128xf32>
    %slice3A_2426 = vector.extract_strided_slice %transpose3A_2421 {offsets = [0, 0, 0], sizes = [1, 64, 128], strides = [1, 1, 1]} : vector<8x64x128xf32> to vector<1x64x128xf32>
    %squeeze3A_2427 = vector.shape_cast %slice3A_2426 : vector<1x64x128xf32> to vector<64x128xf32>
    %eq3A_2428 = arith.constant 0 : i32
    %eq3A_2429 = vector.broadcast %eq3A_2428 : i32 to vector<64x128xi32>
    %eq3A_2430 = arith.cmpi eq, %and3A_2412, %eq3A_2429 : vector<64x128xi32>
    %sub3A_2431 = arith.constant 1.08857441 : f32
    %sub3A_2432 = vector.broadcast %sub3A_2431 : f32 to vector<64x128xf32>
    %sub3A_2433 = arith.subf %squeeze3A_2427, %sub3A_2432 : vector<64x128xf32>
    %select_n3A_2434 = arith.select %eq3A_2430, %sub3A_2433, %squeeze3A_2427 : vector<64x128xi1>, vector<64x128xf32>
    %exp3A_2435 = math.exp %select_n3A_2434 : vector<64x128xf32>
    %add3A_2436 = arith.addf %broadcast_in_dim3A_2423, %exp3A_2435 : vector<64x128xf32>
    %jit3A_2437 = arith.constant 0.000000e+00 : f32
    %broadcast_in_dim3A_2438 = vector.broadcast %jit3A_2437 : f32 to vector<64x128xf32>
    %select_n3A_2439 = arith.select %eq3A_2430, %sub3A_2433, %broadcast_in_dim3A_2438 : vector<64x128xi1>, vector<64x128xf32>
    %add3A_2440 = arith.addf %broadcast_in_dim3A_2425, %select_n3A_2439 : vector<64x128xf32>
    %slice3A_2441 = vector.extract_strided_slice %transpose3A_2421 {offsets = [1, 0, 0], sizes = [1, 64, 128], strides = [1, 1, 1]} : vector<8x64x128xf32> to vector<1x64x128xf32>
    %squeeze3A_2442 = vector.shape_cast %slice3A_2441 : vector<1x64x128xf32> to vector<64x128xf32>
    %eq3A_2443 = arith.constant 1 : i32
    %eq3A_2444 = vector.broadcast %eq3A_2443 : i32 to vector<64x128xi32>
    %eq3A_2445 = arith.cmpi eq, %and3A_2412, %eq3A_2444 : vector<64x128xi32>
    %sub3A_2446 = arith.constant 2.400000e+00 : f32
    %sub3A_2447 = vector.broadcast %sub3A_2446 : f32 to vector<64x128xf32>
    %sub3A_2448 = arith.subf %squeeze3A_2442, %sub3A_2447 : vector<64x128xf32>
    %select_n3A_2449 = arith.select %eq3A_2445, %sub3A_2448, %squeeze3A_2442 : vector<64x128xi1>, vector<64x128xf32>
    %exp3A_2450 = math.exp %select_n3A_2449 : vector<64x128xf32>
    %add3A_2451 = arith.addf %add3A_2436, %exp3A_2450 : vector<64x128xf32>
    %jit3A_2452 = arith.constant 0.000000e+00 : f32
    %broadcast_in_dim3A_2453 = vector.broadcast %jit3A_2452 : f32 to vector<64x128xf32>
    %select_n3A_2454 = arith.select %eq3A_2445, %sub3A_2448, %broadcast_in_dim3A_2453 : vector<64x128xi1>, vector<64x128xf32>
    %add3A_2455 = arith.addf %add3A_2440, %select_n3A_2454 : vector<64x128xf32>
    %slice3A_2456 = vector.extract_strided_slice %transpose3A_2421 {offsets = [2, 0, 0], sizes = [1, 64, 128], strides = [1, 1, 1]} : vector<8x64x128xf32> to vector<1x64x128xf32>
    %squeeze3A_2457 = vector.shape_cast %slice3A_2456 : vector<1x64x128xf32> to vector<64x128xf32>
    %eq3A_2458 = arith.constant 2 : i32
    %eq3A_2459 = vector.broadcast %eq3A_2458 : i32 to vector<64x128xi32>
    %eq3A_2460 = arith.cmpi eq, %and3A_2412, %eq3A_2459 : vector<64x128xi32>
    %sub3A_2461 = arith.constant 1.18135118 : f32
    %sub3A_2462 = vector.broadcast %sub3A_2461 : f32 to vector<64x128xf32>
    %sub3A_2463 = arith.subf %squeeze3A_2457, %sub3A_2462 : vector<64x128xf32>
    %select_n3A_2464 = arith.select %eq3A_2460, %sub3A_2463, %squeeze3A_2457 : vector<64x128xi1>, vector<64x128xf32>
    %exp3A_2465 = math.exp %select_n3A_2464 : vector<64x128xf32>
    %add3A_2466 = arith.addf %add3A_2451, %exp3A_2465 : vector<64x128xf32>
    %jit3A_2467 = arith.constant 0.000000e+00 : f32
    %broadcast_in_dim3A_2468 = vector.broadcast %jit3A_2467 : f32 to vector<64x128xf32>
    %select_n3A_2469 = arith.select %eq3A_2460, %sub3A_2463, %broadcast_in_dim3A_2468 : vector<64x128xi1>, vector<64x128xf32>
    %add3A_2470 = arith.addf %add3A_2455, %select_n3A_2469 : vector<64x128xf32>
    %slice3A_2471 = vector.extract_strided_slice %transpose3A_2421 {offsets = [3, 0, 0], sizes = [1, 64, 128], strides = [1, 1, 1]} : vector<8x64x128xf32> to vector<1x64x128xf32>
    %squeeze3A_2472 = vector.shape_cast %slice3A_2471 : vector<1x64x128xf32> to vector<64x128xf32>
    %eq3A_2473 = arith.constant 3 : i32
    %eq3A_2474 = vector.broadcast %eq3A_2473 : i32 to vector<64x128xi32>
    %eq3A_2475 = arith.cmpi eq, %and3A_2412, %eq3A_2474 : vector<64x128xi32>
    %sub3A_2476 = arith.constant 1.84070837 : f32
    %sub3A_2477 = vector.broadcast %sub3A_2476 : f32 to vector<64x128xf32>
    %sub3A_2478 = arith.subf %squeeze3A_2472, %sub3A_2477 : vector<64x128xf32>
    %select_n3A_2479 = arith.select %eq3A_2475, %sub3A_2478, %squeeze3A_2472 : vector<64x128xi1>, vector<64x128xf32>
    %exp3A_2480 = math.exp %select_n3A_2479 : vector<64x128xf32>
    %add3A_2481 = arith.addf %add3A_2466, %exp3A_2480 : vector<64x128xf32>
    %jit3A_2482 = arith.constant 0.000000e+00 : f32
    %broadcast_in_dim3A_2483 = vector.broadcast %jit3A_2482 : f32 to vector<64x128xf32>
    %select_n3A_2484 = arith.select %eq3A_2475, %sub3A_2478, %broadcast_in_dim3A_2483 : vector<64x128xi1>, vector<64x128xf32>
    %add3A_2485 = arith.addf %add3A_2470, %select_n3A_2484 : vector<64x128xf32>
    %slice3A_2486 = vector.extract_strided_slice %transpose3A_2421 {offsets = [4, 0, 0], sizes = [1, 64, 128], strides = [1, 1, 1]} : vector<8x64x128xf32> to vector<1x64x128xf32>
    %squeeze3A_2487 = vector.shape_cast %slice3A_2486 : vector<1x64x128xf32> to vector<64x128xf32>
    %eq3A_2488 = arith.constant 4 : i32
    %eq3A_2489 = vector.broadcast %eq3A_2488 : i32 to vector<64x128xi32>
    %eq3A_2490 = arith.cmpi eq, %and3A_2412, %eq3A_2489 : vector<64x128xi32>
    %sub3A_2491 = arith.constant 2.400000e+00 : f32
    %sub3A_2492 = vector.broadcast %sub3A_2491 : f32 to vector<64x128xf32>
    %sub3A_2493 = arith.subf %squeeze3A_2487, %sub3A_2492 : vector<64x128xf32>
    %select_n3A_2494 = arith.select %eq3A_2490, %sub3A_2493, %squeeze3A_2487 : vector<64x128xi1>, vector<64x128xf32>
    %exp3A_2495 = math.exp %select_n3A_2494 : vector<64x128xf32>
    %add3A_2496 = arith.addf %add3A_2481, %exp3A_2495 : vector<64x128xf32>
    %jit3A_2497 = arith.constant 0.000000e+00 : f32
    %broadcast_in_dim3A_2498 = vector.broadcast %jit3A_2497 : f32 to vector<64x128xf32>
    %select_n3A_2499 = arith.select %eq3A_2490, %sub3A_2493, %broadcast_in_dim3A_2498 : vector<64x128xi1>, vector<64x128xf32>
    %add3A_2500 = arith.addf %add3A_2485, %select_n3A_2499 : vector<64x128xf32>
    %slice3A_2501 = vector.extract_strided_slice %transpose3A_2421 {offsets = [5, 0, 0], sizes = [1, 64, 128], strides = [1, 1, 1]} : vector<8x64x128xf32> to vector<1x64x128xf32>
    %squeeze3A_2502 = vector.shape_cast %slice3A_2501 : vector<1x64x128xf32> to vector<64x128xf32>
    %eq3A_2503 = arith.constant 5 : i32
    %eq3A_2504 = vector.broadcast %eq3A_2503 : i32 to vector<64x128xi32>
    %eq3A_2505 = arith.cmpi eq, %and3A_2412, %eq3A_2504 : vector<64x128xi32>
    %sub3A_2506 = arith.constant 1.05176699 : f32
    %sub3A_2507 = vector.broadcast %sub3A_2506 : f32 to vector<64x128xf32>
    %sub3A_2508 = arith.subf %squeeze3A_2502, %sub3A_2507 : vector<64x128xf32>
    %select_n3A_2509 = arith.select %eq3A_2505, %sub3A_2508, %squeeze3A_2502 : vector<64x128xi1>, vector<64x128xf32>
    %exp3A_2510 = math.exp %select_n3A_2509 : vector<64x128xf32>
    %add3A_2511 = arith.addf %add3A_2496, %exp3A_2510 : vector<64x128xf32>
    %jit3A_2512 = arith.constant 0.000000e+00 : f32
    %broadcast_in_dim3A_2513 = vector.broadcast %jit3A_2512 : f32 to vector<64x128xf32>
    %select_n3A_2514 = arith.select %eq3A_2505, %sub3A_2508, %broadcast_in_dim3A_2513 : vector<64x128xi1>, vector<64x128xf32>
    %add3A_2515 = arith.addf %add3A_2500, %select_n3A_2514 : vector<64x128xf32>
    %slice3A_2516 = vector.extract_strided_slice %transpose3A_2421 {offsets = [6, 0, 0], sizes = [1, 64, 128], strides = [1, 1, 1]} : vector<8x64x128xf32> to vector<1x64x128xf32>
    %squeeze3A_2517 = vector.shape_cast %slice3A_2516 : vector<1x64x128xf32> to vector<64x128xf32>
    %eq3A_2518 = arith.constant 6 : i32
    %eq3A_2519 = vector.broadcast %eq3A_2518 : i32 to vector<64x128xi32>
    %eq3A_2520 = arith.cmpi eq, %and3A_2412, %eq3A_2519 : vector<64x128xi32>
    %sub3A_2521 = arith.constant 1.44782162 : f32
    %sub3A_2522 = vector.broadcast %sub3A_2521 : f32 to vector<64x128xf32>
    %sub3A_2523 = arith.subf %squeeze3A_2517, %sub3A_2522 : vector<64x128xf32>
    %select_n3A_2524 = arith.select %eq3A_2520, %sub3A_2523, %squeeze3A_2517 : vector<64x128xi1>, vector<64x128xf32>
    %exp3A_2525 = math.exp %select_n3A_2524 : vector<64x128xf32>
    %add3A_2526 = arith.addf %add3A_2511, %exp3A_2525 : vector<64x128xf32>
    %jit3A_2527 = arith.constant 0.000000e+00 : f32
    %broadcast_in_dim3A_2528 = vector.broadcast %jit3A_2527 : f32 to vector<64x128xf32>
    %select_n3A_2529 = arith.select %eq3A_2520, %sub3A_2523, %broadcast_in_dim3A_2528 : vector<64x128xi1>, vector<64x128xf32>
    %add3A_2530 = arith.addf %add3A_2515, %select_n3A_2529 : vector<64x128xf32>
    %slice3A_2531 = vector.extract_strided_slice %transpose3A_2421 {offsets = [7, 0, 0], sizes = [1, 64, 128], strides = [1, 1, 1]} : vector<8x64x128xf32> to vector<1x64x128xf32>
    %squeeze3A_2532 = vector.shape_cast %slice3A_2531 : vector<1x64x128xf32> to vector<64x128xf32>
    %eq3A_2533 = arith.constant 7 : i32
    %eq3A_2534 = vector.broadcast %eq3A_2533 : i32 to vector<64x128xi32>
    %eq3A_2535 = arith.cmpi eq, %and3A_2412, %eq3A_2534 : vector<64x128xi32>
    %sub3A_2536 = arith.constant 1.3795656 : f32
    %sub3A_2537 = vector.broadcast %sub3A_2536 : f32 to vector<64x128xf32>
    %sub3A_2538 = arith.subf %squeeze3A_2532, %sub3A_2537 : vector<64x128xf32>
    %select_n3A_2539 = arith.select %eq3A_2535, %sub3A_2538, %squeeze3A_2532 : vector<64x128xi1>, vector<64x128xf32>
    %exp3A_2540 = math.exp %select_n3A_2539 : vector<64x128xf32>
    %add3A_2541 = arith.addf %add3A_2526, %exp3A_2540 : vector<64x128xf32>
    %jit3A_2542 = arith.constant 0.000000e+00 : f32
    %broadcast_in_dim3A_2543 = vector.broadcast %jit3A_2542 : f32 to vector<64x128xf32>
    %select_n3A_2544 = arith.select %eq3A_2535, %sub3A_2538, %broadcast_in_dim3A_2543 : vector<64x128xi1>, vector<64x128xf32>
    %add3A_2545 = arith.addf %add3A_2530, %select_n3A_2544 : vector<64x128xf32>
    %log3A_2546 = math.log %add3A_2541 : vector<64x128xf32>
    %sub3A_2547 = arith.subf %log3A_2546, %add3A_2545 : vector<64x128xf32>
    %mul3A_2548 = arith.mulf %convert_element_type3A_2416, %sub3A_2547 : vector<64x128xf32>
    %reshape3A_2549 = vector.shape_cast %mul3A_2548 : vector<64x128xf32> to vector<8x8x128xf32>
    %reduce_sum3A_2550 = arith.constant dense<0.000000e+00> : vector<8x128xf32>
    %reduce_sum3A_2551 = vector.multi_reduction <add>, %reshape3A_2549, %reduce_sum3A_2550 [0] : vector<8x8x128xf32> to vector<8x128xf32>
    %add3A_2552 = arith.addf %add3A_2401, %reduce_sum3A_2551 : vector<8x128xf32>
    %reshape3A_2553 = vector.shape_cast %convert_element_type3A_2416 : vector<64x128xf32> to vector<8x8x128xf32>
    %reduce_sum3A_2554 = arith.constant dense<0.000000e+00> : vector<8x128xf32>
    %reduce_sum3A_2555 = vector.multi_reduction <add>, %reshape3A_2553, %reduce_sum3A_2554 [0] : vector<8x8x128xf32> to vector<8x128xf32>
    %add3A_2556 = arith.addf %add3A_2405, %reduce_sum3A_2555 : vector<8x128xf32>
    %get3A_2557 = arith.constant 1088 : index
    %get3A_2558 = arith.constant 0 : index
    %get3A_2559 = vector.load %arg2[%get3A_2557, %get3A_2558] : memref<1920x128xi8, #tpu.memory_space<vmem>>, vector<64x128xi8>
    %convert_element_type3A_2560 = arith.extsi %get3A_2559 : vector<64x128xi8> to vector<64x128xi32>
    %and3A_2561 = arith.constant 7 : i32
    %and3A_2562 = vector.broadcast %and3A_2561 : i32 to vector<64x128xi32>
    %and3A_2563 = arith.andi %convert_element_type3A_2560, %and3A_2562 : vector<64x128xi32>
    %shift_right_arithmetic3A_2564 = arith.constant 3 : i32
    %shift_right_arithmetic3A_2565 = vector.broadcast %shift_right_arithmetic3A_2564 : i32 to vector<64x128xi32>
    %shift_right_arithmetic3A_2566 = arith.shrsi %convert_element_type3A_2560, %shift_right_arithmetic3A_2565 : vector<64x128xi32>
    %convert_element_type3A_2567 = arith.sitofp %shift_right_arithmetic3A_2566 : vector<64x128xi32> to vector<64x128xf32>
    %get3A_2568 = arith.constant 1088 : index
    %get3A_2569 = arith.constant 0 : index
    %get3A_2570 = arith.constant 0 : index
    %get3A_2571 = vector.load %arg1[%get3A_2568, %get3A_2569, %get3A_2570] : memref<1920x8x128xf32, #tpu.memory_space<vmem>>, vector<64x8x128xf32>
    %transpose3A_2572 = tpu.transpose %get3A_2571, [1, 0, 2] : vector<64x8x128xf32> -> vector<8x64x128xf32>
    %broadcast_in_dim3A_2573 = arith.constant 0.000000e+00 : f32
    %broadcast_in_dim3A_2574 = vector.broadcast %broadcast_in_dim3A_2573 : f32 to vector<64x128xf32>
    %broadcast_in_dim3A_2575 = arith.constant 0.000000e+00 : f32
    %broadcast_in_dim3A_2576 = vector.broadcast %broadcast_in_dim3A_2575 : f32 to vector<64x128xf32>
    %slice3A_2577 = vector.extract_strided_slice %transpose3A_2572 {offsets = [0, 0, 0], sizes = [1, 64, 128], strides = [1, 1, 1]} : vector<8x64x128xf32> to vector<1x64x128xf32>
    %squeeze3A_2578 = vector.shape_cast %slice3A_2577 : vector<1x64x128xf32> to vector<64x128xf32>
    %eq3A_2579 = arith.constant 0 : i32
    %eq3A_2580 = vector.broadcast %eq3A_2579 : i32 to vector<64x128xi32>
    %eq3A_2581 = arith.cmpi eq, %and3A_2563, %eq3A_2580 : vector<64x128xi32>
    %sub3A_2582 = arith.constant 1.08857441 : f32
    %sub3A_2583 = vector.broadcast %sub3A_2582 : f32 to vector<64x128xf32>
    %sub3A_2584 = arith.subf %squeeze3A_2578, %sub3A_2583 : vector<64x128xf32>
    %select_n3A_2585 = arith.select %eq3A_2581, %sub3A_2584, %squeeze3A_2578 : vector<64x128xi1>, vector<64x128xf32>
    %exp3A_2586 = math.exp %select_n3A_2585 : vector<64x128xf32>
    %add3A_2587 = arith.addf %broadcast_in_dim3A_2574, %exp3A_2586 : vector<64x128xf32>
    %jit3A_2588 = arith.constant 0.000000e+00 : f32
    %broadcast_in_dim3A_2589 = vector.broadcast %jit3A_2588 : f32 to vector<64x128xf32>
    %select_n3A_2590 = arith.select %eq3A_2581, %sub3A_2584, %broadcast_in_dim3A_2589 : vector<64x128xi1>, vector<64x128xf32>
    %add3A_2591 = arith.addf %broadcast_in_dim3A_2576, %select_n3A_2590 : vector<64x128xf32>
    %slice3A_2592 = vector.extract_strided_slice %transpose3A_2572 {offsets = [1, 0, 0], sizes = [1, 64, 128], strides = [1, 1, 1]} : vector<8x64x128xf32> to vector<1x64x128xf32>
    %squeeze3A_2593 = vector.shape_cast %slice3A_2592 : vector<1x64x128xf32> to vector<64x128xf32>
    %eq3A_2594 = arith.constant 1 : i32
    %eq3A_2595 = vector.broadcast %eq3A_2594 : i32 to vector<64x128xi32>
    %eq3A_2596 = arith.cmpi eq, %and3A_2563, %eq3A_2595 : vector<64x128xi32>
    %sub3A_2597 = arith.constant 2.400000e+00 : f32
    %sub3A_2598 = vector.broadcast %sub3A_2597 : f32 to vector<64x128xf32>
    %sub3A_2599 = arith.subf %squeeze3A_2593, %sub3A_2598 : vector<64x128xf32>
    %select_n3A_2600 = arith.select %eq3A_2596, %sub3A_2599, %squeeze3A_2593 : vector<64x128xi1>, vector<64x128xf32>
    %exp3A_2601 = math.exp %select_n3A_2600 : vector<64x128xf32>
    %add3A_2602 = arith.addf %add3A_2587, %exp3A_2601 : vector<64x128xf32>
    %jit3A_2603 = arith.constant 0.000000e+00 : f32
    %broadcast_in_dim3A_2604 = vector.broadcast %jit3A_2603 : f32 to vector<64x128xf32>
    %select_n3A_2605 = arith.select %eq3A_2596, %sub3A_2599, %broadcast_in_dim3A_2604 : vector<64x128xi1>, vector<64x128xf32>
    %add3A_2606 = arith.addf %add3A_2591, %select_n3A_2605 : vector<64x128xf32>
    %slice3A_2607 = vector.extract_strided_slice %transpose3A_2572 {offsets = [2, 0, 0], sizes = [1, 64, 128], strides = [1, 1, 1]} : vector<8x64x128xf32> to vector<1x64x128xf32>
    %squeeze3A_2608 = vector.shape_cast %slice3A_2607 : vector<1x64x128xf32> to vector<64x128xf32>
    %eq3A_2609 = arith.constant 2 : i32
    %eq3A_2610 = vector.broadcast %eq3A_2609 : i32 to vector<64x128xi32>
    %eq3A_2611 = arith.cmpi eq, %and3A_2563, %eq3A_2610 : vector<64x128xi32>
    %sub3A_2612 = arith.constant 1.18135118 : f32
    %sub3A_2613 = vector.broadcast %sub3A_2612 : f32 to vector<64x128xf32>
    %sub3A_2614 = arith.subf %squeeze3A_2608, %sub3A_2613 : vector<64x128xf32>
    %select_n3A_2615 = arith.select %eq3A_2611, %sub3A_2614, %squeeze3A_2608 : vector<64x128xi1>, vector<64x128xf32>
    %exp3A_2616 = math.exp %select_n3A_2615 : vector<64x128xf32>
    %add3A_2617 = arith.addf %add3A_2602, %exp3A_2616 : vector<64x128xf32>
    %jit3A_2618 = arith.constant 0.000000e+00 : f32
    %broadcast_in_dim3A_2619 = vector.broadcast %jit3A_2618 : f32 to vector<64x128xf32>
    %select_n3A_2620 = arith.select %eq3A_2611, %sub3A_2614, %broadcast_in_dim3A_2619 : vector<64x128xi1>, vector<64x128xf32>
    %add3A_2621 = arith.addf %add3A_2606, %select_n3A_2620 : vector<64x128xf32>
    %slice3A_2622 = vector.extract_strided_slice %transpose3A_2572 {offsets = [3, 0, 0], sizes = [1, 64, 128], strides = [1, 1, 1]} : vector<8x64x128xf32> to vector<1x64x128xf32>
    %squeeze3A_2623 = vector.shape_cast %slice3A_2622 : vector<1x64x128xf32> to vector<64x128xf32>
    %eq3A_2624 = arith.constant 3 : i32
    %eq3A_2625 = vector.broadcast %eq3A_2624 : i32 to vector<64x128xi32>
    %eq3A_2626 = arith.cmpi eq, %and3A_2563, %eq3A_2625 : vector<64x128xi32>
    %sub3A_2627 = arith.constant 1.84070837 : f32
    %sub3A_2628 = vector.broadcast %sub3A_2627 : f32 to vector<64x128xf32>
    %sub3A_2629 = arith.subf %squeeze3A_2623, %sub3A_2628 : vector<64x128xf32>
    %select_n3A_2630 = arith.select %eq3A_2626, %sub3A_2629, %squeeze3A_2623 : vector<64x128xi1>, vector<64x128xf32>
    %exp3A_2631 = math.exp %select_n3A_2630 : vector<64x128xf32>
    %add3A_2632 = arith.addf %add3A_2617, %exp3A_2631 : vector<64x128xf32>
    %jit3A_2633 = arith.constant 0.000000e+00 : f32
    %broadcast_in_dim3A_2634 = vector.broadcast %jit3A_2633 : f32 to vector<64x128xf32>
    %select_n3A_2635 = arith.select %eq3A_2626, %sub3A_2629, %broadcast_in_dim3A_2634 : vector<64x128xi1>, vector<64x128xf32>
    %add3A_2636 = arith.addf %add3A_2621, %select_n3A_2635 : vector<64x128xf32>
    %slice3A_2637 = vector.extract_strided_slice %transpose3A_2572 {offsets = [4, 0, 0], sizes = [1, 64, 128], strides = [1, 1, 1]} : vector<8x64x128xf32> to vector<1x64x128xf32>
    %squeeze3A_2638 = vector.shape_cast %slice3A_2637 : vector<1x64x128xf32> to vector<64x128xf32>
    %eq3A_2639 = arith.constant 4 : i32
    %eq3A_2640 = vector.broadcast %eq3A_2639 : i32 to vector<64x128xi32>
    %eq3A_2641 = arith.cmpi eq, %and3A_2563, %eq3A_2640 : vector<64x128xi32>
    %sub3A_2642 = arith.constant 2.400000e+00 : f32
    %sub3A_2643 = vector.broadcast %sub3A_2642 : f32 to vector<64x128xf32>
    %sub3A_2644 = arith.subf %squeeze3A_2638, %sub3A_2643 : vector<64x128xf32>
    %select_n3A_2645 = arith.select %eq3A_2641, %sub3A_2644, %squeeze3A_2638 : vector<64x128xi1>, vector<64x128xf32>
    %exp3A_2646 = math.exp %select_n3A_2645 : vector<64x128xf32>
    %add3A_2647 = arith.addf %add3A_2632, %exp3A_2646 : vector<64x128xf32>
    %jit3A_2648 = arith.constant 0.000000e+00 : f32
    %broadcast_in_dim3A_2649 = vector.broadcast %jit3A_2648 : f32 to vector<64x128xf32>
    %select_n3A_2650 = arith.select %eq3A_2641, %sub3A_2644, %broadcast_in_dim3A_2649 : vector<64x128xi1>, vector<64x128xf32>
    %add3A_2651 = arith.addf %add3A_2636, %select_n3A_2650 : vector<64x128xf32>
    %slice3A_2652 = vector.extract_strided_slice %transpose3A_2572 {offsets = [5, 0, 0], sizes = [1, 64, 128], strides = [1, 1, 1]} : vector<8x64x128xf32> to vector<1x64x128xf32>
    %squeeze3A_2653 = vector.shape_cast %slice3A_2652 : vector<1x64x128xf32> to vector<64x128xf32>
    %eq3A_2654 = arith.constant 5 : i32
    %eq3A_2655 = vector.broadcast %eq3A_2654 : i32 to vector<64x128xi32>
    %eq3A_2656 = arith.cmpi eq, %and3A_2563, %eq3A_2655 : vector<64x128xi32>
    %sub3A_2657 = arith.constant 1.05176699 : f32
    %sub3A_2658 = vector.broadcast %sub3A_2657 : f32 to vector<64x128xf32>
    %sub3A_2659 = arith.subf %squeeze3A_2653, %sub3A_2658 : vector<64x128xf32>
    %select_n3A_2660 = arith.select %eq3A_2656, %sub3A_2659, %squeeze3A_2653 : vector<64x128xi1>, vector<64x128xf32>
    %exp3A_2661 = math.exp %select_n3A_2660 : vector<64x128xf32>
    %add3A_2662 = arith.addf %add3A_2647, %exp3A_2661 : vector<64x128xf32>
    %jit3A_2663 = arith.constant 0.000000e+00 : f32
    %broadcast_in_dim3A_2664 = vector.broadcast %jit3A_2663 : f32 to vector<64x128xf32>
    %select_n3A_2665 = arith.select %eq3A_2656, %sub3A_2659, %broadcast_in_dim3A_2664 : vector<64x128xi1>, vector<64x128xf32>
    %add3A_2666 = arith.addf %add3A_2651, %select_n3A_2665 : vector<64x128xf32>
    %slice3A_2667 = vector.extract_strided_slice %transpose3A_2572 {offsets = [6, 0, 0], sizes = [1, 64, 128], strides = [1, 1, 1]} : vector<8x64x128xf32> to vector<1x64x128xf32>
    %squeeze3A_2668 = vector.shape_cast %slice3A_2667 : vector<1x64x128xf32> to vector<64x128xf32>
    %eq3A_2669 = arith.constant 6 : i32
    %eq3A_2670 = vector.broadcast %eq3A_2669 : i32 to vector<64x128xi32>
    %eq3A_2671 = arith.cmpi eq, %and3A_2563, %eq3A_2670 : vector<64x128xi32>
    %sub3A_2672 = arith.constant 1.44782162 : f32
    %sub3A_2673 = vector.broadcast %sub3A_2672 : f32 to vector<64x128xf32>
    %sub3A_2674 = arith.subf %squeeze3A_2668, %sub3A_2673 : vector<64x128xf32>
    %select_n3A_2675 = arith.select %eq3A_2671, %sub3A_2674, %squeeze3A_2668 : vector<64x128xi1>, vector<64x128xf32>
    %exp3A_2676 = math.exp %select_n3A_2675 : vector<64x128xf32>
    %add3A_2677 = arith.addf %add3A_2662, %exp3A_2676 : vector<64x128xf32>
    %jit3A_2678 = arith.constant 0.000000e+00 : f32
    %broadcast_in_dim3A_2679 = vector.broadcast %jit3A_2678 : f32 to vector<64x128xf32>
    %select_n3A_2680 = arith.select %eq3A_2671, %sub3A_2674, %broadcast_in_dim3A_2679 : vector<64x128xi1>, vector<64x128xf32>
    %add3A_2681 = arith.addf %add3A_2666, %select_n3A_2680 : vector<64x128xf32>
    %slice3A_2682 = vector.extract_strided_slice %transpose3A_2572 {offsets = [7, 0, 0], sizes = [1, 64, 128], strides = [1, 1, 1]} : vector<8x64x128xf32> to vector<1x64x128xf32>
    %squeeze3A_2683 = vector.shape_cast %slice3A_2682 : vector<1x64x128xf32> to vector<64x128xf32>
    %eq3A_2684 = arith.constant 7 : i32
    %eq3A_2685 = vector.broadcast %eq3A_2684 : i32 to vector<64x128xi32>
    %eq3A_2686 = arith.cmpi eq, %and3A_2563, %eq3A_2685 : vector<64x128xi32>
    %sub3A_2687 = arith.constant 1.3795656 : f32
    %sub3A_2688 = vector.broadcast %sub3A_2687 : f32 to vector<64x128xf32>
    %sub3A_2689 = arith.subf %squeeze3A_2683, %sub3A_2688 : vector<64x128xf32>
    %select_n3A_2690 = arith.select %eq3A_2686, %sub3A_2689, %squeeze3A_2683 : vector<64x128xi1>, vector<64x128xf32>
    %exp3A_2691 = math.exp %select_n3A_2690 : vector<64x128xf32>
    %add3A_2692 = arith.addf %add3A_2677, %exp3A_2691 : vector<64x128xf32>
    %jit3A_2693 = arith.constant 0.000000e+00 : f32
    %broadcast_in_dim3A_2694 = vector.broadcast %jit3A_2693 : f32 to vector<64x128xf32>
    %select_n3A_2695 = arith.select %eq3A_2686, %sub3A_2689, %broadcast_in_dim3A_2694 : vector<64x128xi1>, vector<64x128xf32>
    %add3A_2696 = arith.addf %add3A_2681, %select_n3A_2695 : vector<64x128xf32>
    %log3A_2697 = math.log %add3A_2692 : vector<64x128xf32>
    %sub3A_2698 = arith.subf %log3A_2697, %add3A_2696 : vector<64x128xf32>
    %mul3A_2699 = arith.mulf %convert_element_type3A_2567, %sub3A_2698 : vector<64x128xf32>
    %reshape3A_2700 = vector.shape_cast %mul3A_2699 : vector<64x128xf32> to vector<8x8x128xf32>
    %reduce_sum3A_2701 = arith.constant dense<0.000000e+00> : vector<8x128xf32>
    %reduce_sum3A_2702 = vector.multi_reduction <add>, %reshape3A_2700, %reduce_sum3A_2701 [0] : vector<8x8x128xf32> to vector<8x128xf32>
    %add3A_2703 = arith.addf %add3A_2552, %reduce_sum3A_2702 : vector<8x128xf32>
    %reshape3A_2704 = vector.shape_cast %convert_element_type3A_2567 : vector<64x128xf32> to vector<8x8x128xf32>
    %reduce_sum3A_2705 = arith.constant dense<0.000000e+00> : vector<8x128xf32>
    %reduce_sum3A_2706 = vector.multi_reduction <add>, %reshape3A_2704, %reduce_sum3A_2705 [0] : vector<8x8x128xf32> to vector<8x128xf32>
    %add3A_2707 = arith.addf %add3A_2556, %reduce_sum3A_2706 : vector<8x128xf32>
    %get3A_2708 = arith.constant 1152 : index
    %get3A_2709 = arith.constant 0 : index
    %get3A_2710 = vector.load %arg2[%get3A_2708, %get3A_2709] : memref<1920x128xi8, #tpu.memory_space<vmem>>, vector<64x128xi8>
    %convert_element_type3A_2711 = arith.extsi %get3A_2710 : vector<64x128xi8> to vector<64x128xi32>
    %and3A_2712 = arith.constant 7 : i32
    %and3A_2713 = vector.broadcast %and3A_2712 : i32 to vector<64x128xi32>
    %and3A_2714 = arith.andi %convert_element_type3A_2711, %and3A_2713 : vector<64x128xi32>
    %shift_right_arithmetic3A_2715 = arith.constant 3 : i32
    %shift_right_arithmetic3A_2716 = vector.broadcast %shift_right_arithmetic3A_2715 : i32 to vector<64x128xi32>
    %shift_right_arithmetic3A_2717 = arith.shrsi %convert_element_type3A_2711, %shift_right_arithmetic3A_2716 : vector<64x128xi32>
    %convert_element_type3A_2718 = arith.sitofp %shift_right_arithmetic3A_2717 : vector<64x128xi32> to vector<64x128xf32>
    %get3A_2719 = arith.constant 1152 : index
    %get3A_2720 = arith.constant 0 : index
    %get3A_2721 = arith.constant 0 : index
    %get3A_2722 = vector.load %arg1[%get3A_2719, %get3A_2720, %get3A_2721] : memref<1920x8x128xf32, #tpu.memory_space<vmem>>, vector<64x8x128xf32>
    %transpose3A_2723 = tpu.transpose %get3A_2722, [1, 0, 2] : vector<64x8x128xf32> -> vector<8x64x128xf32>
    %broadcast_in_dim3A_2724 = arith.constant 0.000000e+00 : f32
    %broadcast_in_dim3A_2725 = vector.broadcast %broadcast_in_dim3A_2724 : f32 to vector<64x128xf32>
    %broadcast_in_dim3A_2726 = arith.constant 0.000000e+00 : f32
    %broadcast_in_dim3A_2727 = vector.broadcast %broadcast_in_dim3A_2726 : f32 to vector<64x128xf32>
    %slice3A_2728 = vector.extract_strided_slice %transpose3A_2723 {offsets = [0, 0, 0], sizes = [1, 64, 128], strides = [1, 1, 1]} : vector<8x64x128xf32> to vector<1x64x128xf32>
    %squeeze3A_2729 = vector.shape_cast %slice3A_2728 : vector<1x64x128xf32> to vector<64x128xf32>
    %eq3A_2730 = arith.constant 0 : i32
    %eq3A_2731 = vector.broadcast %eq3A_2730 : i32 to vector<64x128xi32>
    %eq3A_2732 = arith.cmpi eq, %and3A_2714, %eq3A_2731 : vector<64x128xi32>
    %sub3A_2733 = arith.constant 1.08857441 : f32
    %sub3A_2734 = vector.broadcast %sub3A_2733 : f32 to vector<64x128xf32>
    %sub3A_2735 = arith.subf %squeeze3A_2729, %sub3A_2734 : vector<64x128xf32>
    %select_n3A_2736 = arith.select %eq3A_2732, %sub3A_2735, %squeeze3A_2729 : vector<64x128xi1>, vector<64x128xf32>
    %exp3A_2737 = math.exp %select_n3A_2736 : vector<64x128xf32>
    %add3A_2738 = arith.addf %broadcast_in_dim3A_2725, %exp3A_2737 : vector<64x128xf32>
    %jit3A_2739 = arith.constant 0.000000e+00 : f32
    %broadcast_in_dim3A_2740 = vector.broadcast %jit3A_2739 : f32 to vector<64x128xf32>
    %select_n3A_2741 = arith.select %eq3A_2732, %sub3A_2735, %broadcast_in_dim3A_2740 : vector<64x128xi1>, vector<64x128xf32>
    %add3A_2742 = arith.addf %broadcast_in_dim3A_2727, %select_n3A_2741 : vector<64x128xf32>
    %slice3A_2743 = vector.extract_strided_slice %transpose3A_2723 {offsets = [1, 0, 0], sizes = [1, 64, 128], strides = [1, 1, 1]} : vector<8x64x128xf32> to vector<1x64x128xf32>
    %squeeze3A_2744 = vector.shape_cast %slice3A_2743 : vector<1x64x128xf32> to vector<64x128xf32>
    %eq3A_2745 = arith.constant 1 : i32
    %eq3A_2746 = vector.broadcast %eq3A_2745 : i32 to vector<64x128xi32>
    %eq3A_2747 = arith.cmpi eq, %and3A_2714, %eq3A_2746 : vector<64x128xi32>
    %sub3A_2748 = arith.constant 2.400000e+00 : f32
    %sub3A_2749 = vector.broadcast %sub3A_2748 : f32 to vector<64x128xf32>
    %sub3A_2750 = arith.subf %squeeze3A_2744, %sub3A_2749 : vector<64x128xf32>
    %select_n3A_2751 = arith.select %eq3A_2747, %sub3A_2750, %squeeze3A_2744 : vector<64x128xi1>, vector<64x128xf32>
    %exp3A_2752 = math.exp %select_n3A_2751 : vector<64x128xf32>
    %add3A_2753 = arith.addf %add3A_2738, %exp3A_2752 : vector<64x128xf32>
    %jit3A_2754 = arith.constant 0.000000e+00 : f32
    %broadcast_in_dim3A_2755 = vector.broadcast %jit3A_2754 : f32 to vector<64x128xf32>
    %select_n3A_2756 = arith.select %eq3A_2747, %sub3A_2750, %broadcast_in_dim3A_2755 : vector<64x128xi1>, vector<64x128xf32>
    %add3A_2757 = arith.addf %add3A_2742, %select_n3A_2756 : vector<64x128xf32>
    %slice3A_2758 = vector.extract_strided_slice %transpose3A_2723 {offsets = [2, 0, 0], sizes = [1, 64, 128], strides = [1, 1, 1]} : vector<8x64x128xf32> to vector<1x64x128xf32>
    %squeeze3A_2759 = vector.shape_cast %slice3A_2758 : vector<1x64x128xf32> to vector<64x128xf32>
    %eq3A_2760 = arith.constant 2 : i32
    %eq3A_2761 = vector.broadcast %eq3A_2760 : i32 to vector<64x128xi32>
    %eq3A_2762 = arith.cmpi eq, %and3A_2714, %eq3A_2761 : vector<64x128xi32>
    %sub3A_2763 = arith.constant 1.18135118 : f32
    %sub3A_2764 = vector.broadcast %sub3A_2763 : f32 to vector<64x128xf32>
    %sub3A_2765 = arith.subf %squeeze3A_2759, %sub3A_2764 : vector<64x128xf32>
    %select_n3A_2766 = arith.select %eq3A_2762, %sub3A_2765, %squeeze3A_2759 : vector<64x128xi1>, vector<64x128xf32>
    %exp3A_2767 = math.exp %select_n3A_2766 : vector<64x128xf32>
    %add3A_2768 = arith.addf %add3A_2753, %exp3A_2767 : vector<64x128xf32>
    %jit3A_2769 = arith.constant 0.000000e+00 : f32
    %broadcast_in_dim3A_2770 = vector.broadcast %jit3A_2769 : f32 to vector<64x128xf32>
    %select_n3A_2771 = arith.select %eq3A_2762, %sub3A_2765, %broadcast_in_dim3A_2770 : vector<64x128xi1>, vector<64x128xf32>
    %add3A_2772 = arith.addf %add3A_2757, %select_n3A_2771 : vector<64x128xf32>
    %slice3A_2773 = vector.extract_strided_slice %transpose3A_2723 {offsets = [3, 0, 0], sizes = [1, 64, 128], strides = [1, 1, 1]} : vector<8x64x128xf32> to vector<1x64x128xf32>
    %squeeze3A_2774 = vector.shape_cast %slice3A_2773 : vector<1x64x128xf32> to vector<64x128xf32>
    %eq3A_2775 = arith.constant 3 : i32
    %eq3A_2776 = vector.broadcast %eq3A_2775 : i32 to vector<64x128xi32>
    %eq3A_2777 = arith.cmpi eq, %and3A_2714, %eq3A_2776 : vector<64x128xi32>
    %sub3A_2778 = arith.constant 1.84070837 : f32
    %sub3A_2779 = vector.broadcast %sub3A_2778 : f32 to vector<64x128xf32>
    %sub3A_2780 = arith.subf %squeeze3A_2774, %sub3A_2779 : vector<64x128xf32>
    %select_n3A_2781 = arith.select %eq3A_2777, %sub3A_2780, %squeeze3A_2774 : vector<64x128xi1>, vector<64x128xf32>
    %exp3A_2782 = math.exp %select_n3A_2781 : vector<64x128xf32>
    %add3A_2783 = arith.addf %add3A_2768, %exp3A_2782 : vector<64x128xf32>
    %jit3A_2784 = arith.constant 0.000000e+00 : f32
    %broadcast_in_dim3A_2785 = vector.broadcast %jit3A_2784 : f32 to vector<64x128xf32>
    %select_n3A_2786 = arith.select %eq3A_2777, %sub3A_2780, %broadcast_in_dim3A_2785 : vector<64x128xi1>, vector<64x128xf32>
    %add3A_2787 = arith.addf %add3A_2772, %select_n3A_2786 : vector<64x128xf32>
    %slice3A_2788 = vector.extract_strided_slice %transpose3A_2723 {offsets = [4, 0, 0], sizes = [1, 64, 128], strides = [1, 1, 1]} : vector<8x64x128xf32> to vector<1x64x128xf32>
    %squeeze3A_2789 = vector.shape_cast %slice3A_2788 : vector<1x64x128xf32> to vector<64x128xf32>
    %eq3A_2790 = arith.constant 4 : i32
    %eq3A_2791 = vector.broadcast %eq3A_2790 : i32 to vector<64x128xi32>
    %eq3A_2792 = arith.cmpi eq, %and3A_2714, %eq3A_2791 : vector<64x128xi32>
    %sub3A_2793 = arith.constant 2.400000e+00 : f32
    %sub3A_2794 = vector.broadcast %sub3A_2793 : f32 to vector<64x128xf32>
    %sub3A_2795 = arith.subf %squeeze3A_2789, %sub3A_2794 : vector<64x128xf32>
    %select_n3A_2796 = arith.select %eq3A_2792, %sub3A_2795, %squeeze3A_2789 : vector<64x128xi1>, vector<64x128xf32>
    %exp3A_2797 = math.exp %select_n3A_2796 : vector<64x128xf32>
    %add3A_2798 = arith.addf %add3A_2783, %exp3A_2797 : vector<64x128xf32>
    %jit3A_2799 = arith.constant 0.000000e+00 : f32
    %broadcast_in_dim3A_2800 = vector.broadcast %jit3A_2799 : f32 to vector<64x128xf32>
    %select_n3A_2801 = arith.select %eq3A_2792, %sub3A_2795, %broadcast_in_dim3A_2800 : vector<64x128xi1>, vector<64x128xf32>
    %add3A_2802 = arith.addf %add3A_2787, %select_n3A_2801 : vector<64x128xf32>
    %slice3A_2803 = vector.extract_strided_slice %transpose3A_2723 {offsets = [5, 0, 0], sizes = [1, 64, 128], strides = [1, 1, 1]} : vector<8x64x128xf32> to vector<1x64x128xf32>
    %squeeze3A_2804 = vector.shape_cast %slice3A_2803 : vector<1x64x128xf32> to vector<64x128xf32>
    %eq3A_2805 = arith.constant 5 : i32
    %eq3A_2806 = vector.broadcast %eq3A_2805 : i32 to vector<64x128xi32>
    %eq3A_2807 = arith.cmpi eq, %and3A_2714, %eq3A_2806 : vector<64x128xi32>
    %sub3A_2808 = arith.constant 1.05176699 : f32
    %sub3A_2809 = vector.broadcast %sub3A_2808 : f32 to vector<64x128xf32>
    %sub3A_2810 = arith.subf %squeeze3A_2804, %sub3A_2809 : vector<64x128xf32>
    %select_n3A_2811 = arith.select %eq3A_2807, %sub3A_2810, %squeeze3A_2804 : vector<64x128xi1>, vector<64x128xf32>
    %exp3A_2812 = math.exp %select_n3A_2811 : vector<64x128xf32>
    %add3A_2813 = arith.addf %add3A_2798, %exp3A_2812 : vector<64x128xf32>
    %jit3A_2814 = arith.constant 0.000000e+00 : f32
    %broadcast_in_dim3A_2815 = vector.broadcast %jit3A_2814 : f32 to vector<64x128xf32>
    %select_n3A_2816 = arith.select %eq3A_2807, %sub3A_2810, %broadcast_in_dim3A_2815 : vector<64x128xi1>, vector<64x128xf32>
    %add3A_2817 = arith.addf %add3A_2802, %select_n3A_2816 : vector<64x128xf32>
    %slice3A_2818 = vector.extract_strided_slice %transpose3A_2723 {offsets = [6, 0, 0], sizes = [1, 64, 128], strides = [1, 1, 1]} : vector<8x64x128xf32> to vector<1x64x128xf32>
    %squeeze3A_2819 = vector.shape_cast %slice3A_2818 : vector<1x64x128xf32> to vector<64x128xf32>
    %eq3A_2820 = arith.constant 6 : i32
    %eq3A_2821 = vector.broadcast %eq3A_2820 : i32 to vector<64x128xi32>
    %eq3A_2822 = arith.cmpi eq, %and3A_2714, %eq3A_2821 : vector<64x128xi32>
    %sub3A_2823 = arith.constant 1.44782162 : f32
    %sub3A_2824 = vector.broadcast %sub3A_2823 : f32 to vector<64x128xf32>
    %sub3A_2825 = arith.subf %squeeze3A_2819, %sub3A_2824 : vector<64x128xf32>
    %select_n3A_2826 = arith.select %eq3A_2822, %sub3A_2825, %squeeze3A_2819 : vector<64x128xi1>, vector<64x128xf32>
    %exp3A_2827 = math.exp %select_n3A_2826 : vector<64x128xf32>
    %add3A_2828 = arith.addf %add3A_2813, %exp3A_2827 : vector<64x128xf32>
    %jit3A_2829 = arith.constant 0.000000e+00 : f32
    %broadcast_in_dim3A_2830 = vector.broadcast %jit3A_2829 : f32 to vector<64x128xf32>
    %select_n3A_2831 = arith.select %eq3A_2822, %sub3A_2825, %broadcast_in_dim3A_2830 : vector<64x128xi1>, vector<64x128xf32>
    %add3A_2832 = arith.addf %add3A_2817, %select_n3A_2831 : vector<64x128xf32>
    %slice3A_2833 = vector.extract_strided_slice %transpose3A_2723 {offsets = [7, 0, 0], sizes = [1, 64, 128], strides = [1, 1, 1]} : vector<8x64x128xf32> to vector<1x64x128xf32>
    %squeeze3A_2834 = vector.shape_cast %slice3A_2833 : vector<1x64x128xf32> to vector<64x128xf32>
    %eq3A_2835 = arith.constant 7 : i32
    %eq3A_2836 = vector.broadcast %eq3A_2835 : i32 to vector<64x128xi32>
    %eq3A_2837 = arith.cmpi eq, %and3A_2714, %eq3A_2836 : vector<64x128xi32>
    %sub3A_2838 = arith.constant 1.3795656 : f32
    %sub3A_2839 = vector.broadcast %sub3A_2838 : f32 to vector<64x128xf32>
    %sub3A_2840 = arith.subf %squeeze3A_2834, %sub3A_2839 : vector<64x128xf32>
    %select_n3A_2841 = arith.select %eq3A_2837, %sub3A_2840, %squeeze3A_2834 : vector<64x128xi1>, vector<64x128xf32>
    %exp3A_2842 = math.exp %select_n3A_2841 : vector<64x128xf32>
    %add3A_2843 = arith.addf %add3A_2828, %exp3A_2842 : vector<64x128xf32>
    %jit3A_2844 = arith.constant 0.000000e+00 : f32
    %broadcast_in_dim3A_2845 = vector.broadcast %jit3A_2844 : f32 to vector<64x128xf32>
    %select_n3A_2846 = arith.select %eq3A_2837, %sub3A_2840, %broadcast_in_dim3A_2845 : vector<64x128xi1>, vector<64x128xf32>
    %add3A_2847 = arith.addf %add3A_2832, %select_n3A_2846 : vector<64x128xf32>
    %log3A_2848 = math.log %add3A_2843 : vector<64x128xf32>
    %sub3A_2849 = arith.subf %log3A_2848, %add3A_2847 : vector<64x128xf32>
    %mul3A_2850 = arith.mulf %convert_element_type3A_2718, %sub3A_2849 : vector<64x128xf32>
    %reshape3A_2851 = vector.shape_cast %mul3A_2850 : vector<64x128xf32> to vector<8x8x128xf32>
    %reduce_sum3A_2852 = arith.constant dense<0.000000e+00> : vector<8x128xf32>
    %reduce_sum3A_2853 = vector.multi_reduction <add>, %reshape3A_2851, %reduce_sum3A_2852 [0] : vector<8x8x128xf32> to vector<8x128xf32>
    %add3A_2854 = arith.addf %add3A_2703, %reduce_sum3A_2853 : vector<8x128xf32>
    %reshape3A_2855 = vector.shape_cast %convert_element_type3A_2718 : vector<64x128xf32> to vector<8x8x128xf32>
    %reduce_sum3A_2856 = arith.constant dense<0.000000e+00> : vector<8x128xf32>
    %reduce_sum3A_2857 = vector.multi_reduction <add>, %reshape3A_2855, %reduce_sum3A_2856 [0] : vector<8x8x128xf32> to vector<8x128xf32>
    %add3A_2858 = arith.addf %add3A_2707, %reduce_sum3A_2857 : vector<8x128xf32>
    %get3A_2859 = arith.constant 1216 : index
    %get3A_2860 = arith.constant 0 : index
    %get3A_2861 = vector.load %arg2[%get3A_2859, %get3A_2860] : memref<1920x128xi8, #tpu.memory_space<vmem>>, vector<64x128xi8>
    %convert_element_type3A_2862 = arith.extsi %get3A_2861 : vector<64x128xi8> to vector<64x128xi32>
    %and3A_2863 = arith.constant 7 : i32
    %and3A_2864 = vector.broadcast %and3A_2863 : i32 to vector<64x128xi32>
    %and3A_2865 = arith.andi %convert_element_type3A_2862, %and3A_2864 : vector<64x128xi32>
    %shift_right_arithmetic3A_2866 = arith.constant 3 : i32
    %shift_right_arithmetic3A_2867 = vector.broadcast %shift_right_arithmetic3A_2866 : i32 to vector<64x128xi32>
    %shift_right_arithmetic3A_2868 = arith.shrsi %convert_element_type3A_2862, %shift_right_arithmetic3A_2867 : vector<64x128xi32>
    %convert_element_type3A_2869 = arith.sitofp %shift_right_arithmetic3A_2868 : vector<64x128xi32> to vector<64x128xf32>
    %get3A_2870 = arith.constant 1216 : index
    %get3A_2871 = arith.constant 0 : index
    %get3A_2872 = arith.constant 0 : index
    %get3A_2873 = vector.load %arg1[%get3A_2870, %get3A_2871, %get3A_2872] : memref<1920x8x128xf32, #tpu.memory_space<vmem>>, vector<64x8x128xf32>
    %transpose3A_2874 = tpu.transpose %get3A_2873, [1, 0, 2] : vector<64x8x128xf32> -> vector<8x64x128xf32>
    %broadcast_in_dim3A_2875 = arith.constant 0.000000e+00 : f32
    %broadcast_in_dim3A_2876 = vector.broadcast %broadcast_in_dim3A_2875 : f32 to vector<64x128xf32>
    %broadcast_in_dim3A_2877 = arith.constant 0.000000e+00 : f32
    %broadcast_in_dim3A_2878 = vector.broadcast %broadcast_in_dim3A_2877 : f32 to vector<64x128xf32>
    %slice3A_2879 = vector.extract_strided_slice %transpose3A_2874 {offsets = [0, 0, 0], sizes = [1, 64, 128], strides = [1, 1, 1]} : vector<8x64x128xf32> to vector<1x64x128xf32>
    %squeeze3A_2880 = vector.shape_cast %slice3A_2879 : vector<1x64x128xf32> to vector<64x128xf32>
    %eq3A_2881 = arith.constant 0 : i32
    %eq3A_2882 = vector.broadcast %eq3A_2881 : i32 to vector<64x128xi32>
    %eq3A_2883 = arith.cmpi eq, %and3A_2865, %eq3A_2882 : vector<64x128xi32>
    %sub3A_2884 = arith.constant 1.08857441 : f32
    %sub3A_2885 = vector.broadcast %sub3A_2884 : f32 to vector<64x128xf32>
    %sub3A_2886 = arith.subf %squeeze3A_2880, %sub3A_2885 : vector<64x128xf32>
    %select_n3A_2887 = arith.select %eq3A_2883, %sub3A_2886, %squeeze3A_2880 : vector<64x128xi1>, vector<64x128xf32>
    %exp3A_2888 = math.exp %select_n3A_2887 : vector<64x128xf32>
    %add3A_2889 = arith.addf %broadcast_in_dim3A_2876, %exp3A_2888 : vector<64x128xf32>
    %jit3A_2890 = arith.constant 0.000000e+00 : f32
    %broadcast_in_dim3A_2891 = vector.broadcast %jit3A_2890 : f32 to vector<64x128xf32>
    %select_n3A_2892 = arith.select %eq3A_2883, %sub3A_2886, %broadcast_in_dim3A_2891 : vector<64x128xi1>, vector<64x128xf32>
    %add3A_2893 = arith.addf %broadcast_in_dim3A_2878, %select_n3A_2892 : vector<64x128xf32>
    %slice3A_2894 = vector.extract_strided_slice %transpose3A_2874 {offsets = [1, 0, 0], sizes = [1, 64, 128], strides = [1, 1, 1]} : vector<8x64x128xf32> to vector<1x64x128xf32>
    %squeeze3A_2895 = vector.shape_cast %slice3A_2894 : vector<1x64x128xf32> to vector<64x128xf32>
    %eq3A_2896 = arith.constant 1 : i32
    %eq3A_2897 = vector.broadcast %eq3A_2896 : i32 to vector<64x128xi32>
    %eq3A_2898 = arith.cmpi eq, %and3A_2865, %eq3A_2897 : vector<64x128xi32>
    %sub3A_2899 = arith.constant 2.400000e+00 : f32
    %sub3A_2900 = vector.broadcast %sub3A_2899 : f32 to vector<64x128xf32>
    %sub3A_2901 = arith.subf %squeeze3A_2895, %sub3A_2900 : vector<64x128xf32>
    %select_n3A_2902 = arith.select %eq3A_2898, %sub3A_2901, %squeeze3A_2895 : vector<64x128xi1>, vector<64x128xf32>
    %exp3A_2903 = math.exp %select_n3A_2902 : vector<64x128xf32>
    %add3A_2904 = arith.addf %add3A_2889, %exp3A_2903 : vector<64x128xf32>
    %jit3A_2905 = arith.constant 0.000000e+00 : f32
    %broadcast_in_dim3A_2906 = vector.broadcast %jit3A_2905 : f32 to vector<64x128xf32>
    %select_n3A_2907 = arith.select %eq3A_2898, %sub3A_2901, %broadcast_in_dim3A_2906 : vector<64x128xi1>, vector<64x128xf32>
    %add3A_2908 = arith.addf %add3A_2893, %select_n3A_2907 : vector<64x128xf32>
    %slice3A_2909 = vector.extract_strided_slice %transpose3A_2874 {offsets = [2, 0, 0], sizes = [1, 64, 128], strides = [1, 1, 1]} : vector<8x64x128xf32> to vector<1x64x128xf32>
    %squeeze3A_2910 = vector.shape_cast %slice3A_2909 : vector<1x64x128xf32> to vector<64x128xf32>
    %eq3A_2911 = arith.constant 2 : i32
    %eq3A_2912 = vector.broadcast %eq3A_2911 : i32 to vector<64x128xi32>
    %eq3A_2913 = arith.cmpi eq, %and3A_2865, %eq3A_2912 : vector<64x128xi32>
    %sub3A_2914 = arith.constant 1.18135118 : f32
    %sub3A_2915 = vector.broadcast %sub3A_2914 : f32 to vector<64x128xf32>
    %sub3A_2916 = arith.subf %squeeze3A_2910, %sub3A_2915 : vector<64x128xf32>
    %select_n3A_2917 = arith.select %eq3A_2913, %sub3A_2916, %squeeze3A_2910 : vector<64x128xi1>, vector<64x128xf32>
    %exp3A_2918 = math.exp %select_n3A_2917 : vector<64x128xf32>
    %add3A_2919 = arith.addf %add3A_2904, %exp3A_2918 : vector<64x128xf32>
    %jit3A_2920 = arith.constant 0.000000e+00 : f32
    %broadcast_in_dim3A_2921 = vector.broadcast %jit3A_2920 : f32 to vector<64x128xf32>
    %select_n3A_2922 = arith.select %eq3A_2913, %sub3A_2916, %broadcast_in_dim3A_2921 : vector<64x128xi1>, vector<64x128xf32>
    %add3A_2923 = arith.addf %add3A_2908, %select_n3A_2922 : vector<64x128xf32>
    %slice3A_2924 = vector.extract_strided_slice %transpose3A_2874 {offsets = [3, 0, 0], sizes = [1, 64, 128], strides = [1, 1, 1]} : vector<8x64x128xf32> to vector<1x64x128xf32>
    %squeeze3A_2925 = vector.shape_cast %slice3A_2924 : vector<1x64x128xf32> to vector<64x128xf32>
    %eq3A_2926 = arith.constant 3 : i32
    %eq3A_2927 = vector.broadcast %eq3A_2926 : i32 to vector<64x128xi32>
    %eq3A_2928 = arith.cmpi eq, %and3A_2865, %eq3A_2927 : vector<64x128xi32>
    %sub3A_2929 = arith.constant 1.84070837 : f32
    %sub3A_2930 = vector.broadcast %sub3A_2929 : f32 to vector<64x128xf32>
    %sub3A_2931 = arith.subf %squeeze3A_2925, %sub3A_2930 : vector<64x128xf32>
    %select_n3A_2932 = arith.select %eq3A_2928, %sub3A_2931, %squeeze3A_2925 : vector<64x128xi1>, vector<64x128xf32>
    %exp3A_2933 = math.exp %select_n3A_2932 : vector<64x128xf32>
    %add3A_2934 = arith.addf %add3A_2919, %exp3A_2933 : vector<64x128xf32>
    %jit3A_2935 = arith.constant 0.000000e+00 : f32
    %broadcast_in_dim3A_2936 = vector.broadcast %jit3A_2935 : f32 to vector<64x128xf32>
    %select_n3A_2937 = arith.select %eq3A_2928, %sub3A_2931, %broadcast_in_dim3A_2936 : vector<64x128xi1>, vector<64x128xf32>
    %add3A_2938 = arith.addf %add3A_2923, %select_n3A_2937 : vector<64x128xf32>
    %slice3A_2939 = vector.extract_strided_slice %transpose3A_2874 {offsets = [4, 0, 0], sizes = [1, 64, 128], strides = [1, 1, 1]} : vector<8x64x128xf32> to vector<1x64x128xf32>
    %squeeze3A_2940 = vector.shape_cast %slice3A_2939 : vector<1x64x128xf32> to vector<64x128xf32>
    %eq3A_2941 = arith.constant 4 : i32
    %eq3A_2942 = vector.broadcast %eq3A_2941 : i32 to vector<64x128xi32>
    %eq3A_2943 = arith.cmpi eq, %and3A_2865, %eq3A_2942 : vector<64x128xi32>
    %sub3A_2944 = arith.constant 2.400000e+00 : f32
    %sub3A_2945 = vector.broadcast %sub3A_2944 : f32 to vector<64x128xf32>
    %sub3A_2946 = arith.subf %squeeze3A_2940, %sub3A_2945 : vector<64x128xf32>
    %select_n3A_2947 = arith.select %eq3A_2943, %sub3A_2946, %squeeze3A_2940 : vector<64x128xi1>, vector<64x128xf32>
    %exp3A_2948 = math.exp %select_n3A_2947 : vector<64x128xf32>
    %add3A_2949 = arith.addf %add3A_2934, %exp3A_2948 : vector<64x128xf32>
    %jit3A_2950 = arith.constant 0.000000e+00 : f32
    %broadcast_in_dim3A_2951 = vector.broadcast %jit3A_2950 : f32 to vector<64x128xf32>
    %select_n3A_2952 = arith.select %eq3A_2943, %sub3A_2946, %broadcast_in_dim3A_2951 : vector<64x128xi1>, vector<64x128xf32>
    %add3A_2953 = arith.addf %add3A_2938, %select_n3A_2952 : vector<64x128xf32>
    %slice3A_2954 = vector.extract_strided_slice %transpose3A_2874 {offsets = [5, 0, 0], sizes = [1, 64, 128], strides = [1, 1, 1]} : vector<8x64x128xf32> to vector<1x64x128xf32>
    %squeeze3A_2955 = vector.shape_cast %slice3A_2954 : vector<1x64x128xf32> to vector<64x128xf32>
    %eq3A_2956 = arith.constant 5 : i32
    %eq3A_2957 = vector.broadcast %eq3A_2956 : i32 to vector<64x128xi32>
    %eq3A_2958 = arith.cmpi eq, %and3A_2865, %eq3A_2957 : vector<64x128xi32>
    %sub3A_2959 = arith.constant 1.05176699 : f32
    %sub3A_2960 = vector.broadcast %sub3A_2959 : f32 to vector<64x128xf32>
    %sub3A_2961 = arith.subf %squeeze3A_2955, %sub3A_2960 : vector<64x128xf32>
    %select_n3A_2962 = arith.select %eq3A_2958, %sub3A_2961, %squeeze3A_2955 : vector<64x128xi1>, vector<64x128xf32>
    %exp3A_2963 = math.exp %select_n3A_2962 : vector<64x128xf32>
    %add3A_2964 = arith.addf %add3A_2949, %exp3A_2963 : vector<64x128xf32>
    %jit3A_2965 = arith.constant 0.000000e+00 : f32
    %broadcast_in_dim3A_2966 = vector.broadcast %jit3A_2965 : f32 to vector<64x128xf32>
    %select_n3A_2967 = arith.select %eq3A_2958, %sub3A_2961, %broadcast_in_dim3A_2966 : vector<64x128xi1>, vector<64x128xf32>
    %add3A_2968 = arith.addf %add3A_2953, %select_n3A_2967 : vector<64x128xf32>
    %slice3A_2969 = vector.extract_strided_slice %transpose3A_2874 {offsets = [6, 0, 0], sizes = [1, 64, 128], strides = [1, 1, 1]} : vector<8x64x128xf32> to vector<1x64x128xf32>
    %squeeze3A_2970 = vector.shape_cast %slice3A_2969 : vector<1x64x128xf32> to vector<64x128xf32>
    %eq3A_2971 = arith.constant 6 : i32
    %eq3A_2972 = vector.broadcast %eq3A_2971 : i32 to vector<64x128xi32>
    %eq3A_2973 = arith.cmpi eq, %and3A_2865, %eq3A_2972 : vector<64x128xi32>
    %sub3A_2974 = arith.constant 1.44782162 : f32
    %sub3A_2975 = vector.broadcast %sub3A_2974 : f32 to vector<64x128xf32>
    %sub3A_2976 = arith.subf %squeeze3A_2970, %sub3A_2975 : vector<64x128xf32>
    %select_n3A_2977 = arith.select %eq3A_2973, %sub3A_2976, %squeeze3A_2970 : vector<64x128xi1>, vector<64x128xf32>
    %exp3A_2978 = math.exp %select_n3A_2977 : vector<64x128xf32>
    %add3A_2979 = arith.addf %add3A_2964, %exp3A_2978 : vector<64x128xf32>
    %jit3A_2980 = arith.constant 0.000000e+00 : f32
    %broadcast_in_dim3A_2981 = vector.broadcast %jit3A_2980 : f32 to vector<64x128xf32>
    %select_n3A_2982 = arith.select %eq3A_2973, %sub3A_2976, %broadcast_in_dim3A_2981 : vector<64x128xi1>, vector<64x128xf32>
    %add3A_2983 = arith.addf %add3A_2968, %select_n3A_2982 : vector<64x128xf32>
    %slice3A_2984 = vector.extract_strided_slice %transpose3A_2874 {offsets = [7, 0, 0], sizes = [1, 64, 128], strides = [1, 1, 1]} : vector<8x64x128xf32> to vector<1x64x128xf32>
    %squeeze3A_2985 = vector.shape_cast %slice3A_2984 : vector<1x64x128xf32> to vector<64x128xf32>
    %eq3A_2986 = arith.constant 7 : i32
    %eq3A_2987 = vector.broadcast %eq3A_2986 : i32 to vector<64x128xi32>
    %eq3A_2988 = arith.cmpi eq, %and3A_2865, %eq3A_2987 : vector<64x128xi32>
    %sub3A_2989 = arith.constant 1.3795656 : f32
    %sub3A_2990 = vector.broadcast %sub3A_2989 : f32 to vector<64x128xf32>
    %sub3A_2991 = arith.subf %squeeze3A_2985, %sub3A_2990 : vector<64x128xf32>
    %select_n3A_2992 = arith.select %eq3A_2988, %sub3A_2991, %squeeze3A_2985 : vector<64x128xi1>, vector<64x128xf32>
    %exp3A_2993 = math.exp %select_n3A_2992 : vector<64x128xf32>
    %add3A_2994 = arith.addf %add3A_2979, %exp3A_2993 : vector<64x128xf32>
    %jit3A_2995 = arith.constant 0.000000e+00 : f32
    %broadcast_in_dim3A_2996 = vector.broadcast %jit3A_2995 : f32 to vector<64x128xf32>
    %select_n3A_2997 = arith.select %eq3A_2988, %sub3A_2991, %broadcast_in_dim3A_2996 : vector<64x128xi1>, vector<64x128xf32>
    %add3A_2998 = arith.addf %add3A_2983, %select_n3A_2997 : vector<64x128xf32>
    %log3A_2999 = math.log %add3A_2994 : vector<64x128xf32>
    %sub3A_3000 = arith.subf %log3A_2999, %add3A_2998 : vector<64x128xf32>
    %mul3A_3001 = arith.mulf %convert_element_type3A_2869, %sub3A_3000 : vector<64x128xf32>
    %reshape3A_3002 = vector.shape_cast %mul3A_3001 : vector<64x128xf32> to vector<8x8x128xf32>
    %reduce_sum3A_3003 = arith.constant dense<0.000000e+00> : vector<8x128xf32>
    %reduce_sum3A_3004 = vector.multi_reduction <add>, %reshape3A_3002, %reduce_sum3A_3003 [0] : vector<8x8x128xf32> to vector<8x128xf32>
    %add3A_3005 = arith.addf %add3A_2854, %reduce_sum3A_3004 : vector<8x128xf32>
    %reshape3A_3006 = vector.shape_cast %convert_element_type3A_2869 : vector<64x128xf32> to vector<8x8x128xf32>
    %reduce_sum3A_3007 = arith.constant dense<0.000000e+00> : vector<8x128xf32>
    %reduce_sum3A_3008 = vector.multi_reduction <add>, %reshape3A_3006, %reduce_sum3A_3007 [0] : vector<8x8x128xf32> to vector<8x128xf32>
    %add3A_3009 = arith.addf %add3A_2858, %reduce_sum3A_3008 : vector<8x128xf32>
    %get3A_3010 = arith.constant 1280 : index
    %get3A_3011 = arith.constant 0 : index
    %get3A_3012 = vector.load %arg2[%get3A_3010, %get3A_3011] : memref<1920x128xi8, #tpu.memory_space<vmem>>, vector<64x128xi8>
    %convert_element_type3A_3013 = arith.extsi %get3A_3012 : vector<64x128xi8> to vector<64x128xi32>
    %and3A_3014 = arith.constant 7 : i32
    %and3A_3015 = vector.broadcast %and3A_3014 : i32 to vector<64x128xi32>
    %and3A_3016 = arith.andi %convert_element_type3A_3013, %and3A_3015 : vector<64x128xi32>
    %shift_right_arithmetic3A_3017 = arith.constant 3 : i32
    %shift_right_arithmetic3A_3018 = vector.broadcast %shift_right_arithmetic3A_3017 : i32 to vector<64x128xi32>
    %shift_right_arithmetic3A_3019 = arith.shrsi %convert_element_type3A_3013, %shift_right_arithmetic3A_3018 : vector<64x128xi32>
    %convert_element_type3A_3020 = arith.sitofp %shift_right_arithmetic3A_3019 : vector<64x128xi32> to vector<64x128xf32>
    %get3A_3021 = arith.constant 1280 : index
    %get3A_3022 = arith.constant 0 : index
    %get3A_3023 = arith.constant 0 : index
    %get3A_3024 = vector.load %arg1[%get3A_3021, %get3A_3022, %get3A_3023] : memref<1920x8x128xf32, #tpu.memory_space<vmem>>, vector<64x8x128xf32>
    %transpose3A_3025 = tpu.transpose %get3A_3024, [1, 0, 2] : vector<64x8x128xf32> -> vector<8x64x128xf32>
    %broadcast_in_dim3A_3026 = arith.constant 0.000000e+00 : f32
    %broadcast_in_dim3A_3027 = vector.broadcast %broadcast_in_dim3A_3026 : f32 to vector<64x128xf32>
    %broadcast_in_dim3A_3028 = arith.constant 0.000000e+00 : f32
    %broadcast_in_dim3A_3029 = vector.broadcast %broadcast_in_dim3A_3028 : f32 to vector<64x128xf32>
    %slice3A_3030 = vector.extract_strided_slice %transpose3A_3025 {offsets = [0, 0, 0], sizes = [1, 64, 128], strides = [1, 1, 1]} : vector<8x64x128xf32> to vector<1x64x128xf32>
    %squeeze3A_3031 = vector.shape_cast %slice3A_3030 : vector<1x64x128xf32> to vector<64x128xf32>
    %eq3A_3032 = arith.constant 0 : i32
    %eq3A_3033 = vector.broadcast %eq3A_3032 : i32 to vector<64x128xi32>
    %eq3A_3034 = arith.cmpi eq, %and3A_3016, %eq3A_3033 : vector<64x128xi32>
    %sub3A_3035 = arith.constant 1.08857441 : f32
    %sub3A_3036 = vector.broadcast %sub3A_3035 : f32 to vector<64x128xf32>
    %sub3A_3037 = arith.subf %squeeze3A_3031, %sub3A_3036 : vector<64x128xf32>
    %select_n3A_3038 = arith.select %eq3A_3034, %sub3A_3037, %squeeze3A_3031 : vector<64x128xi1>, vector<64x128xf32>
    %exp3A_3039 = math.exp %select_n3A_3038 : vector<64x128xf32>
    %add3A_3040 = arith.addf %broadcast_in_dim3A_3027, %exp3A_3039 : vector<64x128xf32>
    %jit3A_3041 = arith.constant 0.000000e+00 : f32
    %broadcast_in_dim3A_3042 = vector.broadcast %jit3A_3041 : f32 to vector<64x128xf32>
    %select_n3A_3043 = arith.select %eq3A_3034, %sub3A_3037, %broadcast_in_dim3A_3042 : vector<64x128xi1>, vector<64x128xf32>
    %add3A_3044 = arith.addf %broadcast_in_dim3A_3029, %select_n3A_3043 : vector<64x128xf32>
    %slice3A_3045 = vector.extract_strided_slice %transpose3A_3025 {offsets = [1, 0, 0], sizes = [1, 64, 128], strides = [1, 1, 1]} : vector<8x64x128xf32> to vector<1x64x128xf32>
    %squeeze3A_3046 = vector.shape_cast %slice3A_3045 : vector<1x64x128xf32> to vector<64x128xf32>
    %eq3A_3047 = arith.constant 1 : i32
    %eq3A_3048 = vector.broadcast %eq3A_3047 : i32 to vector<64x128xi32>
    %eq3A_3049 = arith.cmpi eq, %and3A_3016, %eq3A_3048 : vector<64x128xi32>
    %sub3A_3050 = arith.constant 2.400000e+00 : f32
    %sub3A_3051 = vector.broadcast %sub3A_3050 : f32 to vector<64x128xf32>
    %sub3A_3052 = arith.subf %squeeze3A_3046, %sub3A_3051 : vector<64x128xf32>
    %select_n3A_3053 = arith.select %eq3A_3049, %sub3A_3052, %squeeze3A_3046 : vector<64x128xi1>, vector<64x128xf32>
    %exp3A_3054 = math.exp %select_n3A_3053 : vector<64x128xf32>
    %add3A_3055 = arith.addf %add3A_3040, %exp3A_3054 : vector<64x128xf32>
    %jit3A_3056 = arith.constant 0.000000e+00 : f32
    %broadcast_in_dim3A_3057 = vector.broadcast %jit3A_3056 : f32 to vector<64x128xf32>
    %select_n3A_3058 = arith.select %eq3A_3049, %sub3A_3052, %broadcast_in_dim3A_3057 : vector<64x128xi1>, vector<64x128xf32>
    %add3A_3059 = arith.addf %add3A_3044, %select_n3A_3058 : vector<64x128xf32>
    %slice3A_3060 = vector.extract_strided_slice %transpose3A_3025 {offsets = [2, 0, 0], sizes = [1, 64, 128], strides = [1, 1, 1]} : vector<8x64x128xf32> to vector<1x64x128xf32>
    %squeeze3A_3061 = vector.shape_cast %slice3A_3060 : vector<1x64x128xf32> to vector<64x128xf32>
    %eq3A_3062 = arith.constant 2 : i32
    %eq3A_3063 = vector.broadcast %eq3A_3062 : i32 to vector<64x128xi32>
    %eq3A_3064 = arith.cmpi eq, %and3A_3016, %eq3A_3063 : vector<64x128xi32>
    %sub3A_3065 = arith.constant 1.18135118 : f32
    %sub3A_3066 = vector.broadcast %sub3A_3065 : f32 to vector<64x128xf32>
    %sub3A_3067 = arith.subf %squeeze3A_3061, %sub3A_3066 : vector<64x128xf32>
    %select_n3A_3068 = arith.select %eq3A_3064, %sub3A_3067, %squeeze3A_3061 : vector<64x128xi1>, vector<64x128xf32>
    %exp3A_3069 = math.exp %select_n3A_3068 : vector<64x128xf32>
    %add3A_3070 = arith.addf %add3A_3055, %exp3A_3069 : vector<64x128xf32>
    %jit3A_3071 = arith.constant 0.000000e+00 : f32
    %broadcast_in_dim3A_3072 = vector.broadcast %jit3A_3071 : f32 to vector<64x128xf32>
    %select_n3A_3073 = arith.select %eq3A_3064, %sub3A_3067, %broadcast_in_dim3A_3072 : vector<64x128xi1>, vector<64x128xf32>
    %add3A_3074 = arith.addf %add3A_3059, %select_n3A_3073 : vector<64x128xf32>
    %slice3A_3075 = vector.extract_strided_slice %transpose3A_3025 {offsets = [3, 0, 0], sizes = [1, 64, 128], strides = [1, 1, 1]} : vector<8x64x128xf32> to vector<1x64x128xf32>
    %squeeze3A_3076 = vector.shape_cast %slice3A_3075 : vector<1x64x128xf32> to vector<64x128xf32>
    %eq3A_3077 = arith.constant 3 : i32
    %eq3A_3078 = vector.broadcast %eq3A_3077 : i32 to vector<64x128xi32>
    %eq3A_3079 = arith.cmpi eq, %and3A_3016, %eq3A_3078 : vector<64x128xi32>
    %sub3A_3080 = arith.constant 1.84070837 : f32
    %sub3A_3081 = vector.broadcast %sub3A_3080 : f32 to vector<64x128xf32>
    %sub3A_3082 = arith.subf %squeeze3A_3076, %sub3A_3081 : vector<64x128xf32>
    %select_n3A_3083 = arith.select %eq3A_3079, %sub3A_3082, %squeeze3A_3076 : vector<64x128xi1>, vector<64x128xf32>
    %exp3A_3084 = math.exp %select_n3A_3083 : vector<64x128xf32>
    %add3A_3085 = arith.addf %add3A_3070, %exp3A_3084 : vector<64x128xf32>
    %jit3A_3086 = arith.constant 0.000000e+00 : f32
    %broadcast_in_dim3A_3087 = vector.broadcast %jit3A_3086 : f32 to vector<64x128xf32>
    %select_n3A_3088 = arith.select %eq3A_3079, %sub3A_3082, %broadcast_in_dim3A_3087 : vector<64x128xi1>, vector<64x128xf32>
    %add3A_3089 = arith.addf %add3A_3074, %select_n3A_3088 : vector<64x128xf32>
    %slice3A_3090 = vector.extract_strided_slice %transpose3A_3025 {offsets = [4, 0, 0], sizes = [1, 64, 128], strides = [1, 1, 1]} : vector<8x64x128xf32> to vector<1x64x128xf32>
    %squeeze3A_3091 = vector.shape_cast %slice3A_3090 : vector<1x64x128xf32> to vector<64x128xf32>
    %eq3A_3092 = arith.constant 4 : i32
    %eq3A_3093 = vector.broadcast %eq3A_3092 : i32 to vector<64x128xi32>
    %eq3A_3094 = arith.cmpi eq, %and3A_3016, %eq3A_3093 : vector<64x128xi32>
    %sub3A_3095 = arith.constant 2.400000e+00 : f32
    %sub3A_3096 = vector.broadcast %sub3A_3095 : f32 to vector<64x128xf32>
    %sub3A_3097 = arith.subf %squeeze3A_3091, %sub3A_3096 : vector<64x128xf32>
    %select_n3A_3098 = arith.select %eq3A_3094, %sub3A_3097, %squeeze3A_3091 : vector<64x128xi1>, vector<64x128xf32>
    %exp3A_3099 = math.exp %select_n3A_3098 : vector<64x128xf32>
    %add3A_3100 = arith.addf %add3A_3085, %exp3A_3099 : vector<64x128xf32>
    %jit3A_3101 = arith.constant 0.000000e+00 : f32
    %broadcast_in_dim3A_3102 = vector.broadcast %jit3A_3101 : f32 to vector<64x128xf32>
    %select_n3A_3103 = arith.select %eq3A_3094, %sub3A_3097, %broadcast_in_dim3A_3102 : vector<64x128xi1>, vector<64x128xf32>
    %add3A_3104 = arith.addf %add3A_3089, %select_n3A_3103 : vector<64x128xf32>
    %slice3A_3105 = vector.extract_strided_slice %transpose3A_3025 {offsets = [5, 0, 0], sizes = [1, 64, 128], strides = [1, 1, 1]} : vector<8x64x128xf32> to vector<1x64x128xf32>
    %squeeze3A_3106 = vector.shape_cast %slice3A_3105 : vector<1x64x128xf32> to vector<64x128xf32>
    %eq3A_3107 = arith.constant 5 : i32
    %eq3A_3108 = vector.broadcast %eq3A_3107 : i32 to vector<64x128xi32>
    %eq3A_3109 = arith.cmpi eq, %and3A_3016, %eq3A_3108 : vector<64x128xi32>
    %sub3A_3110 = arith.constant 1.05176699 : f32
    %sub3A_3111 = vector.broadcast %sub3A_3110 : f32 to vector<64x128xf32>
    %sub3A_3112 = arith.subf %squeeze3A_3106, %sub3A_3111 : vector<64x128xf32>
    %select_n3A_3113 = arith.select %eq3A_3109, %sub3A_3112, %squeeze3A_3106 : vector<64x128xi1>, vector<64x128xf32>
    %exp3A_3114 = math.exp %select_n3A_3113 : vector<64x128xf32>
    %add3A_3115 = arith.addf %add3A_3100, %exp3A_3114 : vector<64x128xf32>
    %jit3A_3116 = arith.constant 0.000000e+00 : f32
    %broadcast_in_dim3A_3117 = vector.broadcast %jit3A_3116 : f32 to vector<64x128xf32>
    %select_n3A_3118 = arith.select %eq3A_3109, %sub3A_3112, %broadcast_in_dim3A_3117 : vector<64x128xi1>, vector<64x128xf32>
    %add3A_3119 = arith.addf %add3A_3104, %select_n3A_3118 : vector<64x128xf32>
    %slice3A_3120 = vector.extract_strided_slice %transpose3A_3025 {offsets = [6, 0, 0], sizes = [1, 64, 128], strides = [1, 1, 1]} : vector<8x64x128xf32> to vector<1x64x128xf32>
    %squeeze3A_3121 = vector.shape_cast %slice3A_3120 : vector<1x64x128xf32> to vector<64x128xf32>
    %eq3A_3122 = arith.constant 6 : i32
    %eq3A_3123 = vector.broadcast %eq3A_3122 : i32 to vector<64x128xi32>
    %eq3A_3124 = arith.cmpi eq, %and3A_3016, %eq3A_3123 : vector<64x128xi32>
    %sub3A_3125 = arith.constant 1.44782162 : f32
    %sub3A_3126 = vector.broadcast %sub3A_3125 : f32 to vector<64x128xf32>
    %sub3A_3127 = arith.subf %squeeze3A_3121, %sub3A_3126 : vector<64x128xf32>
    %select_n3A_3128 = arith.select %eq3A_3124, %sub3A_3127, %squeeze3A_3121 : vector<64x128xi1>, vector<64x128xf32>
    %exp3A_3129 = math.exp %select_n3A_3128 : vector<64x128xf32>
    %add3A_3130 = arith.addf %add3A_3115, %exp3A_3129 : vector<64x128xf32>
    %jit3A_3131 = arith.constant 0.000000e+00 : f32
    %broadcast_in_dim3A_3132 = vector.broadcast %jit3A_3131 : f32 to vector<64x128xf32>
    %select_n3A_3133 = arith.select %eq3A_3124, %sub3A_3127, %broadcast_in_dim3A_3132 : vector<64x128xi1>, vector<64x128xf32>
    %add3A_3134 = arith.addf %add3A_3119, %select_n3A_3133 : vector<64x128xf32>
    %slice3A_3135 = vector.extract_strided_slice %transpose3A_3025 {offsets = [7, 0, 0], sizes = [1, 64, 128], strides = [1, 1, 1]} : vector<8x64x128xf32> to vector<1x64x128xf32>
    %squeeze3A_3136 = vector.shape_cast %slice3A_3135 : vector<1x64x128xf32> to vector<64x128xf32>
    %eq3A_3137 = arith.constant 7 : i32
    %eq3A_3138 = vector.broadcast %eq3A_3137 : i32 to vector<64x128xi32>
    %eq3A_3139 = arith.cmpi eq, %and3A_3016, %eq3A_3138 : vector<64x128xi32>
    %sub3A_3140 = arith.constant 1.3795656 : f32
    %sub3A_3141 = vector.broadcast %sub3A_3140 : f32 to vector<64x128xf32>
    %sub3A_3142 = arith.subf %squeeze3A_3136, %sub3A_3141 : vector<64x128xf32>
    %select_n3A_3143 = arith.select %eq3A_3139, %sub3A_3142, %squeeze3A_3136 : vector<64x128xi1>, vector<64x128xf32>
    %exp3A_3144 = math.exp %select_n3A_3143 : vector<64x128xf32>
    %add3A_3145 = arith.addf %add3A_3130, %exp3A_3144 : vector<64x128xf32>
    %jit3A_3146 = arith.constant 0.000000e+00 : f32
    %broadcast_in_dim3A_3147 = vector.broadcast %jit3A_3146 : f32 to vector<64x128xf32>
    %select_n3A_3148 = arith.select %eq3A_3139, %sub3A_3142, %broadcast_in_dim3A_3147 : vector<64x128xi1>, vector<64x128xf32>
    %add3A_3149 = arith.addf %add3A_3134, %select_n3A_3148 : vector<64x128xf32>
    %log3A_3150 = math.log %add3A_3145 : vector<64x128xf32>
    %sub3A_3151 = arith.subf %log3A_3150, %add3A_3149 : vector<64x128xf32>
    %mul3A_3152 = arith.mulf %convert_element_type3A_3020, %sub3A_3151 : vector<64x128xf32>
    %reshape3A_3153 = vector.shape_cast %mul3A_3152 : vector<64x128xf32> to vector<8x8x128xf32>
    %reduce_sum3A_3154 = arith.constant dense<0.000000e+00> : vector<8x128xf32>
    %reduce_sum3A_3155 = vector.multi_reduction <add>, %reshape3A_3153, %reduce_sum3A_3154 [0] : vector<8x8x128xf32> to vector<8x128xf32>
    %add3A_3156 = arith.addf %add3A_3005, %reduce_sum3A_3155 : vector<8x128xf32>
    %reshape3A_3157 = vector.shape_cast %convert_element_type3A_3020 : vector<64x128xf32> to vector<8x8x128xf32>
    %reduce_sum3A_3158 = arith.constant dense<0.000000e+00> : vector<8x128xf32>
    %reduce_sum3A_3159 = vector.multi_reduction <add>, %reshape3A_3157, %reduce_sum3A_3158 [0] : vector<8x8x128xf32> to vector<8x128xf32>
    %add3A_3160 = arith.addf %add3A_3009, %reduce_sum3A_3159 : vector<8x128xf32>
    %get3A_3161 = arith.constant 1344 : index
    %get3A_3162 = arith.constant 0 : index
    %get3A_3163 = vector.load %arg2[%get3A_3161, %get3A_3162] : memref<1920x128xi8, #tpu.memory_space<vmem>>, vector<64x128xi8>
    %convert_element_type3A_3164 = arith.extsi %get3A_3163 : vector<64x128xi8> to vector<64x128xi32>
    %and3A_3165 = arith.constant 7 : i32
    %and3A_3166 = vector.broadcast %and3A_3165 : i32 to vector<64x128xi32>
    %and3A_3167 = arith.andi %convert_element_type3A_3164, %and3A_3166 : vector<64x128xi32>
    %shift_right_arithmetic3A_3168 = arith.constant 3 : i32
    %shift_right_arithmetic3A_3169 = vector.broadcast %shift_right_arithmetic3A_3168 : i32 to vector<64x128xi32>
    %shift_right_arithmetic3A_3170 = arith.shrsi %convert_element_type3A_3164, %shift_right_arithmetic3A_3169 : vector<64x128xi32>
    %convert_element_type3A_3171 = arith.sitofp %shift_right_arithmetic3A_3170 : vector<64x128xi32> to vector<64x128xf32>
    %get3A_3172 = arith.constant 1344 : index
    %get3A_3173 = arith.constant 0 : index
    %get3A_3174 = arith.constant 0 : index
    %get3A_3175 = vector.load %arg1[%get3A_3172, %get3A_3173, %get3A_3174] : memref<1920x8x128xf32, #tpu.memory_space<vmem>>, vector<64x8x128xf32>
    %transpose3A_3176 = tpu.transpose %get3A_3175, [1, 0, 2] : vector<64x8x128xf32> -> vector<8x64x128xf32>
    %broadcast_in_dim3A_3177 = arith.constant 0.000000e+00 : f32
    %broadcast_in_dim3A_3178 = vector.broadcast %broadcast_in_dim3A_3177 : f32 to vector<64x128xf32>
    %broadcast_in_dim3A_3179 = arith.constant 0.000000e+00 : f32
    %broadcast_in_dim3A_3180 = vector.broadcast %broadcast_in_dim3A_3179 : f32 to vector<64x128xf32>
    %slice3A_3181 = vector.extract_strided_slice %transpose3A_3176 {offsets = [0, 0, 0], sizes = [1, 64, 128], strides = [1, 1, 1]} : vector<8x64x128xf32> to vector<1x64x128xf32>
    %squeeze3A_3182 = vector.shape_cast %slice3A_3181 : vector<1x64x128xf32> to vector<64x128xf32>
    %eq3A_3183 = arith.constant 0 : i32
    %eq3A_3184 = vector.broadcast %eq3A_3183 : i32 to vector<64x128xi32>
    %eq3A_3185 = arith.cmpi eq, %and3A_3167, %eq3A_3184 : vector<64x128xi32>
    %sub3A_3186 = arith.constant 1.08857441 : f32
    %sub3A_3187 = vector.broadcast %sub3A_3186 : f32 to vector<64x128xf32>
    %sub3A_3188 = arith.subf %squeeze3A_3182, %sub3A_3187 : vector<64x128xf32>
    %select_n3A_3189 = arith.select %eq3A_3185, %sub3A_3188, %squeeze3A_3182 : vector<64x128xi1>, vector<64x128xf32>
    %exp3A_3190 = math.exp %select_n3A_3189 : vector<64x128xf32>
    %add3A_3191 = arith.addf %broadcast_in_dim3A_3178, %exp3A_3190 : vector<64x128xf32>
    %jit3A_3192 = arith.constant 0.000000e+00 : f32
    %broadcast_in_dim3A_3193 = vector.broadcast %jit3A_3192 : f32 to vector<64x128xf32>
    %select_n3A_3194 = arith.select %eq3A_3185, %sub3A_3188, %broadcast_in_dim3A_3193 : vector<64x128xi1>, vector<64x128xf32>
    %add3A_3195 = arith.addf %broadcast_in_dim3A_3180, %select_n3A_3194 : vector<64x128xf32>
    %slice3A_3196 = vector.extract_strided_slice %transpose3A_3176 {offsets = [1, 0, 0], sizes = [1, 64, 128], strides = [1, 1, 1]} : vector<8x64x128xf32> to vector<1x64x128xf32>
    %squeeze3A_3197 = vector.shape_cast %slice3A_3196 : vector<1x64x128xf32> to vector<64x128xf32>
    %eq3A_3198 = arith.constant 1 : i32
    %eq3A_3199 = vector.broadcast %eq3A_3198 : i32 to vector<64x128xi32>
    %eq3A_3200 = arith.cmpi eq, %and3A_3167, %eq3A_3199 : vector<64x128xi32>
    %sub3A_3201 = arith.constant 2.400000e+00 : f32
    %sub3A_3202 = vector.broadcast %sub3A_3201 : f32 to vector<64x128xf32>
    %sub3A_3203 = arith.subf %squeeze3A_3197, %sub3A_3202 : vector<64x128xf32>
    %select_n3A_3204 = arith.select %eq3A_3200, %sub3A_3203, %squeeze3A_3197 : vector<64x128xi1>, vector<64x128xf32>
    %exp3A_3205 = math.exp %select_n3A_3204 : vector<64x128xf32>
    %add3A_3206 = arith.addf %add3A_3191, %exp3A_3205 : vector<64x128xf32>
    %jit3A_3207 = arith.constant 0.000000e+00 : f32
    %broadcast_in_dim3A_3208 = vector.broadcast %jit3A_3207 : f32 to vector<64x128xf32>
    %select_n3A_3209 = arith.select %eq3A_3200, %sub3A_3203, %broadcast_in_dim3A_3208 : vector<64x128xi1>, vector<64x128xf32>
    %add3A_3210 = arith.addf %add3A_3195, %select_n3A_3209 : vector<64x128xf32>
    %slice3A_3211 = vector.extract_strided_slice %transpose3A_3176 {offsets = [2, 0, 0], sizes = [1, 64, 128], strides = [1, 1, 1]} : vector<8x64x128xf32> to vector<1x64x128xf32>
    %squeeze3A_3212 = vector.shape_cast %slice3A_3211 : vector<1x64x128xf32> to vector<64x128xf32>
    %eq3A_3213 = arith.constant 2 : i32
    %eq3A_3214 = vector.broadcast %eq3A_3213 : i32 to vector<64x128xi32>
    %eq3A_3215 = arith.cmpi eq, %and3A_3167, %eq3A_3214 : vector<64x128xi32>
    %sub3A_3216 = arith.constant 1.18135118 : f32
    %sub3A_3217 = vector.broadcast %sub3A_3216 : f32 to vector<64x128xf32>
    %sub3A_3218 = arith.subf %squeeze3A_3212, %sub3A_3217 : vector<64x128xf32>
    %select_n3A_3219 = arith.select %eq3A_3215, %sub3A_3218, %squeeze3A_3212 : vector<64x128xi1>, vector<64x128xf32>
    %exp3A_3220 = math.exp %select_n3A_3219 : vector<64x128xf32>
    %add3A_3221 = arith.addf %add3A_3206, %exp3A_3220 : vector<64x128xf32>
    %jit3A_3222 = arith.constant 0.000000e+00 : f32
    %broadcast_in_dim3A_3223 = vector.broadcast %jit3A_3222 : f32 to vector<64x128xf32>
    %select_n3A_3224 = arith.select %eq3A_3215, %sub3A_3218, %broadcast_in_dim3A_3223 : vector<64x128xi1>, vector<64x128xf32>
    %add3A_3225 = arith.addf %add3A_3210, %select_n3A_3224 : vector<64x128xf32>
    %slice3A_3226 = vector.extract_strided_slice %transpose3A_3176 {offsets = [3, 0, 0], sizes = [1, 64, 128], strides = [1, 1, 1]} : vector<8x64x128xf32> to vector<1x64x128xf32>
    %squeeze3A_3227 = vector.shape_cast %slice3A_3226 : vector<1x64x128xf32> to vector<64x128xf32>
    %eq3A_3228 = arith.constant 3 : i32
    %eq3A_3229 = vector.broadcast %eq3A_3228 : i32 to vector<64x128xi32>
    %eq3A_3230 = arith.cmpi eq, %and3A_3167, %eq3A_3229 : vector<64x128xi32>
    %sub3A_3231 = arith.constant 1.84070837 : f32
    %sub3A_3232 = vector.broadcast %sub3A_3231 : f32 to vector<64x128xf32>
    %sub3A_3233 = arith.subf %squeeze3A_3227, %sub3A_3232 : vector<64x128xf32>
    %select_n3A_3234 = arith.select %eq3A_3230, %sub3A_3233, %squeeze3A_3227 : vector<64x128xi1>, vector<64x128xf32>
    %exp3A_3235 = math.exp %select_n3A_3234 : vector<64x128xf32>
    %add3A_3236 = arith.addf %add3A_3221, %exp3A_3235 : vector<64x128xf32>
    %jit3A_3237 = arith.constant 0.000000e+00 : f32
    %broadcast_in_dim3A_3238 = vector.broadcast %jit3A_3237 : f32 to vector<64x128xf32>
    %select_n3A_3239 = arith.select %eq3A_3230, %sub3A_3233, %broadcast_in_dim3A_3238 : vector<64x128xi1>, vector<64x128xf32>
    %add3A_3240 = arith.addf %add3A_3225, %select_n3A_3239 : vector<64x128xf32>
    %slice3A_3241 = vector.extract_strided_slice %transpose3A_3176 {offsets = [4, 0, 0], sizes = [1, 64, 128], strides = [1, 1, 1]} : vector<8x64x128xf32> to vector<1x64x128xf32>
    %squeeze3A_3242 = vector.shape_cast %slice3A_3241 : vector<1x64x128xf32> to vector<64x128xf32>
    %eq3A_3243 = arith.constant 4 : i32
    %eq3A_3244 = vector.broadcast %eq3A_3243 : i32 to vector<64x128xi32>
    %eq3A_3245 = arith.cmpi eq, %and3A_3167, %eq3A_3244 : vector<64x128xi32>
    %sub3A_3246 = arith.constant 2.400000e+00 : f32
    %sub3A_3247 = vector.broadcast %sub3A_3246 : f32 to vector<64x128xf32>
    %sub3A_3248 = arith.subf %squeeze3A_3242, %sub3A_3247 : vector<64x128xf32>
    %select_n3A_3249 = arith.select %eq3A_3245, %sub3A_3248, %squeeze3A_3242 : vector<64x128xi1>, vector<64x128xf32>
    %exp3A_3250 = math.exp %select_n3A_3249 : vector<64x128xf32>
    %add3A_3251 = arith.addf %add3A_3236, %exp3A_3250 : vector<64x128xf32>
    %jit3A_3252 = arith.constant 0.000000e+00 : f32
    %broadcast_in_dim3A_3253 = vector.broadcast %jit3A_3252 : f32 to vector<64x128xf32>
    %select_n3A_3254 = arith.select %eq3A_3245, %sub3A_3248, %broadcast_in_dim3A_3253 : vector<64x128xi1>, vector<64x128xf32>
    %add3A_3255 = arith.addf %add3A_3240, %select_n3A_3254 : vector<64x128xf32>
    %slice3A_3256 = vector.extract_strided_slice %transpose3A_3176 {offsets = [5, 0, 0], sizes = [1, 64, 128], strides = [1, 1, 1]} : vector<8x64x128xf32> to vector<1x64x128xf32>
    %squeeze3A_3257 = vector.shape_cast %slice3A_3256 : vector<1x64x128xf32> to vector<64x128xf32>
    %eq3A_3258 = arith.constant 5 : i32
    %eq3A_3259 = vector.broadcast %eq3A_3258 : i32 to vector<64x128xi32>
    %eq3A_3260 = arith.cmpi eq, %and3A_3167, %eq3A_3259 : vector<64x128xi32>
    %sub3A_3261 = arith.constant 1.05176699 : f32
    %sub3A_3262 = vector.broadcast %sub3A_3261 : f32 to vector<64x128xf32>
    %sub3A_3263 = arith.subf %squeeze3A_3257, %sub3A_3262 : vector<64x128xf32>
    %select_n3A_3264 = arith.select %eq3A_3260, %sub3A_3263, %squeeze3A_3257 : vector<64x128xi1>, vector<64x128xf32>
    %exp3A_3265 = math.exp %select_n3A_3264 : vector<64x128xf32>
    %add3A_3266 = arith.addf %add3A_3251, %exp3A_3265 : vector<64x128xf32>
    %jit3A_3267 = arith.constant 0.000000e+00 : f32
    %broadcast_in_dim3A_3268 = vector.broadcast %jit3A_3267 : f32 to vector<64x128xf32>
    %select_n3A_3269 = arith.select %eq3A_3260, %sub3A_3263, %broadcast_in_dim3A_3268 : vector<64x128xi1>, vector<64x128xf32>
    %add3A_3270 = arith.addf %add3A_3255, %select_n3A_3269 : vector<64x128xf32>
    %slice3A_3271 = vector.extract_strided_slice %transpose3A_3176 {offsets = [6, 0, 0], sizes = [1, 64, 128], strides = [1, 1, 1]} : vector<8x64x128xf32> to vector<1x64x128xf32>
    %squeeze3A_3272 = vector.shape_cast %slice3A_3271 : vector<1x64x128xf32> to vector<64x128xf32>
    %eq3A_3273 = arith.constant 6 : i32
    %eq3A_3274 = vector.broadcast %eq3A_3273 : i32 to vector<64x128xi32>
    %eq3A_3275 = arith.cmpi eq, %and3A_3167, %eq3A_3274 : vector<64x128xi32>
    %sub3A_3276 = arith.constant 1.44782162 : f32
    %sub3A_3277 = vector.broadcast %sub3A_3276 : f32 to vector<64x128xf32>
    %sub3A_3278 = arith.subf %squeeze3A_3272, %sub3A_3277 : vector<64x128xf32>
    %select_n3A_3279 = arith.select %eq3A_3275, %sub3A_3278, %squeeze3A_3272 : vector<64x128xi1>, vector<64x128xf32>
    %exp3A_3280 = math.exp %select_n3A_3279 : vector<64x128xf32>
    %add3A_3281 = arith.addf %add3A_3266, %exp3A_3280 : vector<64x128xf32>
    %jit3A_3282 = arith.constant 0.000000e+00 : f32
    %broadcast_in_dim3A_3283 = vector.broadcast %jit3A_3282 : f32 to vector<64x128xf32>
    %select_n3A_3284 = arith.select %eq3A_3275, %sub3A_3278, %broadcast_in_dim3A_3283 : vector<64x128xi1>, vector<64x128xf32>
    %add3A_3285 = arith.addf %add3A_3270, %select_n3A_3284 : vector<64x128xf32>
    %slice3A_3286 = vector.extract_strided_slice %transpose3A_3176 {offsets = [7, 0, 0], sizes = [1, 64, 128], strides = [1, 1, 1]} : vector<8x64x128xf32> to vector<1x64x128xf32>
    %squeeze3A_3287 = vector.shape_cast %slice3A_3286 : vector<1x64x128xf32> to vector<64x128xf32>
    %eq3A_3288 = arith.constant 7 : i32
    %eq3A_3289 = vector.broadcast %eq3A_3288 : i32 to vector<64x128xi32>
    %eq3A_3290 = arith.cmpi eq, %and3A_3167, %eq3A_3289 : vector<64x128xi32>
    %sub3A_3291 = arith.constant 1.3795656 : f32
    %sub3A_3292 = vector.broadcast %sub3A_3291 : f32 to vector<64x128xf32>
    %sub3A_3293 = arith.subf %squeeze3A_3287, %sub3A_3292 : vector<64x128xf32>
    %select_n3A_3294 = arith.select %eq3A_3290, %sub3A_3293, %squeeze3A_3287 : vector<64x128xi1>, vector<64x128xf32>
    %exp3A_3295 = math.exp %select_n3A_3294 : vector<64x128xf32>
    %add3A_3296 = arith.addf %add3A_3281, %exp3A_3295 : vector<64x128xf32>
    %jit3A_3297 = arith.constant 0.000000e+00 : f32
    %broadcast_in_dim3A_3298 = vector.broadcast %jit3A_3297 : f32 to vector<64x128xf32>
    %select_n3A_3299 = arith.select %eq3A_3290, %sub3A_3293, %broadcast_in_dim3A_3298 : vector<64x128xi1>, vector<64x128xf32>
    %add3A_3300 = arith.addf %add3A_3285, %select_n3A_3299 : vector<64x128xf32>
    %log3A_3301 = math.log %add3A_3296 : vector<64x128xf32>
    %sub3A_3302 = arith.subf %log3A_3301, %add3A_3300 : vector<64x128xf32>
    %mul3A_3303 = arith.mulf %convert_element_type3A_3171, %sub3A_3302 : vector<64x128xf32>
    %reshape3A_3304 = vector.shape_cast %mul3A_3303 : vector<64x128xf32> to vector<8x8x128xf32>
    %reduce_sum3A_3305 = arith.constant dense<0.000000e+00> : vector<8x128xf32>
    %reduce_sum3A_3306 = vector.multi_reduction <add>, %reshape3A_3304, %reduce_sum3A_3305 [0] : vector<8x8x128xf32> to vector<8x128xf32>
    %add3A_3307 = arith.addf %add3A_3156, %reduce_sum3A_3306 : vector<8x128xf32>
    %reshape3A_3308 = vector.shape_cast %convert_element_type3A_3171 : vector<64x128xf32> to vector<8x8x128xf32>
    %reduce_sum3A_3309 = arith.constant dense<0.000000e+00> : vector<8x128xf32>
    %reduce_sum3A_3310 = vector.multi_reduction <add>, %reshape3A_3308, %reduce_sum3A_3309 [0] : vector<8x8x128xf32> to vector<8x128xf32>
    %add3A_3311 = arith.addf %add3A_3160, %reduce_sum3A_3310 : vector<8x128xf32>
    %get3A_3312 = arith.constant 1408 : index
    %get3A_3313 = arith.constant 0 : index
    %get3A_3314 = vector.load %arg2[%get3A_3312, %get3A_3313] : memref<1920x128xi8, #tpu.memory_space<vmem>>, vector<64x128xi8>
    %convert_element_type3A_3315 = arith.extsi %get3A_3314 : vector<64x128xi8> to vector<64x128xi32>
    %and3A_3316 = arith.constant 7 : i32
    %and3A_3317 = vector.broadcast %and3A_3316 : i32 to vector<64x128xi32>
    %and3A_3318 = arith.andi %convert_element_type3A_3315, %and3A_3317 : vector<64x128xi32>
    %shift_right_arithmetic3A_3319 = arith.constant 3 : i32
    %shift_right_arithmetic3A_3320 = vector.broadcast %shift_right_arithmetic3A_3319 : i32 to vector<64x128xi32>
    %shift_right_arithmetic3A_3321 = arith.shrsi %convert_element_type3A_3315, %shift_right_arithmetic3A_3320 : vector<64x128xi32>
    %convert_element_type3A_3322 = arith.sitofp %shift_right_arithmetic3A_3321 : vector<64x128xi32> to vector<64x128xf32>
    %get3A_3323 = arith.constant 1408 : index
    %get3A_3324 = arith.constant 0 : index
    %get3A_3325 = arith.constant 0 : index
    %get3A_3326 = vector.load %arg1[%get3A_3323, %get3A_3324, %get3A_3325] : memref<1920x8x128xf32, #tpu.memory_space<vmem>>, vector<64x8x128xf32>
    %transpose3A_3327 = tpu.transpose %get3A_3326, [1, 0, 2] : vector<64x8x128xf32> -> vector<8x64x128xf32>
    %broadcast_in_dim3A_3328 = arith.constant 0.000000e+00 : f32
    %broadcast_in_dim3A_3329 = vector.broadcast %broadcast_in_dim3A_3328 : f32 to vector<64x128xf32>
    %broadcast_in_dim3A_3330 = arith.constant 0.000000e+00 : f32
    %broadcast_in_dim3A_3331 = vector.broadcast %broadcast_in_dim3A_3330 : f32 to vector<64x128xf32>
    %slice3A_3332 = vector.extract_strided_slice %transpose3A_3327 {offsets = [0, 0, 0], sizes = [1, 64, 128], strides = [1, 1, 1]} : vector<8x64x128xf32> to vector<1x64x128xf32>
    %squeeze3A_3333 = vector.shape_cast %slice3A_3332 : vector<1x64x128xf32> to vector<64x128xf32>
    %eq3A_3334 = arith.constant 0 : i32
    %eq3A_3335 = vector.broadcast %eq3A_3334 : i32 to vector<64x128xi32>
    %eq3A_3336 = arith.cmpi eq, %and3A_3318, %eq3A_3335 : vector<64x128xi32>
    %sub3A_3337 = arith.constant 1.08857441 : f32
    %sub3A_3338 = vector.broadcast %sub3A_3337 : f32 to vector<64x128xf32>
    %sub3A_3339 = arith.subf %squeeze3A_3333, %sub3A_3338 : vector<64x128xf32>
    %select_n3A_3340 = arith.select %eq3A_3336, %sub3A_3339, %squeeze3A_3333 : vector<64x128xi1>, vector<64x128xf32>
    %exp3A_3341 = math.exp %select_n3A_3340 : vector<64x128xf32>
    %add3A_3342 = arith.addf %broadcast_in_dim3A_3329, %exp3A_3341 : vector<64x128xf32>
    %jit3A_3343 = arith.constant 0.000000e+00 : f32
    %broadcast_in_dim3A_3344 = vector.broadcast %jit3A_3343 : f32 to vector<64x128xf32>
    %select_n3A_3345 = arith.select %eq3A_3336, %sub3A_3339, %broadcast_in_dim3A_3344 : vector<64x128xi1>, vector<64x128xf32>
    %add3A_3346 = arith.addf %broadcast_in_dim3A_3331, %select_n3A_3345 : vector<64x128xf32>
    %slice3A_3347 = vector.extract_strided_slice %transpose3A_3327 {offsets = [1, 0, 0], sizes = [1, 64, 128], strides = [1, 1, 1]} : vector<8x64x128xf32> to vector<1x64x128xf32>
    %squeeze3A_3348 = vector.shape_cast %slice3A_3347 : vector<1x64x128xf32> to vector<64x128xf32>
    %eq3A_3349 = arith.constant 1 : i32
    %eq3A_3350 = vector.broadcast %eq3A_3349 : i32 to vector<64x128xi32>
    %eq3A_3351 = arith.cmpi eq, %and3A_3318, %eq3A_3350 : vector<64x128xi32>
    %sub3A_3352 = arith.constant 2.400000e+00 : f32
    %sub3A_3353 = vector.broadcast %sub3A_3352 : f32 to vector<64x128xf32>
    %sub3A_3354 = arith.subf %squeeze3A_3348, %sub3A_3353 : vector<64x128xf32>
    %select_n3A_3355 = arith.select %eq3A_3351, %sub3A_3354, %squeeze3A_3348 : vector<64x128xi1>, vector<64x128xf32>
    %exp3A_3356 = math.exp %select_n3A_3355 : vector<64x128xf32>
    %add3A_3357 = arith.addf %add3A_3342, %exp3A_3356 : vector<64x128xf32>
    %jit3A_3358 = arith.constant 0.000000e+00 : f32
    %broadcast_in_dim3A_3359 = vector.broadcast %jit3A_3358 : f32 to vector<64x128xf32>
    %select_n3A_3360 = arith.select %eq3A_3351, %sub3A_3354, %broadcast_in_dim3A_3359 : vector<64x128xi1>, vector<64x128xf32>
    %add3A_3361 = arith.addf %add3A_3346, %select_n3A_3360 : vector<64x128xf32>
    %slice3A_3362 = vector.extract_strided_slice %transpose3A_3327 {offsets = [2, 0, 0], sizes = [1, 64, 128], strides = [1, 1, 1]} : vector<8x64x128xf32> to vector<1x64x128xf32>
    %squeeze3A_3363 = vector.shape_cast %slice3A_3362 : vector<1x64x128xf32> to vector<64x128xf32>
    %eq3A_3364 = arith.constant 2 : i32
    %eq3A_3365 = vector.broadcast %eq3A_3364 : i32 to vector<64x128xi32>
    %eq3A_3366 = arith.cmpi eq, %and3A_3318, %eq3A_3365 : vector<64x128xi32>
    %sub3A_3367 = arith.constant 1.18135118 : f32
    %sub3A_3368 = vector.broadcast %sub3A_3367 : f32 to vector<64x128xf32>
    %sub3A_3369 = arith.subf %squeeze3A_3363, %sub3A_3368 : vector<64x128xf32>
    %select_n3A_3370 = arith.select %eq3A_3366, %sub3A_3369, %squeeze3A_3363 : vector<64x128xi1>, vector<64x128xf32>
    %exp3A_3371 = math.exp %select_n3A_3370 : vector<64x128xf32>
    %add3A_3372 = arith.addf %add3A_3357, %exp3A_3371 : vector<64x128xf32>
    %jit3A_3373 = arith.constant 0.000000e+00 : f32
    %broadcast_in_dim3A_3374 = vector.broadcast %jit3A_3373 : f32 to vector<64x128xf32>
    %select_n3A_3375 = arith.select %eq3A_3366, %sub3A_3369, %broadcast_in_dim3A_3374 : vector<64x128xi1>, vector<64x128xf32>
    %add3A_3376 = arith.addf %add3A_3361, %select_n3A_3375 : vector<64x128xf32>
    %slice3A_3377 = vector.extract_strided_slice %transpose3A_3327 {offsets = [3, 0, 0], sizes = [1, 64, 128], strides = [1, 1, 1]} : vector<8x64x128xf32> to vector<1x64x128xf32>
    %squeeze3A_3378 = vector.shape_cast %slice3A_3377 : vector<1x64x128xf32> to vector<64x128xf32>
    %eq3A_3379 = arith.constant 3 : i32
    %eq3A_3380 = vector.broadcast %eq3A_3379 : i32 to vector<64x128xi32>
    %eq3A_3381 = arith.cmpi eq, %and3A_3318, %eq3A_3380 : vector<64x128xi32>
    %sub3A_3382 = arith.constant 1.84070837 : f32
    %sub3A_3383 = vector.broadcast %sub3A_3382 : f32 to vector<64x128xf32>
    %sub3A_3384 = arith.subf %squeeze3A_3378, %sub3A_3383 : vector<64x128xf32>
    %select_n3A_3385 = arith.select %eq3A_3381, %sub3A_3384, %squeeze3A_3378 : vector<64x128xi1>, vector<64x128xf32>
    %exp3A_3386 = math.exp %select_n3A_3385 : vector<64x128xf32>
    %add3A_3387 = arith.addf %add3A_3372, %exp3A_3386 : vector<64x128xf32>
    %jit3A_3388 = arith.constant 0.000000e+00 : f32
    %broadcast_in_dim3A_3389 = vector.broadcast %jit3A_3388 : f32 to vector<64x128xf32>
    %select_n3A_3390 = arith.select %eq3A_3381, %sub3A_3384, %broadcast_in_dim3A_3389 : vector<64x128xi1>, vector<64x128xf32>
    %add3A_3391 = arith.addf %add3A_3376, %select_n3A_3390 : vector<64x128xf32>
    %slice3A_3392 = vector.extract_strided_slice %transpose3A_3327 {offsets = [4, 0, 0], sizes = [1, 64, 128], strides = [1, 1, 1]} : vector<8x64x128xf32> to vector<1x64x128xf32>
    %squeeze3A_3393 = vector.shape_cast %slice3A_3392 : vector<1x64x128xf32> to vector<64x128xf32>
    %eq3A_3394 = arith.constant 4 : i32
    %eq3A_3395 = vector.broadcast %eq3A_3394 : i32 to vector<64x128xi32>
    %eq3A_3396 = arith.cmpi eq, %and3A_3318, %eq3A_3395 : vector<64x128xi32>
    %sub3A_3397 = arith.constant 2.400000e+00 : f32
    %sub3A_3398 = vector.broadcast %sub3A_3397 : f32 to vector<64x128xf32>
    %sub3A_3399 = arith.subf %squeeze3A_3393, %sub3A_3398 : vector<64x128xf32>
    %select_n3A_3400 = arith.select %eq3A_3396, %sub3A_3399, %squeeze3A_3393 : vector<64x128xi1>, vector<64x128xf32>
    %exp3A_3401 = math.exp %select_n3A_3400 : vector<64x128xf32>
    %add3A_3402 = arith.addf %add3A_3387, %exp3A_3401 : vector<64x128xf32>
    %jit3A_3403 = arith.constant 0.000000e+00 : f32
    %broadcast_in_dim3A_3404 = vector.broadcast %jit3A_3403 : f32 to vector<64x128xf32>
    %select_n3A_3405 = arith.select %eq3A_3396, %sub3A_3399, %broadcast_in_dim3A_3404 : vector<64x128xi1>, vector<64x128xf32>
    %add3A_3406 = arith.addf %add3A_3391, %select_n3A_3405 : vector<64x128xf32>
    %slice3A_3407 = vector.extract_strided_slice %transpose3A_3327 {offsets = [5, 0, 0], sizes = [1, 64, 128], strides = [1, 1, 1]} : vector<8x64x128xf32> to vector<1x64x128xf32>
    %squeeze3A_3408 = vector.shape_cast %slice3A_3407 : vector<1x64x128xf32> to vector<64x128xf32>
    %eq3A_3409 = arith.constant 5 : i32
    %eq3A_3410 = vector.broadcast %eq3A_3409 : i32 to vector<64x128xi32>
    %eq3A_3411 = arith.cmpi eq, %and3A_3318, %eq3A_3410 : vector<64x128xi32>
    %sub3A_3412 = arith.constant 1.05176699 : f32
    %sub3A_3413 = vector.broadcast %sub3A_3412 : f32 to vector<64x128xf32>
    %sub3A_3414 = arith.subf %squeeze3A_3408, %sub3A_3413 : vector<64x128xf32>
    %select_n3A_3415 = arith.select %eq3A_3411, %sub3A_3414, %squeeze3A_3408 : vector<64x128xi1>, vector<64x128xf32>
    %exp3A_3416 = math.exp %select_n3A_3415 : vector<64x128xf32>
    %add3A_3417 = arith.addf %add3A_3402, %exp3A_3416 : vector<64x128xf32>
    %jit3A_3418 = arith.constant 0.000000e+00 : f32
    %broadcast_in_dim3A_3419 = vector.broadcast %jit3A_3418 : f32 to vector<64x128xf32>
    %select_n3A_3420 = arith.select %eq3A_3411, %sub3A_3414, %broadcast_in_dim3A_3419 : vector<64x128xi1>, vector<64x128xf32>
    %add3A_3421 = arith.addf %add3A_3406, %select_n3A_3420 : vector<64x128xf32>
    %slice3A_3422 = vector.extract_strided_slice %transpose3A_3327 {offsets = [6, 0, 0], sizes = [1, 64, 128], strides = [1, 1, 1]} : vector<8x64x128xf32> to vector<1x64x128xf32>
    %squeeze3A_3423 = vector.shape_cast %slice3A_3422 : vector<1x64x128xf32> to vector<64x128xf32>
    %eq3A_3424 = arith.constant 6 : i32
    %eq3A_3425 = vector.broadcast %eq3A_3424 : i32 to vector<64x128xi32>
    %eq3A_3426 = arith.cmpi eq, %and3A_3318, %eq3A_3425 : vector<64x128xi32>
    %sub3A_3427 = arith.constant 1.44782162 : f32
    %sub3A_3428 = vector.broadcast %sub3A_3427 : f32 to vector<64x128xf32>
    %sub3A_3429 = arith.subf %squeeze3A_3423, %sub3A_3428 : vector<64x128xf32>
    %select_n3A_3430 = arith.select %eq3A_3426, %sub3A_3429, %squeeze3A_3423 : vector<64x128xi1>, vector<64x128xf32>
    %exp3A_3431 = math.exp %select_n3A_3430 : vector<64x128xf32>
    %add3A_3432 = arith.addf %add3A_3417, %exp3A_3431 : vector<64x128xf32>
    %jit3A_3433 = arith.constant 0.000000e+00 : f32
    %broadcast_in_dim3A_3434 = vector.broadcast %jit3A_3433 : f32 to vector<64x128xf32>
    %select_n3A_3435 = arith.select %eq3A_3426, %sub3A_3429, %broadcast_in_dim3A_3434 : vector<64x128xi1>, vector<64x128xf32>
    %add3A_3436 = arith.addf %add3A_3421, %select_n3A_3435 : vector<64x128xf32>
    %slice3A_3437 = vector.extract_strided_slice %transpose3A_3327 {offsets = [7, 0, 0], sizes = [1, 64, 128], strides = [1, 1, 1]} : vector<8x64x128xf32> to vector<1x64x128xf32>
    %squeeze3A_3438 = vector.shape_cast %slice3A_3437 : vector<1x64x128xf32> to vector<64x128xf32>
    %eq3A_3439 = arith.constant 7 : i32
    %eq3A_3440 = vector.broadcast %eq3A_3439 : i32 to vector<64x128xi32>
    %eq3A_3441 = arith.cmpi eq, %and3A_3318, %eq3A_3440 : vector<64x128xi32>
    %sub3A_3442 = arith.constant 1.3795656 : f32
    %sub3A_3443 = vector.broadcast %sub3A_3442 : f32 to vector<64x128xf32>
    %sub3A_3444 = arith.subf %squeeze3A_3438, %sub3A_3443 : vector<64x128xf32>
    %select_n3A_3445 = arith.select %eq3A_3441, %sub3A_3444, %squeeze3A_3438 : vector<64x128xi1>, vector<64x128xf32>
    %exp3A_3446 = math.exp %select_n3A_3445 : vector<64x128xf32>
    %add3A_3447 = arith.addf %add3A_3432, %exp3A_3446 : vector<64x128xf32>
    %jit3A_3448 = arith.constant 0.000000e+00 : f32
    %broadcast_in_dim3A_3449 = vector.broadcast %jit3A_3448 : f32 to vector<64x128xf32>
    %select_n3A_3450 = arith.select %eq3A_3441, %sub3A_3444, %broadcast_in_dim3A_3449 : vector<64x128xi1>, vector<64x128xf32>
    %add3A_3451 = arith.addf %add3A_3436, %select_n3A_3450 : vector<64x128xf32>
    %log3A_3452 = math.log %add3A_3447 : vector<64x128xf32>
    %sub3A_3453 = arith.subf %log3A_3452, %add3A_3451 : vector<64x128xf32>
    %mul3A_3454 = arith.mulf %convert_element_type3A_3322, %sub3A_3453 : vector<64x128xf32>
    %reshape3A_3455 = vector.shape_cast %mul3A_3454 : vector<64x128xf32> to vector<8x8x128xf32>
    %reduce_sum3A_3456 = arith.constant dense<0.000000e+00> : vector<8x128xf32>
    %reduce_sum3A_3457 = vector.multi_reduction <add>, %reshape3A_3455, %reduce_sum3A_3456 [0] : vector<8x8x128xf32> to vector<8x128xf32>
    %add3A_3458 = arith.addf %add3A_3307, %reduce_sum3A_3457 : vector<8x128xf32>
    %reshape3A_3459 = vector.shape_cast %convert_element_type3A_3322 : vector<64x128xf32> to vector<8x8x128xf32>
    %reduce_sum3A_3460 = arith.constant dense<0.000000e+00> : vector<8x128xf32>
    %reduce_sum3A_3461 = vector.multi_reduction <add>, %reshape3A_3459, %reduce_sum3A_3460 [0] : vector<8x8x128xf32> to vector<8x128xf32>
    %add3A_3462 = arith.addf %add3A_3311, %reduce_sum3A_3461 : vector<8x128xf32>
    %get3A_3463 = arith.constant 1472 : index
    %get3A_3464 = arith.constant 0 : index
    %get3A_3465 = vector.load %arg2[%get3A_3463, %get3A_3464] : memref<1920x128xi8, #tpu.memory_space<vmem>>, vector<64x128xi8>
    %convert_element_type3A_3466 = arith.extsi %get3A_3465 : vector<64x128xi8> to vector<64x128xi32>
    %and3A_3467 = arith.constant 7 : i32
    %and3A_3468 = vector.broadcast %and3A_3467 : i32 to vector<64x128xi32>
    %and3A_3469 = arith.andi %convert_element_type3A_3466, %and3A_3468 : vector<64x128xi32>
    %shift_right_arithmetic3A_3470 = arith.constant 3 : i32
    %shift_right_arithmetic3A_3471 = vector.broadcast %shift_right_arithmetic3A_3470 : i32 to vector<64x128xi32>
    %shift_right_arithmetic3A_3472 = arith.shrsi %convert_element_type3A_3466, %shift_right_arithmetic3A_3471 : vector<64x128xi32>
    %convert_element_type3A_3473 = arith.sitofp %shift_right_arithmetic3A_3472 : vector<64x128xi32> to vector<64x128xf32>
    %get3A_3474 = arith.constant 1472 : index
    %get3A_3475 = arith.constant 0 : index
    %get3A_3476 = arith.constant 0 : index
    %get3A_3477 = vector.load %arg1[%get3A_3474, %get3A_3475, %get3A_3476] : memref<1920x8x128xf32, #tpu.memory_space<vmem>>, vector<64x8x128xf32>
    %transpose3A_3478 = tpu.transpose %get3A_3477, [1, 0, 2] : vector<64x8x128xf32> -> vector<8x64x128xf32>
    %broadcast_in_dim3A_3479 = arith.constant 0.000000e+00 : f32
    %broadcast_in_dim3A_3480 = vector.broadcast %broadcast_in_dim3A_3479 : f32 to vector<64x128xf32>
    %broadcast_in_dim3A_3481 = arith.constant 0.000000e+00 : f32
    %broadcast_in_dim3A_3482 = vector.broadcast %broadcast_in_dim3A_3481 : f32 to vector<64x128xf32>
    %slice3A_3483 = vector.extract_strided_slice %transpose3A_3478 {offsets = [0, 0, 0], sizes = [1, 64, 128], strides = [1, 1, 1]} : vector<8x64x128xf32> to vector<1x64x128xf32>
    %squeeze3A_3484 = vector.shape_cast %slice3A_3483 : vector<1x64x128xf32> to vector<64x128xf32>
    %eq3A_3485 = arith.constant 0 : i32
    %eq3A_3486 = vector.broadcast %eq3A_3485 : i32 to vector<64x128xi32>
    %eq3A_3487 = arith.cmpi eq, %and3A_3469, %eq3A_3486 : vector<64x128xi32>
    %sub3A_3488 = arith.constant 1.08857441 : f32
    %sub3A_3489 = vector.broadcast %sub3A_3488 : f32 to vector<64x128xf32>
    %sub3A_3490 = arith.subf %squeeze3A_3484, %sub3A_3489 : vector<64x128xf32>
    %select_n3A_3491 = arith.select %eq3A_3487, %sub3A_3490, %squeeze3A_3484 : vector<64x128xi1>, vector<64x128xf32>
    %exp3A_3492 = math.exp %select_n3A_3491 : vector<64x128xf32>
    %add3A_3493 = arith.addf %broadcast_in_dim3A_3480, %exp3A_3492 : vector<64x128xf32>
    %jit3A_3494 = arith.constant 0.000000e+00 : f32
    %broadcast_in_dim3A_3495 = vector.broadcast %jit3A_3494 : f32 to vector<64x128xf32>
    %select_n3A_3496 = arith.select %eq3A_3487, %sub3A_3490, %broadcast_in_dim3A_3495 : vector<64x128xi1>, vector<64x128xf32>
    %add3A_3497 = arith.addf %broadcast_in_dim3A_3482, %select_n3A_3496 : vector<64x128xf32>
    %slice3A_3498 = vector.extract_strided_slice %transpose3A_3478 {offsets = [1, 0, 0], sizes = [1, 64, 128], strides = [1, 1, 1]} : vector<8x64x128xf32> to vector<1x64x128xf32>
    %squeeze3A_3499 = vector.shape_cast %slice3A_3498 : vector<1x64x128xf32> to vector<64x128xf32>
    %eq3A_3500 = arith.constant 1 : i32
    %eq3A_3501 = vector.broadcast %eq3A_3500 : i32 to vector<64x128xi32>
    %eq3A_3502 = arith.cmpi eq, %and3A_3469, %eq3A_3501 : vector<64x128xi32>
    %sub3A_3503 = arith.constant 2.400000e+00 : f32
    %sub3A_3504 = vector.broadcast %sub3A_3503 : f32 to vector<64x128xf32>
    %sub3A_3505 = arith.subf %squeeze3A_3499, %sub3A_3504 : vector<64x128xf32>
    %select_n3A_3506 = arith.select %eq3A_3502, %sub3A_3505, %squeeze3A_3499 : vector<64x128xi1>, vector<64x128xf32>
    %exp3A_3507 = math.exp %select_n3A_3506 : vector<64x128xf32>
    %add3A_3508 = arith.addf %add3A_3493, %exp3A_3507 : vector<64x128xf32>
    %jit3A_3509 = arith.constant 0.000000e+00 : f32
    %broadcast_in_dim3A_3510 = vector.broadcast %jit3A_3509 : f32 to vector<64x128xf32>
    %select_n3A_3511 = arith.select %eq3A_3502, %sub3A_3505, %broadcast_in_dim3A_3510 : vector<64x128xi1>, vector<64x128xf32>
    %add3A_3512 = arith.addf %add3A_3497, %select_n3A_3511 : vector<64x128xf32>
    %slice3A_3513 = vector.extract_strided_slice %transpose3A_3478 {offsets = [2, 0, 0], sizes = [1, 64, 128], strides = [1, 1, 1]} : vector<8x64x128xf32> to vector<1x64x128xf32>
    %squeeze3A_3514 = vector.shape_cast %slice3A_3513 : vector<1x64x128xf32> to vector<64x128xf32>
    %eq3A_3515 = arith.constant 2 : i32
    %eq3A_3516 = vector.broadcast %eq3A_3515 : i32 to vector<64x128xi32>
    %eq3A_3517 = arith.cmpi eq, %and3A_3469, %eq3A_3516 : vector<64x128xi32>
    %sub3A_3518 = arith.constant 1.18135118 : f32
    %sub3A_3519 = vector.broadcast %sub3A_3518 : f32 to vector<64x128xf32>
    %sub3A_3520 = arith.subf %squeeze3A_3514, %sub3A_3519 : vector<64x128xf32>
    %select_n3A_3521 = arith.select %eq3A_3517, %sub3A_3520, %squeeze3A_3514 : vector<64x128xi1>, vector<64x128xf32>
    %exp3A_3522 = math.exp %select_n3A_3521 : vector<64x128xf32>
    %add3A_3523 = arith.addf %add3A_3508, %exp3A_3522 : vector<64x128xf32>
    %jit3A_3524 = arith.constant 0.000000e+00 : f32
    %broadcast_in_dim3A_3525 = vector.broadcast %jit3A_3524 : f32 to vector<64x128xf32>
    %select_n3A_3526 = arith.select %eq3A_3517, %sub3A_3520, %broadcast_in_dim3A_3525 : vector<64x128xi1>, vector<64x128xf32>
    %add3A_3527 = arith.addf %add3A_3512, %select_n3A_3526 : vector<64x128xf32>
    %slice3A_3528 = vector.extract_strided_slice %transpose3A_3478 {offsets = [3, 0, 0], sizes = [1, 64, 128], strides = [1, 1, 1]} : vector<8x64x128xf32> to vector<1x64x128xf32>
    %squeeze3A_3529 = vector.shape_cast %slice3A_3528 : vector<1x64x128xf32> to vector<64x128xf32>
    %eq3A_3530 = arith.constant 3 : i32
    %eq3A_3531 = vector.broadcast %eq3A_3530 : i32 to vector<64x128xi32>
    %eq3A_3532 = arith.cmpi eq, %and3A_3469, %eq3A_3531 : vector<64x128xi32>
    %sub3A_3533 = arith.constant 1.84070837 : f32
    %sub3A_3534 = vector.broadcast %sub3A_3533 : f32 to vector<64x128xf32>
    %sub3A_3535 = arith.subf %squeeze3A_3529, %sub3A_3534 : vector<64x128xf32>
    %select_n3A_3536 = arith.select %eq3A_3532, %sub3A_3535, %squeeze3A_3529 : vector<64x128xi1>, vector<64x128xf32>
    %exp3A_3537 = math.exp %select_n3A_3536 : vector<64x128xf32>
    %add3A_3538 = arith.addf %add3A_3523, %exp3A_3537 : vector<64x128xf32>
    %jit3A_3539 = arith.constant 0.000000e+00 : f32
    %broadcast_in_dim3A_3540 = vector.broadcast %jit3A_3539 : f32 to vector<64x128xf32>
    %select_n3A_3541 = arith.select %eq3A_3532, %sub3A_3535, %broadcast_in_dim3A_3540 : vector<64x128xi1>, vector<64x128xf32>
    %add3A_3542 = arith.addf %add3A_3527, %select_n3A_3541 : vector<64x128xf32>
    %slice3A_3543 = vector.extract_strided_slice %transpose3A_3478 {offsets = [4, 0, 0], sizes = [1, 64, 128], strides = [1, 1, 1]} : vector<8x64x128xf32> to vector<1x64x128xf32>
    %squeeze3A_3544 = vector.shape_cast %slice3A_3543 : vector<1x64x128xf32> to vector<64x128xf32>
    %eq3A_3545 = arith.constant 4 : i32
    %eq3A_3546 = vector.broadcast %eq3A_3545 : i32 to vector<64x128xi32>
    %eq3A_3547 = arith.cmpi eq, %and3A_3469, %eq3A_3546 : vector<64x128xi32>
    %sub3A_3548 = arith.constant 2.400000e+00 : f32
    %sub3A_3549 = vector.broadcast %sub3A_3548 : f32 to vector<64x128xf32>
    %sub3A_3550 = arith.subf %squeeze3A_3544, %sub3A_3549 : vector<64x128xf32>
    %select_n3A_3551 = arith.select %eq3A_3547, %sub3A_3550, %squeeze3A_3544 : vector<64x128xi1>, vector<64x128xf32>
    %exp3A_3552 = math.exp %select_n3A_3551 : vector<64x128xf32>
    %add3A_3553 = arith.addf %add3A_3538, %exp3A_3552 : vector<64x128xf32>
    %jit3A_3554 = arith.constant 0.000000e+00 : f32
    %broadcast_in_dim3A_3555 = vector.broadcast %jit3A_3554 : f32 to vector<64x128xf32>
    %select_n3A_3556 = arith.select %eq3A_3547, %sub3A_3550, %broadcast_in_dim3A_3555 : vector<64x128xi1>, vector<64x128xf32>
    %add3A_3557 = arith.addf %add3A_3542, %select_n3A_3556 : vector<64x128xf32>
    %slice3A_3558 = vector.extract_strided_slice %transpose3A_3478 {offsets = [5, 0, 0], sizes = [1, 64, 128], strides = [1, 1, 1]} : vector<8x64x128xf32> to vector<1x64x128xf32>
    %squeeze3A_3559 = vector.shape_cast %slice3A_3558 : vector<1x64x128xf32> to vector<64x128xf32>
    %eq3A_3560 = arith.constant 5 : i32
    %eq3A_3561 = vector.broadcast %eq3A_3560 : i32 to vector<64x128xi32>
    %eq3A_3562 = arith.cmpi eq, %and3A_3469, %eq3A_3561 : vector<64x128xi32>
    %sub3A_3563 = arith.constant 1.05176699 : f32
    %sub3A_3564 = vector.broadcast %sub3A_3563 : f32 to vector<64x128xf32>
    %sub3A_3565 = arith.subf %squeeze3A_3559, %sub3A_3564 : vector<64x128xf32>
    %select_n3A_3566 = arith.select %eq3A_3562, %sub3A_3565, %squeeze3A_3559 : vector<64x128xi1>, vector<64x128xf32>
    %exp3A_3567 = math.exp %select_n3A_3566 : vector<64x128xf32>
    %add3A_3568 = arith.addf %add3A_3553, %exp3A_3567 : vector<64x128xf32>
    %jit3A_3569 = arith.constant 0.000000e+00 : f32
    %broadcast_in_dim3A_3570 = vector.broadcast %jit3A_3569 : f32 to vector<64x128xf32>
    %select_n3A_3571 = arith.select %eq3A_3562, %sub3A_3565, %broadcast_in_dim3A_3570 : vector<64x128xi1>, vector<64x128xf32>
    %add3A_3572 = arith.addf %add3A_3557, %select_n3A_3571 : vector<64x128xf32>
    %slice3A_3573 = vector.extract_strided_slice %transpose3A_3478 {offsets = [6, 0, 0], sizes = [1, 64, 128], strides = [1, 1, 1]} : vector<8x64x128xf32> to vector<1x64x128xf32>
    %squeeze3A_3574 = vector.shape_cast %slice3A_3573 : vector<1x64x128xf32> to vector<64x128xf32>
    %eq3A_3575 = arith.constant 6 : i32
    %eq3A_3576 = vector.broadcast %eq3A_3575 : i32 to vector<64x128xi32>
    %eq3A_3577 = arith.cmpi eq, %and3A_3469, %eq3A_3576 : vector<64x128xi32>
    %sub3A_3578 = arith.constant 1.44782162 : f32
    %sub3A_3579 = vector.broadcast %sub3A_3578 : f32 to vector<64x128xf32>
    %sub3A_3580 = arith.subf %squeeze3A_3574, %sub3A_3579 : vector<64x128xf32>
    %select_n3A_3581 = arith.select %eq3A_3577, %sub3A_3580, %squeeze3A_3574 : vector<64x128xi1>, vector<64x128xf32>
    %exp3A_3582 = math.exp %select_n3A_3581 : vector<64x128xf32>
    %add3A_3583 = arith.addf %add3A_3568, %exp3A_3582 : vector<64x128xf32>
    %jit3A_3584 = arith.constant 0.000000e+00 : f32
    %broadcast_in_dim3A_3585 = vector.broadcast %jit3A_3584 : f32 to vector<64x128xf32>
    %select_n3A_3586 = arith.select %eq3A_3577, %sub3A_3580, %broadcast_in_dim3A_3585 : vector<64x128xi1>, vector<64x128xf32>
    %add3A_3587 = arith.addf %add3A_3572, %select_n3A_3586 : vector<64x128xf32>
    %slice3A_3588 = vector.extract_strided_slice %transpose3A_3478 {offsets = [7, 0, 0], sizes = [1, 64, 128], strides = [1, 1, 1]} : vector<8x64x128xf32> to vector<1x64x128xf32>
    %squeeze3A_3589 = vector.shape_cast %slice3A_3588 : vector<1x64x128xf32> to vector<64x128xf32>
    %eq3A_3590 = arith.constant 7 : i32
    %eq3A_3591 = vector.broadcast %eq3A_3590 : i32 to vector<64x128xi32>
    %eq3A_3592 = arith.cmpi eq, %and3A_3469, %eq3A_3591 : vector<64x128xi32>
    %sub3A_3593 = arith.constant 1.3795656 : f32
    %sub3A_3594 = vector.broadcast %sub3A_3593 : f32 to vector<64x128xf32>
    %sub3A_3595 = arith.subf %squeeze3A_3589, %sub3A_3594 : vector<64x128xf32>
    %select_n3A_3596 = arith.select %eq3A_3592, %sub3A_3595, %squeeze3A_3589 : vector<64x128xi1>, vector<64x128xf32>
    %exp3A_3597 = math.exp %select_n3A_3596 : vector<64x128xf32>
    %add3A_3598 = arith.addf %add3A_3583, %exp3A_3597 : vector<64x128xf32>
    %jit3A_3599 = arith.constant 0.000000e+00 : f32
    %broadcast_in_dim3A_3600 = vector.broadcast %jit3A_3599 : f32 to vector<64x128xf32>
    %select_n3A_3601 = arith.select %eq3A_3592, %sub3A_3595, %broadcast_in_dim3A_3600 : vector<64x128xi1>, vector<64x128xf32>
    %add3A_3602 = arith.addf %add3A_3587, %select_n3A_3601 : vector<64x128xf32>
    %log3A_3603 = math.log %add3A_3598 : vector<64x128xf32>
    %sub3A_3604 = arith.subf %log3A_3603, %add3A_3602 : vector<64x128xf32>
    %mul3A_3605 = arith.mulf %convert_element_type3A_3473, %sub3A_3604 : vector<64x128xf32>
    %reshape3A_3606 = vector.shape_cast %mul3A_3605 : vector<64x128xf32> to vector<8x8x128xf32>
    %reduce_sum3A_3607 = arith.constant dense<0.000000e+00> : vector<8x128xf32>
    %reduce_sum3A_3608 = vector.multi_reduction <add>, %reshape3A_3606, %reduce_sum3A_3607 [0] : vector<8x8x128xf32> to vector<8x128xf32>
    %add3A_3609 = arith.addf %add3A_3458, %reduce_sum3A_3608 : vector<8x128xf32>
    %reshape3A_3610 = vector.shape_cast %convert_element_type3A_3473 : vector<64x128xf32> to vector<8x8x128xf32>
    %reduce_sum3A_3611 = arith.constant dense<0.000000e+00> : vector<8x128xf32>
    %reduce_sum3A_3612 = vector.multi_reduction <add>, %reshape3A_3610, %reduce_sum3A_3611 [0] : vector<8x8x128xf32> to vector<8x128xf32>
    %add3A_3613 = arith.addf %add3A_3462, %reduce_sum3A_3612 : vector<8x128xf32>
    %get3A_3614 = arith.constant 1536 : index
    %get3A_3615 = arith.constant 0 : index
    %get3A_3616 = vector.load %arg2[%get3A_3614, %get3A_3615] : memref<1920x128xi8, #tpu.memory_space<vmem>>, vector<64x128xi8>
    %convert_element_type3A_3617 = arith.extsi %get3A_3616 : vector<64x128xi8> to vector<64x128xi32>
    %and3A_3618 = arith.constant 7 : i32
    %and3A_3619 = vector.broadcast %and3A_3618 : i32 to vector<64x128xi32>
    %and3A_3620 = arith.andi %convert_element_type3A_3617, %and3A_3619 : vector<64x128xi32>
    %shift_right_arithmetic3A_3621 = arith.constant 3 : i32
    %shift_right_arithmetic3A_3622 = vector.broadcast %shift_right_arithmetic3A_3621 : i32 to vector<64x128xi32>
    %shift_right_arithmetic3A_3623 = arith.shrsi %convert_element_type3A_3617, %shift_right_arithmetic3A_3622 : vector<64x128xi32>
    %convert_element_type3A_3624 = arith.sitofp %shift_right_arithmetic3A_3623 : vector<64x128xi32> to vector<64x128xf32>
    %get3A_3625 = arith.constant 1536 : index
    %get3A_3626 = arith.constant 0 : index
    %get3A_3627 = arith.constant 0 : index
    %get3A_3628 = vector.load %arg1[%get3A_3625, %get3A_3626, %get3A_3627] : memref<1920x8x128xf32, #tpu.memory_space<vmem>>, vector<64x8x128xf32>
    %transpose3A_3629 = tpu.transpose %get3A_3628, [1, 0, 2] : vector<64x8x128xf32> -> vector<8x64x128xf32>
    %broadcast_in_dim3A_3630 = arith.constant 0.000000e+00 : f32
    %broadcast_in_dim3A_3631 = vector.broadcast %broadcast_in_dim3A_3630 : f32 to vector<64x128xf32>
    %broadcast_in_dim3A_3632 = arith.constant 0.000000e+00 : f32
    %broadcast_in_dim3A_3633 = vector.broadcast %broadcast_in_dim3A_3632 : f32 to vector<64x128xf32>
    %slice3A_3634 = vector.extract_strided_slice %transpose3A_3629 {offsets = [0, 0, 0], sizes = [1, 64, 128], strides = [1, 1, 1]} : vector<8x64x128xf32> to vector<1x64x128xf32>
    %squeeze3A_3635 = vector.shape_cast %slice3A_3634 : vector<1x64x128xf32> to vector<64x128xf32>
    %eq3A_3636 = arith.constant 0 : i32
    %eq3A_3637 = vector.broadcast %eq3A_3636 : i32 to vector<64x128xi32>
    %eq3A_3638 = arith.cmpi eq, %and3A_3620, %eq3A_3637 : vector<64x128xi32>
    %sub3A_3639 = arith.constant 1.08857441 : f32
    %sub3A_3640 = vector.broadcast %sub3A_3639 : f32 to vector<64x128xf32>
    %sub3A_3641 = arith.subf %squeeze3A_3635, %sub3A_3640 : vector<64x128xf32>
    %select_n3A_3642 = arith.select %eq3A_3638, %sub3A_3641, %squeeze3A_3635 : vector<64x128xi1>, vector<64x128xf32>
    %exp3A_3643 = math.exp %select_n3A_3642 : vector<64x128xf32>
    %add3A_3644 = arith.addf %broadcast_in_dim3A_3631, %exp3A_3643 : vector<64x128xf32>
    %jit3A_3645 = arith.constant 0.000000e+00 : f32
    %broadcast_in_dim3A_3646 = vector.broadcast %jit3A_3645 : f32 to vector<64x128xf32>
    %select_n3A_3647 = arith.select %eq3A_3638, %sub3A_3641, %broadcast_in_dim3A_3646 : vector<64x128xi1>, vector<64x128xf32>
    %add3A_3648 = arith.addf %broadcast_in_dim3A_3633, %select_n3A_3647 : vector<64x128xf32>
    %slice3A_3649 = vector.extract_strided_slice %transpose3A_3629 {offsets = [1, 0, 0], sizes = [1, 64, 128], strides = [1, 1, 1]} : vector<8x64x128xf32> to vector<1x64x128xf32>
    %squeeze3A_3650 = vector.shape_cast %slice3A_3649 : vector<1x64x128xf32> to vector<64x128xf32>
    %eq3A_3651 = arith.constant 1 : i32
    %eq3A_3652 = vector.broadcast %eq3A_3651 : i32 to vector<64x128xi32>
    %eq3A_3653 = arith.cmpi eq, %and3A_3620, %eq3A_3652 : vector<64x128xi32>
    %sub3A_3654 = arith.constant 2.400000e+00 : f32
    %sub3A_3655 = vector.broadcast %sub3A_3654 : f32 to vector<64x128xf32>
    %sub3A_3656 = arith.subf %squeeze3A_3650, %sub3A_3655 : vector<64x128xf32>
    %select_n3A_3657 = arith.select %eq3A_3653, %sub3A_3656, %squeeze3A_3650 : vector<64x128xi1>, vector<64x128xf32>
    %exp3A_3658 = math.exp %select_n3A_3657 : vector<64x128xf32>
    %add3A_3659 = arith.addf %add3A_3644, %exp3A_3658 : vector<64x128xf32>
    %jit3A_3660 = arith.constant 0.000000e+00 : f32
    %broadcast_in_dim3A_3661 = vector.broadcast %jit3A_3660 : f32 to vector<64x128xf32>
    %select_n3A_3662 = arith.select %eq3A_3653, %sub3A_3656, %broadcast_in_dim3A_3661 : vector<64x128xi1>, vector<64x128xf32>
    %add3A_3663 = arith.addf %add3A_3648, %select_n3A_3662 : vector<64x128xf32>
    %slice3A_3664 = vector.extract_strided_slice %transpose3A_3629 {offsets = [2, 0, 0], sizes = [1, 64, 128], strides = [1, 1, 1]} : vector<8x64x128xf32> to vector<1x64x128xf32>
    %squeeze3A_3665 = vector.shape_cast %slice3A_3664 : vector<1x64x128xf32> to vector<64x128xf32>
    %eq3A_3666 = arith.constant 2 : i32
    %eq3A_3667 = vector.broadcast %eq3A_3666 : i32 to vector<64x128xi32>
    %eq3A_3668 = arith.cmpi eq, %and3A_3620, %eq3A_3667 : vector<64x128xi32>
    %sub3A_3669 = arith.constant 1.18135118 : f32
    %sub3A_3670 = vector.broadcast %sub3A_3669 : f32 to vector<64x128xf32>
    %sub3A_3671 = arith.subf %squeeze3A_3665, %sub3A_3670 : vector<64x128xf32>
    %select_n3A_3672 = arith.select %eq3A_3668, %sub3A_3671, %squeeze3A_3665 : vector<64x128xi1>, vector<64x128xf32>
    %exp3A_3673 = math.exp %select_n3A_3672 : vector<64x128xf32>
    %add3A_3674 = arith.addf %add3A_3659, %exp3A_3673 : vector<64x128xf32>
    %jit3A_3675 = arith.constant 0.000000e+00 : f32
    %broadcast_in_dim3A_3676 = vector.broadcast %jit3A_3675 : f32 to vector<64x128xf32>
    %select_n3A_3677 = arith.select %eq3A_3668, %sub3A_3671, %broadcast_in_dim3A_3676 : vector<64x128xi1>, vector<64x128xf32>
    %add3A_3678 = arith.addf %add3A_3663, %select_n3A_3677 : vector<64x128xf32>
    %slice3A_3679 = vector.extract_strided_slice %transpose3A_3629 {offsets = [3, 0, 0], sizes = [1, 64, 128], strides = [1, 1, 1]} : vector<8x64x128xf32> to vector<1x64x128xf32>
    %squeeze3A_3680 = vector.shape_cast %slice3A_3679 : vector<1x64x128xf32> to vector<64x128xf32>
    %eq3A_3681 = arith.constant 3 : i32
    %eq3A_3682 = vector.broadcast %eq3A_3681 : i32 to vector<64x128xi32>
    %eq3A_3683 = arith.cmpi eq, %and3A_3620, %eq3A_3682 : vector<64x128xi32>
    %sub3A_3684 = arith.constant 1.84070837 : f32
    %sub3A_3685 = vector.broadcast %sub3A_3684 : f32 to vector<64x128xf32>
    %sub3A_3686 = arith.subf %squeeze3A_3680, %sub3A_3685 : vector<64x128xf32>
    %select_n3A_3687 = arith.select %eq3A_3683, %sub3A_3686, %squeeze3A_3680 : vector<64x128xi1>, vector<64x128xf32>
    %exp3A_3688 = math.exp %select_n3A_3687 : vector<64x128xf32>
    %add3A_3689 = arith.addf %add3A_3674, %exp3A_3688 : vector<64x128xf32>
    %jit3A_3690 = arith.constant 0.000000e+00 : f32
    %broadcast_in_dim3A_3691 = vector.broadcast %jit3A_3690 : f32 to vector<64x128xf32>
    %select_n3A_3692 = arith.select %eq3A_3683, %sub3A_3686, %broadcast_in_dim3A_3691 : vector<64x128xi1>, vector<64x128xf32>
    %add3A_3693 = arith.addf %add3A_3678, %select_n3A_3692 : vector<64x128xf32>
    %slice3A_3694 = vector.extract_strided_slice %transpose3A_3629 {offsets = [4, 0, 0], sizes = [1, 64, 128], strides = [1, 1, 1]} : vector<8x64x128xf32> to vector<1x64x128xf32>
    %squeeze3A_3695 = vector.shape_cast %slice3A_3694 : vector<1x64x128xf32> to vector<64x128xf32>
    %eq3A_3696 = arith.constant 4 : i32
    %eq3A_3697 = vector.broadcast %eq3A_3696 : i32 to vector<64x128xi32>
    %eq3A_3698 = arith.cmpi eq, %and3A_3620, %eq3A_3697 : vector<64x128xi32>
    %sub3A_3699 = arith.constant 2.400000e+00 : f32
    %sub3A_3700 = vector.broadcast %sub3A_3699 : f32 to vector<64x128xf32>
    %sub3A_3701 = arith.subf %squeeze3A_3695, %sub3A_3700 : vector<64x128xf32>
    %select_n3A_3702 = arith.select %eq3A_3698, %sub3A_3701, %squeeze3A_3695 : vector<64x128xi1>, vector<64x128xf32>
    %exp3A_3703 = math.exp %select_n3A_3702 : vector<64x128xf32>
    %add3A_3704 = arith.addf %add3A_3689, %exp3A_3703 : vector<64x128xf32>
    %jit3A_3705 = arith.constant 0.000000e+00 : f32
    %broadcast_in_dim3A_3706 = vector.broadcast %jit3A_3705 : f32 to vector<64x128xf32>
    %select_n3A_3707 = arith.select %eq3A_3698, %sub3A_3701, %broadcast_in_dim3A_3706 : vector<64x128xi1>, vector<64x128xf32>
    %add3A_3708 = arith.addf %add3A_3693, %select_n3A_3707 : vector<64x128xf32>
    %slice3A_3709 = vector.extract_strided_slice %transpose3A_3629 {offsets = [5, 0, 0], sizes = [1, 64, 128], strides = [1, 1, 1]} : vector<8x64x128xf32> to vector<1x64x128xf32>
    %squeeze3A_3710 = vector.shape_cast %slice3A_3709 : vector<1x64x128xf32> to vector<64x128xf32>
    %eq3A_3711 = arith.constant 5 : i32
    %eq3A_3712 = vector.broadcast %eq3A_3711 : i32 to vector<64x128xi32>
    %eq3A_3713 = arith.cmpi eq, %and3A_3620, %eq3A_3712 : vector<64x128xi32>
    %sub3A_3714 = arith.constant 1.05176699 : f32
    %sub3A_3715 = vector.broadcast %sub3A_3714 : f32 to vector<64x128xf32>
    %sub3A_3716 = arith.subf %squeeze3A_3710, %sub3A_3715 : vector<64x128xf32>
    %select_n3A_3717 = arith.select %eq3A_3713, %sub3A_3716, %squeeze3A_3710 : vector<64x128xi1>, vector<64x128xf32>
    %exp3A_3718 = math.exp %select_n3A_3717 : vector<64x128xf32>
    %add3A_3719 = arith.addf %add3A_3704, %exp3A_3718 : vector<64x128xf32>
    %jit3A_3720 = arith.constant 0.000000e+00 : f32
    %broadcast_in_dim3A_3721 = vector.broadcast %jit3A_3720 : f32 to vector<64x128xf32>
    %select_n3A_3722 = arith.select %eq3A_3713, %sub3A_3716, %broadcast_in_dim3A_3721 : vector<64x128xi1>, vector<64x128xf32>
    %add3A_3723 = arith.addf %add3A_3708, %select_n3A_3722 : vector<64x128xf32>
    %slice3A_3724 = vector.extract_strided_slice %transpose3A_3629 {offsets = [6, 0, 0], sizes = [1, 64, 128], strides = [1, 1, 1]} : vector<8x64x128xf32> to vector<1x64x128xf32>
    %squeeze3A_3725 = vector.shape_cast %slice3A_3724 : vector<1x64x128xf32> to vector<64x128xf32>
    %eq3A_3726 = arith.constant 6 : i32
    %eq3A_3727 = vector.broadcast %eq3A_3726 : i32 to vector<64x128xi32>
    %eq3A_3728 = arith.cmpi eq, %and3A_3620, %eq3A_3727 : vector<64x128xi32>
    %sub3A_3729 = arith.constant 1.44782162 : f32
    %sub3A_3730 = vector.broadcast %sub3A_3729 : f32 to vector<64x128xf32>
    %sub3A_3731 = arith.subf %squeeze3A_3725, %sub3A_3730 : vector<64x128xf32>
    %select_n3A_3732 = arith.select %eq3A_3728, %sub3A_3731, %squeeze3A_3725 : vector<64x128xi1>, vector<64x128xf32>
    %exp3A_3733 = math.exp %select_n3A_3732 : vector<64x128xf32>
    %add3A_3734 = arith.addf %add3A_3719, %exp3A_3733 : vector<64x128xf32>
    %jit3A_3735 = arith.constant 0.000000e+00 : f32
    %broadcast_in_dim3A_3736 = vector.broadcast %jit3A_3735 : f32 to vector<64x128xf32>
    %select_n3A_3737 = arith.select %eq3A_3728, %sub3A_3731, %broadcast_in_dim3A_3736 : vector<64x128xi1>, vector<64x128xf32>
    %add3A_3738 = arith.addf %add3A_3723, %select_n3A_3737 : vector<64x128xf32>
    %slice3A_3739 = vector.extract_strided_slice %transpose3A_3629 {offsets = [7, 0, 0], sizes = [1, 64, 128], strides = [1, 1, 1]} : vector<8x64x128xf32> to vector<1x64x128xf32>
    %squeeze3A_3740 = vector.shape_cast %slice3A_3739 : vector<1x64x128xf32> to vector<64x128xf32>
    %eq3A_3741 = arith.constant 7 : i32
    %eq3A_3742 = vector.broadcast %eq3A_3741 : i32 to vector<64x128xi32>
    %eq3A_3743 = arith.cmpi eq, %and3A_3620, %eq3A_3742 : vector<64x128xi32>
    %sub3A_3744 = arith.constant 1.3795656 : f32
    %sub3A_3745 = vector.broadcast %sub3A_3744 : f32 to vector<64x128xf32>
    %sub3A_3746 = arith.subf %squeeze3A_3740, %sub3A_3745 : vector<64x128xf32>
    %select_n3A_3747 = arith.select %eq3A_3743, %sub3A_3746, %squeeze3A_3740 : vector<64x128xi1>, vector<64x128xf32>
    %exp3A_3748 = math.exp %select_n3A_3747 : vector<64x128xf32>
    %add3A_3749 = arith.addf %add3A_3734, %exp3A_3748 : vector<64x128xf32>
    %jit3A_3750 = arith.constant 0.000000e+00 : f32
    %broadcast_in_dim3A_3751 = vector.broadcast %jit3A_3750 : f32 to vector<64x128xf32>
    %select_n3A_3752 = arith.select %eq3A_3743, %sub3A_3746, %broadcast_in_dim3A_3751 : vector<64x128xi1>, vector<64x128xf32>
    %add3A_3753 = arith.addf %add3A_3738, %select_n3A_3752 : vector<64x128xf32>
    %log3A_3754 = math.log %add3A_3749 : vector<64x128xf32>
    %sub3A_3755 = arith.subf %log3A_3754, %add3A_3753 : vector<64x128xf32>
    %mul3A_3756 = arith.mulf %convert_element_type3A_3624, %sub3A_3755 : vector<64x128xf32>
    %reshape3A_3757 = vector.shape_cast %mul3A_3756 : vector<64x128xf32> to vector<8x8x128xf32>
    %reduce_sum3A_3758 = arith.constant dense<0.000000e+00> : vector<8x128xf32>
    %reduce_sum3A_3759 = vector.multi_reduction <add>, %reshape3A_3757, %reduce_sum3A_3758 [0] : vector<8x8x128xf32> to vector<8x128xf32>
    %add3A_3760 = arith.addf %add3A_3609, %reduce_sum3A_3759 : vector<8x128xf32>
    %reshape3A_3761 = vector.shape_cast %convert_element_type3A_3624 : vector<64x128xf32> to vector<8x8x128xf32>
    %reduce_sum3A_3762 = arith.constant dense<0.000000e+00> : vector<8x128xf32>
    %reduce_sum3A_3763 = vector.multi_reduction <add>, %reshape3A_3761, %reduce_sum3A_3762 [0] : vector<8x8x128xf32> to vector<8x128xf32>
    %add3A_3764 = arith.addf %add3A_3613, %reduce_sum3A_3763 : vector<8x128xf32>
    %get3A_3765 = arith.constant 1600 : index
    %get3A_3766 = arith.constant 0 : index
    %get3A_3767 = vector.load %arg2[%get3A_3765, %get3A_3766] : memref<1920x128xi8, #tpu.memory_space<vmem>>, vector<64x128xi8>
    %convert_element_type3A_3768 = arith.extsi %get3A_3767 : vector<64x128xi8> to vector<64x128xi32>
    %and3A_3769 = arith.constant 7 : i32
    %and3A_3770 = vector.broadcast %and3A_3769 : i32 to vector<64x128xi32>
    %and3A_3771 = arith.andi %convert_element_type3A_3768, %and3A_3770 : vector<64x128xi32>
    %shift_right_arithmetic3A_3772 = arith.constant 3 : i32
    %shift_right_arithmetic3A_3773 = vector.broadcast %shift_right_arithmetic3A_3772 : i32 to vector<64x128xi32>
    %shift_right_arithmetic3A_3774 = arith.shrsi %convert_element_type3A_3768, %shift_right_arithmetic3A_3773 : vector<64x128xi32>
    %convert_element_type3A_3775 = arith.sitofp %shift_right_arithmetic3A_3774 : vector<64x128xi32> to vector<64x128xf32>
    %get3A_3776 = arith.constant 1600 : index
    %get3A_3777 = arith.constant 0 : index
    %get3A_3778 = arith.constant 0 : index
    %get3A_3779 = vector.load %arg1[%get3A_3776, %get3A_3777, %get3A_3778] : memref<1920x8x128xf32, #tpu.memory_space<vmem>>, vector<64x8x128xf32>
    %transpose3A_3780 = tpu.transpose %get3A_3779, [1, 0, 2] : vector<64x8x128xf32> -> vector<8x64x128xf32>
    %broadcast_in_dim3A_3781 = arith.constant 0.000000e+00 : f32
    %broadcast_in_dim3A_3782 = vector.broadcast %broadcast_in_dim3A_3781 : f32 to vector<64x128xf32>
    %broadcast_in_dim3A_3783 = arith.constant 0.000000e+00 : f32
    %broadcast_in_dim3A_3784 = vector.broadcast %broadcast_in_dim3A_3783 : f32 to vector<64x128xf32>
    %slice3A_3785 = vector.extract_strided_slice %transpose3A_3780 {offsets = [0, 0, 0], sizes = [1, 64, 128], strides = [1, 1, 1]} : vector<8x64x128xf32> to vector<1x64x128xf32>
    %squeeze3A_3786 = vector.shape_cast %slice3A_3785 : vector<1x64x128xf32> to vector<64x128xf32>
    %eq3A_3787 = arith.constant 0 : i32
    %eq3A_3788 = vector.broadcast %eq3A_3787 : i32 to vector<64x128xi32>
    %eq3A_3789 = arith.cmpi eq, %and3A_3771, %eq3A_3788 : vector<64x128xi32>
    %sub3A_3790 = arith.constant 1.08857441 : f32
    %sub3A_3791 = vector.broadcast %sub3A_3790 : f32 to vector<64x128xf32>
    %sub3A_3792 = arith.subf %squeeze3A_3786, %sub3A_3791 : vector<64x128xf32>
    %select_n3A_3793 = arith.select %eq3A_3789, %sub3A_3792, %squeeze3A_3786 : vector<64x128xi1>, vector<64x128xf32>
    %exp3A_3794 = math.exp %select_n3A_3793 : vector<64x128xf32>
    %add3A_3795 = arith.addf %broadcast_in_dim3A_3782, %exp3A_3794 : vector<64x128xf32>
    %jit3A_3796 = arith.constant 0.000000e+00 : f32
    %broadcast_in_dim3A_3797 = vector.broadcast %jit3A_3796 : f32 to vector<64x128xf32>
    %select_n3A_3798 = arith.select %eq3A_3789, %sub3A_3792, %broadcast_in_dim3A_3797 : vector<64x128xi1>, vector<64x128xf32>
    %add3A_3799 = arith.addf %broadcast_in_dim3A_3784, %select_n3A_3798 : vector<64x128xf32>
    %slice3A_3800 = vector.extract_strided_slice %transpose3A_3780 {offsets = [1, 0, 0], sizes = [1, 64, 128], strides = [1, 1, 1]} : vector<8x64x128xf32> to vector<1x64x128xf32>
    %squeeze3A_3801 = vector.shape_cast %slice3A_3800 : vector<1x64x128xf32> to vector<64x128xf32>
    %eq3A_3802 = arith.constant 1 : i32
    %eq3A_3803 = vector.broadcast %eq3A_3802 : i32 to vector<64x128xi32>
    %eq3A_3804 = arith.cmpi eq, %and3A_3771, %eq3A_3803 : vector<64x128xi32>
    %sub3A_3805 = arith.constant 2.400000e+00 : f32
    %sub3A_3806 = vector.broadcast %sub3A_3805 : f32 to vector<64x128xf32>
    %sub3A_3807 = arith.subf %squeeze3A_3801, %sub3A_3806 : vector<64x128xf32>
    %select_n3A_3808 = arith.select %eq3A_3804, %sub3A_3807, %squeeze3A_3801 : vector<64x128xi1>, vector<64x128xf32>
    %exp3A_3809 = math.exp %select_n3A_3808 : vector<64x128xf32>
    %add3A_3810 = arith.addf %add3A_3795, %exp3A_3809 : vector<64x128xf32>
    %jit3A_3811 = arith.constant 0.000000e+00 : f32
    %broadcast_in_dim3A_3812 = vector.broadcast %jit3A_3811 : f32 to vector<64x128xf32>
    %select_n3A_3813 = arith.select %eq3A_3804, %sub3A_3807, %broadcast_in_dim3A_3812 : vector<64x128xi1>, vector<64x128xf32>
    %add3A_3814 = arith.addf %add3A_3799, %select_n3A_3813 : vector<64x128xf32>
    %slice3A_3815 = vector.extract_strided_slice %transpose3A_3780 {offsets = [2, 0, 0], sizes = [1, 64, 128], strides = [1, 1, 1]} : vector<8x64x128xf32> to vector<1x64x128xf32>
    %squeeze3A_3816 = vector.shape_cast %slice3A_3815 : vector<1x64x128xf32> to vector<64x128xf32>
    %eq3A_3817 = arith.constant 2 : i32
    %eq3A_3818 = vector.broadcast %eq3A_3817 : i32 to vector<64x128xi32>
    %eq3A_3819 = arith.cmpi eq, %and3A_3771, %eq3A_3818 : vector<64x128xi32>
    %sub3A_3820 = arith.constant 1.18135118 : f32
    %sub3A_3821 = vector.broadcast %sub3A_3820 : f32 to vector<64x128xf32>
    %sub3A_3822 = arith.subf %squeeze3A_3816, %sub3A_3821 : vector<64x128xf32>
    %select_n3A_3823 = arith.select %eq3A_3819, %sub3A_3822, %squeeze3A_3816 : vector<64x128xi1>, vector<64x128xf32>
    %exp3A_3824 = math.exp %select_n3A_3823 : vector<64x128xf32>
    %add3A_3825 = arith.addf %add3A_3810, %exp3A_3824 : vector<64x128xf32>
    %jit3A_3826 = arith.constant 0.000000e+00 : f32
    %broadcast_in_dim3A_3827 = vector.broadcast %jit3A_3826 : f32 to vector<64x128xf32>
    %select_n3A_3828 = arith.select %eq3A_3819, %sub3A_3822, %broadcast_in_dim3A_3827 : vector<64x128xi1>, vector<64x128xf32>
    %add3A_3829 = arith.addf %add3A_3814, %select_n3A_3828 : vector<64x128xf32>
    %slice3A_3830 = vector.extract_strided_slice %transpose3A_3780 {offsets = [3, 0, 0], sizes = [1, 64, 128], strides = [1, 1, 1]} : vector<8x64x128xf32> to vector<1x64x128xf32>
    %squeeze3A_3831 = vector.shape_cast %slice3A_3830 : vector<1x64x128xf32> to vector<64x128xf32>
    %eq3A_3832 = arith.constant 3 : i32
    %eq3A_3833 = vector.broadcast %eq3A_3832 : i32 to vector<64x128xi32>
    %eq3A_3834 = arith.cmpi eq, %and3A_3771, %eq3A_3833 : vector<64x128xi32>
    %sub3A_3835 = arith.constant 1.84070837 : f32
    %sub3A_3836 = vector.broadcast %sub3A_3835 : f32 to vector<64x128xf32>
    %sub3A_3837 = arith.subf %squeeze3A_3831, %sub3A_3836 : vector<64x128xf32>
    %select_n3A_3838 = arith.select %eq3A_3834, %sub3A_3837, %squeeze3A_3831 : vector<64x128xi1>, vector<64x128xf32>
    %exp3A_3839 = math.exp %select_n3A_3838 : vector<64x128xf32>
    %add3A_3840 = arith.addf %add3A_3825, %exp3A_3839 : vector<64x128xf32>
    %jit3A_3841 = arith.constant 0.000000e+00 : f32
    %broadcast_in_dim3A_3842 = vector.broadcast %jit3A_3841 : f32 to vector<64x128xf32>
    %select_n3A_3843 = arith.select %eq3A_3834, %sub3A_3837, %broadcast_in_dim3A_3842 : vector<64x128xi1>, vector<64x128xf32>
    %add3A_3844 = arith.addf %add3A_3829, %select_n3A_3843 : vector<64x128xf32>
    %slice3A_3845 = vector.extract_strided_slice %transpose3A_3780 {offsets = [4, 0, 0], sizes = [1, 64, 128], strides = [1, 1, 1]} : vector<8x64x128xf32> to vector<1x64x128xf32>
    %squeeze3A_3846 = vector.shape_cast %slice3A_3845 : vector<1x64x128xf32> to vector<64x128xf32>
    %eq3A_3847 = arith.constant 4 : i32
    %eq3A_3848 = vector.broadcast %eq3A_3847 : i32 to vector<64x128xi32>
    %eq3A_3849 = arith.cmpi eq, %and3A_3771, %eq3A_3848 : vector<64x128xi32>
    %sub3A_3850 = arith.constant 2.400000e+00 : f32
    %sub3A_3851 = vector.broadcast %sub3A_3850 : f32 to vector<64x128xf32>
    %sub3A_3852 = arith.subf %squeeze3A_3846, %sub3A_3851 : vector<64x128xf32>
    %select_n3A_3853 = arith.select %eq3A_3849, %sub3A_3852, %squeeze3A_3846 : vector<64x128xi1>, vector<64x128xf32>
    %exp3A_3854 = math.exp %select_n3A_3853 : vector<64x128xf32>
    %add3A_3855 = arith.addf %add3A_3840, %exp3A_3854 : vector<64x128xf32>
    %jit3A_3856 = arith.constant 0.000000e+00 : f32
    %broadcast_in_dim3A_3857 = vector.broadcast %jit3A_3856 : f32 to vector<64x128xf32>
    %select_n3A_3858 = arith.select %eq3A_3849, %sub3A_3852, %broadcast_in_dim3A_3857 : vector<64x128xi1>, vector<64x128xf32>
    %add3A_3859 = arith.addf %add3A_3844, %select_n3A_3858 : vector<64x128xf32>
    %slice3A_3860 = vector.extract_strided_slice %transpose3A_3780 {offsets = [5, 0, 0], sizes = [1, 64, 128], strides = [1, 1, 1]} : vector<8x64x128xf32> to vector<1x64x128xf32>
    %squeeze3A_3861 = vector.shape_cast %slice3A_3860 : vector<1x64x128xf32> to vector<64x128xf32>
    %eq3A_3862 = arith.constant 5 : i32
    %eq3A_3863 = vector.broadcast %eq3A_3862 : i32 to vector<64x128xi32>
    %eq3A_3864 = arith.cmpi eq, %and3A_3771, %eq3A_3863 : vector<64x128xi32>
    %sub3A_3865 = arith.constant 1.05176699 : f32
    %sub3A_3866 = vector.broadcast %sub3A_3865 : f32 to vector<64x128xf32>
    %sub3A_3867 = arith.subf %squeeze3A_3861, %sub3A_3866 : vector<64x128xf32>
    %select_n3A_3868 = arith.select %eq3A_3864, %sub3A_3867, %squeeze3A_3861 : vector<64x128xi1>, vector<64x128xf32>
    %exp3A_3869 = math.exp %select_n3A_3868 : vector<64x128xf32>
    %add3A_3870 = arith.addf %add3A_3855, %exp3A_3869 : vector<64x128xf32>
    %jit3A_3871 = arith.constant 0.000000e+00 : f32
    %broadcast_in_dim3A_3872 = vector.broadcast %jit3A_3871 : f32 to vector<64x128xf32>
    %select_n3A_3873 = arith.select %eq3A_3864, %sub3A_3867, %broadcast_in_dim3A_3872 : vector<64x128xi1>, vector<64x128xf32>
    %add3A_3874 = arith.addf %add3A_3859, %select_n3A_3873 : vector<64x128xf32>
    %slice3A_3875 = vector.extract_strided_slice %transpose3A_3780 {offsets = [6, 0, 0], sizes = [1, 64, 128], strides = [1, 1, 1]} : vector<8x64x128xf32> to vector<1x64x128xf32>
    %squeeze3A_3876 = vector.shape_cast %slice3A_3875 : vector<1x64x128xf32> to vector<64x128xf32>
    %eq3A_3877 = arith.constant 6 : i32
    %eq3A_3878 = vector.broadcast %eq3A_3877 : i32 to vector<64x128xi32>
    %eq3A_3879 = arith.cmpi eq, %and3A_3771, %eq3A_3878 : vector<64x128xi32>
    %sub3A_3880 = arith.constant 1.44782162 : f32
    %sub3A_3881 = vector.broadcast %sub3A_3880 : f32 to vector<64x128xf32>
    %sub3A_3882 = arith.subf %squeeze3A_3876, %sub3A_3881 : vector<64x128xf32>
    %select_n3A_3883 = arith.select %eq3A_3879, %sub3A_3882, %squeeze3A_3876 : vector<64x128xi1>, vector<64x128xf32>
    %exp3A_3884 = math.exp %select_n3A_3883 : vector<64x128xf32>
    %add3A_3885 = arith.addf %add3A_3870, %exp3A_3884 : vector<64x128xf32>
    %jit3A_3886 = arith.constant 0.000000e+00 : f32
    %broadcast_in_dim3A_3887 = vector.broadcast %jit3A_3886 : f32 to vector<64x128xf32>
    %select_n3A_3888 = arith.select %eq3A_3879, %sub3A_3882, %broadcast_in_dim3A_3887 : vector<64x128xi1>, vector<64x128xf32>
    %add3A_3889 = arith.addf %add3A_3874, %select_n3A_3888 : vector<64x128xf32>
    %slice3A_3890 = vector.extract_strided_slice %transpose3A_3780 {offsets = [7, 0, 0], sizes = [1, 64, 128], strides = [1, 1, 1]} : vector<8x64x128xf32> to vector<1x64x128xf32>
    %squeeze3A_3891 = vector.shape_cast %slice3A_3890 : vector<1x64x128xf32> to vector<64x128xf32>
    %eq3A_3892 = arith.constant 7 : i32
    %eq3A_3893 = vector.broadcast %eq3A_3892 : i32 to vector<64x128xi32>
    %eq3A_3894 = arith.cmpi eq, %and3A_3771, %eq3A_3893 : vector<64x128xi32>
    %sub3A_3895 = arith.constant 1.3795656 : f32
    %sub3A_3896 = vector.broadcast %sub3A_3895 : f32 to vector<64x128xf32>
    %sub3A_3897 = arith.subf %squeeze3A_3891, %sub3A_3896 : vector<64x128xf32>
    %select_n3A_3898 = arith.select %eq3A_3894, %sub3A_3897, %squeeze3A_3891 : vector<64x128xi1>, vector<64x128xf32>
    %exp3A_3899 = math.exp %select_n3A_3898 : vector<64x128xf32>
    %add3A_3900 = arith.addf %add3A_3885, %exp3A_3899 : vector<64x128xf32>
    %jit3A_3901 = arith.constant 0.000000e+00 : f32
    %broadcast_in_dim3A_3902 = vector.broadcast %jit3A_3901 : f32 to vector<64x128xf32>
    %select_n3A_3903 = arith.select %eq3A_3894, %sub3A_3897, %broadcast_in_dim3A_3902 : vector<64x128xi1>, vector<64x128xf32>
    %add3A_3904 = arith.addf %add3A_3889, %select_n3A_3903 : vector<64x128xf32>
    %log3A_3905 = math.log %add3A_3900 : vector<64x128xf32>
    %sub3A_3906 = arith.subf %log3A_3905, %add3A_3904 : vector<64x128xf32>
    %mul3A_3907 = arith.mulf %convert_element_type3A_3775, %sub3A_3906 : vector<64x128xf32>
    %reshape3A_3908 = vector.shape_cast %mul3A_3907 : vector<64x128xf32> to vector<8x8x128xf32>
    %reduce_sum3A_3909 = arith.constant dense<0.000000e+00> : vector<8x128xf32>
    %reduce_sum3A_3910 = vector.multi_reduction <add>, %reshape3A_3908, %reduce_sum3A_3909 [0] : vector<8x8x128xf32> to vector<8x128xf32>
    %add3A_3911 = arith.addf %add3A_3760, %reduce_sum3A_3910 : vector<8x128xf32>
    %reshape3A_3912 = vector.shape_cast %convert_element_type3A_3775 : vector<64x128xf32> to vector<8x8x128xf32>
    %reduce_sum3A_3913 = arith.constant dense<0.000000e+00> : vector<8x128xf32>
    %reduce_sum3A_3914 = vector.multi_reduction <add>, %reshape3A_3912, %reduce_sum3A_3913 [0] : vector<8x8x128xf32> to vector<8x128xf32>
    %add3A_3915 = arith.addf %add3A_3764, %reduce_sum3A_3914 : vector<8x128xf32>
    %get3A_3916 = arith.constant 1664 : index
    %get3A_3917 = arith.constant 0 : index
    %get3A_3918 = vector.load %arg2[%get3A_3916, %get3A_3917] : memref<1920x128xi8, #tpu.memory_space<vmem>>, vector<64x128xi8>
    %convert_element_type3A_3919 = arith.extsi %get3A_3918 : vector<64x128xi8> to vector<64x128xi32>
    %and3A_3920 = arith.constant 7 : i32
    %and3A_3921 = vector.broadcast %and3A_3920 : i32 to vector<64x128xi32>
    %and3A_3922 = arith.andi %convert_element_type3A_3919, %and3A_3921 : vector<64x128xi32>
    %shift_right_arithmetic3A_3923 = arith.constant 3 : i32
    %shift_right_arithmetic3A_3924 = vector.broadcast %shift_right_arithmetic3A_3923 : i32 to vector<64x128xi32>
    %shift_right_arithmetic3A_3925 = arith.shrsi %convert_element_type3A_3919, %shift_right_arithmetic3A_3924 : vector<64x128xi32>
    %convert_element_type3A_3926 = arith.sitofp %shift_right_arithmetic3A_3925 : vector<64x128xi32> to vector<64x128xf32>
    %get3A_3927 = arith.constant 1664 : index
    %get3A_3928 = arith.constant 0 : index
    %get3A_3929 = arith.constant 0 : index
    %get3A_3930 = vector.load %arg1[%get3A_3927, %get3A_3928, %get3A_3929] : memref<1920x8x128xf32, #tpu.memory_space<vmem>>, vector<64x8x128xf32>
    %transpose3A_3931 = tpu.transpose %get3A_3930, [1, 0, 2] : vector<64x8x128xf32> -> vector<8x64x128xf32>
    %broadcast_in_dim3A_3932 = arith.constant 0.000000e+00 : f32
    %broadcast_in_dim3A_3933 = vector.broadcast %broadcast_in_dim3A_3932 : f32 to vector<64x128xf32>
    %broadcast_in_dim3A_3934 = arith.constant 0.000000e+00 : f32
    %broadcast_in_dim3A_3935 = vector.broadcast %broadcast_in_dim3A_3934 : f32 to vector<64x128xf32>
    %slice3A_3936 = vector.extract_strided_slice %transpose3A_3931 {offsets = [0, 0, 0], sizes = [1, 64, 128], strides = [1, 1, 1]} : vector<8x64x128xf32> to vector<1x64x128xf32>
    %squeeze3A_3937 = vector.shape_cast %slice3A_3936 : vector<1x64x128xf32> to vector<64x128xf32>
    %eq3A_3938 = arith.constant 0 : i32
    %eq3A_3939 = vector.broadcast %eq3A_3938 : i32 to vector<64x128xi32>
    %eq3A_3940 = arith.cmpi eq, %and3A_3922, %eq3A_3939 : vector<64x128xi32>
    %sub3A_3941 = arith.constant 1.08857441 : f32
    %sub3A_3942 = vector.broadcast %sub3A_3941 : f32 to vector<64x128xf32>
    %sub3A_3943 = arith.subf %squeeze3A_3937, %sub3A_3942 : vector<64x128xf32>
    %select_n3A_3944 = arith.select %eq3A_3940, %sub3A_3943, %squeeze3A_3937 : vector<64x128xi1>, vector<64x128xf32>
    %exp3A_3945 = math.exp %select_n3A_3944 : vector<64x128xf32>
    %add3A_3946 = arith.addf %broadcast_in_dim3A_3933, %exp3A_3945 : vector<64x128xf32>
    %jit3A_3947 = arith.constant 0.000000e+00 : f32
    %broadcast_in_dim3A_3948 = vector.broadcast %jit3A_3947 : f32 to vector<64x128xf32>
    %select_n3A_3949 = arith.select %eq3A_3940, %sub3A_3943, %broadcast_in_dim3A_3948 : vector<64x128xi1>, vector<64x128xf32>
    %add3A_3950 = arith.addf %broadcast_in_dim3A_3935, %select_n3A_3949 : vector<64x128xf32>
    %slice3A_3951 = vector.extract_strided_slice %transpose3A_3931 {offsets = [1, 0, 0], sizes = [1, 64, 128], strides = [1, 1, 1]} : vector<8x64x128xf32> to vector<1x64x128xf32>
    %squeeze3A_3952 = vector.shape_cast %slice3A_3951 : vector<1x64x128xf32> to vector<64x128xf32>
    %eq3A_3953 = arith.constant 1 : i32
    %eq3A_3954 = vector.broadcast %eq3A_3953 : i32 to vector<64x128xi32>
    %eq3A_3955 = arith.cmpi eq, %and3A_3922, %eq3A_3954 : vector<64x128xi32>
    %sub3A_3956 = arith.constant 2.400000e+00 : f32
    %sub3A_3957 = vector.broadcast %sub3A_3956 : f32 to vector<64x128xf32>
    %sub3A_3958 = arith.subf %squeeze3A_3952, %sub3A_3957 : vector<64x128xf32>
    %select_n3A_3959 = arith.select %eq3A_3955, %sub3A_3958, %squeeze3A_3952 : vector<64x128xi1>, vector<64x128xf32>
    %exp3A_3960 = math.exp %select_n3A_3959 : vector<64x128xf32>
    %add3A_3961 = arith.addf %add3A_3946, %exp3A_3960 : vector<64x128xf32>
    %jit3A_3962 = arith.constant 0.000000e+00 : f32
    %broadcast_in_dim3A_3963 = vector.broadcast %jit3A_3962 : f32 to vector<64x128xf32>
    %select_n3A_3964 = arith.select %eq3A_3955, %sub3A_3958, %broadcast_in_dim3A_3963 : vector<64x128xi1>, vector<64x128xf32>
    %add3A_3965 = arith.addf %add3A_3950, %select_n3A_3964 : vector<64x128xf32>
    %slice3A_3966 = vector.extract_strided_slice %transpose3A_3931 {offsets = [2, 0, 0], sizes = [1, 64, 128], strides = [1, 1, 1]} : vector<8x64x128xf32> to vector<1x64x128xf32>
    %squeeze3A_3967 = vector.shape_cast %slice3A_3966 : vector<1x64x128xf32> to vector<64x128xf32>
    %eq3A_3968 = arith.constant 2 : i32
    %eq3A_3969 = vector.broadcast %eq3A_3968 : i32 to vector<64x128xi32>
    %eq3A_3970 = arith.cmpi eq, %and3A_3922, %eq3A_3969 : vector<64x128xi32>
    %sub3A_3971 = arith.constant 1.18135118 : f32
    %sub3A_3972 = vector.broadcast %sub3A_3971 : f32 to vector<64x128xf32>
    %sub3A_3973 = arith.subf %squeeze3A_3967, %sub3A_3972 : vector<64x128xf32>
    %select_n3A_3974 = arith.select %eq3A_3970, %sub3A_3973, %squeeze3A_3967 : vector<64x128xi1>, vector<64x128xf32>
    %exp3A_3975 = math.exp %select_n3A_3974 : vector<64x128xf32>
    %add3A_3976 = arith.addf %add3A_3961, %exp3A_3975 : vector<64x128xf32>
    %jit3A_3977 = arith.constant 0.000000e+00 : f32
    %broadcast_in_dim3A_3978 = vector.broadcast %jit3A_3977 : f32 to vector<64x128xf32>
    %select_n3A_3979 = arith.select %eq3A_3970, %sub3A_3973, %broadcast_in_dim3A_3978 : vector<64x128xi1>, vector<64x128xf32>
    %add3A_3980 = arith.addf %add3A_3965, %select_n3A_3979 : vector<64x128xf32>
    %slice3A_3981 = vector.extract_strided_slice %transpose3A_3931 {offsets = [3, 0, 0], sizes = [1, 64, 128], strides = [1, 1, 1]} : vector<8x64x128xf32> to vector<1x64x128xf32>
    %squeeze3A_3982 = vector.shape_cast %slice3A_3981 : vector<1x64x128xf32> to vector<64x128xf32>
    %eq3A_3983 = arith.constant 3 : i32
    %eq3A_3984 = vector.broadcast %eq3A_3983 : i32 to vector<64x128xi32>
    %eq3A_3985 = arith.cmpi eq, %and3A_3922, %eq3A_3984 : vector<64x128xi32>
    %sub3A_3986 = arith.constant 1.84070837 : f32
    %sub3A_3987 = vector.broadcast %sub3A_3986 : f32 to vector<64x128xf32>
    %sub3A_3988 = arith.subf %squeeze3A_3982, %sub3A_3987 : vector<64x128xf32>
    %select_n3A_3989 = arith.select %eq3A_3985, %sub3A_3988, %squeeze3A_3982 : vector<64x128xi1>, vector<64x128xf32>
    %exp3A_3990 = math.exp %select_n3A_3989 : vector<64x128xf32>
    %add3A_3991 = arith.addf %add3A_3976, %exp3A_3990 : vector<64x128xf32>
    %jit3A_3992 = arith.constant 0.000000e+00 : f32
    %broadcast_in_dim3A_3993 = vector.broadcast %jit3A_3992 : f32 to vector<64x128xf32>
    %select_n3A_3994 = arith.select %eq3A_3985, %sub3A_3988, %broadcast_in_dim3A_3993 : vector<64x128xi1>, vector<64x128xf32>
    %add3A_3995 = arith.addf %add3A_3980, %select_n3A_3994 : vector<64x128xf32>
    %slice3A_3996 = vector.extract_strided_slice %transpose3A_3931 {offsets = [4, 0, 0], sizes = [1, 64, 128], strides = [1, 1, 1]} : vector<8x64x128xf32> to vector<1x64x128xf32>
    %squeeze3A_3997 = vector.shape_cast %slice3A_3996 : vector<1x64x128xf32> to vector<64x128xf32>
    %eq3A_3998 = arith.constant 4 : i32
    %eq3A_3999 = vector.broadcast %eq3A_3998 : i32 to vector<64x128xi32>
    %eq3A_4000 = arith.cmpi eq, %and3A_3922, %eq3A_3999 : vector<64x128xi32>
    %sub3A_4001 = arith.constant 2.400000e+00 : f32
    %sub3A_4002 = vector.broadcast %sub3A_4001 : f32 to vector<64x128xf32>
    %sub3A_4003 = arith.subf %squeeze3A_3997, %sub3A_4002 : vector<64x128xf32>
    %select_n3A_4004 = arith.select %eq3A_4000, %sub3A_4003, %squeeze3A_3997 : vector<64x128xi1>, vector<64x128xf32>
    %exp3A_4005 = math.exp %select_n3A_4004 : vector<64x128xf32>
    %add3A_4006 = arith.addf %add3A_3991, %exp3A_4005 : vector<64x128xf32>
    %jit3A_4007 = arith.constant 0.000000e+00 : f32
    %broadcast_in_dim3A_4008 = vector.broadcast %jit3A_4007 : f32 to vector<64x128xf32>
    %select_n3A_4009 = arith.select %eq3A_4000, %sub3A_4003, %broadcast_in_dim3A_4008 : vector<64x128xi1>, vector<64x128xf32>
    %add3A_4010 = arith.addf %add3A_3995, %select_n3A_4009 : vector<64x128xf32>
    %slice3A_4011 = vector.extract_strided_slice %transpose3A_3931 {offsets = [5, 0, 0], sizes = [1, 64, 128], strides = [1, 1, 1]} : vector<8x64x128xf32> to vector<1x64x128xf32>
    %squeeze3A_4012 = vector.shape_cast %slice3A_4011 : vector<1x64x128xf32> to vector<64x128xf32>
    %eq3A_4013 = arith.constant 5 : i32
    %eq3A_4014 = vector.broadcast %eq3A_4013 : i32 to vector<64x128xi32>
    %eq3A_4015 = arith.cmpi eq, %and3A_3922, %eq3A_4014 : vector<64x128xi32>
    %sub3A_4016 = arith.constant 1.05176699 : f32
    %sub3A_4017 = vector.broadcast %sub3A_4016 : f32 to vector<64x128xf32>
    %sub3A_4018 = arith.subf %squeeze3A_4012, %sub3A_4017 : vector<64x128xf32>
    %select_n3A_4019 = arith.select %eq3A_4015, %sub3A_4018, %squeeze3A_4012 : vector<64x128xi1>, vector<64x128xf32>
    %exp3A_4020 = math.exp %select_n3A_4019 : vector<64x128xf32>
    %add3A_4021 = arith.addf %add3A_4006, %exp3A_4020 : vector<64x128xf32>
    %jit3A_4022 = arith.constant 0.000000e+00 : f32
    %broadcast_in_dim3A_4023 = vector.broadcast %jit3A_4022 : f32 to vector<64x128xf32>
    %select_n3A_4024 = arith.select %eq3A_4015, %sub3A_4018, %broadcast_in_dim3A_4023 : vector<64x128xi1>, vector<64x128xf32>
    %add3A_4025 = arith.addf %add3A_4010, %select_n3A_4024 : vector<64x128xf32>
    %slice3A_4026 = vector.extract_strided_slice %transpose3A_3931 {offsets = [6, 0, 0], sizes = [1, 64, 128], strides = [1, 1, 1]} : vector<8x64x128xf32> to vector<1x64x128xf32>
    %squeeze3A_4027 = vector.shape_cast %slice3A_4026 : vector<1x64x128xf32> to vector<64x128xf32>
    %eq3A_4028 = arith.constant 6 : i32
    %eq3A_4029 = vector.broadcast %eq3A_4028 : i32 to vector<64x128xi32>
    %eq3A_4030 = arith.cmpi eq, %and3A_3922, %eq3A_4029 : vector<64x128xi32>
    %sub3A_4031 = arith.constant 1.44782162 : f32
    %sub3A_4032 = vector.broadcast %sub3A_4031 : f32 to vector<64x128xf32>
    %sub3A_4033 = arith.subf %squeeze3A_4027, %sub3A_4032 : vector<64x128xf32>
    %select_n3A_4034 = arith.select %eq3A_4030, %sub3A_4033, %squeeze3A_4027 : vector<64x128xi1>, vector<64x128xf32>
    %exp3A_4035 = math.exp %select_n3A_4034 : vector<64x128xf32>
    %add3A_4036 = arith.addf %add3A_4021, %exp3A_4035 : vector<64x128xf32>
    %jit3A_4037 = arith.constant 0.000000e+00 : f32
    %broadcast_in_dim3A_4038 = vector.broadcast %jit3A_4037 : f32 to vector<64x128xf32>
    %select_n3A_4039 = arith.select %eq3A_4030, %sub3A_4033, %broadcast_in_dim3A_4038 : vector<64x128xi1>, vector<64x128xf32>
    %add3A_4040 = arith.addf %add3A_4025, %select_n3A_4039 : vector<64x128xf32>
    %slice3A_4041 = vector.extract_strided_slice %transpose3A_3931 {offsets = [7, 0, 0], sizes = [1, 64, 128], strides = [1, 1, 1]} : vector<8x64x128xf32> to vector<1x64x128xf32>
    %squeeze3A_4042 = vector.shape_cast %slice3A_4041 : vector<1x64x128xf32> to vector<64x128xf32>
    %eq3A_4043 = arith.constant 7 : i32
    %eq3A_4044 = vector.broadcast %eq3A_4043 : i32 to vector<64x128xi32>
    %eq3A_4045 = arith.cmpi eq, %and3A_3922, %eq3A_4044 : vector<64x128xi32>
    %sub3A_4046 = arith.constant 1.3795656 : f32
    %sub3A_4047 = vector.broadcast %sub3A_4046 : f32 to vector<64x128xf32>
    %sub3A_4048 = arith.subf %squeeze3A_4042, %sub3A_4047 : vector<64x128xf32>
    %select_n3A_4049 = arith.select %eq3A_4045, %sub3A_4048, %squeeze3A_4042 : vector<64x128xi1>, vector<64x128xf32>
    %exp3A_4050 = math.exp %select_n3A_4049 : vector<64x128xf32>
    %add3A_4051 = arith.addf %add3A_4036, %exp3A_4050 : vector<64x128xf32>
    %jit3A_4052 = arith.constant 0.000000e+00 : f32
    %broadcast_in_dim3A_4053 = vector.broadcast %jit3A_4052 : f32 to vector<64x128xf32>
    %select_n3A_4054 = arith.select %eq3A_4045, %sub3A_4048, %broadcast_in_dim3A_4053 : vector<64x128xi1>, vector<64x128xf32>
    %add3A_4055 = arith.addf %add3A_4040, %select_n3A_4054 : vector<64x128xf32>
    %log3A_4056 = math.log %add3A_4051 : vector<64x128xf32>
    %sub3A_4057 = arith.subf %log3A_4056, %add3A_4055 : vector<64x128xf32>
    %mul3A_4058 = arith.mulf %convert_element_type3A_3926, %sub3A_4057 : vector<64x128xf32>
    %reshape3A_4059 = vector.shape_cast %mul3A_4058 : vector<64x128xf32> to vector<8x8x128xf32>
    %reduce_sum3A_4060 = arith.constant dense<0.000000e+00> : vector<8x128xf32>
    %reduce_sum3A_4061 = vector.multi_reduction <add>, %reshape3A_4059, %reduce_sum3A_4060 [0] : vector<8x8x128xf32> to vector<8x128xf32>
    %add3A_4062 = arith.addf %add3A_3911, %reduce_sum3A_4061 : vector<8x128xf32>
    %reshape3A_4063 = vector.shape_cast %convert_element_type3A_3926 : vector<64x128xf32> to vector<8x8x128xf32>
    %reduce_sum3A_4064 = arith.constant dense<0.000000e+00> : vector<8x128xf32>
    %reduce_sum3A_4065 = vector.multi_reduction <add>, %reshape3A_4063, %reduce_sum3A_4064 [0] : vector<8x8x128xf32> to vector<8x128xf32>
    %add3A_4066 = arith.addf %add3A_3915, %reduce_sum3A_4065 : vector<8x128xf32>
    %get3A_4067 = arith.constant 1728 : index
    %get3A_4068 = arith.constant 0 : index
    %get3A_4069 = vector.load %arg2[%get3A_4067, %get3A_4068] : memref<1920x128xi8, #tpu.memory_space<vmem>>, vector<64x128xi8>
    %convert_element_type3A_4070 = arith.extsi %get3A_4069 : vector<64x128xi8> to vector<64x128xi32>
    %and3A_4071 = arith.constant 7 : i32
    %and3A_4072 = vector.broadcast %and3A_4071 : i32 to vector<64x128xi32>
    %and3A_4073 = arith.andi %convert_element_type3A_4070, %and3A_4072 : vector<64x128xi32>
    %shift_right_arithmetic3A_4074 = arith.constant 3 : i32
    %shift_right_arithmetic3A_4075 = vector.broadcast %shift_right_arithmetic3A_4074 : i32 to vector<64x128xi32>
    %shift_right_arithmetic3A_4076 = arith.shrsi %convert_element_type3A_4070, %shift_right_arithmetic3A_4075 : vector<64x128xi32>
    %convert_element_type3A_4077 = arith.sitofp %shift_right_arithmetic3A_4076 : vector<64x128xi32> to vector<64x128xf32>
    %get3A_4078 = arith.constant 1728 : index
    %get3A_4079 = arith.constant 0 : index
    %get3A_4080 = arith.constant 0 : index
    %get3A_4081 = vector.load %arg1[%get3A_4078, %get3A_4079, %get3A_4080] : memref<1920x8x128xf32, #tpu.memory_space<vmem>>, vector<64x8x128xf32>
    %transpose3A_4082 = tpu.transpose %get3A_4081, [1, 0, 2] : vector<64x8x128xf32> -> vector<8x64x128xf32>
    %broadcast_in_dim3A_4083 = arith.constant 0.000000e+00 : f32
    %broadcast_in_dim3A_4084 = vector.broadcast %broadcast_in_dim3A_4083 : f32 to vector<64x128xf32>
    %broadcast_in_dim3A_4085 = arith.constant 0.000000e+00 : f32
    %broadcast_in_dim3A_4086 = vector.broadcast %broadcast_in_dim3A_4085 : f32 to vector<64x128xf32>
    %slice3A_4087 = vector.extract_strided_slice %transpose3A_4082 {offsets = [0, 0, 0], sizes = [1, 64, 128], strides = [1, 1, 1]} : vector<8x64x128xf32> to vector<1x64x128xf32>
    %squeeze3A_4088 = vector.shape_cast %slice3A_4087 : vector<1x64x128xf32> to vector<64x128xf32>
    %eq3A_4089 = arith.constant 0 : i32
    %eq3A_4090 = vector.broadcast %eq3A_4089 : i32 to vector<64x128xi32>
    %eq3A_4091 = arith.cmpi eq, %and3A_4073, %eq3A_4090 : vector<64x128xi32>
    %sub3A_4092 = arith.constant 1.08857441 : f32
    %sub3A_4093 = vector.broadcast %sub3A_4092 : f32 to vector<64x128xf32>
    %sub3A_4094 = arith.subf %squeeze3A_4088, %sub3A_4093 : vector<64x128xf32>
    %select_n3A_4095 = arith.select %eq3A_4091, %sub3A_4094, %squeeze3A_4088 : vector<64x128xi1>, vector<64x128xf32>
    %exp3A_4096 = math.exp %select_n3A_4095 : vector<64x128xf32>
    %add3A_4097 = arith.addf %broadcast_in_dim3A_4084, %exp3A_4096 : vector<64x128xf32>
    %jit3A_4098 = arith.constant 0.000000e+00 : f32
    %broadcast_in_dim3A_4099 = vector.broadcast %jit3A_4098 : f32 to vector<64x128xf32>
    %select_n3A_4100 = arith.select %eq3A_4091, %sub3A_4094, %broadcast_in_dim3A_4099 : vector<64x128xi1>, vector<64x128xf32>
    %add3A_4101 = arith.addf %broadcast_in_dim3A_4086, %select_n3A_4100 : vector<64x128xf32>
    %slice3A_4102 = vector.extract_strided_slice %transpose3A_4082 {offsets = [1, 0, 0], sizes = [1, 64, 128], strides = [1, 1, 1]} : vector<8x64x128xf32> to vector<1x64x128xf32>
    %squeeze3A_4103 = vector.shape_cast %slice3A_4102 : vector<1x64x128xf32> to vector<64x128xf32>
    %eq3A_4104 = arith.constant 1 : i32
    %eq3A_4105 = vector.broadcast %eq3A_4104 : i32 to vector<64x128xi32>
    %eq3A_4106 = arith.cmpi eq, %and3A_4073, %eq3A_4105 : vector<64x128xi32>
    %sub3A_4107 = arith.constant 2.400000e+00 : f32
    %sub3A_4108 = vector.broadcast %sub3A_4107 : f32 to vector<64x128xf32>
    %sub3A_4109 = arith.subf %squeeze3A_4103, %sub3A_4108 : vector<64x128xf32>
    %select_n3A_4110 = arith.select %eq3A_4106, %sub3A_4109, %squeeze3A_4103 : vector<64x128xi1>, vector<64x128xf32>
    %exp3A_4111 = math.exp %select_n3A_4110 : vector<64x128xf32>
    %add3A_4112 = arith.addf %add3A_4097, %exp3A_4111 : vector<64x128xf32>
    %jit3A_4113 = arith.constant 0.000000e+00 : f32
    %broadcast_in_dim3A_4114 = vector.broadcast %jit3A_4113 : f32 to vector<64x128xf32>
    %select_n3A_4115 = arith.select %eq3A_4106, %sub3A_4109, %broadcast_in_dim3A_4114 : vector<64x128xi1>, vector<64x128xf32>
    %add3A_4116 = arith.addf %add3A_4101, %select_n3A_4115 : vector<64x128xf32>
    %slice3A_4117 = vector.extract_strided_slice %transpose3A_4082 {offsets = [2, 0, 0], sizes = [1, 64, 128], strides = [1, 1, 1]} : vector<8x64x128xf32> to vector<1x64x128xf32>
    %squeeze3A_4118 = vector.shape_cast %slice3A_4117 : vector<1x64x128xf32> to vector<64x128xf32>
    %eq3A_4119 = arith.constant 2 : i32
    %eq3A_4120 = vector.broadcast %eq3A_4119 : i32 to vector<64x128xi32>
    %eq3A_4121 = arith.cmpi eq, %and3A_4073, %eq3A_4120 : vector<64x128xi32>
    %sub3A_4122 = arith.constant 1.18135118 : f32
    %sub3A_4123 = vector.broadcast %sub3A_4122 : f32 to vector<64x128xf32>
    %sub3A_4124 = arith.subf %squeeze3A_4118, %sub3A_4123 : vector<64x128xf32>
    %select_n3A_4125 = arith.select %eq3A_4121, %sub3A_4124, %squeeze3A_4118 : vector<64x128xi1>, vector<64x128xf32>
    %exp3A_4126 = math.exp %select_n3A_4125 : vector<64x128xf32>
    %add3A_4127 = arith.addf %add3A_4112, %exp3A_4126 : vector<64x128xf32>
    %jit3A_4128 = arith.constant 0.000000e+00 : f32
    %broadcast_in_dim3A_4129 = vector.broadcast %jit3A_4128 : f32 to vector<64x128xf32>
    %select_n3A_4130 = arith.select %eq3A_4121, %sub3A_4124, %broadcast_in_dim3A_4129 : vector<64x128xi1>, vector<64x128xf32>
    %add3A_4131 = arith.addf %add3A_4116, %select_n3A_4130 : vector<64x128xf32>
    %slice3A_4132 = vector.extract_strided_slice %transpose3A_4082 {offsets = [3, 0, 0], sizes = [1, 64, 128], strides = [1, 1, 1]} : vector<8x64x128xf32> to vector<1x64x128xf32>
    %squeeze3A_4133 = vector.shape_cast %slice3A_4132 : vector<1x64x128xf32> to vector<64x128xf32>
    %eq3A_4134 = arith.constant 3 : i32
    %eq3A_4135 = vector.broadcast %eq3A_4134 : i32 to vector<64x128xi32>
    %eq3A_4136 = arith.cmpi eq, %and3A_4073, %eq3A_4135 : vector<64x128xi32>
    %sub3A_4137 = arith.constant 1.84070837 : f32
    %sub3A_4138 = vector.broadcast %sub3A_4137 : f32 to vector<64x128xf32>
    %sub3A_4139 = arith.subf %squeeze3A_4133, %sub3A_4138 : vector<64x128xf32>
    %select_n3A_4140 = arith.select %eq3A_4136, %sub3A_4139, %squeeze3A_4133 : vector<64x128xi1>, vector<64x128xf32>
    %exp3A_4141 = math.exp %select_n3A_4140 : vector<64x128xf32>
    %add3A_4142 = arith.addf %add3A_4127, %exp3A_4141 : vector<64x128xf32>
    %jit3A_4143 = arith.constant 0.000000e+00 : f32
    %broadcast_in_dim3A_4144 = vector.broadcast %jit3A_4143 : f32 to vector<64x128xf32>
    %select_n3A_4145 = arith.select %eq3A_4136, %sub3A_4139, %broadcast_in_dim3A_4144 : vector<64x128xi1>, vector<64x128xf32>
    %add3A_4146 = arith.addf %add3A_4131, %select_n3A_4145 : vector<64x128xf32>
    %slice3A_4147 = vector.extract_strided_slice %transpose3A_4082 {offsets = [4, 0, 0], sizes = [1, 64, 128], strides = [1, 1, 1]} : vector<8x64x128xf32> to vector<1x64x128xf32>
    %squeeze3A_4148 = vector.shape_cast %slice3A_4147 : vector<1x64x128xf32> to vector<64x128xf32>
    %eq3A_4149 = arith.constant 4 : i32
    %eq3A_4150 = vector.broadcast %eq3A_4149 : i32 to vector<64x128xi32>
    %eq3A_4151 = arith.cmpi eq, %and3A_4073, %eq3A_4150 : vector<64x128xi32>
    %sub3A_4152 = arith.constant 2.400000e+00 : f32
    %sub3A_4153 = vector.broadcast %sub3A_4152 : f32 to vector<64x128xf32>
    %sub3A_4154 = arith.subf %squeeze3A_4148, %sub3A_4153 : vector<64x128xf32>
    %select_n3A_4155 = arith.select %eq3A_4151, %sub3A_4154, %squeeze3A_4148 : vector<64x128xi1>, vector<64x128xf32>
    %exp3A_4156 = math.exp %select_n3A_4155 : vector<64x128xf32>
    %add3A_4157 = arith.addf %add3A_4142, %exp3A_4156 : vector<64x128xf32>
    %jit3A_4158 = arith.constant 0.000000e+00 : f32
    %broadcast_in_dim3A_4159 = vector.broadcast %jit3A_4158 : f32 to vector<64x128xf32>
    %select_n3A_4160 = arith.select %eq3A_4151, %sub3A_4154, %broadcast_in_dim3A_4159 : vector<64x128xi1>, vector<64x128xf32>
    %add3A_4161 = arith.addf %add3A_4146, %select_n3A_4160 : vector<64x128xf32>
    %slice3A_4162 = vector.extract_strided_slice %transpose3A_4082 {offsets = [5, 0, 0], sizes = [1, 64, 128], strides = [1, 1, 1]} : vector<8x64x128xf32> to vector<1x64x128xf32>
    %squeeze3A_4163 = vector.shape_cast %slice3A_4162 : vector<1x64x128xf32> to vector<64x128xf32>
    %eq3A_4164 = arith.constant 5 : i32
    %eq3A_4165 = vector.broadcast %eq3A_4164 : i32 to vector<64x128xi32>
    %eq3A_4166 = arith.cmpi eq, %and3A_4073, %eq3A_4165 : vector<64x128xi32>
    %sub3A_4167 = arith.constant 1.05176699 : f32
    %sub3A_4168 = vector.broadcast %sub3A_4167 : f32 to vector<64x128xf32>
    %sub3A_4169 = arith.subf %squeeze3A_4163, %sub3A_4168 : vector<64x128xf32>
    %select_n3A_4170 = arith.select %eq3A_4166, %sub3A_4169, %squeeze3A_4163 : vector<64x128xi1>, vector<64x128xf32>
    %exp3A_4171 = math.exp %select_n3A_4170 : vector<64x128xf32>
    %add3A_4172 = arith.addf %add3A_4157, %exp3A_4171 : vector<64x128xf32>
    %jit3A_4173 = arith.constant 0.000000e+00 : f32
    %broadcast_in_dim3A_4174 = vector.broadcast %jit3A_4173 : f32 to vector<64x128xf32>
    %select_n3A_4175 = arith.select %eq3A_4166, %sub3A_4169, %broadcast_in_dim3A_4174 : vector<64x128xi1>, vector<64x128xf32>
    %add3A_4176 = arith.addf %add3A_4161, %select_n3A_4175 : vector<64x128xf32>
    %slice3A_4177 = vector.extract_strided_slice %transpose3A_4082 {offsets = [6, 0, 0], sizes = [1, 64, 128], strides = [1, 1, 1]} : vector<8x64x128xf32> to vector<1x64x128xf32>
    %squeeze3A_4178 = vector.shape_cast %slice3A_4177 : vector<1x64x128xf32> to vector<64x128xf32>
    %eq3A_4179 = arith.constant 6 : i32
    %eq3A_4180 = vector.broadcast %eq3A_4179 : i32 to vector<64x128xi32>
    %eq3A_4181 = arith.cmpi eq, %and3A_4073, %eq3A_4180 : vector<64x128xi32>
    %sub3A_4182 = arith.constant 1.44782162 : f32
    %sub3A_4183 = vector.broadcast %sub3A_4182 : f32 to vector<64x128xf32>
    %sub3A_4184 = arith.subf %squeeze3A_4178, %sub3A_4183 : vector<64x128xf32>
    %select_n3A_4185 = arith.select %eq3A_4181, %sub3A_4184, %squeeze3A_4178 : vector<64x128xi1>, vector<64x128xf32>
    %exp3A_4186 = math.exp %select_n3A_4185 : vector<64x128xf32>
    %add3A_4187 = arith.addf %add3A_4172, %exp3A_4186 : vector<64x128xf32>
    %jit3A_4188 = arith.constant 0.000000e+00 : f32
    %broadcast_in_dim3A_4189 = vector.broadcast %jit3A_4188 : f32 to vector<64x128xf32>
    %select_n3A_4190 = arith.select %eq3A_4181, %sub3A_4184, %broadcast_in_dim3A_4189 : vector<64x128xi1>, vector<64x128xf32>
    %add3A_4191 = arith.addf %add3A_4176, %select_n3A_4190 : vector<64x128xf32>
    %slice3A_4192 = vector.extract_strided_slice %transpose3A_4082 {offsets = [7, 0, 0], sizes = [1, 64, 128], strides = [1, 1, 1]} : vector<8x64x128xf32> to vector<1x64x128xf32>
    %squeeze3A_4193 = vector.shape_cast %slice3A_4192 : vector<1x64x128xf32> to vector<64x128xf32>
    %eq3A_4194 = arith.constant 7 : i32
    %eq3A_4195 = vector.broadcast %eq3A_4194 : i32 to vector<64x128xi32>
    %eq3A_4196 = arith.cmpi eq, %and3A_4073, %eq3A_4195 : vector<64x128xi32>
    %sub3A_4197 = arith.constant 1.3795656 : f32
    %sub3A_4198 = vector.broadcast %sub3A_4197 : f32 to vector<64x128xf32>
    %sub3A_4199 = arith.subf %squeeze3A_4193, %sub3A_4198 : vector<64x128xf32>
    %select_n3A_4200 = arith.select %eq3A_4196, %sub3A_4199, %squeeze3A_4193 : vector<64x128xi1>, vector<64x128xf32>
    %exp3A_4201 = math.exp %select_n3A_4200 : vector<64x128xf32>
    %add3A_4202 = arith.addf %add3A_4187, %exp3A_4201 : vector<64x128xf32>
    %jit3A_4203 = arith.constant 0.000000e+00 : f32
    %broadcast_in_dim3A_4204 = vector.broadcast %jit3A_4203 : f32 to vector<64x128xf32>
    %select_n3A_4205 = arith.select %eq3A_4196, %sub3A_4199, %broadcast_in_dim3A_4204 : vector<64x128xi1>, vector<64x128xf32>
    %add3A_4206 = arith.addf %add3A_4191, %select_n3A_4205 : vector<64x128xf32>
    %log3A_4207 = math.log %add3A_4202 : vector<64x128xf32>
    %sub3A_4208 = arith.subf %log3A_4207, %add3A_4206 : vector<64x128xf32>
    %mul3A_4209 = arith.mulf %convert_element_type3A_4077, %sub3A_4208 : vector<64x128xf32>
    %reshape3A_4210 = vector.shape_cast %mul3A_4209 : vector<64x128xf32> to vector<8x8x128xf32>
    %reduce_sum3A_4211 = arith.constant dense<0.000000e+00> : vector<8x128xf32>
    %reduce_sum3A_4212 = vector.multi_reduction <add>, %reshape3A_4210, %reduce_sum3A_4211 [0] : vector<8x8x128xf32> to vector<8x128xf32>
    %add3A_4213 = arith.addf %add3A_4062, %reduce_sum3A_4212 : vector<8x128xf32>
    %reshape3A_4214 = vector.shape_cast %convert_element_type3A_4077 : vector<64x128xf32> to vector<8x8x128xf32>
    %reduce_sum3A_4215 = arith.constant dense<0.000000e+00> : vector<8x128xf32>
    %reduce_sum3A_4216 = vector.multi_reduction <add>, %reshape3A_4214, %reduce_sum3A_4215 [0] : vector<8x8x128xf32> to vector<8x128xf32>
    %add3A_4217 = arith.addf %add3A_4066, %reduce_sum3A_4216 : vector<8x128xf32>
    %get3A_4218 = arith.constant 1792 : index
    %get3A_4219 = arith.constant 0 : index
    %get3A_4220 = vector.load %arg2[%get3A_4218, %get3A_4219] : memref<1920x128xi8, #tpu.memory_space<vmem>>, vector<64x128xi8>
    %convert_element_type3A_4221 = arith.extsi %get3A_4220 : vector<64x128xi8> to vector<64x128xi32>
    %and3A_4222 = arith.constant 7 : i32
    %and3A_4223 = vector.broadcast %and3A_4222 : i32 to vector<64x128xi32>
    %and3A_4224 = arith.andi %convert_element_type3A_4221, %and3A_4223 : vector<64x128xi32>
    %shift_right_arithmetic3A_4225 = arith.constant 3 : i32
    %shift_right_arithmetic3A_4226 = vector.broadcast %shift_right_arithmetic3A_4225 : i32 to vector<64x128xi32>
    %shift_right_arithmetic3A_4227 = arith.shrsi %convert_element_type3A_4221, %shift_right_arithmetic3A_4226 : vector<64x128xi32>
    %convert_element_type3A_4228 = arith.sitofp %shift_right_arithmetic3A_4227 : vector<64x128xi32> to vector<64x128xf32>
    %get3A_4229 = arith.constant 1792 : index
    %get3A_4230 = arith.constant 0 : index
    %get3A_4231 = arith.constant 0 : index
    %get3A_4232 = vector.load %arg1[%get3A_4229, %get3A_4230, %get3A_4231] : memref<1920x8x128xf32, #tpu.memory_space<vmem>>, vector<64x8x128xf32>
    %transpose3A_4233 = tpu.transpose %get3A_4232, [1, 0, 2] : vector<64x8x128xf32> -> vector<8x64x128xf32>
    %broadcast_in_dim3A_4234 = arith.constant 0.000000e+00 : f32
    %broadcast_in_dim3A_4235 = vector.broadcast %broadcast_in_dim3A_4234 : f32 to vector<64x128xf32>
    %broadcast_in_dim3A_4236 = arith.constant 0.000000e+00 : f32
    %broadcast_in_dim3A_4237 = vector.broadcast %broadcast_in_dim3A_4236 : f32 to vector<64x128xf32>
    %slice3A_4238 = vector.extract_strided_slice %transpose3A_4233 {offsets = [0, 0, 0], sizes = [1, 64, 128], strides = [1, 1, 1]} : vector<8x64x128xf32> to vector<1x64x128xf32>
    %squeeze3A_4239 = vector.shape_cast %slice3A_4238 : vector<1x64x128xf32> to vector<64x128xf32>
    %eq3A_4240 = arith.constant 0 : i32
    %eq3A_4241 = vector.broadcast %eq3A_4240 : i32 to vector<64x128xi32>
    %eq3A_4242 = arith.cmpi eq, %and3A_4224, %eq3A_4241 : vector<64x128xi32>
    %sub3A_4243 = arith.constant 1.08857441 : f32
    %sub3A_4244 = vector.broadcast %sub3A_4243 : f32 to vector<64x128xf32>
    %sub3A_4245 = arith.subf %squeeze3A_4239, %sub3A_4244 : vector<64x128xf32>
    %select_n3A_4246 = arith.select %eq3A_4242, %sub3A_4245, %squeeze3A_4239 : vector<64x128xi1>, vector<64x128xf32>
    %exp3A_4247 = math.exp %select_n3A_4246 : vector<64x128xf32>
    %add3A_4248 = arith.addf %broadcast_in_dim3A_4235, %exp3A_4247 : vector<64x128xf32>
    %jit3A_4249 = arith.constant 0.000000e+00 : f32
    %broadcast_in_dim3A_4250 = vector.broadcast %jit3A_4249 : f32 to vector<64x128xf32>
    %select_n3A_4251 = arith.select %eq3A_4242, %sub3A_4245, %broadcast_in_dim3A_4250 : vector<64x128xi1>, vector<64x128xf32>
    %add3A_4252 = arith.addf %broadcast_in_dim3A_4237, %select_n3A_4251 : vector<64x128xf32>
    %slice3A_4253 = vector.extract_strided_slice %transpose3A_4233 {offsets = [1, 0, 0], sizes = [1, 64, 128], strides = [1, 1, 1]} : vector<8x64x128xf32> to vector<1x64x128xf32>
    %squeeze3A_4254 = vector.shape_cast %slice3A_4253 : vector<1x64x128xf32> to vector<64x128xf32>
    %eq3A_4255 = arith.constant 1 : i32
    %eq3A_4256 = vector.broadcast %eq3A_4255 : i32 to vector<64x128xi32>
    %eq3A_4257 = arith.cmpi eq, %and3A_4224, %eq3A_4256 : vector<64x128xi32>
    %sub3A_4258 = arith.constant 2.400000e+00 : f32
    %sub3A_4259 = vector.broadcast %sub3A_4258 : f32 to vector<64x128xf32>
    %sub3A_4260 = arith.subf %squeeze3A_4254, %sub3A_4259 : vector<64x128xf32>
    %select_n3A_4261 = arith.select %eq3A_4257, %sub3A_4260, %squeeze3A_4254 : vector<64x128xi1>, vector<64x128xf32>
    %exp3A_4262 = math.exp %select_n3A_4261 : vector<64x128xf32>
    %add3A_4263 = arith.addf %add3A_4248, %exp3A_4262 : vector<64x128xf32>
    %jit3A_4264 = arith.constant 0.000000e+00 : f32
    %broadcast_in_dim3A_4265 = vector.broadcast %jit3A_4264 : f32 to vector<64x128xf32>
    %select_n3A_4266 = arith.select %eq3A_4257, %sub3A_4260, %broadcast_in_dim3A_4265 : vector<64x128xi1>, vector<64x128xf32>
    %add3A_4267 = arith.addf %add3A_4252, %select_n3A_4266 : vector<64x128xf32>
    %slice3A_4268 = vector.extract_strided_slice %transpose3A_4233 {offsets = [2, 0, 0], sizes = [1, 64, 128], strides = [1, 1, 1]} : vector<8x64x128xf32> to vector<1x64x128xf32>
    %squeeze3A_4269 = vector.shape_cast %slice3A_4268 : vector<1x64x128xf32> to vector<64x128xf32>
    %eq3A_4270 = arith.constant 2 : i32
    %eq3A_4271 = vector.broadcast %eq3A_4270 : i32 to vector<64x128xi32>
    %eq3A_4272 = arith.cmpi eq, %and3A_4224, %eq3A_4271 : vector<64x128xi32>
    %sub3A_4273 = arith.constant 1.18135118 : f32
    %sub3A_4274 = vector.broadcast %sub3A_4273 : f32 to vector<64x128xf32>
    %sub3A_4275 = arith.subf %squeeze3A_4269, %sub3A_4274 : vector<64x128xf32>
    %select_n3A_4276 = arith.select %eq3A_4272, %sub3A_4275, %squeeze3A_4269 : vector<64x128xi1>, vector<64x128xf32>
    %exp3A_4277 = math.exp %select_n3A_4276 : vector<64x128xf32>
    %add3A_4278 = arith.addf %add3A_4263, %exp3A_4277 : vector<64x128xf32>
    %jit3A_4279 = arith.constant 0.000000e+00 : f32
    %broadcast_in_dim3A_4280 = vector.broadcast %jit3A_4279 : f32 to vector<64x128xf32>
    %select_n3A_4281 = arith.select %eq3A_4272, %sub3A_4275, %broadcast_in_dim3A_4280 : vector<64x128xi1>, vector<64x128xf32>
    %add3A_4282 = arith.addf %add3A_4267, %select_n3A_4281 : vector<64x128xf32>
    %slice3A_4283 = vector.extract_strided_slice %transpose3A_4233 {offsets = [3, 0, 0], sizes = [1, 64, 128], strides = [1, 1, 1]} : vector<8x64x128xf32> to vector<1x64x128xf32>
    %squeeze3A_4284 = vector.shape_cast %slice3A_4283 : vector<1x64x128xf32> to vector<64x128xf32>
    %eq3A_4285 = arith.constant 3 : i32
    %eq3A_4286 = vector.broadcast %eq3A_4285 : i32 to vector<64x128xi32>
    %eq3A_4287 = arith.cmpi eq, %and3A_4224, %eq3A_4286 : vector<64x128xi32>
    %sub3A_4288 = arith.constant 1.84070837 : f32
    %sub3A_4289 = vector.broadcast %sub3A_4288 : f32 to vector<64x128xf32>
    %sub3A_4290 = arith.subf %squeeze3A_4284, %sub3A_4289 : vector<64x128xf32>
    %select_n3A_4291 = arith.select %eq3A_4287, %sub3A_4290, %squeeze3A_4284 : vector<64x128xi1>, vector<64x128xf32>
    %exp3A_4292 = math.exp %select_n3A_4291 : vector<64x128xf32>
    %add3A_4293 = arith.addf %add3A_4278, %exp3A_4292 : vector<64x128xf32>
    %jit3A_4294 = arith.constant 0.000000e+00 : f32
    %broadcast_in_dim3A_4295 = vector.broadcast %jit3A_4294 : f32 to vector<64x128xf32>
    %select_n3A_4296 = arith.select %eq3A_4287, %sub3A_4290, %broadcast_in_dim3A_4295 : vector<64x128xi1>, vector<64x128xf32>
    %add3A_4297 = arith.addf %add3A_4282, %select_n3A_4296 : vector<64x128xf32>
    %slice3A_4298 = vector.extract_strided_slice %transpose3A_4233 {offsets = [4, 0, 0], sizes = [1, 64, 128], strides = [1, 1, 1]} : vector<8x64x128xf32> to vector<1x64x128xf32>
    %squeeze3A_4299 = vector.shape_cast %slice3A_4298 : vector<1x64x128xf32> to vector<64x128xf32>
    %eq3A_4300 = arith.constant 4 : i32
    %eq3A_4301 = vector.broadcast %eq3A_4300 : i32 to vector<64x128xi32>
    %eq3A_4302 = arith.cmpi eq, %and3A_4224, %eq3A_4301 : vector<64x128xi32>
    %sub3A_4303 = arith.constant 2.400000e+00 : f32
    %sub3A_4304 = vector.broadcast %sub3A_4303 : f32 to vector<64x128xf32>
    %sub3A_4305 = arith.subf %squeeze3A_4299, %sub3A_4304 : vector<64x128xf32>
    %select_n3A_4306 = arith.select %eq3A_4302, %sub3A_4305, %squeeze3A_4299 : vector<64x128xi1>, vector<64x128xf32>
    %exp3A_4307 = math.exp %select_n3A_4306 : vector<64x128xf32>
    %add3A_4308 = arith.addf %add3A_4293, %exp3A_4307 : vector<64x128xf32>
    %jit3A_4309 = arith.constant 0.000000e+00 : f32
    %broadcast_in_dim3A_4310 = vector.broadcast %jit3A_4309 : f32 to vector<64x128xf32>
    %select_n3A_4311 = arith.select %eq3A_4302, %sub3A_4305, %broadcast_in_dim3A_4310 : vector<64x128xi1>, vector<64x128xf32>
    %add3A_4312 = arith.addf %add3A_4297, %select_n3A_4311 : vector<64x128xf32>
    %slice3A_4313 = vector.extract_strided_slice %transpose3A_4233 {offsets = [5, 0, 0], sizes = [1, 64, 128], strides = [1, 1, 1]} : vector<8x64x128xf32> to vector<1x64x128xf32>
    %squeeze3A_4314 = vector.shape_cast %slice3A_4313 : vector<1x64x128xf32> to vector<64x128xf32>
    %eq3A_4315 = arith.constant 5 : i32
    %eq3A_4316 = vector.broadcast %eq3A_4315 : i32 to vector<64x128xi32>
    %eq3A_4317 = arith.cmpi eq, %and3A_4224, %eq3A_4316 : vector<64x128xi32>
    %sub3A_4318 = arith.constant 1.05176699 : f32
    %sub3A_4319 = vector.broadcast %sub3A_4318 : f32 to vector<64x128xf32>
    %sub3A_4320 = arith.subf %squeeze3A_4314, %sub3A_4319 : vector<64x128xf32>
    %select_n3A_4321 = arith.select %eq3A_4317, %sub3A_4320, %squeeze3A_4314 : vector<64x128xi1>, vector<64x128xf32>
    %exp3A_4322 = math.exp %select_n3A_4321 : vector<64x128xf32>
    %add3A_4323 = arith.addf %add3A_4308, %exp3A_4322 : vector<64x128xf32>
    %jit3A_4324 = arith.constant 0.000000e+00 : f32
    %broadcast_in_dim3A_4325 = vector.broadcast %jit3A_4324 : f32 to vector<64x128xf32>
    %select_n3A_4326 = arith.select %eq3A_4317, %sub3A_4320, %broadcast_in_dim3A_4325 : vector<64x128xi1>, vector<64x128xf32>
    %add3A_4327 = arith.addf %add3A_4312, %select_n3A_4326 : vector<64x128xf32>
    %slice3A_4328 = vector.extract_strided_slice %transpose3A_4233 {offsets = [6, 0, 0], sizes = [1, 64, 128], strides = [1, 1, 1]} : vector<8x64x128xf32> to vector<1x64x128xf32>
    %squeeze3A_4329 = vector.shape_cast %slice3A_4328 : vector<1x64x128xf32> to vector<64x128xf32>
    %eq3A_4330 = arith.constant 6 : i32
    %eq3A_4331 = vector.broadcast %eq3A_4330 : i32 to vector<64x128xi32>
    %eq3A_4332 = arith.cmpi eq, %and3A_4224, %eq3A_4331 : vector<64x128xi32>
    %sub3A_4333 = arith.constant 1.44782162 : f32
    %sub3A_4334 = vector.broadcast %sub3A_4333 : f32 to vector<64x128xf32>
    %sub3A_4335 = arith.subf %squeeze3A_4329, %sub3A_4334 : vector<64x128xf32>
    %select_n3A_4336 = arith.select %eq3A_4332, %sub3A_4335, %squeeze3A_4329 : vector<64x128xi1>, vector<64x128xf32>
    %exp3A_4337 = math.exp %select_n3A_4336 : vector<64x128xf32>
    %add3A_4338 = arith.addf %add3A_4323, %exp3A_4337 : vector<64x128xf32>
    %jit3A_4339 = arith.constant 0.000000e+00 : f32
    %broadcast_in_dim3A_4340 = vector.broadcast %jit3A_4339 : f32 to vector<64x128xf32>
    %select_n3A_4341 = arith.select %eq3A_4332, %sub3A_4335, %broadcast_in_dim3A_4340 : vector<64x128xi1>, vector<64x128xf32>
    %add3A_4342 = arith.addf %add3A_4327, %select_n3A_4341 : vector<64x128xf32>
    %slice3A_4343 = vector.extract_strided_slice %transpose3A_4233 {offsets = [7, 0, 0], sizes = [1, 64, 128], strides = [1, 1, 1]} : vector<8x64x128xf32> to vector<1x64x128xf32>
    %squeeze3A_4344 = vector.shape_cast %slice3A_4343 : vector<1x64x128xf32> to vector<64x128xf32>
    %eq3A_4345 = arith.constant 7 : i32
    %eq3A_4346 = vector.broadcast %eq3A_4345 : i32 to vector<64x128xi32>
    %eq3A_4347 = arith.cmpi eq, %and3A_4224, %eq3A_4346 : vector<64x128xi32>
    %sub3A_4348 = arith.constant 1.3795656 : f32
    %sub3A_4349 = vector.broadcast %sub3A_4348 : f32 to vector<64x128xf32>
    %sub3A_4350 = arith.subf %squeeze3A_4344, %sub3A_4349 : vector<64x128xf32>
    %select_n3A_4351 = arith.select %eq3A_4347, %sub3A_4350, %squeeze3A_4344 : vector<64x128xi1>, vector<64x128xf32>
    %exp3A_4352 = math.exp %select_n3A_4351 : vector<64x128xf32>
    %add3A_4353 = arith.addf %add3A_4338, %exp3A_4352 : vector<64x128xf32>
    %jit3A_4354 = arith.constant 0.000000e+00 : f32
    %broadcast_in_dim3A_4355 = vector.broadcast %jit3A_4354 : f32 to vector<64x128xf32>
    %select_n3A_4356 = arith.select %eq3A_4347, %sub3A_4350, %broadcast_in_dim3A_4355 : vector<64x128xi1>, vector<64x128xf32>
    %add3A_4357 = arith.addf %add3A_4342, %select_n3A_4356 : vector<64x128xf32>
    %log3A_4358 = math.log %add3A_4353 : vector<64x128xf32>
    %sub3A_4359 = arith.subf %log3A_4358, %add3A_4357 : vector<64x128xf32>
    %mul3A_4360 = arith.mulf %convert_element_type3A_4228, %sub3A_4359 : vector<64x128xf32>
    %reshape3A_4361 = vector.shape_cast %mul3A_4360 : vector<64x128xf32> to vector<8x8x128xf32>
    %reduce_sum3A_4362 = arith.constant dense<0.000000e+00> : vector<8x128xf32>
    %reduce_sum3A_4363 = vector.multi_reduction <add>, %reshape3A_4361, %reduce_sum3A_4362 [0] : vector<8x8x128xf32> to vector<8x128xf32>
    %add3A_4364 = arith.addf %add3A_4213, %reduce_sum3A_4363 : vector<8x128xf32>
    %reshape3A_4365 = vector.shape_cast %convert_element_type3A_4228 : vector<64x128xf32> to vector<8x8x128xf32>
    %reduce_sum3A_4366 = arith.constant dense<0.000000e+00> : vector<8x128xf32>
    %reduce_sum3A_4367 = vector.multi_reduction <add>, %reshape3A_4365, %reduce_sum3A_4366 [0] : vector<8x8x128xf32> to vector<8x128xf32>
    %add3A_4368 = arith.addf %add3A_4217, %reduce_sum3A_4367 : vector<8x128xf32>
    %get3A_4369 = arith.constant 1856 : index
    %get3A_4370 = arith.constant 0 : index
    %get3A_4371 = vector.load %arg2[%get3A_4369, %get3A_4370] : memref<1920x128xi8, #tpu.memory_space<vmem>>, vector<64x128xi8>
    %convert_element_type3A_4372 = arith.extsi %get3A_4371 : vector<64x128xi8> to vector<64x128xi32>
    %and3A_4373 = arith.constant 7 : i32
    %and3A_4374 = vector.broadcast %and3A_4373 : i32 to vector<64x128xi32>
    %and3A_4375 = arith.andi %convert_element_type3A_4372, %and3A_4374 : vector<64x128xi32>
    %shift_right_arithmetic3A_4376 = arith.constant 3 : i32
    %shift_right_arithmetic3A_4377 = vector.broadcast %shift_right_arithmetic3A_4376 : i32 to vector<64x128xi32>
    %shift_right_arithmetic3A_4378 = arith.shrsi %convert_element_type3A_4372, %shift_right_arithmetic3A_4377 : vector<64x128xi32>
    %convert_element_type3A_4379 = arith.sitofp %shift_right_arithmetic3A_4378 : vector<64x128xi32> to vector<64x128xf32>
    %get3A_4380 = arith.constant 1856 : index
    %get3A_4381 = arith.constant 0 : index
    %get3A_4382 = arith.constant 0 : index
    %get3A_4383 = vector.load %arg1[%get3A_4380, %get3A_4381, %get3A_4382] : memref<1920x8x128xf32, #tpu.memory_space<vmem>>, vector<64x8x128xf32>
    %transpose3A_4384 = tpu.transpose %get3A_4383, [1, 0, 2] : vector<64x8x128xf32> -> vector<8x64x128xf32>
    %broadcast_in_dim3A_4385 = arith.constant 0.000000e+00 : f32
    %broadcast_in_dim3A_4386 = vector.broadcast %broadcast_in_dim3A_4385 : f32 to vector<64x128xf32>
    %broadcast_in_dim3A_4387 = arith.constant 0.000000e+00 : f32
    %broadcast_in_dim3A_4388 = vector.broadcast %broadcast_in_dim3A_4387 : f32 to vector<64x128xf32>
    %slice3A_4389 = vector.extract_strided_slice %transpose3A_4384 {offsets = [0, 0, 0], sizes = [1, 64, 128], strides = [1, 1, 1]} : vector<8x64x128xf32> to vector<1x64x128xf32>
    %squeeze3A_4390 = vector.shape_cast %slice3A_4389 : vector<1x64x128xf32> to vector<64x128xf32>
    %eq3A_4391 = arith.constant 0 : i32
    %eq3A_4392 = vector.broadcast %eq3A_4391 : i32 to vector<64x128xi32>
    %eq3A_4393 = arith.cmpi eq, %and3A_4375, %eq3A_4392 : vector<64x128xi32>
    %sub3A_4394 = arith.constant 1.08857441 : f32
    %sub3A_4395 = vector.broadcast %sub3A_4394 : f32 to vector<64x128xf32>
    %sub3A_4396 = arith.subf %squeeze3A_4390, %sub3A_4395 : vector<64x128xf32>
    %select_n3A_4397 = arith.select %eq3A_4393, %sub3A_4396, %squeeze3A_4390 : vector<64x128xi1>, vector<64x128xf32>
    %exp3A_4398 = math.exp %select_n3A_4397 : vector<64x128xf32>
    %add3A_4399 = arith.addf %broadcast_in_dim3A_4386, %exp3A_4398 : vector<64x128xf32>
    %jit3A_4400 = arith.constant 0.000000e+00 : f32
    %broadcast_in_dim3A_4401 = vector.broadcast %jit3A_4400 : f32 to vector<64x128xf32>
    %select_n3A_4402 = arith.select %eq3A_4393, %sub3A_4396, %broadcast_in_dim3A_4401 : vector<64x128xi1>, vector<64x128xf32>
    %add3A_4403 = arith.addf %broadcast_in_dim3A_4388, %select_n3A_4402 : vector<64x128xf32>
    %slice3A_4404 = vector.extract_strided_slice %transpose3A_4384 {offsets = [1, 0, 0], sizes = [1, 64, 128], strides = [1, 1, 1]} : vector<8x64x128xf32> to vector<1x64x128xf32>
    %squeeze3A_4405 = vector.shape_cast %slice3A_4404 : vector<1x64x128xf32> to vector<64x128xf32>
    %eq3A_4406 = arith.constant 1 : i32
    %eq3A_4407 = vector.broadcast %eq3A_4406 : i32 to vector<64x128xi32>
    %eq3A_4408 = arith.cmpi eq, %and3A_4375, %eq3A_4407 : vector<64x128xi32>
    %sub3A_4409 = arith.constant 2.400000e+00 : f32
    %sub3A_4410 = vector.broadcast %sub3A_4409 : f32 to vector<64x128xf32>
    %sub3A_4411 = arith.subf %squeeze3A_4405, %sub3A_4410 : vector<64x128xf32>
    %select_n3A_4412 = arith.select %eq3A_4408, %sub3A_4411, %squeeze3A_4405 : vector<64x128xi1>, vector<64x128xf32>
    %exp3A_4413 = math.exp %select_n3A_4412 : vector<64x128xf32>
    %add3A_4414 = arith.addf %add3A_4399, %exp3A_4413 : vector<64x128xf32>
    %jit3A_4415 = arith.constant 0.000000e+00 : f32
    %broadcast_in_dim3A_4416 = vector.broadcast %jit3A_4415 : f32 to vector<64x128xf32>
    %select_n3A_4417 = arith.select %eq3A_4408, %sub3A_4411, %broadcast_in_dim3A_4416 : vector<64x128xi1>, vector<64x128xf32>
    %add3A_4418 = arith.addf %add3A_4403, %select_n3A_4417 : vector<64x128xf32>
    %slice3A_4419 = vector.extract_strided_slice %transpose3A_4384 {offsets = [2, 0, 0], sizes = [1, 64, 128], strides = [1, 1, 1]} : vector<8x64x128xf32> to vector<1x64x128xf32>
    %squeeze3A_4420 = vector.shape_cast %slice3A_4419 : vector<1x64x128xf32> to vector<64x128xf32>
    %eq3A_4421 = arith.constant 2 : i32
    %eq3A_4422 = vector.broadcast %eq3A_4421 : i32 to vector<64x128xi32>
    %eq3A_4423 = arith.cmpi eq, %and3A_4375, %eq3A_4422 : vector<64x128xi32>
    %sub3A_4424 = arith.constant 1.18135118 : f32
    %sub3A_4425 = vector.broadcast %sub3A_4424 : f32 to vector<64x128xf32>
    %sub3A_4426 = arith.subf %squeeze3A_4420, %sub3A_4425 : vector<64x128xf32>
    %select_n3A_4427 = arith.select %eq3A_4423, %sub3A_4426, %squeeze3A_4420 : vector<64x128xi1>, vector<64x128xf32>
    %exp3A_4428 = math.exp %select_n3A_4427 : vector<64x128xf32>
    %add3A_4429 = arith.addf %add3A_4414, %exp3A_4428 : vector<64x128xf32>
    %jit3A_4430 = arith.constant 0.000000e+00 : f32
    %broadcast_in_dim3A_4431 = vector.broadcast %jit3A_4430 : f32 to vector<64x128xf32>
    %select_n3A_4432 = arith.select %eq3A_4423, %sub3A_4426, %broadcast_in_dim3A_4431 : vector<64x128xi1>, vector<64x128xf32>
    %add3A_4433 = arith.addf %add3A_4418, %select_n3A_4432 : vector<64x128xf32>
    %slice3A_4434 = vector.extract_strided_slice %transpose3A_4384 {offsets = [3, 0, 0], sizes = [1, 64, 128], strides = [1, 1, 1]} : vector<8x64x128xf32> to vector<1x64x128xf32>
    %squeeze3A_4435 = vector.shape_cast %slice3A_4434 : vector<1x64x128xf32> to vector<64x128xf32>
    %eq3A_4436 = arith.constant 3 : i32
    %eq3A_4437 = vector.broadcast %eq3A_4436 : i32 to vector<64x128xi32>
    %eq3A_4438 = arith.cmpi eq, %and3A_4375, %eq3A_4437 : vector<64x128xi32>
    %sub3A_4439 = arith.constant 1.84070837 : f32
    %sub3A_4440 = vector.broadcast %sub3A_4439 : f32 to vector<64x128xf32>
    %sub3A_4441 = arith.subf %squeeze3A_4435, %sub3A_4440 : vector<64x128xf32>
    %select_n3A_4442 = arith.select %eq3A_4438, %sub3A_4441, %squeeze3A_4435 : vector<64x128xi1>, vector<64x128xf32>
    %exp3A_4443 = math.exp %select_n3A_4442 : vector<64x128xf32>
    %add3A_4444 = arith.addf %add3A_4429, %exp3A_4443 : vector<64x128xf32>
    %jit3A_4445 = arith.constant 0.000000e+00 : f32
    %broadcast_in_dim3A_4446 = vector.broadcast %jit3A_4445 : f32 to vector<64x128xf32>
    %select_n3A_4447 = arith.select %eq3A_4438, %sub3A_4441, %broadcast_in_dim3A_4446 : vector<64x128xi1>, vector<64x128xf32>
    %add3A_4448 = arith.addf %add3A_4433, %select_n3A_4447 : vector<64x128xf32>
    %slice3A_4449 = vector.extract_strided_slice %transpose3A_4384 {offsets = [4, 0, 0], sizes = [1, 64, 128], strides = [1, 1, 1]} : vector<8x64x128xf32> to vector<1x64x128xf32>
    %squeeze3A_4450 = vector.shape_cast %slice3A_4449 : vector<1x64x128xf32> to vector<64x128xf32>
    %eq3A_4451 = arith.constant 4 : i32
    %eq3A_4452 = vector.broadcast %eq3A_4451 : i32 to vector<64x128xi32>
    %eq3A_4453 = arith.cmpi eq, %and3A_4375, %eq3A_4452 : vector<64x128xi32>
    %sub3A_4454 = arith.constant 2.400000e+00 : f32
    %sub3A_4455 = vector.broadcast %sub3A_4454 : f32 to vector<64x128xf32>
    %sub3A_4456 = arith.subf %squeeze3A_4450, %sub3A_4455 : vector<64x128xf32>
    %select_n3A_4457 = arith.select %eq3A_4453, %sub3A_4456, %squeeze3A_4450 : vector<64x128xi1>, vector<64x128xf32>
    %exp3A_4458 = math.exp %select_n3A_4457 : vector<64x128xf32>
    %add3A_4459 = arith.addf %add3A_4444, %exp3A_4458 : vector<64x128xf32>
    %jit3A_4460 = arith.constant 0.000000e+00 : f32
    %broadcast_in_dim3A_4461 = vector.broadcast %jit3A_4460 : f32 to vector<64x128xf32>
    %select_n3A_4462 = arith.select %eq3A_4453, %sub3A_4456, %broadcast_in_dim3A_4461 : vector<64x128xi1>, vector<64x128xf32>
    %add3A_4463 = arith.addf %add3A_4448, %select_n3A_4462 : vector<64x128xf32>
    %slice3A_4464 = vector.extract_strided_slice %transpose3A_4384 {offsets = [5, 0, 0], sizes = [1, 64, 128], strides = [1, 1, 1]} : vector<8x64x128xf32> to vector<1x64x128xf32>
    %squeeze3A_4465 = vector.shape_cast %slice3A_4464 : vector<1x64x128xf32> to vector<64x128xf32>
    %eq3A_4466 = arith.constant 5 : i32
    %eq3A_4467 = vector.broadcast %eq3A_4466 : i32 to vector<64x128xi32>
    %eq3A_4468 = arith.cmpi eq, %and3A_4375, %eq3A_4467 : vector<64x128xi32>
    %sub3A_4469 = arith.constant 1.05176699 : f32
    %sub3A_4470 = vector.broadcast %sub3A_4469 : f32 to vector<64x128xf32>
    %sub3A_4471 = arith.subf %squeeze3A_4465, %sub3A_4470 : vector<64x128xf32>
    %select_n3A_4472 = arith.select %eq3A_4468, %sub3A_4471, %squeeze3A_4465 : vector<64x128xi1>, vector<64x128xf32>
    %exp3A_4473 = math.exp %select_n3A_4472 : vector<64x128xf32>
    %add3A_4474 = arith.addf %add3A_4459, %exp3A_4473 : vector<64x128xf32>
    %jit3A_4475 = arith.constant 0.000000e+00 : f32
    %broadcast_in_dim3A_4476 = vector.broadcast %jit3A_4475 : f32 to vector<64x128xf32>
    %select_n3A_4477 = arith.select %eq3A_4468, %sub3A_4471, %broadcast_in_dim3A_4476 : vector<64x128xi1>, vector<64x128xf32>
    %add3A_4478 = arith.addf %add3A_4463, %select_n3A_4477 : vector<64x128xf32>
    %slice3A_4479 = vector.extract_strided_slice %transpose3A_4384 {offsets = [6, 0, 0], sizes = [1, 64, 128], strides = [1, 1, 1]} : vector<8x64x128xf32> to vector<1x64x128xf32>
    %squeeze3A_4480 = vector.shape_cast %slice3A_4479 : vector<1x64x128xf32> to vector<64x128xf32>
    %eq3A_4481 = arith.constant 6 : i32
    %eq3A_4482 = vector.broadcast %eq3A_4481 : i32 to vector<64x128xi32>
    %eq3A_4483 = arith.cmpi eq, %and3A_4375, %eq3A_4482 : vector<64x128xi32>
    %sub3A_4484 = arith.constant 1.44782162 : f32
    %sub3A_4485 = vector.broadcast %sub3A_4484 : f32 to vector<64x128xf32>
    %sub3A_4486 = arith.subf %squeeze3A_4480, %sub3A_4485 : vector<64x128xf32>
    %select_n3A_4487 = arith.select %eq3A_4483, %sub3A_4486, %squeeze3A_4480 : vector<64x128xi1>, vector<64x128xf32>
    %exp3A_4488 = math.exp %select_n3A_4487 : vector<64x128xf32>
    %add3A_4489 = arith.addf %add3A_4474, %exp3A_4488 : vector<64x128xf32>
    %jit3A_4490 = arith.constant 0.000000e+00 : f32
    %broadcast_in_dim3A_4491 = vector.broadcast %jit3A_4490 : f32 to vector<64x128xf32>
    %select_n3A_4492 = arith.select %eq3A_4483, %sub3A_4486, %broadcast_in_dim3A_4491 : vector<64x128xi1>, vector<64x128xf32>
    %add3A_4493 = arith.addf %add3A_4478, %select_n3A_4492 : vector<64x128xf32>
    %slice3A_4494 = vector.extract_strided_slice %transpose3A_4384 {offsets = [7, 0, 0], sizes = [1, 64, 128], strides = [1, 1, 1]} : vector<8x64x128xf32> to vector<1x64x128xf32>
    %squeeze3A_4495 = vector.shape_cast %slice3A_4494 : vector<1x64x128xf32> to vector<64x128xf32>
    %eq3A_4496 = arith.constant 7 : i32
    %eq3A_4497 = vector.broadcast %eq3A_4496 : i32 to vector<64x128xi32>
    %eq3A_4498 = arith.cmpi eq, %and3A_4375, %eq3A_4497 : vector<64x128xi32>
    %sub3A_4499 = arith.constant 1.3795656 : f32
    %sub3A_4500 = vector.broadcast %sub3A_4499 : f32 to vector<64x128xf32>
    %sub3A_4501 = arith.subf %squeeze3A_4495, %sub3A_4500 : vector<64x128xf32>
    %select_n3A_4502 = arith.select %eq3A_4498, %sub3A_4501, %squeeze3A_4495 : vector<64x128xi1>, vector<64x128xf32>
    %exp3A_4503 = math.exp %select_n3A_4502 : vector<64x128xf32>
    %add3A_4504 = arith.addf %add3A_4489, %exp3A_4503 : vector<64x128xf32>
    %jit3A_4505 = arith.constant 0.000000e+00 : f32
    %broadcast_in_dim3A_4506 = vector.broadcast %jit3A_4505 : f32 to vector<64x128xf32>
    %select_n3A_4507 = arith.select %eq3A_4498, %sub3A_4501, %broadcast_in_dim3A_4506 : vector<64x128xi1>, vector<64x128xf32>
    %add3A_4508 = arith.addf %add3A_4493, %select_n3A_4507 : vector<64x128xf32>
    %log3A_4509 = math.log %add3A_4504 : vector<64x128xf32>
    %sub3A_4510 = arith.subf %log3A_4509, %add3A_4508 : vector<64x128xf32>
    %mul3A_4511 = arith.mulf %convert_element_type3A_4379, %sub3A_4510 : vector<64x128xf32>
    %reshape3A_4512 = vector.shape_cast %mul3A_4511 : vector<64x128xf32> to vector<8x8x128xf32>
    %reduce_sum3A_4513 = arith.constant dense<0.000000e+00> : vector<8x128xf32>
    %reduce_sum3A_4514 = vector.multi_reduction <add>, %reshape3A_4512, %reduce_sum3A_4513 [0] : vector<8x8x128xf32> to vector<8x128xf32>
    %add3A_4515 = arith.addf %add3A_4364, %reduce_sum3A_4514 : vector<8x128xf32>
    %reshape3A_4516 = vector.shape_cast %convert_element_type3A_4379 : vector<64x128xf32> to vector<8x8x128xf32>
    %reduce_sum3A_4517 = arith.constant dense<0.000000e+00> : vector<8x128xf32>
    %reduce_sum3A_4518 = vector.multi_reduction <add>, %reshape3A_4516, %reduce_sum3A_4517 [0] : vector<8x8x128xf32> to vector<8x128xf32>
    %add3A_4519 = arith.addf %add3A_4368, %reduce_sum3A_4518 : vector<8x128xf32>
    %get3A_4520 = arith.constant 0 : index
    %get3A_4521 = arith.constant 0 : index
    %get3A_4522 = memref.load %arg3[%get3A_4520, %get3A_4521] : memref<1x1xf32, #tpu.memory_space<smem>>
    %reduce_sum3A_4523 = vector.shape_cast %add3A_4515 : vector<8x128xf32> to vector<1x8x128xf32>
    %reduce_sum3A_4524 = arith.constant dense<0.000000e+00> : vector<1xf32>
    %reduce_sum3A_4525 = vector.multi_reduction <add>, %reduce_sum3A_4523, %reduce_sum3A_4524 [1, 2] : vector<1x8x128xf32> to vector<1xf32>
    %reduce_sum3A_4526 = vector.shape_cast %reduce_sum3A_4525 : vector<1xf32> to vector<1x1x1xf32>
    %reduce_sum3A_4527 = vector.extract %reduce_sum3A_4526[0, 0, 0] : f32 from vector<1x1x1xf32>
    %add3A_4528 = arith.addf %get3A_4522, %reduce_sum3A_4527 : f32
    %swap3A = arith.constant 0 : index
    %swap3A_4529 = arith.constant 0 : index
    %swap3A_4530 = memref.load %arg3[%swap3A, %swap3A_4529] : memref<1x1xf32, #tpu.memory_space<smem>>
    memref.store %add3A_4528, %arg3[%swap3A, %swap3A_4529] : memref<1x1xf32, #tpu.memory_space<smem>>
    %get3A_4531 = arith.constant 0 : index
    %get3A_4532 = arith.constant 0 : index
    %get3A_4533 = memref.load %arg4[%get3A_4531, %get3A_4532] : memref<1x1xf32, #tpu.memory_space<smem>>
    %reduce_sum3A_4534 = vector.shape_cast %add3A_4519 : vector<8x128xf32> to vector<1x8x128xf32>
    %reduce_sum3A_4535 = arith.constant dense<0.000000e+00> : vector<1xf32>
    %reduce_sum3A_4536 = vector.multi_reduction <add>, %reduce_sum3A_4534, %reduce_sum3A_4535 [1, 2] : vector<1x8x128xf32> to vector<1xf32>
    %reduce_sum3A_4537 = vector.shape_cast %reduce_sum3A_4536 : vector<1xf32> to vector<1x1x1xf32>
    %reduce_sum3A_4538 = vector.extract %reduce_sum3A_4537[0, 0, 0] : f32 from vector<1x1x1xf32>
    %add3A_4539 = arith.addf %get3A_4533, %reduce_sum3A_4538 : f32
    %swap3A_4540 = arith.constant 0 : index
    %swap3A_4541 = arith.constant 0 : index
    %swap3A_4542 = memref.load %arg4[%swap3A_4540, %swap3A_4541] : memref<1x1xf32, #tpu.memory_space<smem>>
    memref.store %add3A_4539, %arg4[%swap3A_4540, %swap3A_4541] : memref<1x1xf32, #tpu.memory_space<smem>>
    return
  }
  func.func @transform_0(%arg0: i32) -> (i32, i32, i32) {
    %c0_i32 = arith.constant 0 : i32
    %c0_i32_0 = arith.constant 0 : i32
    %c0_i32_1 = arith.constant 0 : i32
    return %arg0, %c0_i32, %c0_i32_0 : i32, i32, i32
  }
  func.func @transform_1(%arg0: i32) -> (i32, i32) {
    %c0_i32 = arith.constant 0 : i32
    %c0_i32_0 = arith.constant 0 : i32
    return %arg0, %c0_i32 : i32, i32
  }
  func.func @transform_2(%arg0: i32) -> (i32, i32) {
    %c0_i32 = arith.constant 0 : i32
    %c0_i32_0 = arith.constant 0 : i32
    %c0_i32_1 = arith.constant 0 : i32
    return %c0_i32, %c0_i32_0 : i32, i32
  }
  func.func @transform_3(%arg0: i32) -> (i32, i32) {
    %c0_i32 = arith.constant 0 : i32
    %c0_i32_0 = arith.constant 0 : i32
    %c0_i32_1 = arith.constant 0 : i32
    return %c0_i32, %c0_i32_0 : i32, i32
  }
}

</mosaic_0001>

<sc_bundles>
// kernel: kernel.4.cloned.1.call-start
scs
__scs_entry_jumppad:
0x0: {  	(pc) =	sbr.rel $0x88, $3  }
0x1: {  	(tag) =	ssettag $0x0;
	lr =	simm.s32 $0x1  }
0x2: {  	[smem:$0x3F9E] =	sst lr;
	_ =	strace $0xD0000000  }
0x3: {  	_ = 	snop  }
0x4: {  	_ = 	snop  }
0x5: {  	_ = 	snop  }
0x6: {  	_ = 	snop  }
0x7: {  	_ = 	snop  }
__scs_overlays_trampoline_lowered:
0x8: {  	[smem:$0x3FAD] =	sst s0  }
0x9: {  	[smem:$0x3FAE] =	sst s1  }
0xa: {  	[smem:$0x3FAF] =	sst s2  }
0xb: {  	[smem:$0x3FB0] =	sst s3  }
0xc: {  	[smem:$0x3FB1] =	sst s4  }
0xd: {  	[smem:$0x3FB2] =	sst s5  }
0xe: {  	[smem:$0x3FB3] =	sst s6  }
0xf: {  	[smem:$0x3FB4] =	sst s7  }
0x10: {  	[smem:$0x3FB5] =	sst s8  }
0x11: {  	[smem:$0x3FB6] =	sst s9;
	s0 =	simm.s32 @!p0 $0x0  }
0x12: {  	s1 =	sld [smem:$0x3F9C];
	s0 =	simm.s32 @p0 $0x1  }
0x13: {  	[smem:$0x3FB7] =	sst s0;
	s0 =	simm.s32 @!p1 $0x0  }
0x14: {  	s2 =	sld [smem:$0x3F9B];
	s0 =	simm.s32 @p1 $0x1  }
0x15: {  	[smem:$0x3FB8] =	sst s0;
	s0 =	simm.s32 @!p2 $0x0  }
0x16: {  	s3 =	sld [smem:$0x3FDB];
	s0 =	simm.s32 @p2 $0x1  }
0x17: {  	s4 =	simm.s32 $0x1BF5;
	[smem:$0x3FBA] =	sst s0  }
0x18: {  	s0 =	sld [smem:$0x3F9D];
	_ =	swait.ge [sflag:s4], $0x0  }
0x19: {  	s7 =	sld [smem:$0x3F9E]  }
0x1a: {  	s8 =	sadd.s32 $0xFFFFE003, lr  }
0x1b: {  	s9 =	sadd.s32 $0xFFFFFEF7, lr;
	s5 =	simm.s32 $0xFFFFFFFF;
	p2 =	slt.u32 s8, $0xFFFFF086  }
0x1c: {  	p1 =	slt.u32 s9, $0xF7A;
	s5 =	simm.s32 @!p2 $0x0  }
0x1d: {  	s5 =	simm.s32 @p1 $0x1;
	p0 =	seq.s32 s7, s2  }
0x1e: {  	s7 =	smul.u32 @!p0 $0xF7A, s2;
	p2 =	seq.s32 @!p0 s5, $0x0  }
0x1f: {  	s9 =	smul.u32 $0xF7A, s1;
	s8 =	simm.s32 @!p0 $0x1BF5;
	p2 =	por !p2, p0  }
0x20: {  	[sflag:s8] =	ssyncset.s32 @!p0 $0xFFFFF086;
	s6 =	sadd.s32 @!p0 s3, s7;
	s7 =	simm.s32 @!p0 $0x108  }
0x21: {  	s3 =	sadd.s32 s3, s9;
	s6 =	sadd.s32 @!p0 $0x88, s6;
	s7 =	simm.s32 @p2 $0x1082  }
0x22: {  	[simem:s7], [sflag:s8] =	dma.local @!p0 [hbm:s6], $0xF7A  }
0x23: {  	s9 =	sor.u32 $0xD0000000, s2;
	s6 =	simm.s32 $0x108;
	_ =	swait.ge @!p0 [sflag:s8], $0x0  }
0x24: {  	s3 =	sadd.s32 $0x88, s3;
	s6 =	simm.s32 @!p1 $0x1082;
	[sflag:s4] =	ssyncset.s32 $0xFFFFF086  }
0x25: {  	[simem:s6], [sflag:s4] =	dma.local [hbm:s3], $0xF7A  }
0x26: {  	[smem:$0x3F9E] =	sst s1;
	(tag) =	ssettag s2;
	_ =	strace s9  }
0x27: {  	s1 =	sld [smem:$0x3FAE]  }
0x28: {  	s2 =	sld [smem:$0x3FAF]  }
0x29: {  	s4 =	sld [smem:$0x3FB1]  }
0x2a: {  	p0 =	seq.s32 s5, $0x0;
	s5 =	sld [smem:$0x3FB2]  }
0x2b: {  	s6 =	sld [smem:$0x3FB3]  }
0x2c: {  	s7 =	sld [smem:$0x3FB4]  }
0x2d: {  	s3 =	simm.s32 $0x108;
	s8 =	sld [smem:$0x3FB5]  }
0x2e: {  	s3 =	simm.s32 @!p0 $0x1082;
	s9 =	sld [smem:$0x3FB6]  }
0x2f: {  	lr =	sadd.s32 s0, s3;
	s0 =	sld [smem:$0x3FAD]  }
0x30: {  	s3 =	sld [smem:$0x3FB0]  }
0x31: {  	[smem:$0x3FB9] =	sst s10  }
0x32: {  	s10 =	sld [smem:$0x3FB7];
	_ =	sdelay $0x3  }
0x33: {  	p0 =	seq.s32 s10, $0x1;
	s10 =	sld [smem:$0x3FB9];
	_ =	sdelay $0x3  }
0x34: {  	[smem:$0x3FB9] =	sst s10  }
0x35: {  	s10 =	sld [smem:$0x3FB8];
	_ =	sdelay $0x3  }
0x36: {  	p1 =	seq.s32 s10, $0x1;
	s10 =	sld [smem:$0x3FB9];
	_ =	sdelay $0x3  }
0x37: {  	[smem:$0x3FB9] =	sst s10  }
0x38: {  	s10 =	sld [smem:$0x3FBA]  }
0x39: {  	_ = 	snop;
	(pc) =	sbr.ind lr, $3  }
0x3a: {  	_ = 	snop  }
0x3b: {  	_ = 	snop  }
0x3c: {  	p2 =	seq.s32 s10, $0x1;
	s10 =	sld [smem:$0x3FB9]  }
0x3d: {  	_ =	shalt  }
0x3e: {  	_ =	shalt  }
0x3f: {  	_ =	shalt  }
0x40: {  	_ =	shalt  }
0x41: {  	_ =	shalt  }
0x42: {  	_ =	shalt  }
0x43: {  	_ =	shalt  }
0x44: {  	_ =	shalt  }
0x45: {  	_ =	shalt  }
0x46: {  	_ =	shalt  }
0x47: {  	_ =	shalt  }
0x48: {  	_ =	shalt  }
0x49: {  	_ =	shalt  }
0x4a: {  	_ =	shalt  }
0x4b: {  	_ =	shalt  }
0x4c: {  	_ =	shalt  }
0x4d: {  	_ =	shalt  }
0x4e: {  	_ =	shalt  }
0x4f: {  	_ =	shalt  }
0x50: {  	_ =	shalt  }
0x51: {  	_ =	shalt  }
0x52: {  	_ =	shalt  }
0x53: {  	_ =	shalt  }
0x54: {  	_ =	shalt  }
0x55: {  	_ =	shalt  }
0x56: {  	_ =	shalt  }
0x57: {  	_ =	shalt  }
0x58: {  	_ =	shalt  }
0x59: {  	_ =	shalt  }
0x5a: {  	_ =	shalt  }
0x5b: {  	_ =	shalt  }
0x5c: {  	_ =	shalt  }
0x5d: {  	_ =	shalt  }
0x5e: {  	_ =	shalt  }
0x5f: {  	_ =	shalt  }
0x60: {  	_ =	shalt  }
0x61: {  	_ =	shalt  }
0x62: {  	_ =	shalt  }
0x63: {  	_ =	shalt  }
0x64: {  	_ =	shalt  }
0x65: {  	_ =	shalt  }
0x66: {  	_ =	shalt  }
0x67: {  	_ =	shalt  }
0x68: {  	_ =	shalt  }
0x69: {  	_ =	shalt  }
0x6a: {  	_ =	shalt  }
0x6b: {  	_ =	shalt  }
0x6c: {  	_ =	shalt  }
0x6d: {  	_ =	shalt  }
0x6e: {  	_ =	shalt  }
0x6f: {  	_ =	shalt  }
0x70: {  	_ =	shalt  }
0x71: {  	_ =	shalt  }
0x72: {  	_ =	shalt  }
0x73: {  	_ =	shalt  }
0x74: {  	_ =	shalt  }
0x75: {  	_ =	shalt  }
0x76: {  	_ =	shalt  }
0x77: {  	_ =	shalt  }
0x78: {  	_ =	shalt  }
0x79: {  	_ =	shalt  }
0x7a: {  	_ =	shalt  }
0x7b: {  	_ =	shalt  }
0x7c: {  	_ =	shalt  }
0x7d: {  	_ =	shalt  }
0x7e: {  	_ =	shalt  }
0x7f: {  	_ =	shalt  }
0x80: {  	_ =	shalt  }
0x81: {  	_ =	shalt  }
0x82: {  	_ =	shalt  }
0x83: {  	_ =	shalt  }
0x84: {  	_ =	shalt  }
0x85: {  	_ =	shalt  }
0x86: {  	_ =	shalt  }
0x87: {  	_ =	shalt  }
.Lfunc_end0:
.L_simem_size_0:
called_computation_lowered:
.L_overlay_start_0:
0x88: {  	s2 =	sld [smem:$0x3FD9]  }
0x89: {  	s3 =	sld [smem:$0x3FFE];
	_ =	sdelay $0x1  }
0x8a: {  	s1 =	srdreg.scid  }
0x8b: {  	s0 =	sand.u32 $0x1, s1  }
0x8c: {  	s17 =	sshll.u32 s0, $0xA;
	s2 =	sadd.s32 s3, s2  }
0x8d: {  	s2 =	sadd.s32 s2, s17  }
0x8e: {  	[smem:$0x3FC5] =	sst s2  }
0x8f: {  	_ = 	snop  }
0x90: {  	s2 =	sld [smem:$0x3FC9]  }
0x91: {  	s18 =	sld [smem:$0x3FC8];
	(tm) =	ssettm $0x1  }
0x92: {  	s4 =	sld [smem:$0x3FFB];
	_ =	sdelay $0x3  }
0x93: {  	_ =	strace s4  }
0x94: {  	s4 =	sld [smem:$0x3FFC];
	_ =	sdelay $0x3  }
0x95: {  	_ =	strace s4  }
0x96: {  	s4 =	sld [smem:$0x3FFD];
	_ =	sdelay $0x3  }
0x97: {  	_ =	strace s4  }
0x98: {  	_ =	strace $0x8FFFFFFF  }
0x99: {  	s19 =	sld [smem:$0x3FDB];
	_ =	sdelay $0x1  }
0x9a: {  	s5 =	simm.s32 $_scs_section_size  }
0x9b: {  	s6 =	simm.s32 $_size__tile_overlayer_lowered;
	s7 =	simm.s32 $_tile_overlayer_lowered  }
0x9c: {  	s22 =	simm.s32 $0x1BFF;
	s21 =	sshll.u32 s7, $0x1;
	s4 =	sadd.s32 s5, s19  }
0x9d: {  	s8 =	simm.s32 $0x0;
	s20 =	sshll.u32 s6, $0x1;
	s6 =	sadd.s32 s21, s4  }
0x9e: {  	[timem:s8], [sflag:s22] =	dma.local [hbm:s6], s20  }
0x9f: {  	_ =	swait.ge [sflag:s22], s20  }
0xa0: {  	s5 =	ssub.s32 $0x0, s20;
	[sflag:s22] =	ssyncset.done $0x0  }
0xa1: {  	[sflag:s22] =	ssyncadd.s32 s5;
	_ =	sdelay $0x1  }
0xa2: {  	s23 =	simm.s32 $0x1B8B  }
0xa3: {  	_ =	swait.ge [sflag:s23], $0x1  }
0xa4: {  	[sflag:s23] =	ssyncset.done $0x0  }
0xa5: {  	s25 =	simm.s32 $0x1B8E;
	s24 =	sld [smem:$0x3FFE];
	[sflag:s23] =	ssyncadd.s32 $0xFFFFFFFF  }
0xa6: {  	s26 =	simm.s32 $execute0_lowered;
	[smem:$0x3FD2] =	sst s25  }
0xa7: {  	s6 =	sshll.u32 s26, $0x1;
	_ =	strace $0x80000046;
	[dreg:$0x1] =	wrdreg $0xFFFFFFFF  }
0xa8: {  	s28 =	simm.s32 $_size_execute0_lowered;
	s4 =	sadd.s32 s4, s6;
	[dreg:$0x0] =	wrdreg $0x0  }
0xa9: {  	s6 =	sshll.u32 s28, $0x1;
	[dreg:$0x2] =	wrdreg s4  }
0xaa: {  	[dreg:$0x3] =	wrdreg s6  }
0xab: {  	[dreg:$0x4] =	wrdreg $0xC0  }
0xac: {  	_ =	task [dreg:s8], $0x5FFFF  }
0xad: {  	[dreg:$0x1] =	wrdreg $0xFFFFFFFF  }
0xae: {  	[dreg:$0x0] =	wrdreg $0x60  }
0xaf: {  	[dreg:$0x2] =	wrdreg s2  }
0xb0: {  	[dreg:$0x3] =	wrdreg s18  }
0xb1: {  	[dreg:$0x4] =	wrdreg s24  }
0xb2: {  	[dreg:$0x5] =	wrdreg $0x9  }
0xb3: {  	_ =	task.clear_ibuf [dreg:s8], $0x6FFFF;
	_ =	strace $0x90000046  }
0xb4: {  	s29 =	simm.s32 $0x9;
	_ =	strace $0x80000048  }
0xb5: {  	_ =	swait.ge [sflag:s29], $0x1  }
0xb6: {  	[sflag:s29] =	ssyncadd.s32 $0xFFFFFFFF  }
0xb7: {  	_ =	strace $0x90000048  }
0xb8: {  	_ =	sfence  }
0xb9: {  	s30 =	sld [smem:$0x0];
	_ =	sdelay $0x2  }
0xba: {  	s31 =	sshll.u32 s1, $0xD;
	s1 =	sshrl.u32 s1, $0x2  }
0xbb: {  	s3 =	sand.u32 $0x4000, s31;
	s1 =	sadd.s32 s1, s30  }
0xbc: {  	s0 =	sor.u32 s3, s0;
	s1 =	sshll.u32 s1, $0x11  }
0xbd: {  	s0 =	sor.u32 s1, s0  }
0xbe: {  	s0 =	sadd.s32 $0x8F2B, s0  }
0xbf: {  	[sflag:s0] =	ssyncadd.remote.s32 $0x1  }
0xc0: {  	_ =	sfence.sel $0xFFFF  }
0xc1: {  	[dreg:$0x0] =	wrdreg $0xFFFFFFFF;
	(pc) =	sbr.abs _section_cstart, $3  }
0xc2: {  	[dreg:$0x1] =	wrdreg $0xFFFFFFFF  }
0xc3: {  	_ =	task.clear_ibuf [dreg:s8], $0x2FFFF;
	_ =	strace $0x9FFFFFFF  }
0xc4: {  	(tm) =	ssettm $0x7FFFFFFF  }
0xc5: {  	_ =	shalt  }
tec
execute0_lowered:
.L_overlay_start_1:
0x0: {  	(tag) =	ssettag $0x1  }
0x1: {  	s3 =	rddreg [dreg:$0x0]  }
0x2: {  	s4 =	rddreg [dreg:$0x1]  }
0x3: {  	s5 =	rddreg [dreg:$0x2]  }
0x4: {  	s0 =	rddreg [dreg:$0x3];
	s6 =	srdreg.scid  }
0x5: {  	s1 =	stileid.u32;
	s2 =	simm.s32 $0x0;
	s12 =	simm.s32 $0x0  }
0x6: {  	s6 =	sand.u32 $0x1, s6;
	s7 =	sshll.u32 s1, $0x1;
	[smem:$0x7FF] =	sst s2  }
0x7: {  	s7 =	sor.u32 s6, s7;
	_ =	strace $0x80000047;
	s6 =	ssub.s32 $0x2, s6  }
0x8: {  	s8 =	sshll.u32 s7, $0x8;
	s7 =	sshll.u32 s7, $0x4;
	s30 =	sshrl.u32 s6, $0x1  }
0x9: {  	s8 =	sadd.s32 s8, s5;
	s9 =	sor.u32 $0x1E00, s7;
	s7 =	sadd.s32 s7, s5  }
0xa: {  	s11 =	ssub.s32 s6, s30;
	s10 =	sshll.u32 s9, $0x7;
	s31 =	sshll.u32 s9, $0x4  }
0xb: {  	s5 =	sadd.s32 $0x400, s8;
	s6 =	sadd.s32 $0x2400, s7;
	s7 =	sadd.s32 $0x2600, s7  }
0xc: {  	s8 =	smax.u32 s11, $0x1;
	s9 =	simm.s32 $0x1;
	s11 =	simm.s32 $0x5080  }
0xd: {  	v0 =	vimm.s32 $0xFFFFFF81;
	s3 =	sadd.s32 s3, s10;
	s4 =	sadd.s32 s4, s31;
	s10 =	simm.s32 $0x5000  }
.LBB2_1:
0xe: {  	[tilespmem:s2], [sflag:$0x1] =	stream.linear.gather [hbm4b:s3+s2], $0x4000, $0x38;
	[tilespmem:$0x5100] =	vst v63  }
0xf: {  	_ =	swait.ge [sflag:s9], $0x4000  }
0x10: {  	[sflag:s9] =	ssyncset.done $0x0  }
0x11: {  	s14 =	simm.s32 $0x4000;
	[sflag:s9] =	ssyncadd.s32 $0xFFFFC000  }
0x12: {  	[tilespmem:s14], [sflag:$0x1] =	stream.linear.gather [hbm4b:s4+s2], $0x800, $0x38;
	[tilespmem:$0x5100] =	vst v63  }
0x13: {  	s15 =	simm.s32 $0x0;
	_ =	swait.ge [sflag:s9], $0x800  }
0x14: {  	s13 =	simm.s32 $0x4800;
	s15 =	sand.u32 $0xFFFFFF80, s15;
	[sflag:s9] =	ssyncset.done $0x0  }
0x15: {  	s16 =	simm.s32 $0x0;
	s15 =	ssub.s32 $0x0, s15;
	[sflag:s9] =	ssyncadd.s32 $0xFFFFF800  }
0x16: {  	[tilespmem:s13], [sflag:$0x1] =	stream.linear.gather [hbm4b:s5+s2], $0x800, $0x38;
	[tilespmem:$0x5100] =	vst v63  }
0x17: {  	s16 =	sand.u32 $0x3FFFFC00, s16;
	s15 =	sand.u32 $0xFFFFFF80, s15;
	_ =	swait.ge [sflag:s9], $0x800  }
0x18: {  	s17 =	sand.u32 $0x70, s2;
	s15 =	sadd.s32 s15, s16;
	[sflag:s9] =	ssyncset.done $0x0  }
0x19: {  	s15 =	sor.u32 s17, s15;
	[sflag:s9] =	ssyncadd.s32 $0xFFFFF800  }
0x1a: {  	v1 =	vld [tilespmem:s15+$0x0]  }
0x1b: {  	v2 =	vld [tilespmem:s14+$0x0]  }
0x1c: {  	v3 =	vld [tilespmem:s15+$0x80]  }
0x1d: {  	v4 =	vld [tilespmem:s15+$0x100];
	_ =	sdelay $0x1  }
0x1e: {  	v7 =	vld [tilespmem:s15+$0x180];
	_ =	sdelay $0x1  }
0x1f: {  	v5 =	vadd.f32 $-1.088574410e+00, v1;
	vm1 =	veq.s32 v2, $0x0  }
0x20: {  	v6 =	vadd.f32 $-2.400000100e+00, v3;
	vm2 =	veq.s32 v2, $0x1;
	v9 =	vadd.f32 $-1.181351180e+00, v4  }
0x21: {  	v8 =	vld [tilespmem:s15+$0x200];
	vm3 =	veq.s32 v2, $0x2;
	vm4 =	veq.s32 v2, $0x3;
	v1 =	vsel vm1, v5, v1  }
0x22: {  	v10 =	vadd.f32 $-1.840708370e+00, v7;
	v3 =	vsel vm2, v6, v3;
	v1 =	vmul.f32 $1.442695020e+00, v1  }
0x23: {  	vm0 =	veq.s32 v2, $0x6;
	v4 =	vsel vm3, v9, v4;
	v3 =	vmul.f32 $1.442695020e+00, v3  }
0x24: {  	v11 =	vld [tilespmem:s15+$0x280];
	v5 =	vnsel vm1, $0x0, v5;
	v4 =	vmul.f32 $1.442695020e+00, v4;
	(erf) = vpow2.f32 v1  }
0x25: {  	s29 =	simm.s32 $0x10;
	s17 =	simm.s32 $0x4010;
	(erf) = vpow2.f32 v3;
	v3 =	vnsel vm2, $0x0, v6;
	v6 =	vnsel vm3, $0x0, v9;
	v9 =	vld [tilespmem:s15+$0x300]  }
0x26: {  	s14 =	sand.u32 $0xFFFFFF80, s29;
	v14 =	vld [tilespmem:s17+$0x0];
	v12 =	vadd.f32 $-2.400000100e+00, v8;
	v7 =	vsel vm4, v10, v7;
	v3 =	vadd.f32 v3, v5  }
0x27: {  	s30 =	simm.s32 $0x80;
	v13 =	vld [tilespmem:s15+$0x380];
	s14 =	ssub.s32 $0x10, s14;
	vm1 =	veq.s32 v2, $0x5;
	vm2 =	veq.s32 v2, $0x4;
	(erf) = vpow2.f32 v4  }
0x28: {  	s31 =	simm.s32 $0x10;
	s14 =	sand.u32 $0xFFFFFF80, s14;
	s15 =	sand.u32 $0x3FFFFC00, s30;
	v4 =	vnsel vm4, $0x0, v10;
	v5 =	vmul.f32 $1.442695020e+00, v7;
	v3 =	vadd.f32 v6, v3  }
0x29: {  	s16 =	sand.u32 $0x70, s31;
	v8 =	vsel vm2, v12, v8;
	v7 =	vnsel vm2, $0x0, v12;
	v10 =	vadd.f32 $-1.051766990e+00, v11;
	s14 =	sadd.s32 s14, s15  }
0x2a: {  	s14 =	sor.u32 s16, s14;
	(erf) = vpow2.f32 v5;
	v12 =	vadd.f32 $-1.447821620e+00, v9;
	v3 =	vadd.f32 v4, v3  }
0x2b: {  	vm13 =	veq.s32 v14, $0x3;
	v5 =	vmul.f32 $1.442695020e+00, v8;
	v6 =	vsel vm1, v10, v11;
	v4 =	vld [tilespmem:s14+$0x0]  }
0x2c: {  	v8 =	vadd.f32 $-1.379565600e+00, v13;
	v9 =	vsel vm0, v12, v9;
	v3 =	vadd.f32 v7, v3  }
0x2d: {  	vm2 =	veq.s32 v2, $0x7;
	v10 =	vnsel vm1, $0x0, v10;
	v6 =	vmul.f32 $1.442695020e+00, v6;
	v11 =	vpop (erf)  }
0x2e: {  	v13 =	vsel vm2, v8, v13;
	v11 =	vadd.f32 $0.0e+00, v11;
	v3 =	vadd.f32 v10, v3;
	v10 =	vld [tilespmem:s14+$0x100]  }
0x2f: {  	vm1 =	veq.s32 v14, $0x0;
	v7 =	vld [tilespmem:s14+$0x80];
	v2 =	vmul.f32 $1.442695020e+00, v9;
	(erf) = vpow2.f32 v5;
	v9 =	vpop (erf)  }
0x30: {  	(erf) = vpow2.f32 v6;
	v6 =	vadd.f32 $-1.088574410e+00, v4;
	v9 =	vadd.f32 v9, v11  }
0x31: {  	v8 =	vnsel vm2, $0x0, v8;
	v11 =	vmul.f32 $1.442695020e+00, v13;
	v13 =	vpop (erf);
	(erf) = vpow2.f32 v2  }
0x32: {  	v4 =	vsel vm1, v6, v4;
	v5 =	vadd.f32 v13, v9;
	v9 =	vnsel vm0, $0x0, v12  }
0x33: {  	v2 =	vpop (erf);
	v4 =	vmul.f32 $1.442695020e+00, v4;
	(erf) = vpow2.f32 v11;
	v11 =	vadd.f32 $-1.181351180e+00, v10  }
0x34: {  	vm2 =	veq.s32 v14, $0x2;
	v12 =	vld [tilespmem:s14+$0x180];
	v9 =	vadd.f32 v9, v3;
	v3 =	vadd.f32 $-2.400000100e+00, v7  }
0x35: {  	vm3 =	veq.s32 v14, $0x1;
	(erf) = vpow2.f32 v4;
	v4 =	vsel vm2, v11, v10;
	v10 =	vld [tilespmem:s14+$0x280]  }
0x36: {  	v1 =	vimm.f32 $0.0e+00;
	v2 =	vadd.f32 v2, v5;
	v5 =	vld [tilespmem:s14+$0x200];
	v7 =	vsel vm3, v3, v7  }
0x37: {  	v6 =	vnsel vm1, $0x0, v6;
	vm1 =	veq.s32 v14, $0x5;
	v7 =	vmul.f32 $1.442695020e+00, v7  }
0x38: {  	v3 =	vnsel vm3, $0x0, v3;
	v9 =	vadd.f32 v8, v9;
	v4 =	vmul.f32 $1.442695020e+00, v4  }
0x39: {  	v13 =	vpop (erf);
	v3 =	vadd.f32 v3, v6;
	v15 =	vadd.f32 $-1.840708370e+00, v12;
	(erf) = vpow2.f32 v7  }
0x3a: {  	vm0 =	veq.s32 v14, $0x6;
	v2 =	vadd.f32 v13, v2;
	v17 =	vadd.f32 $-1.051766990e+00, v10  }
0x3b: {  	v13 =	vld [tilespmem:s14+$0x300];
	v7 =	vnsel vm2, $0x0, v11;
	v16 =	vpop (erf);
	v11 =	vadd.f32 $-2.400000100e+00, v5;
	(erf) = vpow2.f32 v4  }
0x3c: {  	v12 =	vsel vm13, v15, v12;
	v4 =	vnsel vm13, $0x0, v15;
	v15 =	vld [tilespmem:s14+$0x380];
	v10 =	vsel vm1, v17, v10  }
0x3d: {  	vm2 =	veq.s32 v14, $0x4;
	v2 =	vadd.f32 v16, v2;
	v16 =	vpop (erf);
	v3 =	vadd.f32 v7, v3  }
0x3e: {  	v12 =	vmul.f32 $1.442695020e+00, v12;
	v5 =	vsel vm2, v11, v5;
	v11 =	vnsel vm2, $0x0, v11;
	v6 =	vpop (erf)  }
0x3f: {  	v2 =	vadd.f32 v16, v2;
	v3 =	vadd.f32 v4, v3;
	v7 =	vmul.f32 $1.442695020e+00, v10;
	v10 =	vpop (erf)  }
0x40: {  	vm2 =	veq.s32 v14, $0x7;
	v16 =	vadd.f32 $-1.447821620e+00, v13;
	v10 =	vadd.f32 $0.0e+00, v10  }
0x41: {  	s18 =	simm.s32 $0x20;
	v5 =	vmul.f32 $1.442695020e+00, v5;
	v2 =	vadd.f32 v6, v2;
	v18 =	vadd.f32 $-1.379565600e+00, v15  }
0x42: {  	s19 =	simm.s32 $0x4020;
	s20 =	simm.s32 $0x100;
	s14 =	sand.u32 $0xFFFFFF80, s18;
	v11 =	vadd.f32 v11, v3;
	v13 =	vsel vm0, v16, v13;
	(erf) = vpow2.f32 v12;
	v14 =	vpop (erf)  }
0x43: {  	s16 =	sand.u32 $0x3FFFFC00, s20;
	s14 =	ssub.s32 $0x20, s14;
	v12 =	vmul.f32 $1.442695020e+00, v13;
	v4 =	vsel vm2, v18, v15;
	v6 =	vadd.f32 v14, v10;
	v14 =	vld [tilespmem:s19+$0x0]  }
0x44: {  	s21 =	simm.s32 $0x20;
	s14 =	sand.u32 $0xFFFFFF80, s14;
	v13 =	vand.u32 $0x7FFFFF, v2;
	v3 =	vnsel vm2, $0x0, v18;
	v4 =	vmul.f32 $1.442695020e+00, v4;
	v10 =	vpop (erf)  }
0x45: {  	s22 =	sand.u32 $0x70, s21;
	s14 =	sadd.s32 s14, s16;
	(erf) = vpow2.f32 v5;
	v5 =	vnsel vm0, $0x0, v16;
	v6 =	vadd.f32 v10, v6  }
0x46: {  	s14 =	sor.u32 s22, s14;
	v10 =	vor.u32 $0x3F800000, v13;
	v13 =	vnsel vm1, $0x0, v17;
	(erf) = vpow2.f32 v7  }
0x47: {  	v15 =	vmul.f32 $5.000000000e-01, v10;
	v11 =	vadd.f32 v13, v11;
	vm1 =	vgt.f32 v10, $1.414213540e+00;
	v13 =	vld [tilespmem:s14+$0x0]  }
0x48: {  	(erf) = vpow2.f32 v12;
	v17 =	vsel vm1, $0xFFFFFF82, v0;
	vm2 =	veq.s32 v14, $0x2  }
0x49: {  	v16 =	vld [tilespmem:s14+$0x80];
	(erf) = vpow2.f32 v4;
	v7 =	vsel vm1, v15, v10;
	v15 =	vshra.s32 v2, $0x17  }
0x4a: {  	v2 =	vadd.f32 v5, v11;
	v10 =	vadd.f32 $-1.000000000e+00, v7;
	v5 =	vadd.s32 v15, v17;
	v7 =	vld [tilespmem:s14+$0x100]  }
0x4b: {  	vm0 =	veq.s32 v14, $0x6;
	vm3 =	veq.s32 v14, $0x0;
	v17 =	vld [tilespmem:s14+$0x200];
	v11 =	vpop (erf);
	v15 =	vcvt.s32.f32 v5  }
0x4c: {  	v12 =	vmul.f32 $8.404783150e-02, v10;
	v5 =	vadd.f32 v11, v6;
	v11 =	vadd.f32 $-1.088574410e+00, v13  }
0x4d: {  	vm14 =	veq.s32 v14, $0x1;
	vm1 =	veq.s32 v14, $0x3;
	v15 =	vmul.f32 $6.931471820e-01, v15  }
0x4e: {  	v6 =	vld [tilespmem:s14+$0x180];
	v4 =	vadd.f32 $-1.430870890e-01, v12;
	v12 =	vadd.f32 $-2.400000100e+00, v16;
	v13 =	vsel vm3, v11, v13  }
0x4f: {  	v11 =	vnsel vm3, $0x0, v11;
	v18 =	vadd.f32 $-1.181351180e+00, v7;
	v13 =	vmul.f32 $1.442695020e+00, v13  }
0x50: {  	v20 =	vadd.f32 $-2.400000100e+00, v17;
	v4 =	vmul.f32 v4, v10;
	v16 =	vsel vm14, v12, v16  }
0x51: {  	v12 =	vnsel vm14, $0x0, v12;
	v16 =	vmul.f32 $1.442695020e+00, v16;
	v7 =	vsel vm2, v18, v7  }
0x52: {  	v18 =	vnsel vm2, $0x0, v18;
	(erf) = vpow2.f32 v13;
	v4 =	vadd.f32 $1.505316640e-01, v4  }
0x53: {  	v21 =	vld [tilespmem:s14+$0x280];
	v19 =	vadd.f32 $-1.840708370e+00, v6;
	vm2 =	veq.s32 v14, $0x4;
	v7 =	vmul.f32 $1.442695020e+00, v7;
	v13 =	vpop (erf)  }
0x54: {  	(erf) = vpow2.f32 v16;
	v4 =	vmul.f32 v4, v10;
	v5 =	vadd.f32 v13, v5;
	v13 =	vld [tilespmem:s14+$0x300]  }
0x55: {  	v11 =	vadd.f32 v12, v11;
	v12 =	vnsel vm2, $0x0, v20;
	v6 =	vsel vm1, v19, v6;
	v16 =	vpop (erf)  }
0x56: {  	(erf) = vpow2.f32 v7;
	v4 =	vadd.f32 $-1.657337400e-01, v4;
	v5 =	vadd.f32 v16, v5  }
0x57: {  	v19 =	vnsel vm1, $0x0, v19;
	vm1 =	veq.s32 v14, $0x5;
	v7 =	vpop (erf);
	v16 =	vsel vm2, v20, v17;
	v17 =	vld [tilespmem:s14+$0x380]  }
0x58: {  	v11 =	vadd.f32 v18, v11;
	v4 =	vmul.f32 v4, v10;
	v5 =	vadd.f32 v7, v5  }
0x59: {  	v6 =	vmul.f32 $1.442695020e+00, v6;
	v7 =	vadd.f32 $-1.051766990e+00, v21;
	v20 =	vadd.f32 $-1.447821620e+00, v13  }
0x5a: {  	v11 =	vadd.f32 v19, v11;
	vm2 =	veq.s32 v14, $0x7;
	v22 =	vpop (erf);
	v4 =	vadd.f32 $1.994491520e-01, v4  }
0x5b: {  	v16 =	vmul.f32 $1.442695020e+00, v16;
	v18 =	vsel vm1, v7, v21;
	v21 =	vpop (erf);
	v13 =	vsel vm0, v20, v13  }
0x5c: {  	v14 =	vadd.f32 $-1.379565600e+00, v17;
	v21 =	vadd.f32 $0.0e+00, v21;
	v4 =	vmul.f32 v4, v10  }
0x5d: {  	v11 =	vadd.f32 v12, v11;
	v18 =	vmul.f32 $1.442695020e+00, v18;
	v13 =	vmul.f32 $1.442695020e+00, v13;
	v19 =	vpop (erf)  }
0x5e: {  	v17 =	vsel vm2, v14, v17;
	v19 =	vadd.f32 v19, v21;
	v4 =	vadd.f32 $-2.500140960e-01, v4  }
0x5f: {  	s24 =	simm.s32 $0x30;
	v12 =	vpop (erf);
	(erf) = vpow2.f32 v6;
	v6 =	vadd.f32 v22, v5;
	v5 =	vnsel vm1, $0x0, v7  }
0x60: {  	s23 =	simm.s32 $0x4030;
	s25 =	sand.u32 $0xFFFFFF80, s24;
	v12 =	vadd.f32 v12, v19;
	v5 =	vadd.f32 v5, v11;
	v21 =	vmul.f32 v4, v10  }
0x61: {  	s26 =	simm.s32 $0x180;
	s14 =	ssub.s32 $0x30, s25;
	v19 =	vld [tilespmem:s23+$0x0];
	v11 =	vnsel vm0, $0x0, v20;
	v4 =	vnsel vm2, $0x0, v14;
	v14 =	vand.u32 $0x7FFFFF, v6  }
0x62: {  	s15 =	sand.u32 $0x3FFFFC00, s26;
	s14 =	sand.u32 $0xFFFFFF80, s14;
	v20 =	vld [tilespmem:s13+$0x0];
	(erf) = vpow2.f32 v16;
	s13 =	simm.s32 $0x30;
	v14 =	vor.u32 $0x3F800000, v14;
	v7 =	vadd.f32 $3.333472910e-01, v21  }
0x63: {  	s14 =	sadd.s32 s14, s15;
	(erf) = vpow2.f32 v18;
	s28 =	sand.u32 $0x70, s13;
	v5 =	vadd.f32 v11, v5;
	v11 =	vmul.f32 $5.000000000e-01, v14  }
0x64: {  	v16 =	vshra.s32 v6, $0x17;
	s14 =	sor.u32 s28, s14;
	vm0 =	vgt.f32 v14, $1.414213540e+00;
	v7 =	vmul.f32 v7, v10  }
0x65: {  	(erf) = vpow2.f32 v13;
	v13 =	vsel vm0, $0xFFFFFF82, v0;
	v6 =	vsel vm0, v11, v14;
	v11 =	vld [tilespmem:s14+$0x80]  }
0x66: {  	v17 =	vmul.f32 $1.442695020e+00, v17;
	v13 =	vadd.s32 v16, v13;
	v16 =	vld [tilespmem:s14+$0x100];
	v7 =	vadd.f32 $-5.000000000e-01, v7  }
0x67: {  	v18 =	vld [tilespmem:s14+$0x0];
	vm1 =	veq.s32 v19, $0x2;
	vm3 =	veq.s32 v19, $0x3;
	vm0 =	veq.s32 v19, $0x6  }
0x68: {  	vm2 =	veq.s32 v19, $0x0;
	v6 =	vadd.f32 $-1.000000000e+00, v6;
	v14 =	vmul.f32 v7, v10  }
0x69: {  	vm15 =	veq.s32 v19, $0x1;
	v8 =	vcvt.s32.f32 v13;
	v7 =	vcvt.s32.f32 v20;
	v20 =	vpop (erf)  }
0x6a: {  	v21 =	vmul.f32 $8.404783150e-02, v6;
	v12 =	vadd.f32 v20, v12;
	v13 =	vadd.f32 $9.999998800e-01, v14  }
0x6b: {  	(erf) = vpow2.f32 v17;
	v17 =	vadd.f32 $-2.400000100e+00, v11;
	v22 =	vadd.f32 $-1.181351180e+00, v16  }
0x6c: {  	v20 =	vld [tilespmem:s14+$0x180];
	v14 =	vadd.f32 $-1.430870890e-01, v21;
	v10 =	vmul.f32 v13, v10;
	v13 =	vadd.f32 $-1.088574410e+00, v18  }
0x6d: {  	v11 =	vsel vm15, v17, v11;
	v17 =	vnsel vm15, $0x0, v17;
	v16 =	vsel vm1, v22, v16  }
0x6e: {  	v23 =	vpop (erf);
	v21 =	vld [tilespmem:s14+$0x200];
	v22 =	vnsel vm1, $0x0, v22;
	v14 =	vmul.f32 v14, v6;
	v18 =	vsel vm2, v13, v18  }
0x6f: {  	v12 =	vadd.f32 v23, v12;
	vm1 =	veq.s32 v19, $0x4;
	v18 =	vmul.f32 $1.442695020e+00, v18  }
0x70: {  	v11 =	vmul.f32 $1.442695020e+00, v11;
	v16 =	vmul.f32 $1.442695020e+00, v16;
	v14 =	vadd.f32 $1.505316640e-01, v14  }
0x71: {  	v24 =	vadd.f32 $-1.840708370e+00, v20;
	v13 =	vnsel vm2, $0x0, v13;
	(erf) = vpow2.f32 v18  }
0x72: {  	v26 =	vld [tilespmem:s14+$0x280];
	v10 =	vadd.f32 v10, v15;
	vm2 =	veq.s32 v19, $0x7;
	v14 =	vmul.f32 v14, v6  }
0x73: {  	v25 =	vadd.f32 $-2.400000100e+00, v21;
	v13 =	vadd.f32 v17, v13;
	v18 =	vpop (erf);
	(erf) = vpow2.f32 v11  }
0x74: {  	v23 =	vsel vm3, v24, v20;
	v20 =	vld [tilespmem:s14+$0x300];
	v14 =	vadd.f32 $-1.657337400e-01, v14;
	v11 =	vadd.f32 v18, v12  }
0x75: {  	v12 =	vpop (erf);
	v18 =	vsel vm1, v25, v21;
	v21 =	vnsel vm1, $0x0, v25;
	v25 =	vld [tilespmem:s14+$0x380];
	(erf) = vpow2.f32 v16  }
0x76: {  	v9 =	vsub.f32 v10, v9;
	v27 =	vadd.f32 v12, v11;
	v11 =	vmul.f32 v14, v6  }
0x77: {  	v24 =	vnsel vm3, $0x0, v24;
	v13 =	vadd.f32 v22, v13;
	v12 =	vadd.f32 $-1.051766990e+00, v26  }
0x78: {  	v9 =	vmul.f32 v7, v9;
	vm1 =	veq.s32 v19, $0x5;
	v11 =	vadd.f32 $1.994491520e-01, v11  }
0x79: {  	v13 =	vadd.f32 v24, v13;
	v14 =	vadd.f32 $-1.447821620e+00, v20;
	v15 =	vsel vm1, v12, v26;
	v26 =	vpop (erf)  }
0x7a: {  	v16 =	vmul.f32 $1.442695020e+00, v18;
	v19 =	vadd.f32 $-1.379565600e+00, v25;
	v10 =	vpop (erf);
	v11 =	vmul.f32 v11, v6  }
0x7b: {  	v17 =	vmul.f32 $1.442695020e+00, v15;
	v15 =	vsel vm0, v14, v20;
	v10 =	vadd.f32 $0.0e+00, v10  }
0x7c: {  	v20 =	vmul.f32 $1.442695020e+00, v15;
	v15 =	vsel vm2, v19, v25;
	v18 =	vpop (erf);
	v22 =	vadd.f32 $-2.500140960e-01, v11  }
0x7d: {  	s29 =	simm.s32 $0x4810;
	v9 =	vadd.f32 v9, v1;
	v24 =	vadd.f32 v18, v10;
	v18 =	vmul.f32 $1.442695020e+00, v15  }
0x7e: {  	s30 =	simm.s32 $0x4820;
	v21 =	vadd.f32 v21, v13;
	v11 =	vld [tilespmem:s29+$0x0];
	v15 =	vmul.f32 $1.442695020e+00, v23;
	v13 =	vpop (erf);
	v25 =	vmul.f32 v22, v6  }
0x7f: {  	s31 =	simm.s32 $0x4830;
	v10 =	vld [tilespmem:s30+$0x0];
	v23 =	vnsel vm1, $0x0, v12;
	v22 =	vadd.f32 v13, v24;
	v13 =	vnsel vm2, $0x0, v19  }
0x80: {  	s16 =	simm.s32 $0x4840;
	s15 =	simm.s32 $0x4040;
	s14 =	simm.s32 $0x4;
	v12 =	vld [tilespmem:s31+$0x0];
	(erf) = vpow2.f32 v15;
	v19 =	vadd.f32 v26, v27;
	v24 =	vadd.f32 $3.333472910e-01, v25  }
.LBB2_2:
0x81: {  	s17 =	sshll.u32 s14, $0x4  }
0x82: {  	v15 =	vld [tilespmem:s15+$0x0];
	p0 =	sne.s32 s14, $0x7F;
	v21 =	vadd.f32 v23, v21;
	v14 =	vnsel vm0, $0x0, v14;
	v1 =	vadd.f32 v7, v1;
	s18 =	smov.u32 s14;
	s14 =	sadd.s32 $0x1, s14  }
0x83: {  	s13 =	sadd.s32 $0x10, s13;
	s17 =	sand.u32 $0xFFFFFF80, s17;
	v23 =	vld [tilespmem:s16+$0x0];
	(erf) = vpow2.f32 v16;
	v7 =	vand.u32 $0x7FFFFF, v19;
	v16 =	vmul.f32 v24, v6  }
0x84: {  	s18 =	sshll.u32 s18, $0x7;
	s17 =	ssub.s32 s13, s17;
	v14 =	vadd.f32 v14, v21;
	v7 =	vor.u32 $0x3F800000, v7  }
0x85: {  	s18 =	sand.u32 $0x3FFFFC00, s18;
	s17 =	sand.u32 $0xFFFFFF80, s17;
	(erf) = vpow2.f32 v17;
	v17 =	vmul.f32 $5.000000000e-01, v7;
	v16 =	vadd.f32 $-5.000000000e-01, v16  }
0x86: {  	s19 =	sand.u32 $0x70, s13;
	v19 =	vshra.s32 v19, $0x17;
	vm0 =	vgt.f32 v7, $1.414213540e+00;
	s17 =	sadd.s32 s17, s18  }
0x87: {  	s17 =	sor.u32 s19, s17;
	vm1 =	veq.s32 v15, $0x2;
	(erf) = vpow2.f32 v20;
	v7 =	vsel vm0, v17, v7  }
0x88: {  	v20 =	vsel vm0, $0xFFFFFF82, v0;
	v16 =	vmul.f32 v16, v6;
	v17 =	vld [tilespmem:s17+$0x80];
	v21 =	vadd.f32 $-1.000000000e+00, v7  }
0x89: {  	v19 =	vadd.s32 v19, v20;
	v7 =	vcvt.s32.f32 v11;
	v20 =	vadd.f32 v3, v2;
	v11 =	vmovc v10;
	v10 =	vmovc v12;
	v24 =	vld [tilespmem:s17+$0x0]  }
0x8a: {  	v19 =	vcvt.s32.f32 v19;
	v16 =	vadd.f32 $9.999998800e-01, v16;
	v25 =	vld [tilespmem:s17+$0x100];
	v2 =	vpop (erf);
	v3 =	vmul.f32 $8.404783150e-02, v21  }
0x8b: {  	v12 =	vmovc v23;
	v22 =	vadd.f32 v2, v22;
	(erf) = vpow2.f32 v18;
	v18 =	vmul.f32 $6.931471820e-01, v8;
	v2 =	vmovc v5  }
0x8c: {  	vm2 =	veq.s32 v15, $0x3;
	vm0 =	veq.s32 v15, $0x6;
	v23 =	vpop (erf);
	v32 =	vadd.f32 $-1.430870890e-01, v3  }
0x8d: {  	vm3 =	veq.s32 v15, $0x0;
	v27 =	vmul.f32 v16, v6;
	v5 =	vmovc v14;
	v6 =	vmovc v21;
	v31 =	vadd.f32 $-2.400000100e+00, v17;
	v26 =	vld [tilespmem:s17+$0x180]  }
0x8e: {  	vm4 =	veq.s32 v15, $0x1;
	v14 =	vadd.f32 $-1.088574410e+00, v24;
	v16 =	vld [tilespmem:s17+$0x200];
	v21 =	vpop (erf);
	v28 =	vmul.f32 v32, v6  }
0x8f: {  	v8 =	vmovc v19;
	v3 =	vmovc v4;
	v17 =	vsel vm4, v31, v17;
	v29 =	vnsel vm4, $0x0, v31;
	v30 =	vadd.f32 $-1.181351180e+00, v25  }
0x90: {  	v31 =	vsel vm3, v14, v24;
	v17 =	vmul.f32 $1.442695020e+00, v17;
	v19 =	vpop (erf);
	v24 =	vadd.f32 $1.505316640e-01, v28  }
0x91: {  	v4 =	vmovc v13;
	v33 =	vmul.f32 $1.442695020e+00, v31;
	v25 =	vsel vm1, v30, v25;
	v30 =	vnsel vm1, $0x0, v30  }
0x92: {  	v13 =	vmul.f32 $1.442695020e+00, v25;
	v25 =	vadd.f32 $-1.840708370e+00, v26;
	v24 =	vmul.f32 v24, v6  }
0x93: {  	v22 =	vadd.f32 v23, v22;
	v31 =	vadd.f32 $-2.400000100e+00, v16;
	v32 =	vld [tilespmem:s17+$0x280];
	(erf) = vpow2.f32 v33  }
0x94: {  	vm1 =	veq.s32 v15, $0x4;
	v23 =	vsel vm2, v25, v26;
	v26 =	vld [tilespmem:s17+$0x300];
	v28 =	vpop (erf);
	v24 =	vadd.f32 $-1.657337400e-01, v24  }
0x95: {  	v25 =	vnsel vm2, $0x0, v25;
	(erf) = vpow2.f32 v17;
	v17 =	vadd.f32 v21, v22  }
0x96: {  	v14 =	vnsel vm3, $0x0, v14;
	v16 =	vsel vm1, v31, v16;
	v21 =	vnsel vm1, $0x0, v31;
	v22 =	vld [tilespmem:s17+$0x380]  }
0x97: {  	v29 =	vadd.f32 v29, v14;
	(erf) = vpow2.f32 v13;
	v19 =	vadd.f32 v19, v17  }
0x98: {  	v16 =	vmul.f32 $1.442695020e+00, v16;
	v17 =	vmul.f32 v24, v6;
	v13 =	vadd.f32 $-1.051766990e+00, v32  }
0x99: {  	v18 =	vadd.f32 v27, v18;
	vm1 =	veq.s32 v15, $0x5;
	v14 =	vadd.f32 $-1.447821620e+00, v26  }
0x9a: {  	v24 =	vadd.f32 v30, v29;
	v29 =	vadd.f32 $1.994491520e-01, v17;
	v27 =	vsel vm1, v13, v32  }
0x9b: {  	v18 =	vsub.f32 v18, v20;
	v17 =	vmul.f32 $1.442695020e+00, v27;
	v26 =	vsel vm0, v14, v26  }
0x9c: {  	vm2 =	veq.s32 v15, $0x7;
	v15 =	vadd.f32 $-1.379565600e+00, v22;
	v27 =	vmul.f32 v29, v6;
	v20 =	vpop (erf)  }
0x9d: {  	v29 =	vadd.f32 $0.0e+00, v20;
	v20 =	vmul.f32 $1.442695020e+00, v26;
	v26 =	vmul.f32 v7, v18  }
.Ltmp0:
0x9e: {  	v24 =	vadd.f32 v25, v24;
	v18 =	vsel vm2, v15, v22;
	v25 =	vadd.f32 $-2.500140960e-01, v27;
	v22 =	vpop (erf);
	(pc) =	sbr.rel @p0 .LBB2_2-.Ltmp0, $4  }
0x9f: {  	v18 =	vmul.f32 $1.442695020e+00, v18;
	v22 =	vadd.f32 v22, v29;
	v9 =	vadd.f32 v26, v9  }
0xa0: {  	v21 =	vadd.f32 v21, v24;
	v26 =	vmul.f32 $1.442695020e+00, v23;
	v24 =	vmul.f32 v25, v6;
	v23 =	vpop (erf)  }
0xa1: {  	v22 =	vadd.f32 v23, v22;
	v23 =	vnsel vm1, $0x0, v13;
	v13 =	vnsel vm2, $0x0, v15  }
0xa2: {  	s15 =	sadd.s32 $0x10, s15;
	s16 =	sadd.s32 $0x10, s16;
	v19 =	vadd.f32 v28, v19;
	v24 =	vadd.f32 $3.333472910e-01, v24;
	(erf) = vpow2.f32 v26  }
0xa3: {  	_ = 	snop  }
0xa4: {  	(erf) = vpow2.f32 v16;
	_ =	sdelay $0x1  }
0xa5: {  	(erf) = vpow2.f32 v17;
	_ =	sdelay $0x1  }
0xa6: {  	(erf) = vpow2.f32 v20;
	_ =	sdelay $0x1  }
0xa7: {  	(erf) = vpow2.f32 v18  }
0xa8: {  	v15 =	vpop (erf)  }
0xa9: {  	v15 =	vadd.f32 v15, v22  }
0xaa: {  	v16 =	vpop (erf)  }
0xab: {  	v15 =	vadd.f32 v16, v15  }
0xac: {  	v42 =	vpop (erf)  }
0xad: {  	v15 =	vadd.f32 v42, v15  }
0xae: {  	v43 =	vpop (erf)  }
0xaf: {  	v15 =	vadd.f32 v43, v15  }
0xb0: {  	v45 =	vpop (erf)  }
0xb1: {  	v44 =	vand.u32 $0x7FFFFF, v19;
	v15 =	vadd.f32 v45, v15  }
0xb2: {  	v16 =	vor.u32 $0x3F800000, v44  }
0xb3: {  	v46 =	vmul.f32 $5.000000000e-01, v16;
	v47 =	vand.u32 $0x7FFFFF, v15  }
0xb4: {  	vm2 =	vgt.f32 v16, $1.414213540e+00;
	v48 =	vor.u32 $0x3F800000, v47  }
0xb5: {  	v16 =	vsel vm2, v46, v16;
	v18 =	vmul.f32 $5.000000000e-01, v48  }
0xb6: {  	v16 =	vadd.f32 $-1.000000000e+00, v16;
	vm1 =	vgt.f32 v48, $1.414213540e+00  }
0xb7: {  	v17 =	vsel vm1, v18, v48  }
0xb8: {  	v49 =	vmul.f32 $8.404783150e-02, v16;
	v17 =	vadd.f32 $-1.000000000e+00, v17;
	_ =	sdelay $0x1  }
0xb9: {  	v50 =	vadd.f32 $-1.430870890e-01, v49;
	v51 =	vmul.f32 $8.404783150e-02, v17;
	_ =	sdelay $0x1  }
0xba: {  	v18 =	vmul.f32 v50, v16;
	v20 =	vadd.f32 $-1.430870890e-01, v51;
	_ =	sdelay $0x1  }
0xbb: {  	v18 =	vadd.f32 $1.505316640e-01, v18;
	v20 =	vmul.f32 v20, v17;
	_ =	sdelay $0x1  }
0xbc: {  	v18 =	vmul.f32 v18, v16;
	v20 =	vadd.f32 $1.505316640e-01, v20;
	_ =	sdelay $0x1  }
0xbd: {  	v18 =	vadd.f32 $-1.657337400e-01, v18;
	v20 =	vmul.f32 v20, v17;
	_ =	sdelay $0x1  }
0xbe: {  	v18 =	vmul.f32 v18, v16;
	v20 =	vadd.f32 $-1.657337400e-01, v20;
	_ =	sdelay $0x1  }
0xbf: {  	v18 =	vadd.f32 $1.994491520e-01, v18;
	v20 =	vmul.f32 v20, v17;
	_ =	sdelay $0x1  }
0xc0: {  	v18 =	vmul.f32 v18, v16;
	v20 =	vadd.f32 $1.994491520e-01, v20;
	_ =	sdelay $0x1  }
0xc1: {  	v18 =	vadd.f32 $-2.500140960e-01, v18;
	v20 =	vmul.f32 v20, v17;
	_ =	sdelay $0x1  }
0xc2: {  	v18 =	vmul.f32 v18, v16;
	v20 =	vadd.f32 $-2.500140960e-01, v20  }
0xc3: {  	v52 =	vmul.f32 v24, v6  }
0xc4: {  	v18 =	vadd.f32 $3.333472910e-01, v18;
	v20 =	vmul.f32 v20, v17  }
0xc5: {  	v14 =	vnsel vm0, $0x0, v14;
	v22 =	vadd.f32 $-5.000000000e-01, v52  }
0xc6: {  	v21 =	vadd.f32 v23, v21;
	v18 =	vmul.f32 v18, v16;
	v20 =	vadd.f32 $3.333472910e-01, v20  }
0xc7: {  	v8 =	vmul.f32 $6.931471820e-01, v8;
	v2 =	vadd.f32 v3, v2;
	v22 =	vmul.f32 v22, v6  }
0xc8: {  	v4 =	vadd.f32 v4, v5;
	v18 =	vadd.f32 $-5.000000000e-01, v18;
	v20 =	vmul.f32 v20, v17  }
0xc9: {  	v54 =	vshra.s32 v19, $0x17;
	v53 =	vsel vm2, $0xFFFFFF82, v0;
	v22 =	vadd.f32 $9.999998800e-01, v22  }
0xca: {  	v19 =	vadd.s32 v54, v53;
	v18 =	vmul.f32 v18, v16;
	v3 =	vadd.f32 $-5.000000000e-01, v20  }
0xcb: {  	v55 =	vmul.f32 v22, v6;
	v19 =	vcvt.s32.f32 v19;
	v15 =	vshra.s32 v15, $0x17  }
0xcc: {  	v57 =	vsel vm1, $0xFFFFFF82, v0;
	v56 =	vadd.f32 $9.999998800e-01, v18;
	v3 =	vmul.f32 v3, v17  }
0xcd: {  	v6 =	vadd.f32 v55, v8;
	v58 =	vmul.f32 $6.931471820e-01, v19;
	v15 =	vadd.s32 v15, v57  }
0xce: {  	v59 =	vcvt.s32.f32 v15;
	v8 =	vmul.f32 v56, v16;
	v3 =	vadd.f32 $9.999998800e-01, v3  }
0xcf: {  	v11 =	vcvt.s32.f32 v11;
	v61 =	vadd.f32 v14, v21;
	v2 =	vsub.f32 v6, v2  }
0xd0: {  	v6 =	vmul.f32 $6.931471820e-01, v59;
	v60 =	vadd.f32 v8, v58;
	v3 =	vmul.f32 v3, v17  }
0xd1: {  	v62 =	vcvt.s32.f32 v10;
	v1 =	vadd.f32 v7, v1;
	v8 =	vadd.f32 v13, v61  }
0xd2: {  	v2 =	vmul.f32 v11, v2;
	v4 =	vsub.f32 v60, v4;
	v3 =	vadd.f32 v3, v6  }
0xd3: {  	v63 =	vcvt.s32.f32 v12;
	v1 =	vadd.f32 v11, v1  }
0xd4: {  	v2 =	vadd.f32 v2, v9;
	v4 =	vmul.f32 v62, v4;
	v3 =	vsub.f32 v3, v8  }
0xd5: {  	v1 =	vadd.f32 v62, v1  }
0xd6: {  	v2 =	vadd.f32 v4, v2;
	v3 =	vmul.f32 v63, v3  }
0xd7: {  	v1 =	vadd.f32 v63, v1  }
0xd8: {  	v2 =	vadd.f32 v3, v2  }
0xd9: {  	[tilespmem:$0x5080] =	vst v1  }
0xda: {  	[tilespmem:$0x5000] =	vst v2  }
0xdb: {  	[hbm4b:s6+s2] =	stream.linear.scatter [tilespmem:s10], [sflag:$0x1], $0x80, $0x38;
	[tilespmem:$0x5100] =	vst v63  }
0xdc: {  	s12 =	sadd.s32 $0x1, s12;
	_ =	swait.ge [sflag:s9], $0x80  }
0xdd: {  	p0 =	sne.s32 s12, s8;
	[sflag:s9] =	ssyncset.done $0x0  }
.Ltmp1:
0xde: {  	[sflag:s9] =	ssyncadd.s32 $0xFFFFFF80;
	(pc) =	sbr.rel @p0 .LBB2_1-.Ltmp1, $4  }
0xdf: {  	[hbm4b:s7+s2] =	stream.linear.scatter [tilespmem:s11], [sflag:$0x1], $0x80, $0x38;
	[tilespmem:$0x5100] =	vst v63  }
0xe0: {  	_ =	swait.ge [sflag:s9], $0x80  }
0xe1: {  	[sflag:s9] =	ssyncset.done $0x0  }
0xe2: {  	[sflag:s9] =	ssyncadd.s32 $0xFFFFFF80  }
0xe3: {  	_ =	sfence.sel $0x180000  }
0xe4: {  	[bflag:$0x0] =	sbarrier.arrive $0xFFFF  }
0xe5: {  	p0 =	sne.s32 s1, $0x0;
	_ =	strace $0x90000047  }
0xe6: {  	s0 =	sadd.s32 @!p0 $0x100000, s0;
	[bflag:$0x2] =	sbarrier.arrive $0xFFFF  }
0xe7: {  	[sflag:s0] =	ssyncadd.tile.s32 @!p0 $0x1;
	_ =	shalt  }
.Lfunc_end2:
_tile_overlayer_lowered:
.L_overlay_start_2:
0xe8: {  	(tag) =	ssettag $0x2  }
0xe9: {  	s0 =	rddreg [dreg:$0x0];
	s2 =	stileid.u32  }
0xea: {  	s1 =	rddreg [dreg:$0x1];
	p0 =	sne.s32 s2, $0x0  }
0xeb: {  	s3 =	rddreg [dreg:$0x2];
	[bflag:$0x3] =	sbarrier.arrive $0xFFFF;
	s2 =	simm.s32 @!p0 $0x1C01  }
0xec: {  	[timem:s3], [sflag:s2] =	dma.local @!p0 [hbm:s0], s1  }
0xed: {  	s0 =	simm.s32 @!p0 $0x1  }
0xee: {  	_ =	swait.ge @!p0 [sflag:s0], s1  }
0xef: {  	s1 =	ssub.s32 @!p0 $0x0, s1;
	[sflag:s0] =	ssyncset.done @!p0 $0x0  }
0xf0: {  	[sflag:s0] =	ssyncadd.s32 @!p0 s1  }
0xf1: {  	[bflag:$0x3] =	sbarrier.arrive $0xFFFF  }
0xf2: {  	_ =	shalt  }

</sc_bundles>
